<compile_context>
chip_gen: v7x
topology: tpu7x:2x2x1
jax: 0.10.2.dev20260603
libtpu: 0.0.44.dev20260713+nightly
codegen_flags: <defaults>
</compile_context>

<pallas_src>
import jax
import jax.numpy as jnp
from jax import lax
from jax.experimental import pallas as pl
from jax.experimental.pallas import tpu as pltpu
from jax.experimental.pallas import tpu_sc as plsc

N = 10000
D = 128
E = 320000
NC = 2
NS = 16
NW = NC * NS
CHUNK = 128
CHUNKS = 80
NCHUNKS = NW * CHUNKS
EPAD = NCHUNKS * CHUNK
NPAD = 10240
ROWS_PER_SUB = NPAD // NS
HALF = CHUNK // 2
SC_C0 = 124
SC_C1 = 36
BR = 1024

_mesh = plsc.VectorSubcoreMesh(core_axis_name="c", subcore_axis_name="s")


def _deg_body(idx_hbm, ones_hbm, zeros_hbm, out_hbm, ibuf, ones_v, acc,
              isem0, isem1):
    c = lax.axis_index("c")
    s = lax.axis_index("s")
    wid = s * NC + c
    base = wid * CHUNKS
    pltpu.sync_copy(ones_hbm, ones_v)
    pltpu.sync_copy(idx_hbm.at[base], ibuf.at[0])
    pltpu.async_copy(idx_hbm.at[base + 1], ibuf.at[1], isem1)
    pltpu.sync_copy(zeros_hbm.at[pl.ds(s * ROWS_PER_SUB, ROWS_PER_SUB)],
                    acc.at[pl.ds(s * ROWS_PER_SUB, ROWS_PER_SUB)])
    plsc.subcore_barrier()

    def body(jj, carry):
        j0 = base + 2 * jj
        more = jj + 1 < CHUNKS // 2
        pltpu.sync_copy(ones_v, acc.at[ibuf.at[0].at[1]], add=True)

        @pl.when(more)
        def _():
            pltpu.async_copy(idx_hbm.at[j0 + 2], ibuf.at[0], isem0)

        pltpu.make_async_copy(idx_hbm.at[j0 + 1], ibuf.at[1], isem1).wait()
        pltpu.sync_copy(ones_v, acc.at[ibuf.at[1].at[1]], add=True)

        @pl.when(more)
        def _():
            pltpu.make_async_copy(idx_hbm.at[j0 + 2], ibuf.at[0], isem0).wait()
            pltpu.async_copy(idx_hbm.at[j0 + 3], ibuf.at[1], isem1)

        return carry

    lax.fori_loop(0, CHUNKS // 2, body, 0)
    plsc.subcore_barrier()
    pltpu.sync_copy(acc.at[pl.ds(s * ROWS_PER_SUB, ROWS_PER_SUB)],
                    out_hbm.at[c].at[pl.ds(s * ROWS_PER_SUB, ROWS_PER_SUB)])


_deg_call = pl.kernel(
    _deg_body,
    out_type=jax.ShapeDtypeStruct((NC, NPAD), jnp.float32),
    mesh=_mesh,
    scratch_types=[
        pltpu.VMEM((2, 2, CHUNK), jnp.int32),
        pltpu.VMEM((CHUNK,), jnp.float32),
        pltpu.VMEM_SHARED((NPAD,), jnp.float32),
        pltpu.SemaphoreType.DMA,
        pltpu.SemaphoreType.DMA,
    ],
)


def _issue_gather(u_hbm, ibuf, gbuf, k, semL, semR):
    idx = ibuf.at[k].at[0]
    pltpu.async_copy(u_hbm.at[idx.at[pl.ds(0, HALF)]],
                     gbuf.at[k].at[pl.ds(0, HALF)], semL)
    pltpu.async_copy(u_hbm.at[idx.at[pl.ds(HALF, HALF)]],
                     gbuf.at[k].at[pl.ds(HALF, HALF)], semR)


def _wait_gather(u_hbm, ibuf, gbuf, k, semL, semR):
    idx = ibuf.at[k].at[0]
    pltpu.make_async_copy(u_hbm.at[idx.at[pl.ds(0, HALF)]],
                          gbuf.at[k].at[pl.ds(0, HALF)], semL).wait()
    pltpu.make_async_copy(u_hbm.at[idx.at[pl.ds(HALF, HALF)]],
                          gbuf.at[k].at[pl.ds(HALF, HALF)], semR).wait()


def _scatter_body(u_hbm, idx_hbm, zeros_hbm, out_hbm,
                  ibuf, gbuf, acc, g0L, g0R, g1L, g1R, isem0, isem1):
    c = lax.axis_index("c")
    s = lax.axis_index("s")
    my_chunks = jnp.where(c == 0, SC_C0, SC_C1)
    base = jnp.where(c == 0, s * SC_C0, NS * SC_C0 + s * SC_C1)
    row0 = s * ROWS_PER_SUB
    @pl.when(my_chunks > 0)
    def _():
        pltpu.sync_copy(idx_hbm.at[base], ibuf.at[0])
        _issue_gather(u_hbm, ibuf, gbuf, 0, g0L, g0R)
        pltpu.async_copy(idx_hbm.at[base + 1], ibuf.at[1], isem1)

    for k in range(ROWS_PER_SUB // CHUNK):
        pltpu.sync_copy(zeros_hbm, acc.at[pl.ds(row0 + k * CHUNK, CHUNK)])
    plsc.subcore_barrier()

    def body(jj, carry):
        j0 = base + 2 * jj
        more = jj + 1 < my_chunks // 2
        pltpu.make_async_copy(idx_hbm.at[j0 + 1], ibuf.at[1], isem1).wait()
        _issue_gather(u_hbm, ibuf, gbuf, 1, g1L, g1R)
        _wait_gather(u_hbm, ibuf, gbuf, 0, g0L, g0R)
        pltpu.sync_copy(gbuf.at[0], acc.at[ibuf.at[0].at[1]], add=True)

        @pl.when(more)
        def _():
            pltpu.async_copy(idx_hbm.at[j0 + 2], ibuf.at[0], isem0)
            pltpu.make_async_copy(idx_hbm.at[j0 + 2], ibuf.at[0], isem0).wait()

        _wait_gather(u_hbm, ibuf, gbuf, 1, g1L, g1R)

        @pl.when(more)
        def _():
            _issue_gather(u_hbm, ibuf, gbuf, 0, g0L, g0R)
        pltpu.sync_copy(gbuf.at[1], acc.at[ibuf.at[1].at[1]], add=True)

        @pl.when(more)
        def _():
            pltpu.async_copy(idx_hbm.at[j0 + 3], ibuf.at[1], isem1)

        return carry

    lax.fori_loop(0, my_chunks // 2, body, 0)
    plsc.subcore_barrier()
    pltpu.sync_copy(acc.at[pl.ds(row0, ROWS_PER_SUB)],
                    out_hbm.at[c].at[pl.ds(row0, ROWS_PER_SUB)])


_scatter_call = pl.kernel(
    _scatter_body,
    out_type=jax.ShapeDtypeStruct((NC, NPAD, D), jnp.float32),
    mesh=_mesh,
    scratch_types=[
        pltpu.VMEM((2, 2, CHUNK), jnp.int32),
        pltpu.VMEM((2, CHUNK, D), jnp.float32),
        pltpu.VMEM_SHARED((NPAD, D), jnp.float32),
        pltpu.SemaphoreType.DMA,
        pltpu.SemaphoreType.DMA,
        pltpu.SemaphoreType.DMA,
        pltpu.SemaphoreType.DMA,
        pltpu.SemaphoreType.DMA,
        pltpu.SemaphoreType.DMA,
    ],
)


def _tc1_body(degp_ref, x_ref, w_ref, u_ref, dinv_ref):
    dp = degp_ref[...]
    dinv = lax.rsqrt(dp[:, 0:1] + dp[:, 1:2] + 1.0)
    dinv_ref[...] = dinv
    u_ref[...] = jnp.dot(x_ref[...], w_ref[...],
                         preferred_element_type=jnp.float32) * dinv


def _tc2_body(v_ref, u1_ref, dinv_ref, b1_ref, w2_ref, h1_ref, u2_ref):
    v = v_ref[0] + v_ref[1] + u1_ref[...]
    dinv = dinv_ref[...]
    h1 = jnp.maximum(dinv * v + b1_ref[...], 0.0)
    h1_ref[...] = h1
    u2_ref[...] = jnp.dot(h1, w2_ref[...],
                          preferred_element_type=jnp.float32) * dinv


def _tc3_body(v_ref, u2_ref, dinv_ref, b2_ref, h1_ref, out_ref):
    v = v_ref[0] + v_ref[1] + u2_ref[...]
    out_ref[...] = (jnp.maximum(dinv_ref[...] * v + b2_ref[...], 0.0)
                    + h1_ref[...])


_GRID = (NPAD // BR,)
_row_spec = pl.BlockSpec((BR, D), lambda i: (i, 0))
_v_spec = pl.BlockSpec((NC, BR, D), lambda i: (0, i, 0))
_dinv_spec = pl.BlockSpec((BR, 1), lambda i: (i, 0))
_w_spec = pl.BlockSpec((D, D), lambda i: (0, 0))
_b_spec = pl.BlockSpec((1, D), lambda i: (0, 0))

_tc1 = pl.pallas_call(
    _tc1_body,
    grid=_GRID,
    in_specs=[pl.BlockSpec((BR, 2), lambda i: (i, 0)), _row_spec, _w_spec],
    out_specs=[_row_spec, _dinv_spec],
    out_shape=[jax.ShapeDtypeStruct((NPAD, D), jnp.float32),
               jax.ShapeDtypeStruct((NPAD, 1), jnp.float32)],
)

_tc2 = pl.pallas_call(
    _tc2_body,
    grid=_GRID,
    in_specs=[_v_spec, _row_spec, _dinv_spec, _b_spec, _w_spec],
    out_specs=[_row_spec, _row_spec],
    out_shape=[jax.ShapeDtypeStruct((NPAD, D), jnp.float32),
               jax.ShapeDtypeStruct((NPAD, D), jnp.float32)],
)

_tc3 = pl.pallas_call(
    _tc3_body,
    grid=_GRID,
    in_specs=[_v_spec, _row_spec, _dinv_spec, _b_spec, _row_spec],
    out_specs=_row_spec,
    out_shape=jax.ShapeDtypeStruct((NPAD, D), jnp.float32),
)


def kernel(x, edge_index, W1, b1, W2, b2):
    src = edge_index[0].astype(jnp.int32)
    dst = edge_index[1].astype(jnp.int32)
    pad = jnp.full((EPAD - E,), N, jnp.int32)
    src_r = jnp.concatenate([src, pad]).reshape(NCHUNKS, 1, CHUNK)
    dst_r = jnp.concatenate([dst, pad]).reshape(NCHUNKS, 1, CHUNK)
    idx_r = jnp.concatenate([src_r, dst_r], axis=1)
    x_pad = jnp.zeros((NPAD, D), jnp.float32).at[:N, :].set(x)
    ones_c = jnp.ones((CHUNK,), jnp.float32)
    zeros_nd = jnp.zeros((CHUNK, D), jnp.float32)
    zeros_n = jnp.zeros((NPAD,), jnp.float32)

    degp = _deg_call(idx_r, ones_c, zeros_n)
    u1, dinv = _tc1(degp.T, x_pad, W1)
    v1 = _scatter_call(u1, idx_r, zeros_nd)
    h1, u2 = _tc2(v1, u1, dinv, b1.reshape(1, D), W2)
    v2 = _scatter_call(u2, idx_r, zeros_nd)
    out = _tc3(v2, u2, dinv, b2.reshape(1, D), h1)
    return out[:N]

# --- scband reference (transcript-rebuilt; emitter-appended) ---
"""Pipeline reference for scband-sub-view-encoder-32693291057233 (READ-ONLY COPY).

The authoritative reference and input builder live on the scoring server;
editing this copy changes nothing except your own understanding.
"""

import jax, jax.numpy as jnp
import numpy as np

N_NODES = 10000
N_EDGES = 320000
NFEAT = 128
NHID = 128


def setup_inputs(seed: int = 0) -> dict:
    key = jax.random.key(seed)
    k_x, k_ei, k_w1, k_b1, k_w2, k_b2 = jax.random.split(key, 6)
    x = jax.random.normal(k_x, (N_NODES, NFEAT), dtype=jnp.float32)
    edge_index = jax.random.randint(k_ei, (2, N_EDGES), 0, N_NODES, dtype=jnp.int64)
    # GCNConv params (glorot-style init like PyG)
    s1 = 1.0 / np.sqrt(NFEAT)
    s2 = 1.0 / np.sqrt(NHID)
    W1 = jax.random.uniform(k_w1, (NFEAT, NHID), dtype=jnp.float32, minval=-s1, maxval=s1)
    b1 = jnp.zeros((NHID,), dtype=jnp.float32)
    W2 = jax.random.uniform(k_w2, (NHID, NHID), dtype=jnp.float32, minval=-s2, maxval=s2)
    b2 = jnp.zeros((NHID,), dtype=jnp.float32)
    return {"x": x, "edge_index": edge_index, "W1": W1, "b1": b1, "W2": W2, "b2": b2}


def _gcn_conv(x, edge_index, W, b):
    # Faithful PyG GCNConv: linear transform, add self-loops, symmetric norm, scatter-add, bias
    num_nodes = x.shape[0]
    h = x @ W
    src = edge_index[0]
    dst = edge_index[1]
    loop = jnp.arange(num_nodes, dtype=src.dtype)
    src = jnp.concatenate([src, loop])
    dst = jnp.concatenate([dst, loop])
    deg = jnp.zeros((num_nodes,), dtype=h.dtype).at[dst].add(1.0)
    deg_inv_sqrt = jnp.where(deg > 0, jax.lax.rsqrt(jnp.maximum(deg, 1e-12)), 0.0)
    norm = deg_inv_sqrt[src] * deg_inv_sqrt[dst]
    msg = h[src] * norm[:, None]
    out = jnp.zeros_like(h).at[dst].add(msg)
    return out + b


def reference(x, edge_index, W1, b1, W2, b2):
    # dropout is identity in eval mode
    h = _gcn_conv(x, edge_index, W1, b1)
    h = jax.nn.relu(h)
    residual = h
    h = _gcn_conv(h, edge_index, W2, b2)
    h = jax.nn.relu(h)
    return h + residual

if __name__ == "__main__":
    import jax
    _d = setup_inputs()
    print(jax.jit(kernel)(*tuple(_d.values())))

</pallas_src>

<mosaic_0001>
#map = affine_map<(d0, d1) -> (0, 0)>
#map1 = affine_map<(d0, d1) -> (0, 0, 0)>
module attributes {stable_mosaic.version = 14 : i64} {
  func.func @_scatter_body(%arg0: i32, %arg1: i32, %arg2: memref<10240x128xf32, #tpu.memory_space<hbm>>, %arg3: memref<2560x2x128xi32, #tpu.memory_space<hbm>>, %arg4: memref<128x128xf32, #tpu.memory_space<hbm>>, %arg5: memref<2x10240x128xf32, #tpu.memory_space<hbm>>, %arg6: memref<2x2x128xi32, #tpu.memory_space<vmem>>, %arg7: memref<2x128x128xf32, #tpu.memory_space<vmem>>, %arg8: memref<10240x128xf32, #tpu.memory_space<vmem_shared>>, %arg9: memref<!tpu.dma_semaphore, #tpu.memory_space<semaphore_mem>>, %arg10: memref<!tpu.dma_semaphore, #tpu.memory_space<semaphore_mem>>, %arg11: memref<!tpu.dma_semaphore, #tpu.memory_space<semaphore_mem>>, %arg12: memref<!tpu.dma_semaphore, #tpu.memory_space<semaphore_mem>>, %arg13: memref<!tpu.dma_semaphore, #tpu.memory_space<semaphore_mem>>, %arg14: memref<!tpu.dma_semaphore, #tpu.memory_space<semaphore_mem>>) attributes {dimension_semantics = [#tpu.dimension_semantics<core_parallel>, #tpu.dimension_semantics<subcore_parallel>], iteration_bounds = array<i64: 2, 16>, scalar_prefetch = 0 : i64, scratch_operands = 9 : i64, tpu.core_type = #tpu.core_type<sc_vector_subcore>, window_params = [{transform_indices = #map}, {transform_indices = #map1}, {transform_indices = #map}, {transform_indices = #map1}]} {
    %eq3A = arith.constant 0 : i32
    %eq3A_0 = arith.cmpi eq, %arg0, %eq3A : i32
    %jit3A = arith.constant 124 : i32
    %jit3A_1 = arith.constant 36 : i32
    %select_n3A = arith.select %eq3A_0, %jit3A, %jit3A_1 : i32
    %eq3A_2 = arith.constant 0 : i32
    %eq3A_3 = arith.cmpi eq, %arg0, %eq3A_2 : i32
    %mul3A = arith.constant 124 : i32
    %mul3A_4 = arith.muli %arg1, %mul3A : i32
    %mul3A_5 = arith.constant 36 : i32
    %mul3A_6 = arith.muli %arg1, %mul3A_5 : i32
    %add3A = arith.constant 1984 : i32
    %add3A_7 = arith.addi %add3A, %mul3A_6 : i32
    %select_n3A_8 = arith.select %eq3A_3, %mul3A_4, %add3A_7 : i32
    %mul3A_9 = arith.constant 640 : i32
    %mul3A_10 = arith.muli %arg1, %mul3A_9 : i32
    %gt3A = arith.constant 0 : i32
    %gt3A_11 = arith.cmpi sgt, %select_n3A, %gt3A : i32
    %convert_element_type3A = arith.extui %gt3A_11 : i1 to i32
    %cond3A = arith.constant 0 : i32
    %cond3A_12 = arith.cmpi ne, %convert_element_type3A, %cond3A : i32
    scf.if %cond3A_12 {
      %run_scoped3A = arith.constant 0 : i32
      "tpu.region"() ({
        %run_scoped3A_113 = tpu.sem_alloc : memref<!tpu.dma_semaphore, #tpu.memory_space<semaphore_mem>>
        %dma_start3A_114 = arith.constant 0 : i32
        %dma_start3A_115 = arith.constant 0 : i32
        %dma_start3A_116 = tpu.memref_slice %arg6[%run_scoped3A, %dma_start3A_114, %dma_start3A_115] : memref<2x2x128xi32, #tpu.memory_space<vmem>> -> memref<1x2x128xi32, #tpu.memory_space<vmem>>
        %dma_start3A_117 = tpu.memref_squeeze %dma_start3A_116 : memref<1x2x128xi32, #tpu.memory_space<vmem>> -> memref<2x128xi32, #tpu.memory_space<vmem>>
        %dma_start3A_118 = arith.constant 0 : i32
        %dma_start3A_119 = arith.constant 0 : i32
        %dma_start3A_120 = tpu.memref_slice %arg3[%select_n3A_8, %dma_start3A_118, %dma_start3A_119] : memref<2560x2x128xi32, #tpu.memory_space<hbm>> -> memref<1x2x128xi32, #tpu.memory_space<hbm>>
        %dma_start3A_121 = tpu.memref_squeeze %dma_start3A_120 : memref<1x2x128xi32, #tpu.memory_space<hbm>> -> memref<2x128xi32, #tpu.memory_space<hbm>>
        %dma_start3A_122 = arith.constant 0 : i32
        %dma_start3A_123 = arith.constant 0 : i32
        %dma_start3A_124 = tpu.memref_slice %arg6[%run_scoped3A, %dma_start3A_122, %dma_start3A_123] : memref<2x2x128xi32, #tpu.memory_space<vmem>> -> memref<1x2x128xi32, #tpu.memory_space<vmem>>
        %dma_start3A_125 = tpu.memref_squeeze %dma_start3A_124 : memref<1x2x128xi32, #tpu.memory_space<vmem>> -> memref<2x128xi32, #tpu.memory_space<vmem>>
        %dma_start3A_126 = arith.constant 0 : i32
        %dma_start3A_127 = arith.constant 0 : i32
        %dma_start3A_128 = tpu.memref_slice %arg3[%select_n3A_8, %dma_start3A_126, %dma_start3A_127] : memref<2560x2x128xi32, #tpu.memory_space<hbm>> -> memref<1x2x128xi32, #tpu.memory_space<hbm>>
        %dma_start3A_129 = tpu.memref_squeeze %dma_start3A_128 : memref<1x2x128xi32, #tpu.memory_space<hbm>> -> memref<2x128xi32, #tpu.memory_space<hbm>>
        tpu.enqueue_dma source(%dma_start3A_129 : memref<2x128xi32, #tpu.memory_space<hbm>>) target(%dma_start3A_125 : memref<2x128xi32, #tpu.memory_space<vmem>>) target_semaphore(%run_scoped3A_113 : memref<!tpu.dma_semaphore, #tpu.memory_space<semaphore_mem>>)
        %dma_wait3A = arith.constant 0 : i32
        %dma_wait3A_130 = arith.constant 0 : i32
        %dma_wait3A_131 = tpu.memref_slice %arg6[%run_scoped3A, %dma_wait3A, %dma_wait3A_130] : memref<2x2x128xi32, #tpu.memory_space<vmem>> -> memref<1x2x128xi32, #tpu.memory_space<vmem>>
        %dma_wait3A_132 = tpu.memref_squeeze %dma_wait3A_131 : memref<1x2x128xi32, #tpu.memory_space<vmem>> -> memref<2x128xi32, #tpu.memory_space<vmem>>
        %dma_wait3A_133 = arith.constant 0 : i32
        %dma_wait3A_134 = arith.constant 0 : i32
        %dma_wait3A_135 = tpu.memref_slice %arg3[%select_n3A_8, %dma_wait3A_133, %dma_wait3A_134] : memref<2560x2x128xi32, #tpu.memory_space<hbm>> -> memref<1x2x128xi32, #tpu.memory_space<hbm>>
        %dma_wait3A_136 = tpu.memref_squeeze %dma_wait3A_135 : memref<1x2x128xi32, #tpu.memory_space<hbm>> -> memref<2x128xi32, #tpu.memory_space<hbm>>
        %dma_wait3A_137 = arith.constant 0 : i32
        %dma_wait3A_138 = arith.constant 0 : i32
        %dma_wait3A_139 = tpu.memref_slice %arg6[%run_scoped3A, %dma_wait3A_137, %dma_wait3A_138] : memref<2x2x128xi32, #tpu.memory_space<vmem>> -> memref<1x2x128xi32, #tpu.memory_space<vmem>>
        %dma_wait3A_140 = tpu.memref_squeeze %dma_wait3A_139 : memref<1x2x128xi32, #tpu.memory_space<vmem>> -> memref<2x128xi32, #tpu.memory_space<vmem>>
        %dma_wait3A_141 = arith.constant 0 : i32
        %dma_wait3A_142 = arith.constant 0 : i32
        %dma_wait3A_143 = tpu.memref_slice %arg3[%select_n3A_8, %dma_wait3A_141, %dma_wait3A_142] : memref<2560x2x128xi32, #tpu.memory_space<hbm>> -> memref<1x2x128xi32, #tpu.memory_space<hbm>>
        %dma_wait3A_144 = tpu.memref_squeeze %dma_wait3A_143 : memref<1x2x128xi32, #tpu.memory_space<hbm>> -> memref<2x128xi32, #tpu.memory_space<hbm>>
        tpu.wait_dma2 semaphore(%run_scoped3A_113 : memref<!tpu.dma_semaphore, #tpu.memory_space<semaphore_mem>>) src(%dma_wait3A_144 : memref<2x128xi32, #tpu.memory_space<hbm>>) dst(%dma_wait3A_140 : memref<2x128xi32, #tpu.memory_space<vmem>>)
        tpu.yield
      }) : () -> ()
      %dma_start3A = arith.constant 0 : i32
      %dma_start3A_51 = arith.constant 0 : i32
      %dma_start3A_52 = arith.constant 0 : i32
      %dma_start3A_53 = arith.constant 0 : i32
      %dma_start3A_54 = arith.constant 0 : i32
      %dma_start3A_55 = tpu.memref_slice %arg7[%dma_start3A_52, %dma_start3A_53, %dma_start3A_54] : memref<2x128x128xf32, #tpu.memory_space<vmem>> -> memref<1x128x128xf32, #tpu.memory_space<vmem>>
      %dma_start3A_56 = tpu.memref_squeeze %dma_start3A_55 : memref<1x128x128xf32, #tpu.memory_space<vmem>> -> memref<128x128xf32, #tpu.memory_space<vmem>>
      %dma_start3A_57 = arith.constant 0 : i32
      %dma_start3A_58 = arith.constant 0 : i32
      %dma_start3A_59 = tpu.memref_slice %dma_start3A_56[%dma_start3A_57, %dma_start3A_58] : memref<128x128xf32, #tpu.memory_space<vmem>> -> memref<64x128xf32, #tpu.memory_space<vmem>>
      %dma_start3A_60 = arith.constant 0 : i32
      %dma_start3A_61 = arith.constant 0 : i32
      %dma_start3A_62 = tpu.memref_slice %arg6[%dma_start3A, %dma_start3A_60, %dma_start3A_61] : memref<2x2x128xi32, #tpu.memory_space<vmem>> -> memref<1x2x128xi32, #tpu.memory_space<vmem>>
      %dma_start3A_63 = tpu.memref_squeeze %dma_start3A_62 : memref<1x2x128xi32, #tpu.memory_space<vmem>> -> memref<2x128xi32, #tpu.memory_space<vmem>>
      %dma_start3A_64 = arith.constant 0 : i32
      %dma_start3A_65 = tpu.memref_slice %dma_start3A_63[%dma_start3A_51, %dma_start3A_64] : memref<2x128xi32, #tpu.memory_space<vmem>> -> memref<1x128xi32, #tpu.memory_space<vmem>>
      %dma_start3A_66 = tpu.memref_squeeze %dma_start3A_65 : memref<1x128xi32, #tpu.memory_space<vmem>> -> memref<128xi32, #tpu.memory_space<vmem>>
      %dma_start3A_67 = arith.constant 0 : i32
      %dma_start3A_68 = tpu.memref_slice %dma_start3A_66[%dma_start3A_67] : memref<128xi32, #tpu.memory_space<vmem>> -> memref<64xi32, #tpu.memory_space<vmem>>
      %dma_start3A_69 = arith.constant 0 : i32
      %dma_start3A_70 = arith.constant 0 : i32
      %dma_start3A_71 = tpu.memref_slice %arg2[%dma_start3A_69, %dma_start3A_70] : memref<10240x128xf32, #tpu.memory_space<hbm>> -> memref<10240x128xf32, #tpu.memory_space<hbm>>
      tpu.enqueue_indirect_dma source(%dma_start3A_71 : memref<10240x128xf32, #tpu.memory_space<hbm>>) target(%dma_start3A_59 : memref<64x128xf32, #tpu.memory_space<vmem>>) offsets(%dma_start3A_68 : memref<64xi32, #tpu.memory_space<vmem>>) semaphore(%arg9 : memref<!tpu.dma_semaphore, #tpu.memory_space<semaphore_mem>>)
      %dma_start3A_72 = arith.constant 0 : i32
      %dma_start3A_73 = arith.constant 0 : i32
      %dma_start3A_74 = arith.constant 0 : i32
      %dma_start3A_75 = arith.constant 0 : i32
      %dma_start3A_76 = arith.constant 0 : i32
      %dma_start3A_77 = tpu.memref_slice %arg7[%dma_start3A_74, %dma_start3A_75, %dma_start3A_76] : memref<2x128x128xf32, #tpu.memory_space<vmem>> -> memref<1x128x128xf32, #tpu.memory_space<vmem>>
      %dma_start3A_78 = tpu.memref_squeeze %dma_start3A_77 : memref<1x128x128xf32, #tpu.memory_space<vmem>> -> memref<128x128xf32, #tpu.memory_space<vmem>>
      %dma_start3A_79 = arith.constant 64 : i32
      %dma_start3A_80 = arith.constant 0 : i32
      %dma_start3A_81 = tpu.memref_slice %dma_start3A_78[%dma_start3A_79, %dma_start3A_80] : memref<128x128xf32, #tpu.memory_space<vmem>> -> memref<64x128xf32, #tpu.memory_space<vmem>>
      %dma_start3A_82 = arith.constant 0 : i32
      %dma_start3A_83 = arith.constant 0 : i32
      %dma_start3A_84 = tpu.memref_slice %arg6[%dma_start3A_72, %dma_start3A_82, %dma_start3A_83] : memref<2x2x128xi32, #tpu.memory_space<vmem>> -> memref<1x2x128xi32, #tpu.memory_space<vmem>>
      %dma_start3A_85 = tpu.memref_squeeze %dma_start3A_84 : memref<1x2x128xi32, #tpu.memory_space<vmem>> -> memref<2x128xi32, #tpu.memory_space<vmem>>
      %dma_start3A_86 = arith.constant 0 : i32
      %dma_start3A_87 = tpu.memref_slice %dma_start3A_85[%dma_start3A_73, %dma_start3A_86] : memref<2x128xi32, #tpu.memory_space<vmem>> -> memref<1x128xi32, #tpu.memory_space<vmem>>
      %dma_start3A_88 = tpu.memref_squeeze %dma_start3A_87 : memref<1x128xi32, #tpu.memory_space<vmem>> -> memref<128xi32, #tpu.memory_space<vmem>>
      %dma_start3A_89 = arith.constant 64 : i32
      %dma_start3A_90 = tpu.memref_slice %dma_start3A_88[%dma_start3A_89] : memref<128xi32, #tpu.memory_space<vmem>> -> memref<64xi32, #tpu.memory_space<vmem>>
      %dma_start3A_91 = arith.constant 0 : i32
      %dma_start3A_92 = arith.constant 0 : i32
      %dma_start3A_93 = tpu.memref_slice %arg2[%dma_start3A_91, %dma_start3A_92] : memref<10240x128xf32, #tpu.memory_space<hbm>> -> memref<10240x128xf32, #tpu.memory_space<hbm>>
      tpu.enqueue_indirect_dma source(%dma_start3A_93 : memref<10240x128xf32, #tpu.memory_space<hbm>>) target(%dma_start3A_81 : memref<64x128xf32, #tpu.memory_space<vmem>>) offsets(%dma_start3A_90 : memref<64xi32, #tpu.memory_space<vmem>>) semaphore(%arg10 : memref<!tpu.dma_semaphore, #tpu.memory_space<semaphore_mem>>)
      %add3A_94 = arith.constant 1 : i32
      %add3A_95 = arith.addi %select_n3A_8, %add3A_94 : i32
      %dma_start3A_96 = arith.constant 1 : i32
      %dma_start3A_97 = arith.constant 0 : i32
      %dma_start3A_98 = arith.constant 0 : i32
      %dma_start3A_99 = tpu.memref_slice %arg6[%dma_start3A_96, %dma_start3A_97, %dma_start3A_98] : memref<2x2x128xi32, #tpu.memory_space<vmem>> -> memref<1x2x128xi32, #tpu.memory_space<vmem>>
      %dma_start3A_100 = tpu.memref_squeeze %dma_start3A_99 : memref<1x2x128xi32, #tpu.memory_space<vmem>> -> memref<2x128xi32, #tpu.memory_space<vmem>>
      %dma_start3A_101 = arith.constant 0 : i32
      %dma_start3A_102 = arith.constant 0 : i32
      %dma_start3A_103 = tpu.memref_slice %arg3[%add3A_95, %dma_start3A_101, %dma_start3A_102] : memref<2560x2x128xi32, #tpu.memory_space<hbm>> -> memref<1x2x128xi32, #tpu.memory_space<hbm>>
      %dma_start3A_104 = tpu.memref_squeeze %dma_start3A_103 : memref<1x2x128xi32, #tpu.memory_space<hbm>> -> memref<2x128xi32, #tpu.memory_space<hbm>>
      %dma_start3A_105 = arith.constant 0 : i32
      %dma_start3A_106 = arith.constant 0 : i32
      %dma_start3A_107 = tpu.memref_slice %arg6[%dma_start3A_96, %dma_start3A_105, %dma_start3A_106] : memref<2x2x128xi32, #tpu.memory_space<vmem>> -> memref<1x2x128xi32, #tpu.memory_space<vmem>>
      %dma_start3A_108 = tpu.memref_squeeze %dma_start3A_107 : memref<1x2x128xi32, #tpu.memory_space<vmem>> -> memref<2x128xi32, #tpu.memory_space<vmem>>
      %dma_start3A_109 = arith.constant 0 : i32
      %dma_start3A_110 = arith.constant 0 : i32
      %dma_start3A_111 = tpu.memref_slice %arg3[%add3A_95, %dma_start3A_109, %dma_start3A_110] : memref<2560x2x128xi32, #tpu.memory_space<hbm>> -> memref<1x2x128xi32, #tpu.memory_space<hbm>>
      %dma_start3A_112 = tpu.memref_squeeze %dma_start3A_111 : memref<1x2x128xi32, #tpu.memory_space<hbm>> -> memref<2x128xi32, #tpu.memory_space<hbm>>
      tpu.enqueue_dma source(%dma_start3A_112 : memref<2x128xi32, #tpu.memory_space<hbm>>) target(%dma_start3A_108 : memref<2x128xi32, #tpu.memory_space<vmem>>) target_semaphore(%arg14 : memref<!tpu.dma_semaphore, #tpu.memory_space<semaphore_mem>>)
    } else {
    }
    %add3A_13 = arith.constant 0 : i32
    %add3A_14 = arith.addi %mul3A_10, %add3A_13 : i32
    "tpu.region"() ({
      %run_scoped3A = tpu.sem_alloc : memref<!tpu.dma_semaphore, #tpu.memory_space<semaphore_mem>>
      %dma_start3A = arith.constant 0 : i32
      %dma_start3A_51 = tpu.memref_slice %arg8[%add3A_14, %dma_start3A] : memref<10240x128xf32, #tpu.memory_space<vmem_shared>> -> memref<128x128xf32, #tpu.memory_space<vmem_shared>>
      tpu.enqueue_dma source(%arg4 : memref<128x128xf32, #tpu.memory_space<hbm>>) target(%dma_start3A_51 : memref<128x128xf32, #tpu.memory_space<vmem_shared>>) target_semaphore(%run_scoped3A : memref<!tpu.dma_semaphore, #tpu.memory_space<semaphore_mem>>)
      %dma_wait3A = arith.constant 0 : i32
      %dma_wait3A_52 = tpu.memref_slice %arg8[%add3A_14, %dma_wait3A] : memref<10240x128xf32, #tpu.memory_space<vmem_shared>> -> memref<128x128xf32, #tpu.memory_space<vmem_shared>>
      tpu.wait_dma2 semaphore(%run_scoped3A : memref<!tpu.dma_semaphore, #tpu.memory_space<semaphore_mem>>) src(%arg4 : memref<128x128xf32, #tpu.memory_space<hbm>>) dst(%dma_wait3A_52 : memref<128x128xf32, #tpu.memory_space<vmem_shared>>)
      tpu.yield
    }) : () -> ()
    %add3A_15 = arith.constant 128 : i32
    %add3A_16 = arith.addi %mul3A_10, %add3A_15 : i32
    "tpu.region"() ({
      %run_scoped3A = tpu.sem_alloc : memref<!tpu.dma_semaphore, #tpu.memory_space<semaphore_mem>>
      %dma_start3A = arith.constant 0 : i32
      %dma_start3A_51 = tpu.memref_slice %arg8[%add3A_16, %dma_start3A] : memref<10240x128xf32, #tpu.memory_space<vmem_shared>> -> memref<128x128xf32, #tpu.memory_space<vmem_shared>>
      tpu.enqueue_dma source(%arg4 : memref<128x128xf32, #tpu.memory_space<hbm>>) target(%dma_start3A_51 : memref<128x128xf32, #tpu.memory_space<vmem_shared>>) target_semaphore(%run_scoped3A : memref<!tpu.dma_semaphore, #tpu.memory_space<semaphore_mem>>)
      %dma_wait3A = arith.constant 0 : i32
      %dma_wait3A_52 = tpu.memref_slice %arg8[%add3A_16, %dma_wait3A] : memref<10240x128xf32, #tpu.memory_space<vmem_shared>> -> memref<128x128xf32, #tpu.memory_space<vmem_shared>>
      tpu.wait_dma2 semaphore(%run_scoped3A : memref<!tpu.dma_semaphore, #tpu.memory_space<semaphore_mem>>) src(%arg4 : memref<128x128xf32, #tpu.memory_space<hbm>>) dst(%dma_wait3A_52 : memref<128x128xf32, #tpu.memory_space<vmem_shared>>)
      tpu.yield
    }) : () -> ()
    %add3A_17 = arith.constant 256 : i32
    %add3A_18 = arith.addi %mul3A_10, %add3A_17 : i32
    "tpu.region"() ({
      %run_scoped3A = tpu.sem_alloc : memref<!tpu.dma_semaphore, #tpu.memory_space<semaphore_mem>>
      %dma_start3A = arith.constant 0 : i32
      %dma_start3A_51 = tpu.memref_slice %arg8[%add3A_18, %dma_start3A] : memref<10240x128xf32, #tpu.memory_space<vmem_shared>> -> memref<128x128xf32, #tpu.memory_space<vmem_shared>>
      tpu.enqueue_dma source(%arg4 : memref<128x128xf32, #tpu.memory_space<hbm>>) target(%dma_start3A_51 : memref<128x128xf32, #tpu.memory_space<vmem_shared>>) target_semaphore(%run_scoped3A : memref<!tpu.dma_semaphore, #tpu.memory_space<semaphore_mem>>)
      %dma_wait3A = arith.constant 0 : i32
      %dma_wait3A_52 = tpu.memref_slice %arg8[%add3A_18, %dma_wait3A] : memref<10240x128xf32, #tpu.memory_space<vmem_shared>> -> memref<128x128xf32, #tpu.memory_space<vmem_shared>>
      tpu.wait_dma2 semaphore(%run_scoped3A : memref<!tpu.dma_semaphore, #tpu.memory_space<semaphore_mem>>) src(%arg4 : memref<128x128xf32, #tpu.memory_space<hbm>>) dst(%dma_wait3A_52 : memref<128x128xf32, #tpu.memory_space<vmem_shared>>)
      tpu.yield
    }) : () -> ()
    %add3A_19 = arith.constant 384 : i32
    %add3A_20 = arith.addi %mul3A_10, %add3A_19 : i32
    "tpu.region"() ({
      %run_scoped3A = tpu.sem_alloc : memref<!tpu.dma_semaphore, #tpu.memory_space<semaphore_mem>>
      %dma_start3A = arith.constant 0 : i32
      %dma_start3A_51 = tpu.memref_slice %arg8[%add3A_20, %dma_start3A] : memref<10240x128xf32, #tpu.memory_space<vmem_shared>> -> memref<128x128xf32, #tpu.memory_space<vmem_shared>>
      tpu.enqueue_dma source(%arg4 : memref<128x128xf32, #tpu.memory_space<hbm>>) target(%dma_start3A_51 : memref<128x128xf32, #tpu.memory_space<vmem_shared>>) target_semaphore(%run_scoped3A : memref<!tpu.dma_semaphore, #tpu.memory_space<semaphore_mem>>)
      %dma_wait3A = arith.constant 0 : i32
      %dma_wait3A_52 = tpu.memref_slice %arg8[%add3A_20, %dma_wait3A] : memref<10240x128xf32, #tpu.memory_space<vmem_shared>> -> memref<128x128xf32, #tpu.memory_space<vmem_shared>>
      tpu.wait_dma2 semaphore(%run_scoped3A : memref<!tpu.dma_semaphore, #tpu.memory_space<semaphore_mem>>) src(%arg4 : memref<128x128xf32, #tpu.memory_space<hbm>>) dst(%dma_wait3A_52 : memref<128x128xf32, #tpu.memory_space<vmem_shared>>)
      tpu.yield
    }) : () -> ()
    %add3A_21 = arith.constant 512 : i32
    %add3A_22 = arith.addi %mul3A_10, %add3A_21 : i32
    "tpu.region"() ({
      %run_scoped3A = tpu.sem_alloc : memref<!tpu.dma_semaphore, #tpu.memory_space<semaphore_mem>>
      %dma_start3A = arith.constant 0 : i32
      %dma_start3A_51 = tpu.memref_slice %arg8[%add3A_22, %dma_start3A] : memref<10240x128xf32, #tpu.memory_space<vmem_shared>> -> memref<128x128xf32, #tpu.memory_space<vmem_shared>>
      tpu.enqueue_dma source(%arg4 : memref<128x128xf32, #tpu.memory_space<hbm>>) target(%dma_start3A_51 : memref<128x128xf32, #tpu.memory_space<vmem_shared>>) target_semaphore(%run_scoped3A : memref<!tpu.dma_semaphore, #tpu.memory_space<semaphore_mem>>)
      %dma_wait3A = arith.constant 0 : i32
      %dma_wait3A_52 = tpu.memref_slice %arg8[%add3A_22, %dma_wait3A] : memref<10240x128xf32, #tpu.memory_space<vmem_shared>> -> memref<128x128xf32, #tpu.memory_space<vmem_shared>>
      tpu.wait_dma2 semaphore(%run_scoped3A : memref<!tpu.dma_semaphore, #tpu.memory_space<semaphore_mem>>) src(%arg4 : memref<128x128xf32, #tpu.memory_space<hbm>>) dst(%dma_wait3A_52 : memref<128x128xf32, #tpu.memory_space<vmem_shared>>)
      tpu.yield
    }) : () -> ()
    %barrier3A = arith.constant 0 : index
    tpu.barrier barrier_id(%barrier3A)
    %jit3A_23 = arith.constant 2 : i32
    %div3A = arith.divsi %select_n3A, %jit3A_23 : i32
    %sign3A = arith.constant 0 : i32
    %sign3A_24 = arith.cmpi sgt, %select_n3A, %sign3A : i32
    %sign3A_25 = arith.extui %sign3A_24 : i1 to i32
    %sign3A_26 = arith.constant 0 : i32
    %sign3A_27 = arith.cmpi slt, %select_n3A, %sign3A_26 : i32
    %sign3A_28 = arith.extui %sign3A_27 : i1 to i32
    %sign3A_29 = arith.subi %sign3A_25, %sign3A_28 : i32
    %sign3A_30 = arith.constant 0 : i32
    %sign3A_31 = arith.cmpi sgt, %jit3A_23, %sign3A_30 : i32
    %sign3A_32 = arith.extui %sign3A_31 : i1 to i32
    %sign3A_33 = arith.constant 0 : i32
    %sign3A_34 = arith.cmpi slt, %jit3A_23, %sign3A_33 : i32
    %sign3A_35 = arith.extui %sign3A_34 : i1 to i32
    %sign3A_36 = arith.subi %sign3A_32, %sign3A_35 : i32
    %ne3A = arith.cmpi ne, %sign3A_29, %sign3A_36 : i32
    %rem3A = arith.remsi %select_n3A, %jit3A_23 : i32
    %ne3A_37 = arith.constant 0 : i32
    %ne3A_38 = arith.cmpi ne, %rem3A, %ne3A_37 : i32
    %and3A = arith.andi %ne3A, %ne3A_38 : i1
    %sub3A = arith.constant 1 : i32
    %sub3A_39 = arith.subi %div3A, %sub3A : i32
    %select_n3A_40 = arith.select %and3A, %sub3A_39, %div3A : i32
    %while3A = arith.constant 0 : i32
    %while3A_41 = arith.constant 0 : i32
    %while3A_42 = arith.subi %select_n3A_40, %while3A_41 : i32
    %while3A_43 = arith.addi %while3A_41, %while3A_42 : i32
    %while3A_44 = arith.constant 1 : i32
    %while3A_45 = arith.divsi %while3A_42, %while3A_44 : i32
    %while3A_46 = arith.muli %while3A_45, %while3A_44 : i32
    %while3A_47 = arith.addi %while3A_41, %while3A_46 : i32
    %while3A_48 = arith.constant 1 : i32
    scf.for %while3A_51 = %while3A_41 to %while3A_47 step %while3A_48  : i32 {
      %mul3A_52 = arith.constant 2 : i32
      %mul3A_53 = arith.muli %mul3A_52, %while3A_51 : i32
      %add3A_54 = arith.addi %select_n3A_8, %mul3A_53 : i32
      %add3A_55 = arith.constant 1 : i32
      %add3A_56 = arith.addi %while3A_51, %add3A_55 : i32
      %jit3A_57 = arith.constant 2 : i32
      %div3A_58 = arith.divsi %select_n3A, %jit3A_57 : i32
      %sign3A_59 = arith.constant 0 : i32
      %sign3A_60 = arith.cmpi sgt, %select_n3A, %sign3A_59 : i32
      %sign3A_61 = arith.extui %sign3A_60 : i1 to i32
      %sign3A_62 = arith.constant 0 : i32
      %sign3A_63 = arith.cmpi slt, %select_n3A, %sign3A_62 : i32
      %sign3A_64 = arith.extui %sign3A_63 : i1 to i32
      %sign3A_65 = arith.subi %sign3A_61, %sign3A_64 : i32
      %sign3A_66 = arith.constant 0 : i32
      %sign3A_67 = arith.cmpi sgt, %jit3A_57, %sign3A_66 : i32
      %sign3A_68 = arith.extui %sign3A_67 : i1 to i32
      %sign3A_69 = arith.constant 0 : i32
      %sign3A_70 = arith.cmpi slt, %jit3A_57, %sign3A_69 : i32
      %sign3A_71 = arith.extui %sign3A_70 : i1 to i32
      %sign3A_72 = arith.subi %sign3A_68, %sign3A_71 : i32
      %ne3A_73 = arith.cmpi ne, %sign3A_65, %sign3A_72 : i32
      %rem3A_74 = arith.remsi %select_n3A, %jit3A_57 : i32
      %ne3A_75 = arith.constant 0 : i32
      %ne3A_76 = arith.cmpi ne, %rem3A_74, %ne3A_75 : i32
      %and3A_77 = arith.andi %ne3A_73, %ne3A_76 : i1
      %sub3A_78 = arith.constant 1 : i32
      %sub3A_79 = arith.subi %div3A_58, %sub3A_78 : i32
      %select_n3A_80 = arith.select %and3A_77, %sub3A_79, %div3A_58 : i32
      %lt3A = arith.cmpi slt, %add3A_56, %select_n3A_80 : i32
      %add3A_81 = arith.constant 1 : i32
      %add3A_82 = arith.addi %add3A_54, %add3A_81 : i32
      %dma_wait3A = arith.constant 1 : i32
      %dma_wait3A_83 = arith.constant 0 : i32
      %dma_wait3A_84 = arith.constant 0 : i32
      %dma_wait3A_85 = tpu.memref_slice %arg6[%dma_wait3A, %dma_wait3A_83, %dma_wait3A_84] : memref<2x2x128xi32, #tpu.memory_space<vmem>> -> memref<1x2x128xi32, #tpu.memory_space<vmem>>
      %dma_wait3A_86 = tpu.memref_squeeze %dma_wait3A_85 : memref<1x2x128xi32, #tpu.memory_space<vmem>> -> memref<2x128xi32, #tpu.memory_space<vmem>>
      %dma_wait3A_87 = arith.constant 0 : i32
      %dma_wait3A_88 = arith.constant 0 : i32
      %dma_wait3A_89 = tpu.memref_slice %arg3[%add3A_82, %dma_wait3A_87, %dma_wait3A_88] : memref<2560x2x128xi32, #tpu.memory_space<hbm>> -> memref<1x2x128xi32, #tpu.memory_space<hbm>>
      %dma_wait3A_90 = tpu.memref_squeeze %dma_wait3A_89 : memref<1x2x128xi32, #tpu.memory_space<hbm>> -> memref<2x128xi32, #tpu.memory_space<hbm>>
      %dma_wait3A_91 = arith.constant 0 : i32
      %dma_wait3A_92 = arith.constant 0 : i32
      %dma_wait3A_93 = tpu.memref_slice %arg6[%dma_wait3A, %dma_wait3A_91, %dma_wait3A_92] : memref<2x2x128xi32, #tpu.memory_space<vmem>> -> memref<1x2x128xi32, #tpu.memory_space<vmem>>
      %dma_wait3A_94 = tpu.memref_squeeze %dma_wait3A_93 : memref<1x2x128xi32, #tpu.memory_space<vmem>> -> memref<2x128xi32, #tpu.memory_space<vmem>>
      %dma_wait3A_95 = arith.constant 0 : i32
      %dma_wait3A_96 = arith.constant 0 : i32
      %dma_wait3A_97 = tpu.memref_slice %arg3[%add3A_82, %dma_wait3A_95, %dma_wait3A_96] : memref<2560x2x128xi32, #tpu.memory_space<hbm>> -> memref<1x2x128xi32, #tpu.memory_space<hbm>>
      %dma_wait3A_98 = tpu.memref_squeeze %dma_wait3A_97 : memref<1x2x128xi32, #tpu.memory_space<hbm>> -> memref<2x128xi32, #tpu.memory_space<hbm>>
      tpu.wait_dma2 semaphore(%arg14 : memref<!tpu.dma_semaphore, #tpu.memory_space<semaphore_mem>>) src(%dma_wait3A_98 : memref<2x128xi32, #tpu.memory_space<hbm>>) dst(%dma_wait3A_94 : memref<2x128xi32, #tpu.memory_space<vmem>>)
      %dma_start3A = arith.constant 1 : i32
      %dma_start3A_99 = arith.constant 0 : i32
      %dma_start3A_100 = arith.constant 1 : i32
      %dma_start3A_101 = arith.constant 0 : i32
      %dma_start3A_102 = arith.constant 0 : i32
      %dma_start3A_103 = tpu.memref_slice %arg7[%dma_start3A_100, %dma_start3A_101, %dma_start3A_102] : memref<2x128x128xf32, #tpu.memory_space<vmem>> -> memref<1x128x128xf32, #tpu.memory_space<vmem>>
      %dma_start3A_104 = tpu.memref_squeeze %dma_start3A_103 : memref<1x128x128xf32, #tpu.memory_space<vmem>> -> memref<128x128xf32, #tpu.memory_space<vmem>>
      %dma_start3A_105 = arith.constant 0 : i32
      %dma_start3A_106 = arith.constant 0 : i32
      %dma_start3A_107 = tpu.memref_slice %dma_start3A_104[%dma_start3A_105, %dma_start3A_106] : memref<128x128xf32, #tpu.memory_space<vmem>> -> memref<64x128xf32, #tpu.memory_space<vmem>>
      %dma_start3A_108 = arith.constant 0 : i32
      %dma_start3A_109 = arith.constant 0 : i32
      %dma_start3A_110 = tpu.memref_slice %arg6[%dma_start3A, %dma_start3A_108, %dma_start3A_109] : memref<2x2x128xi32, #tpu.memory_space<vmem>> -> memref<1x2x128xi32, #tpu.memory_space<vmem>>
      %dma_start3A_111 = tpu.memref_squeeze %dma_start3A_110 : memref<1x2x128xi32, #tpu.memory_space<vmem>> -> memref<2x128xi32, #tpu.memory_space<vmem>>
      %dma_start3A_112 = arith.constant 0 : i32
      %dma_start3A_113 = tpu.memref_slice %dma_start3A_111[%dma_start3A_99, %dma_start3A_112] : memref<2x128xi32, #tpu.memory_space<vmem>> -> memref<1x128xi32, #tpu.memory_space<vmem>>
      %dma_start3A_114 = tpu.memref_squeeze %dma_start3A_113 : memref<1x128xi32, #tpu.memory_space<vmem>> -> memref<128xi32, #tpu.memory_space<vmem>>
      %dma_start3A_115 = arith.constant 0 : i32
      %dma_start3A_116 = tpu.memref_slice %dma_start3A_114[%dma_start3A_115] : memref<128xi32, #tpu.memory_space<vmem>> -> memref<64xi32, #tpu.memory_space<vmem>>
      %dma_start3A_117 = arith.constant 0 : i32
      %dma_start3A_118 = arith.constant 0 : i32
      %dma_start3A_119 = tpu.memref_slice %arg2[%dma_start3A_117, %dma_start3A_118] : memref<10240x128xf32, #tpu.memory_space<hbm>> -> memref<10240x128xf32, #tpu.memory_space<hbm>>
      tpu.enqueue_indirect_dma source(%dma_start3A_119 : memref<10240x128xf32, #tpu.memory_space<hbm>>) target(%dma_start3A_107 : memref<64x128xf32, #tpu.memory_space<vmem>>) offsets(%dma_start3A_116 : memref<64xi32, #tpu.memory_space<vmem>>) semaphore(%arg11 : memref<!tpu.dma_semaphore, #tpu.memory_space<semaphore_mem>>)
      %dma_start3A_120 = arith.constant 1 : i32
      %dma_start3A_121 = arith.constant 0 : i32
      %dma_start3A_122 = arith.constant 1 : i32
      %dma_start3A_123 = arith.constant 0 : i32
      %dma_start3A_124 = arith.constant 0 : i32
      %dma_start3A_125 = tpu.memref_slice %arg7[%dma_start3A_122, %dma_start3A_123, %dma_start3A_124] : memref<2x128x128xf32, #tpu.memory_space<vmem>> -> memref<1x128x128xf32, #tpu.memory_space<vmem>>
      %dma_start3A_126 = tpu.memref_squeeze %dma_start3A_125 : memref<1x128x128xf32, #tpu.memory_space<vmem>> -> memref<128x128xf32, #tpu.memory_space<vmem>>
      %dma_start3A_127 = arith.constant 64 : i32
      %dma_start3A_128 = arith.constant 0 : i32
      %dma_start3A_129 = tpu.memref_slice %dma_start3A_126[%dma_start3A_127, %dma_start3A_128] : memref<128x128xf32, #tpu.memory_space<vmem>> -> memref<64x128xf32, #tpu.memory_space<vmem>>
      %dma_start3A_130 = arith.constant 0 : i32
      %dma_start3A_131 = arith.constant 0 : i32
      %dma_start3A_132 = tpu.memref_slice %arg6[%dma_start3A_120, %dma_start3A_130, %dma_start3A_131] : memref<2x2x128xi32, #tpu.memory_space<vmem>> -> memref<1x2x128xi32, #tpu.memory_space<vmem>>
      %dma_start3A_133 = tpu.memref_squeeze %dma_start3A_132 : memref<1x2x128xi32, #tpu.memory_space<vmem>> -> memref<2x128xi32, #tpu.memory_space<vmem>>
      %dma_start3A_134 = arith.constant 0 : i32
      %dma_start3A_135 = tpu.memref_slice %dma_start3A_133[%dma_start3A_121, %dma_start3A_134] : memref<2x128xi32, #tpu.memory_space<vmem>> -> memref<1x128xi32, #tpu.memory_space<vmem>>
      %dma_start3A_136 = tpu.memref_squeeze %dma_start3A_135 : memref<1x128xi32, #tpu.memory_space<vmem>> -> memref<128xi32, #tpu.memory_space<vmem>>
      %dma_start3A_137 = arith.constant 64 : i32
      %dma_start3A_138 = tpu.memref_slice %dma_start3A_136[%dma_start3A_137] : memref<128xi32, #tpu.memory_space<vmem>> -> memref<64xi32, #tpu.memory_space<vmem>>
      %dma_start3A_139 = arith.constant 0 : i32
      %dma_start3A_140 = arith.constant 0 : i32
      %dma_start3A_141 = tpu.memref_slice %arg2[%dma_start3A_139, %dma_start3A_140] : memref<10240x128xf32, #tpu.memory_space<hbm>> -> memref<10240x128xf32, #tpu.memory_space<hbm>>
      tpu.enqueue_indirect_dma source(%dma_start3A_141 : memref<10240x128xf32, #tpu.memory_space<hbm>>) target(%dma_start3A_129 : memref<64x128xf32, #tpu.memory_space<vmem>>) offsets(%dma_start3A_138 : memref<64xi32, #tpu.memory_space<vmem>>) semaphore(%arg12 : memref<!tpu.dma_semaphore, #tpu.memory_space<semaphore_mem>>)
      %dma_wait3A_142 = arith.constant 0 : i32
      %dma_wait3A_143 = arith.constant 0 : i32
      %dma_wait3A_144 = arith.constant 0 : i32
      %dma_wait3A_145 = arith.constant 0 : i32
      %dma_wait3A_146 = arith.constant 0 : i32
      %dma_wait3A_147 = tpu.memref_slice %arg7[%dma_wait3A_144, %dma_wait3A_145, %dma_wait3A_146] : memref<2x128x128xf32, #tpu.memory_space<vmem>> -> memref<1x128x128xf32, #tpu.memory_space<vmem>>
      %dma_wait3A_148 = tpu.memref_squeeze %dma_wait3A_147 : memref<1x128x128xf32, #tpu.memory_space<vmem>> -> memref<128x128xf32, #tpu.memory_space<vmem>>
      %dma_wait3A_149 = arith.constant 0 : i32
      %dma_wait3A_150 = arith.constant 0 : i32
      %dma_wait3A_151 = tpu.memref_slice %dma_wait3A_148[%dma_wait3A_149, %dma_wait3A_150] : memref<128x128xf32, #tpu.memory_space<vmem>> -> memref<64x128xf32, #tpu.memory_space<vmem>>
      %dma_wait3A_152 = arith.constant 0 : i32
      %dma_wait3A_153 = arith.constant 0 : i32
      %dma_wait3A_154 = tpu.memref_slice %arg6[%dma_wait3A_142, %dma_wait3A_152, %dma_wait3A_153] : memref<2x2x128xi32, #tpu.memory_space<vmem>> -> memref<1x2x128xi32, #tpu.memory_space<vmem>>
      %dma_wait3A_155 = tpu.memref_squeeze %dma_wait3A_154 : memref<1x2x128xi32, #tpu.memory_space<vmem>> -> memref<2x128xi32, #tpu.memory_space<vmem>>
      %dma_wait3A_156 = arith.constant 0 : i32
      %dma_wait3A_157 = tpu.memref_slice %dma_wait3A_155[%dma_wait3A_143, %dma_wait3A_156] : memref<2x128xi32, #tpu.memory_space<vmem>> -> memref<1x128xi32, #tpu.memory_space<vmem>>
      %dma_wait3A_158 = tpu.memref_squeeze %dma_wait3A_157 : memref<1x128xi32, #tpu.memory_space<vmem>> -> memref<128xi32, #tpu.memory_space<vmem>>
      %dma_wait3A_159 = arith.constant 0 : i32
      %dma_wait3A_160 = tpu.memref_slice %dma_wait3A_158[%dma_wait3A_159] : memref<128xi32, #tpu.memory_space<vmem>> -> memref<64xi32, #tpu.memory_space<vmem>>
      %dma_wait3A_161 = arith.constant 0 : i32
      %dma_wait3A_162 = arith.constant 0 : i32
      %dma_wait3A_163 = tpu.memref_slice %arg2[%dma_wait3A_161, %dma_wait3A_162] : memref<10240x128xf32, #tpu.memory_space<hbm>> -> memref<10240x128xf32, #tpu.memory_space<hbm>>
      tpu.wait_indirect_dma semaphore(%arg9 : memref<!tpu.dma_semaphore, #tpu.memory_space<semaphore_mem>>) src(%dma_wait3A_163 : memref<10240x128xf32, #tpu.memory_space<hbm>>) dst(%dma_wait3A_151 : memref<64x128xf32, #tpu.memory_space<vmem>>)
      %dma_wait3A_164 = arith.constant 0 : i32
      %dma_wait3A_165 = arith.constant 0 : i32
      %dma_wait3A_166 = arith.constant 0 : i32
      %dma_wait3A_167 = arith.constant 0 : i32
      %dma_wait3A_168 = arith.constant 0 : i32
      %dma_wait3A_169 = tpu.memref_slice %arg7[%dma_wait3A_166, %dma_wait3A_167, %dma_wait3A_168] : memref<2x128x128xf32, #tpu.memory_space<vmem>> -> memref<1x128x128xf32, #tpu.memory_space<vmem>>
      %dma_wait3A_170 = tpu.memref_squeeze %dma_wait3A_169 : memref<1x128x128xf32, #tpu.memory_space<vmem>> -> memref<128x128xf32, #tpu.memory_space<vmem>>
      %dma_wait3A_171 = arith.constant 64 : i32
      %dma_wait3A_172 = arith.constant 0 : i32
      %dma_wait3A_173 = tpu.memref_slice %dma_wait3A_170[%dma_wait3A_171, %dma_wait3A_172] : memref<128x128xf32, #tpu.memory_space<vmem>> -> memref<64x128xf32, #tpu.memory_space<vmem>>
      %dma_wait3A_174 = arith.constant 0 : i32
      %dma_wait3A_175 = arith.constant 0 : i32
      %dma_wait3A_176 = tpu.memref_slice %arg6[%dma_wait3A_164, %dma_wait3A_174, %dma_wait3A_175] : memref<2x2x128xi32, #tpu.memory_space<vmem>> -> memref<1x2x128xi32, #tpu.memory_space<vmem>>
      %dma_wait3A_177 = tpu.memref_squeeze %dma_wait3A_176 : memref<1x2x128xi32, #tpu.memory_space<vmem>> -> memref<2x128xi32, #tpu.memory_space<vmem>>
      %dma_wait3A_178 = arith.constant 0 : i32
      %dma_wait3A_179 = tpu.memref_slice %dma_wait3A_177[%dma_wait3A_165, %dma_wait3A_178] : memref<2x128xi32, #tpu.memory_space<vmem>> -> memref<1x128xi32, #tpu.memory_space<vmem>>
      %dma_wait3A_180 = tpu.memref_squeeze %dma_wait3A_179 : memref<1x128xi32, #tpu.memory_space<vmem>> -> memref<128xi32, #tpu.memory_space<vmem>>
      %dma_wait3A_181 = arith.constant 64 : i32
      %dma_wait3A_182 = tpu.memref_slice %dma_wait3A_180[%dma_wait3A_181] : memref<128xi32, #tpu.memory_space<vmem>> -> memref<64xi32, #tpu.memory_space<vmem>>
      %dma_wait3A_183 = arith.constant 0 : i32
      %dma_wait3A_184 = arith.constant 0 : i32
      %dma_wait3A_185 = tpu.memref_slice %arg2[%dma_wait3A_183, %dma_wait3A_184] : memref<10240x128xf32, #tpu.memory_space<hbm>> -> memref<10240x128xf32, #tpu.memory_space<hbm>>
      tpu.wait_indirect_dma semaphore(%arg10 : memref<!tpu.dma_semaphore, #tpu.memory_space<semaphore_mem>>) src(%dma_wait3A_185 : memref<10240x128xf32, #tpu.memory_space<hbm>>) dst(%dma_wait3A_173 : memref<64x128xf32, #tpu.memory_space<vmem>>)
      %run_scoped3A = arith.constant 0 : i32
      %run_scoped3A_186 = arith.constant 0 : i32
      %run_scoped3A_187 = arith.constant 1 : i32
      "tpu.region"() ({
        %run_scoped3A_244 = tpu.sem_alloc : memref<!tpu.dma_semaphore, #tpu.memory_space<semaphore_mem>>
        %dma_start3A_245 = arith.constant 0 : i32
        %dma_start3A_246 = arith.constant 0 : i32
        %dma_start3A_247 = tpu.memref_slice %arg7[%run_scoped3A, %dma_start3A_245, %dma_start3A_246] : memref<2x128x128xf32, #tpu.memory_space<vmem>> -> memref<1x128x128xf32, #tpu.memory_space<vmem>>
        %dma_start3A_248 = tpu.memref_squeeze %dma_start3A_247 : memref<1x128x128xf32, #tpu.memory_space<vmem>> -> memref<128x128xf32, #tpu.memory_space<vmem>>
        %dma_start3A_249 = arith.constant 0 : i32
        %dma_start3A_250 = arith.constant 0 : i32
        %dma_start3A_251 = tpu.memref_slice %arg6[%run_scoped3A_186, %dma_start3A_249, %dma_start3A_250] : memref<2x2x128xi32, #tpu.memory_space<vmem>> -> memref<1x2x128xi32, #tpu.memory_space<vmem>>
        %dma_start3A_252 = tpu.memref_squeeze %dma_start3A_251 : memref<1x2x128xi32, #tpu.memory_space<vmem>> -> memref<2x128xi32, #tpu.memory_space<vmem>>
        %dma_start3A_253 = arith.constant 0 : i32
        %dma_start3A_254 = tpu.memref_slice %dma_start3A_252[%run_scoped3A_187, %dma_start3A_253] : memref<2x128xi32, #tpu.memory_space<vmem>> -> memref<1x128xi32, #tpu.memory_space<vmem>>
        %dma_start3A_255 = tpu.memref_squeeze %dma_start3A_254 : memref<1x128xi32, #tpu.memory_space<vmem>> -> memref<128xi32, #tpu.memory_space<vmem>>
        %dma_start3A_256 = arith.constant 0 : i32
        %dma_start3A_257 = arith.constant 0 : i32
        %dma_start3A_258 = tpu.memref_slice %arg8[%dma_start3A_256, %dma_start3A_257] : memref<10240x128xf32, #tpu.memory_space<vmem_shared>> -> memref<10240x128xf32, #tpu.memory_space<vmem_shared>>
        tpu.enqueue_indirect_dma source(%dma_start3A_248 : memref<128x128xf32, #tpu.memory_space<vmem>>) target(%dma_start3A_258 : memref<10240x128xf32, #tpu.memory_space<vmem_shared>>) offsets(%dma_start3A_255 : memref<128xi32, #tpu.memory_space<vmem>>) semaphore(%run_scoped3A_244 : memref<!tpu.dma_semaphore, #tpu.memory_space<semaphore_mem>>) {add = true}
        %dma_wait3A_259 = arith.constant 0 : i32
        %dma_wait3A_260 = arith.constant 0 : i32
        %dma_wait3A_261 = tpu.memref_slice %arg7[%run_scoped3A, %dma_wait3A_259, %dma_wait3A_260] : memref<2x128x128xf32, #tpu.memory_space<vmem>> -> memref<1x128x128xf32, #tpu.memory_space<vmem>>
        %dma_wait3A_262 = tpu.memref_squeeze %dma_wait3A_261 : memref<1x128x128xf32, #tpu.memory_space<vmem>> -> memref<128x128xf32, #tpu.memory_space<vmem>>
        %dma_wait3A_263 = arith.constant 0 : i32
        %dma_wait3A_264 = arith.constant 0 : i32
        %dma_wait3A_265 = tpu.memref_slice %arg6[%run_scoped3A_186, %dma_wait3A_263, %dma_wait3A_264] : memref<2x2x128xi32, #tpu.memory_space<vmem>> -> memref<1x2x128xi32, #tpu.memory_space<vmem>>
        %dma_wait3A_266 = tpu.memref_squeeze %dma_wait3A_265 : memref<1x2x128xi32, #tpu.memory_space<vmem>> -> memref<2x128xi32, #tpu.memory_space<vmem>>
        %dma_wait3A_267 = arith.constant 0 : i32
        %dma_wait3A_268 = tpu.memref_slice %dma_wait3A_266[%run_scoped3A_187, %dma_wait3A_267] : memref<2x128xi32, #tpu.memory_space<vmem>> -> memref<1x128xi32, #tpu.memory_space<vmem>>
        %dma_wait3A_269 = tpu.memref_squeeze %dma_wait3A_268 : memref<1x128xi32, #tpu.memory_space<vmem>> -> memref<128xi32, #tpu.memory_space<vmem>>
        %dma_wait3A_270 = arith.constant 0 : i32
        %dma_wait3A_271 = arith.constant 0 : i32
        %dma_wait3A_272 = tpu.memref_slice %arg8[%dma_wait3A_270, %dma_wait3A_271] : memref<10240x128xf32, #tpu.memory_space<vmem_shared>> -> memref<10240x128xf32, #tpu.memory_space<vmem_shared>>
        tpu.wait_indirect_dma semaphore(%run_scoped3A_244 : memref<!tpu.dma_semaphore, #tpu.memory_space<semaphore_mem>>) src(%dma_wait3A_262 : memref<128x128xf32, #tpu.memory_space<vmem>>) dst(%dma_wait3A_272 : memref<10240x128xf32, #tpu.memory_space<vmem_shared>>)
        tpu.yield
      }) : () -> ()
      %convert_element_type3A_188 = arith.extui %lt3A : i1 to i32
      %cond3A_189 = arith.constant 0 : i32
      %cond3A_190 = arith.cmpi ne, %convert_element_type3A_188, %cond3A_189 : i32
      scf.if %cond3A_190 {
        %add3A_244 = arith.constant 2 : i32
        %add3A_245 = arith.addi %add3A_54, %add3A_244 : i32
        %dma_start3A_246 = arith.constant 0 : i32
        %dma_start3A_247 = arith.constant 0 : i32
        %dma_start3A_248 = arith.constant 0 : i32
        %dma_start3A_249 = tpu.memref_slice %arg6[%dma_start3A_246, %dma_start3A_247, %dma_start3A_248] : memref<2x2x128xi32, #tpu.memory_space<vmem>> -> memref<1x2x128xi32, #tpu.memory_space<vmem>>
        %dma_start3A_250 = tpu.memref_squeeze %dma_start3A_249 : memref<1x2x128xi32, #tpu.memory_space<vmem>> -> memref<2x128xi32, #tpu.memory_space<vmem>>
        %dma_start3A_251 = arith.constant 0 : i32
        %dma_start3A_252 = arith.constant 0 : i32
        %dma_start3A_253 = tpu.memref_slice %arg3[%add3A_245, %dma_start3A_251, %dma_start3A_252] : memref<2560x2x128xi32, #tpu.memory_space<hbm>> -> memref<1x2x128xi32, #tpu.memory_space<hbm>>
        %dma_start3A_254 = tpu.memref_squeeze %dma_start3A_253 : memref<1x2x128xi32, #tpu.memory_space<hbm>> -> memref<2x128xi32, #tpu.memory_space<hbm>>
        %dma_start3A_255 = arith.constant 0 : i32
        %dma_start3A_256 = arith.constant 0 : i32
        %dma_start3A_257 = tpu.memref_slice %arg6[%dma_start3A_246, %dma_start3A_255, %dma_start3A_256] : memref<2x2x128xi32, #tpu.memory_space<vmem>> -> memref<1x2x128xi32, #tpu.memory_space<vmem>>
        %dma_start3A_258 = tpu.memref_squeeze %dma_start3A_257 : memref<1x2x128xi32, #tpu.memory_space<vmem>> -> memref<2x128xi32, #tpu.memory_space<vmem>>
        %dma_start3A_259 = arith.constant 0 : i32
        %dma_start3A_260 = arith.constant 0 : i32
        %dma_start3A_261 = tpu.memref_slice %arg3[%add3A_245, %dma_start3A_259, %dma_start3A_260] : memref<2560x2x128xi32, #tpu.memory_space<hbm>> -> memref<1x2x128xi32, #tpu.memory_space<hbm>>
        %dma_start3A_262 = tpu.memref_squeeze %dma_start3A_261 : memref<1x2x128xi32, #tpu.memory_space<hbm>> -> memref<2x128xi32, #tpu.memory_space<hbm>>
        tpu.enqueue_dma source(%dma_start3A_262 : memref<2x128xi32, #tpu.memory_space<hbm>>) target(%dma_start3A_258 : memref<2x128xi32, #tpu.memory_space<vmem>>) target_semaphore(%arg13 : memref<!tpu.dma_semaphore, #tpu.memory_space<semaphore_mem>>)
        %add3A_263 = arith.constant 2 : i32
        %add3A_264 = arith.addi %add3A_54, %add3A_263 : i32
        %dma_wait3A_265 = arith.constant 0 : i32
        %dma_wait3A_266 = arith.constant 0 : i32
        %dma_wait3A_267 = arith.constant 0 : i32
        %dma_wait3A_268 = tpu.memref_slice %arg6[%dma_wait3A_265, %dma_wait3A_266, %dma_wait3A_267] : memref<2x2x128xi32, #tpu.memory_space<vmem>> -> memref<1x2x128xi32, #tpu.memory_space<vmem>>
        %dma_wait3A_269 = tpu.memref_squeeze %dma_wait3A_268 : memref<1x2x128xi32, #tpu.memory_space<vmem>> -> memref<2x128xi32, #tpu.memory_space<vmem>>
        %dma_wait3A_270 = arith.constant 0 : i32
        %dma_wait3A_271 = arith.constant 0 : i32
        %dma_wait3A_272 = tpu.memref_slice %arg3[%add3A_264, %dma_wait3A_270, %dma_wait3A_271] : memref<2560x2x128xi32, #tpu.memory_space<hbm>> -> memref<1x2x128xi32, #tpu.memory_space<hbm>>
        %dma_wait3A_273 = tpu.memref_squeeze %dma_wait3A_272 : memref<1x2x128xi32, #tpu.memory_space<hbm>> -> memref<2x128xi32, #tpu.memory_space<hbm>>
        %dma_wait3A_274 = arith.constant 0 : i32
        %dma_wait3A_275 = arith.constant 0 : i32
        %dma_wait3A_276 = tpu.memref_slice %arg6[%dma_wait3A_265, %dma_wait3A_274, %dma_wait3A_275] : memref<2x2x128xi32, #tpu.memory_space<vmem>> -> memref<1x2x128xi32, #tpu.memory_space<vmem>>
        %dma_wait3A_277 = tpu.memref_squeeze %dma_wait3A_276 : memref<1x2x128xi32, #tpu.memory_space<vmem>> -> memref<2x128xi32, #tpu.memory_space<vmem>>
        %dma_wait3A_278 = arith.constant 0 : i32
        %dma_wait3A_279 = arith.constant 0 : i32
        %dma_wait3A_280 = tpu.memref_slice %arg3[%add3A_264, %dma_wait3A_278, %dma_wait3A_279] : memref<2560x2x128xi32, #tpu.memory_space<hbm>> -> memref<1x2x128xi32, #tpu.memory_space<hbm>>
        %dma_wait3A_281 = tpu.memref_squeeze %dma_wait3A_280 : memref<1x2x128xi32, #tpu.memory_space<hbm>> -> memref<2x128xi32, #tpu.memory_space<hbm>>
        tpu.wait_dma2 semaphore(%arg13 : memref<!tpu.dma_semaphore, #tpu.memory_space<semaphore_mem>>) src(%dma_wait3A_281 : memref<2x128xi32, #tpu.memory_space<hbm>>) dst(%dma_wait3A_277 : memref<2x128xi32, #tpu.memory_space<vmem>>)
      } else {
      }
      %dma_wait3A_191 = arith.constant 1 : i32
      %dma_wait3A_192 = arith.constant 0 : i32
      %dma_wait3A_193 = arith.constant 1 : i32
      %dma_wait3A_194 = arith.constant 0 : i32
      %dma_wait3A_195 = arith.constant 0 : i32
      %dma_wait3A_196 = tpu.memref_slice %arg7[%dma_wait3A_193, %dma_wait3A_194, %dma_wait3A_195] : memref<2x128x128xf32, #tpu.memory_space<vmem>> -> memref<1x128x128xf32, #tpu.memory_space<vmem>>
      %dma_wait3A_197 = tpu.memref_squeeze %dma_wait3A_196 : memref<1x128x128xf32, #tpu.memory_space<vmem>> -> memref<128x128xf32, #tpu.memory_space<vmem>>
      %dma_wait3A_198 = arith.constant 0 : i32
      %dma_wait3A_199 = arith.constant 0 : i32
      %dma_wait3A_200 = tpu.memref_slice %dma_wait3A_197[%dma_wait3A_198, %dma_wait3A_199] : memref<128x128xf32, #tpu.memory_space<vmem>> -> memref<64x128xf32, #tpu.memory_space<vmem>>
      %dma_wait3A_201 = arith.constant 0 : i32
      %dma_wait3A_202 = arith.constant 0 : i32
      %dma_wait3A_203 = tpu.memref_slice %arg6[%dma_wait3A_191, %dma_wait3A_201, %dma_wait3A_202] : memref<2x2x128xi32, #tpu.memory_space<vmem>> -> memref<1x2x128xi32, #tpu.memory_space<vmem>>
      %dma_wait3A_204 = tpu.memref_squeeze %dma_wait3A_203 : memref<1x2x128xi32, #tpu.memory_space<vmem>> -> memref<2x128xi32, #tpu.memory_space<vmem>>
      %dma_wait3A_205 = arith.constant 0 : i32
      %dma_wait3A_206 = tpu.memref_slice %dma_wait3A_204[%dma_wait3A_192, %dma_wait3A_205] : memref<2x128xi32, #tpu.memory_space<vmem>> -> memref<1x128xi32, #tpu.memory_space<vmem>>
      %dma_wait3A_207 = tpu.memref_squeeze %dma_wait3A_206 : memref<1x128xi32, #tpu.memory_space<vmem>> -> memref<128xi32, #tpu.memory_space<vmem>>
      %dma_wait3A_208 = arith.constant 0 : i32
      %dma_wait3A_209 = tpu.memref_slice %dma_wait3A_207[%dma_wait3A_208] : memref<128xi32, #tpu.memory_space<vmem>> -> memref<64xi32, #tpu.memory_space<vmem>>
      %dma_wait3A_210 = arith.constant 0 : i32
      %dma_wait3A_211 = arith.constant 0 : i32
      %dma_wait3A_212 = tpu.memref_slice %arg2[%dma_wait3A_210, %dma_wait3A_211] : memref<10240x128xf32, #tpu.memory_space<hbm>> -> memref<10240x128xf32, #tpu.memory_space<hbm>>
      tpu.wait_indirect_dma semaphore(%arg11 : memref<!tpu.dma_semaphore, #tpu.memory_space<semaphore_mem>>) src(%dma_wait3A_212 : memref<10240x128xf32, #tpu.memory_space<hbm>>) dst(%dma_wait3A_200 : memref<64x128xf32, #tpu.memory_space<vmem>>)
      %dma_wait3A_213 = arith.constant 1 : i32
      %dma_wait3A_214 = arith.constant 0 : i32
      %dma_wait3A_215 = arith.constant 1 : i32
      %dma_wait3A_216 = arith.constant 0 : i32
      %dma_wait3A_217 = arith.constant 0 : i32
      %dma_wait3A_218 = tpu.memref_slice %arg7[%dma_wait3A_215, %dma_wait3A_216, %dma_wait3A_217] : memref<2x128x128xf32, #tpu.memory_space<vmem>> -> memref<1x128x128xf32, #tpu.memory_space<vmem>>
      %dma_wait3A_219 = tpu.memref_squeeze %dma_wait3A_218 : memref<1x128x128xf32, #tpu.memory_space<vmem>> -> memref<128x128xf32, #tpu.memory_space<vmem>>
      %dma_wait3A_220 = arith.constant 64 : i32
      %dma_wait3A_221 = arith.constant 0 : i32
      %dma_wait3A_222 = tpu.memref_slice %dma_wait3A_219[%dma_wait3A_220, %dma_wait3A_221] : memref<128x128xf32, #tpu.memory_space<vmem>> -> memref<64x128xf32, #tpu.memory_space<vmem>>
      %dma_wait3A_223 = arith.constant 0 : i32
      %dma_wait3A_224 = arith.constant 0 : i32
      %dma_wait3A_225 = tpu.memref_slice %arg6[%dma_wait3A_213, %dma_wait3A_223, %dma_wait3A_224] : memref<2x2x128xi32, #tpu.memory_space<vmem>> -> memref<1x2x128xi32, #tpu.memory_space<vmem>>
      %dma_wait3A_226 = tpu.memref_squeeze %dma_wait3A_225 : memref<1x2x128xi32, #tpu.memory_space<vmem>> -> memref<2x128xi32, #tpu.memory_space<vmem>>
      %dma_wait3A_227 = arith.constant 0 : i32
      %dma_wait3A_228 = tpu.memref_slice %dma_wait3A_226[%dma_wait3A_214, %dma_wait3A_227] : memref<2x128xi32, #tpu.memory_space<vmem>> -> memref<1x128xi32, #tpu.memory_space<vmem>>
      %dma_wait3A_229 = tpu.memref_squeeze %dma_wait3A_228 : memref<1x128xi32, #tpu.memory_space<vmem>> -> memref<128xi32, #tpu.memory_space<vmem>>
      %dma_wait3A_230 = arith.constant 64 : i32
      %dma_wait3A_231 = tpu.memref_slice %dma_wait3A_229[%dma_wait3A_230] : memref<128xi32, #tpu.memory_space<vmem>> -> memref<64xi32, #tpu.memory_space<vmem>>
      %dma_wait3A_232 = arith.constant 0 : i32
      %dma_wait3A_233 = arith.constant 0 : i32
      %dma_wait3A_234 = tpu.memref_slice %arg2[%dma_wait3A_232, %dma_wait3A_233] : memref<10240x128xf32, #tpu.memory_space<hbm>> -> memref<10240x128xf32, #tpu.memory_space<hbm>>
      tpu.wait_indirect_dma semaphore(%arg12 : memref<!tpu.dma_semaphore, #tpu.memory_space<semaphore_mem>>) src(%dma_wait3A_234 : memref<10240x128xf32, #tpu.memory_space<hbm>>) dst(%dma_wait3A_222 : memref<64x128xf32, #tpu.memory_space<vmem>>)
      %convert_element_type3A_235 = arith.extui %lt3A : i1 to i32
      %cond3A_236 = arith.constant 0 : i32
      %cond3A_237 = arith.cmpi ne, %convert_element_type3A_235, %cond3A_236 : i32
      scf.if %cond3A_237 {
        %dma_start3A_244 = arith.constant 0 : i32
        %dma_start3A_245 = arith.constant 0 : i32
        %dma_start3A_246 = arith.constant 0 : i32
        %dma_start3A_247 = arith.constant 0 : i32
        %dma_start3A_248 = arith.constant 0 : i32
        %dma_start3A_249 = tpu.memref_slice %arg7[%dma_start3A_246, %dma_start3A_247, %dma_start3A_248] : memref<2x128x128xf32, #tpu.memory_space<vmem>> -> memref<1x128x128xf32, #tpu.memory_space<vmem>>
        %dma_start3A_250 = tpu.memref_squeeze %dma_start3A_249 : memref<1x128x128xf32, #tpu.memory_space<vmem>> -> memref<128x128xf32, #tpu.memory_space<vmem>>
        %dma_start3A_251 = arith.constant 0 : i32
        %dma_start3A_252 = arith.constant 0 : i32
        %dma_start3A_253 = tpu.memref_slice %dma_start3A_250[%dma_start3A_251, %dma_start3A_252] : memref<128x128xf32, #tpu.memory_space<vmem>> -> memref<64x128xf32, #tpu.memory_space<vmem>>
        %dma_start3A_254 = arith.constant 0 : i32
        %dma_start3A_255 = arith.constant 0 : i32
        %dma_start3A_256 = tpu.memref_slice %arg6[%dma_start3A_244, %dma_start3A_254, %dma_start3A_255] : memref<2x2x128xi32, #tpu.memory_space<vmem>> -> memref<1x2x128xi32, #tpu.memory_space<vmem>>
        %dma_start3A_257 = tpu.memref_squeeze %dma_start3A_256 : memref<1x2x128xi32, #tpu.memory_space<vmem>> -> memref<2x128xi32, #tpu.memory_space<vmem>>
        %dma_start3A_258 = arith.constant 0 : i32
        %dma_start3A_259 = tpu.memref_slice %dma_start3A_257[%dma_start3A_245, %dma_start3A_258] : memref<2x128xi32, #tpu.memory_space<vmem>> -> memref<1x128xi32, #tpu.memory_space<vmem>>
        %dma_start3A_260 = tpu.memref_squeeze %dma_start3A_259 : memref<1x128xi32, #tpu.memory_space<vmem>> -> memref<128xi32, #tpu.memory_space<vmem>>
        %dma_start3A_261 = arith.constant 0 : i32
        %dma_start3A_262 = tpu.memref_slice %dma_start3A_260[%dma_start3A_261] : memref<128xi32, #tpu.memory_space<vmem>> -> memref<64xi32, #tpu.memory_space<vmem>>
        %dma_start3A_263 = arith.constant 0 : i32
        %dma_start3A_264 = arith.constant 0 : i32
        %dma_start3A_265 = tpu.memref_slice %arg2[%dma_start3A_263, %dma_start3A_264] : memref<10240x128xf32, #tpu.memory_space<hbm>> -> memref<10240x128xf32, #tpu.memory_space<hbm>>
        tpu.enqueue_indirect_dma source(%dma_start3A_265 : memref<10240x128xf32, #tpu.memory_space<hbm>>) target(%dma_start3A_253 : memref<64x128xf32, #tpu.memory_space<vmem>>) offsets(%dma_start3A_262 : memref<64xi32, #tpu.memory_space<vmem>>) semaphore(%arg9 : memref<!tpu.dma_semaphore, #tpu.memory_space<semaphore_mem>>)
        %dma_start3A_266 = arith.constant 0 : i32
        %dma_start3A_267 = arith.constant 0 : i32
        %dma_start3A_268 = arith.constant 0 : i32
        %dma_start3A_269 = arith.constant 0 : i32
        %dma_start3A_270 = arith.constant 0 : i32
        %dma_start3A_271 = tpu.memref_slice %arg7[%dma_start3A_268, %dma_start3A_269, %dma_start3A_270] : memref<2x128x128xf32, #tpu.memory_space<vmem>> -> memref<1x128x128xf32, #tpu.memory_space<vmem>>
        %dma_start3A_272 = tpu.memref_squeeze %dma_start3A_271 : memref<1x128x128xf32, #tpu.memory_space<vmem>> -> memref<128x128xf32, #tpu.memory_space<vmem>>
        %dma_start3A_273 = arith.constant 64 : i32
        %dma_start3A_274 = arith.constant 0 : i32
        %dma_start3A_275 = tpu.memref_slice %dma_start3A_272[%dma_start3A_273, %dma_start3A_274] : memref<128x128xf32, #tpu.memory_space<vmem>> -> memref<64x128xf32, #tpu.memory_space<vmem>>
        %dma_start3A_276 = arith.constant 0 : i32
        %dma_start3A_277 = arith.constant 0 : i32
        %dma_start3A_278 = tpu.memref_slice %arg6[%dma_start3A_266, %dma_start3A_276, %dma_start3A_277] : memref<2x2x128xi32, #tpu.memory_space<vmem>> -> memref<1x2x128xi32, #tpu.memory_space<vmem>>
        %dma_start3A_279 = tpu.memref_squeeze %dma_start3A_278 : memref<1x2x128xi32, #tpu.memory_space<vmem>> -> memref<2x128xi32, #tpu.memory_space<vmem>>
        %dma_start3A_280 = arith.constant 0 : i32
        %dma_start3A_281 = tpu.memref_slice %dma_start3A_279[%dma_start3A_267, %dma_start3A_280] : memref<2x128xi32, #tpu.memory_space<vmem>> -> memref<1x128xi32, #tpu.memory_space<vmem>>
        %dma_start3A_282 = tpu.memref_squeeze %dma_start3A_281 : memref<1x128xi32, #tpu.memory_space<vmem>> -> memref<128xi32, #tpu.memory_space<vmem>>
        %dma_start3A_283 = arith.constant 64 : i32
        %dma_start3A_284 = tpu.memref_slice %dma_start3A_282[%dma_start3A_283] : memref<128xi32, #tpu.memory_space<vmem>> -> memref<64xi32, #tpu.memory_space<vmem>>
        %dma_start3A_285 = arith.constant 0 : i32
        %dma_start3A_286 = arith.constant 0 : i32
        %dma_start3A_287 = tpu.memref_slice %arg2[%dma_start3A_285, %dma_start3A_286] : memref<10240x128xf32, #tpu.memory_space<hbm>> -> memref<10240x128xf32, #tpu.memory_space<hbm>>
        tpu.enqueue_indirect_dma source(%dma_start3A_287 : memref<10240x128xf32, #tpu.memory_space<hbm>>) target(%dma_start3A_275 : memref<64x128xf32, #tpu.memory_space<vmem>>) offsets(%dma_start3A_284 : memref<64xi32, #tpu.memory_space<vmem>>) semaphore(%arg10 : memref<!tpu.dma_semaphore, #tpu.memory_space<semaphore_mem>>)
      } else {
      }
      %run_scoped3A_238 = arith.constant 1 : i32
      %run_scoped3A_239 = arith.constant 1 : i32
      %run_scoped3A_240 = arith.constant 1 : i32
      "tpu.region"() ({
        %run_scoped3A_244 = tpu.sem_alloc : memref<!tpu.dma_semaphore, #tpu.memory_space<semaphore_mem>>
        %dma_start3A_245 = arith.constant 0 : i32
        %dma_start3A_246 = arith.constant 0 : i32
        %dma_start3A_247 = tpu.memref_slice %arg7[%run_scoped3A_238, %dma_start3A_245, %dma_start3A_246] : memref<2x128x128xf32, #tpu.memory_space<vmem>> -> memref<1x128x128xf32, #tpu.memory_space<vmem>>
        %dma_start3A_248 = tpu.memref_squeeze %dma_start3A_247 : memref<1x128x128xf32, #tpu.memory_space<vmem>> -> memref<128x128xf32, #tpu.memory_space<vmem>>
        %dma_start3A_249 = arith.constant 0 : i32
        %dma_start3A_250 = arith.constant 0 : i32
        %dma_start3A_251 = tpu.memref_slice %arg6[%run_scoped3A_239, %dma_start3A_249, %dma_start3A_250] : memref<2x2x128xi32, #tpu.memory_space<vmem>> -> memref<1x2x128xi32, #tpu.memory_space<vmem>>
        %dma_start3A_252 = tpu.memref_squeeze %dma_start3A_251 : memref<1x2x128xi32, #tpu.memory_space<vmem>> -> memref<2x128xi32, #tpu.memory_space<vmem>>
        %dma_start3A_253 = arith.constant 0 : i32
        %dma_start3A_254 = tpu.memref_slice %dma_start3A_252[%run_scoped3A_240, %dma_start3A_253] : memref<2x128xi32, #tpu.memory_space<vmem>> -> memref<1x128xi32, #tpu.memory_space<vmem>>
        %dma_start3A_255 = tpu.memref_squeeze %dma_start3A_254 : memref<1x128xi32, #tpu.memory_space<vmem>> -> memref<128xi32, #tpu.memory_space<vmem>>
        %dma_start3A_256 = arith.constant 0 : i32
        %dma_start3A_257 = arith.constant 0 : i32
        %dma_start3A_258 = tpu.memref_slice %arg8[%dma_start3A_256, %dma_start3A_257] : memref<10240x128xf32, #tpu.memory_space<vmem_shared>> -> memref<10240x128xf32, #tpu.memory_space<vmem_shared>>
        tpu.enqueue_indirect_dma source(%dma_start3A_248 : memref<128x128xf32, #tpu.memory_space<vmem>>) target(%dma_start3A_258 : memref<10240x128xf32, #tpu.memory_space<vmem_shared>>) offsets(%dma_start3A_255 : memref<128xi32, #tpu.memory_space<vmem>>) semaphore(%run_scoped3A_244 : memref<!tpu.dma_semaphore, #tpu.memory_space<semaphore_mem>>) {add = true}
        %dma_wait3A_259 = arith.constant 0 : i32
        %dma_wait3A_260 = arith.constant 0 : i32
        %dma_wait3A_261 = tpu.memref_slice %arg7[%run_scoped3A_238, %dma_wait3A_259, %dma_wait3A_260] : memref<2x128x128xf32, #tpu.memory_space<vmem>> -> memref<1x128x128xf32, #tpu.memory_space<vmem>>
        %dma_wait3A_262 = tpu.memref_squeeze %dma_wait3A_261 : memref<1x128x128xf32, #tpu.memory_space<vmem>> -> memref<128x128xf32, #tpu.memory_space<vmem>>
        %dma_wait3A_263 = arith.constant 0 : i32
        %dma_wait3A_264 = arith.constant 0 : i32
        %dma_wait3A_265 = tpu.memref_slice %arg6[%run_scoped3A_239, %dma_wait3A_263, %dma_wait3A_264] : memref<2x2x128xi32, #tpu.memory_space<vmem>> -> memref<1x2x128xi32, #tpu.memory_space<vmem>>
        %dma_wait3A_266 = tpu.memref_squeeze %dma_wait3A_265 : memref<1x2x128xi32, #tpu.memory_space<vmem>> -> memref<2x128xi32, #tpu.memory_space<vmem>>
        %dma_wait3A_267 = arith.constant 0 : i32
        %dma_wait3A_268 = tpu.memref_slice %dma_wait3A_266[%run_scoped3A_240, %dma_wait3A_267] : memref<2x128xi32, #tpu.memory_space<vmem>> -> memref<1x128xi32, #tpu.memory_space<vmem>>
        %dma_wait3A_269 = tpu.memref_squeeze %dma_wait3A_268 : memref<1x128xi32, #tpu.memory_space<vmem>> -> memref<128xi32, #tpu.memory_space<vmem>>
        %dma_wait3A_270 = arith.constant 0 : i32
        %dma_wait3A_271 = arith.constant 0 : i32
        %dma_wait3A_272 = tpu.memref_slice %arg8[%dma_wait3A_270, %dma_wait3A_271] : memref<10240x128xf32, #tpu.memory_space<vmem_shared>> -> memref<10240x128xf32, #tpu.memory_space<vmem_shared>>
        tpu.wait_indirect_dma semaphore(%run_scoped3A_244 : memref<!tpu.dma_semaphore, #tpu.memory_space<semaphore_mem>>) src(%dma_wait3A_262 : memref<128x128xf32, #tpu.memory_space<vmem>>) dst(%dma_wait3A_272 : memref<10240x128xf32, #tpu.memory_space<vmem_shared>>)
        tpu.yield
      }) : () -> ()
      %convert_element_type3A_241 = arith.extui %lt3A : i1 to i32
      %cond3A_242 = arith.constant 0 : i32
      %cond3A_243 = arith.cmpi ne, %convert_element_type3A_241, %cond3A_242 : i32
      scf.if %cond3A_243 {
        %add3A_244 = arith.constant 3 : i32
        %add3A_245 = arith.addi %add3A_54, %add3A_244 : i32
        %dma_start3A_246 = arith.constant 1 : i32
        %dma_start3A_247 = arith.constant 0 : i32
        %dma_start3A_248 = arith.constant 0 : i32
        %dma_start3A_249 = tpu.memref_slice %arg6[%dma_start3A_246, %dma_start3A_247, %dma_start3A_248] : memref<2x2x128xi32, #tpu.memory_space<vmem>> -> memref<1x2x128xi32, #tpu.memory_space<vmem>>
        %dma_start3A_250 = tpu.memref_squeeze %dma_start3A_249 : memref<1x2x128xi32, #tpu.memory_space<vmem>> -> memref<2x128xi32, #tpu.memory_space<vmem>>
        %dma_start3A_251 = arith.constant 0 : i32
        %dma_start3A_252 = arith.constant 0 : i32
        %dma_start3A_253 = tpu.memref_slice %arg3[%add3A_245, %dma_start3A_251, %dma_start3A_252] : memref<2560x2x128xi32, #tpu.memory_space<hbm>> -> memref<1x2x128xi32, #tpu.memory_space<hbm>>
        %dma_start3A_254 = tpu.memref_squeeze %dma_start3A_253 : memref<1x2x128xi32, #tpu.memory_space<hbm>> -> memref<2x128xi32, #tpu.memory_space<hbm>>
        %dma_start3A_255 = arith.constant 0 : i32
        %dma_start3A_256 = arith.constant 0 : i32
        %dma_start3A_257 = tpu.memref_slice %arg6[%dma_start3A_246, %dma_start3A_255, %dma_start3A_256] : memref<2x2x128xi32, #tpu.memory_space<vmem>> -> memref<1x2x128xi32, #tpu.memory_space<vmem>>
        %dma_start3A_258 = tpu.memref_squeeze %dma_start3A_257 : memref<1x2x128xi32, #tpu.memory_space<vmem>> -> memref<2x128xi32, #tpu.memory_space<vmem>>
        %dma_start3A_259 = arith.constant 0 : i32
        %dma_start3A_260 = arith.constant 0 : i32
        %dma_start3A_261 = tpu.memref_slice %arg3[%add3A_245, %dma_start3A_259, %dma_start3A_260] : memref<2560x2x128xi32, #tpu.memory_space<hbm>> -> memref<1x2x128xi32, #tpu.memory_space<hbm>>
        %dma_start3A_262 = tpu.memref_squeeze %dma_start3A_261 : memref<1x2x128xi32, #tpu.memory_space<hbm>> -> memref<2x128xi32, #tpu.memory_space<hbm>>
        tpu.enqueue_dma source(%dma_start3A_262 : memref<2x128xi32, #tpu.memory_space<hbm>>) target(%dma_start3A_258 : memref<2x128xi32, #tpu.memory_space<vmem>>) target_semaphore(%arg14 : memref<!tpu.dma_semaphore, #tpu.memory_space<semaphore_mem>>)
      } else {
      }
    }
    %while3A_49 = arith.constant 1 : i32
    scf.for %while3A_51 = %while3A_47 to %while3A_43 step %while3A_49  : i32 {
      %mul3A_52 = arith.constant 2 : i32
      %mul3A_53 = arith.muli %mul3A_52, %while3A_51 : i32
      %add3A_54 = arith.addi %select_n3A_8, %mul3A_53 : i32
      %add3A_55 = arith.constant 1 : i32
      %add3A_56 = arith.addi %while3A_51, %add3A_55 : i32
      %jit3A_57 = arith.constant 2 : i32
      %div3A_58 = arith.divsi %select_n3A, %jit3A_57 : i32
      %sign3A_59 = arith.constant 0 : i32
      %sign3A_60 = arith.cmpi sgt, %select_n3A, %sign3A_59 : i32
      %sign3A_61 = arith.extui %sign3A_60 : i1 to i32
      %sign3A_62 = arith.constant 0 : i32
      %sign3A_63 = arith.cmpi slt, %select_n3A, %sign3A_62 : i32
      %sign3A_64 = arith.extui %sign3A_63 : i1 to i32
      %sign3A_65 = arith.subi %sign3A_61, %sign3A_64 : i32
      %sign3A_66 = arith.constant 0 : i32
      %sign3A_67 = arith.cmpi sgt, %jit3A_57, %sign3A_66 : i32
      %sign3A_68 = arith.extui %sign3A_67 : i1 to i32
      %sign3A_69 = arith.constant 0 : i32
      %sign3A_70 = arith.cmpi slt, %jit3A_57, %sign3A_69 : i32
      %sign3A_71 = arith.extui %sign3A_70 : i1 to i32
      %sign3A_72 = arith.subi %sign3A_68, %sign3A_71 : i32
      %ne3A_73 = arith.cmpi ne, %sign3A_65, %sign3A_72 : i32
      %rem3A_74 = arith.remsi %select_n3A, %jit3A_57 : i32
      %ne3A_75 = arith.constant 0 : i32
      %ne3A_76 = arith.cmpi ne, %rem3A_74, %ne3A_75 : i32
      %and3A_77 = arith.andi %ne3A_73, %ne3A_76 : i1
      %sub3A_78 = arith.constant 1 : i32
      %sub3A_79 = arith.subi %div3A_58, %sub3A_78 : i32
      %select_n3A_80 = arith.select %and3A_77, %sub3A_79, %div3A_58 : i32
      %lt3A = arith.cmpi slt, %add3A_56, %select_n3A_80 : i32
      %add3A_81 = arith.constant 1 : i32
      %add3A_82 = arith.addi %add3A_54, %add3A_81 : i32
      %dma_wait3A = arith.constant 1 : i32
      %dma_wait3A_83 = arith.constant 0 : i32
      %dma_wait3A_84 = arith.constant 0 : i32
      %dma_wait3A_85 = tpu.memref_slice %arg6[%dma_wait3A, %dma_wait3A_83, %dma_wait3A_84] : memref<2x2x128xi32, #tpu.memory_space<vmem>> -> memref<1x2x128xi32, #tpu.memory_space<vmem>>
      %dma_wait3A_86 = tpu.memref_squeeze %dma_wait3A_85 : memref<1x2x128xi32, #tpu.memory_space<vmem>> -> memref<2x128xi32, #tpu.memory_space<vmem>>
      %dma_wait3A_87 = arith.constant 0 : i32
      %dma_wait3A_88 = arith.constant 0 : i32
      %dma_wait3A_89 = tpu.memref_slice %arg3[%add3A_82, %dma_wait3A_87, %dma_wait3A_88] : memref<2560x2x128xi32, #tpu.memory_space<hbm>> -> memref<1x2x128xi32, #tpu.memory_space<hbm>>
      %dma_wait3A_90 = tpu.memref_squeeze %dma_wait3A_89 : memref<1x2x128xi32, #tpu.memory_space<hbm>> -> memref<2x128xi32, #tpu.memory_space<hbm>>
      %dma_wait3A_91 = arith.constant 0 : i32
      %dma_wait3A_92 = arith.constant 0 : i32
      %dma_wait3A_93 = tpu.memref_slice %arg6[%dma_wait3A, %dma_wait3A_91, %dma_wait3A_92] : memref<2x2x128xi32, #tpu.memory_space<vmem>> -> memref<1x2x128xi32, #tpu.memory_space<vmem>>
      %dma_wait3A_94 = tpu.memref_squeeze %dma_wait3A_93 : memref<1x2x128xi32, #tpu.memory_space<vmem>> -> memref<2x128xi32, #tpu.memory_space<vmem>>
      %dma_wait3A_95 = arith.constant 0 : i32
      %dma_wait3A_96 = arith.constant 0 : i32
      %dma_wait3A_97 = tpu.memref_slice %arg3[%add3A_82, %dma_wait3A_95, %dma_wait3A_96] : memref<2560x2x128xi32, #tpu.memory_space<hbm>> -> memref<1x2x128xi32, #tpu.memory_space<hbm>>
      %dma_wait3A_98 = tpu.memref_squeeze %dma_wait3A_97 : memref<1x2x128xi32, #tpu.memory_space<hbm>> -> memref<2x128xi32, #tpu.memory_space<hbm>>
      tpu.wait_dma2 semaphore(%arg14 : memref<!tpu.dma_semaphore, #tpu.memory_space<semaphore_mem>>) src(%dma_wait3A_98 : memref<2x128xi32, #tpu.memory_space<hbm>>) dst(%dma_wait3A_94 : memref<2x128xi32, #tpu.memory_space<vmem>>)
      %dma_start3A = arith.constant 1 : i32
      %dma_start3A_99 = arith.constant 0 : i32
      %dma_start3A_100 = arith.constant 1 : i32
      %dma_start3A_101 = arith.constant 0 : i32
      %dma_start3A_102 = arith.constant 0 : i32
      %dma_start3A_103 = tpu.memref_slice %arg7[%dma_start3A_100, %dma_start3A_101, %dma_start3A_102] : memref<2x128x128xf32, #tpu.memory_space<vmem>> -> memref<1x128x128xf32, #tpu.memory_space<vmem>>
      %dma_start3A_104 = tpu.memref_squeeze %dma_start3A_103 : memref<1x128x128xf32, #tpu.memory_space<vmem>> -> memref<128x128xf32, #tpu.memory_space<vmem>>
      %dma_start3A_105 = arith.constant 0 : i32
      %dma_start3A_106 = arith.constant 0 : i32
      %dma_start3A_107 = tpu.memref_slice %dma_start3A_104[%dma_start3A_105, %dma_start3A_106] : memref<128x128xf32, #tpu.memory_space<vmem>> -> memref<64x128xf32, #tpu.memory_space<vmem>>
      %dma_start3A_108 = arith.constant 0 : i32
      %dma_start3A_109 = arith.constant 0 : i32
      %dma_start3A_110 = tpu.memref_slice %arg6[%dma_start3A, %dma_start3A_108, %dma_start3A_109] : memref<2x2x128xi32, #tpu.memory_space<vmem>> -> memref<1x2x128xi32, #tpu.memory_space<vmem>>
      %dma_start3A_111 = tpu.memref_squeeze %dma_start3A_110 : memref<1x2x128xi32, #tpu.memory_space<vmem>> -> memref<2x128xi32, #tpu.memory_space<vmem>>
      %dma_start3A_112 = arith.constant 0 : i32
      %dma_start3A_113 = tpu.memref_slice %dma_start3A_111[%dma_start3A_99, %dma_start3A_112] : memref<2x128xi32, #tpu.memory_space<vmem>> -> memref<1x128xi32, #tpu.memory_space<vmem>>
      %dma_start3A_114 = tpu.memref_squeeze %dma_start3A_113 : memref<1x128xi32, #tpu.memory_space<vmem>> -> memref<128xi32, #tpu.memory_space<vmem>>
      %dma_start3A_115 = arith.constant 0 : i32
      %dma_start3A_116 = tpu.memref_slice %dma_start3A_114[%dma_start3A_115] : memref<128xi32, #tpu.memory_space<vmem>> -> memref<64xi32, #tpu.memory_space<vmem>>
      %dma_start3A_117 = arith.constant 0 : i32
      %dma_start3A_118 = arith.constant 0 : i32
      %dma_start3A_119 = tpu.memref_slice %arg2[%dma_start3A_117, %dma_start3A_118] : memref<10240x128xf32, #tpu.memory_space<hbm>> -> memref<10240x128xf32, #tpu.memory_space<hbm>>
      tpu.enqueue_indirect_dma source(%dma_start3A_119 : memref<10240x128xf32, #tpu.memory_space<hbm>>) target(%dma_start3A_107 : memref<64x128xf32, #tpu.memory_space<vmem>>) offsets(%dma_start3A_116 : memref<64xi32, #tpu.memory_space<vmem>>) semaphore(%arg11 : memref<!tpu.dma_semaphore, #tpu.memory_space<semaphore_mem>>)
      %dma_start3A_120 = arith.constant 1 : i32
      %dma_start3A_121 = arith.constant 0 : i32
      %dma_start3A_122 = arith.constant 1 : i32
      %dma_start3A_123 = arith.constant 0 : i32
      %dma_start3A_124 = arith.constant 0 : i32
      %dma_start3A_125 = tpu.memref_slice %arg7[%dma_start3A_122, %dma_start3A_123, %dma_start3A_124] : memref<2x128x128xf32, #tpu.memory_space<vmem>> -> memref<1x128x128xf32, #tpu.memory_space<vmem>>
      %dma_start3A_126 = tpu.memref_squeeze %dma_start3A_125 : memref<1x128x128xf32, #tpu.memory_space<vmem>> -> memref<128x128xf32, #tpu.memory_space<vmem>>
      %dma_start3A_127 = arith.constant 64 : i32
      %dma_start3A_128 = arith.constant 0 : i32
      %dma_start3A_129 = tpu.memref_slice %dma_start3A_126[%dma_start3A_127, %dma_start3A_128] : memref<128x128xf32, #tpu.memory_space<vmem>> -> memref<64x128xf32, #tpu.memory_space<vmem>>
      %dma_start3A_130 = arith.constant 0 : i32
      %dma_start3A_131 = arith.constant 0 : i32
      %dma_start3A_132 = tpu.memref_slice %arg6[%dma_start3A_120, %dma_start3A_130, %dma_start3A_131] : memref<2x2x128xi32, #tpu.memory_space<vmem>> -> memref<1x2x128xi32, #tpu.memory_space<vmem>>
      %dma_start3A_133 = tpu.memref_squeeze %dma_start3A_132 : memref<1x2x128xi32, #tpu.memory_space<vmem>> -> memref<2x128xi32, #tpu.memory_space<vmem>>
      %dma_start3A_134 = arith.constant 0 : i32
      %dma_start3A_135 = tpu.memref_slice %dma_start3A_133[%dma_start3A_121, %dma_start3A_134] : memref<2x128xi32, #tpu.memory_space<vmem>> -> memref<1x128xi32, #tpu.memory_space<vmem>>
      %dma_start3A_136 = tpu.memref_squeeze %dma_start3A_135 : memref<1x128xi32, #tpu.memory_space<vmem>> -> memref<128xi32, #tpu.memory_space<vmem>>
      %dma_start3A_137 = arith.constant 64 : i32
      %dma_start3A_138 = tpu.memref_slice %dma_start3A_136[%dma_start3A_137] : memref<128xi32, #tpu.memory_space<vmem>> -> memref<64xi32, #tpu.memory_space<vmem>>
      %dma_start3A_139 = arith.constant 0 : i32
      %dma_start3A_140 = arith.constant 0 : i32
      %dma_start3A_141 = tpu.memref_slice %arg2[%dma_start3A_139, %dma_start3A_140] : memref<10240x128xf32, #tpu.memory_space<hbm>> -> memref<10240x128xf32, #tpu.memory_space<hbm>>
      tpu.enqueue_indirect_dma source(%dma_start3A_141 : memref<10240x128xf32, #tpu.memory_space<hbm>>) target(%dma_start3A_129 : memref<64x128xf32, #tpu.memory_space<vmem>>) offsets(%dma_start3A_138 : memref<64xi32, #tpu.memory_space<vmem>>) semaphore(%arg12 : memref<!tpu.dma_semaphore, #tpu.memory_space<semaphore_mem>>)
      %dma_wait3A_142 = arith.constant 0 : i32
      %dma_wait3A_143 = arith.constant 0 : i32
      %dma_wait3A_144 = arith.constant 0 : i32
      %dma_wait3A_145 = arith.constant 0 : i32
      %dma_wait3A_146 = arith.constant 0 : i32
      %dma_wait3A_147 = tpu.memref_slice %arg7[%dma_wait3A_144, %dma_wait3A_145, %dma_wait3A_146] : memref<2x128x128xf32, #tpu.memory_space<vmem>> -> memref<1x128x128xf32, #tpu.memory_space<vmem>>
      %dma_wait3A_148 = tpu.memref_squeeze %dma_wait3A_147 : memref<1x128x128xf32, #tpu.memory_space<vmem>> -> memref<128x128xf32, #tpu.memory_space<vmem>>
      %dma_wait3A_149 = arith.constant 0 : i32
      %dma_wait3A_150 = arith.constant 0 : i32
      %dma_wait3A_151 = tpu.memref_slice %dma_wait3A_148[%dma_wait3A_149, %dma_wait3A_150] : memref<128x128xf32, #tpu.memory_space<vmem>> -> memref<64x128xf32, #tpu.memory_space<vmem>>
      %dma_wait3A_152 = arith.constant 0 : i32
      %dma_wait3A_153 = arith.constant 0 : i32
      %dma_wait3A_154 = tpu.memref_slice %arg6[%dma_wait3A_142, %dma_wait3A_152, %dma_wait3A_153] : memref<2x2x128xi32, #tpu.memory_space<vmem>> -> memref<1x2x128xi32, #tpu.memory_space<vmem>>
      %dma_wait3A_155 = tpu.memref_squeeze %dma_wait3A_154 : memref<1x2x128xi32, #tpu.memory_space<vmem>> -> memref<2x128xi32, #tpu.memory_space<vmem>>
      %dma_wait3A_156 = arith.constant 0 : i32
      %dma_wait3A_157 = tpu.memref_slice %dma_wait3A_155[%dma_wait3A_143, %dma_wait3A_156] : memref<2x128xi32, #tpu.memory_space<vmem>> -> memref<1x128xi32, #tpu.memory_space<vmem>>
      %dma_wait3A_158 = tpu.memref_squeeze %dma_wait3A_157 : memref<1x128xi32, #tpu.memory_space<vmem>> -> memref<128xi32, #tpu.memory_space<vmem>>
      %dma_wait3A_159 = arith.constant 0 : i32
      %dma_wait3A_160 = tpu.memref_slice %dma_wait3A_158[%dma_wait3A_159] : memref<128xi32, #tpu.memory_space<vmem>> -> memref<64xi32, #tpu.memory_space<vmem>>
      %dma_wait3A_161 = arith.constant 0 : i32
      %dma_wait3A_162 = arith.constant 0 : i32
      %dma_wait3A_163 = tpu.memref_slice %arg2[%dma_wait3A_161, %dma_wait3A_162] : memref<10240x128xf32, #tpu.memory_space<hbm>> -> memref<10240x128xf32, #tpu.memory_space<hbm>>
      tpu.wait_indirect_dma semaphore(%arg9 : memref<!tpu.dma_semaphore, #tpu.memory_space<semaphore_mem>>) src(%dma_wait3A_163 : memref<10240x128xf32, #tpu.memory_space<hbm>>) dst(%dma_wait3A_151 : memref<64x128xf32, #tpu.memory_space<vmem>>)
      %dma_wait3A_164 = arith.constant 0 : i32
      %dma_wait3A_165 = arith.constant 0 : i32
      %dma_wait3A_166 = arith.constant 0 : i32
      %dma_wait3A_167 = arith.constant 0 : i32
      %dma_wait3A_168 = arith.constant 0 : i32
      %dma_wait3A_169 = tpu.memref_slice %arg7[%dma_wait3A_166, %dma_wait3A_167, %dma_wait3A_168] : memref<2x128x128xf32, #tpu.memory_space<vmem>> -> memref<1x128x128xf32, #tpu.memory_space<vmem>>
      %dma_wait3A_170 = tpu.memref_squeeze %dma_wait3A_169 : memref<1x128x128xf32, #tpu.memory_space<vmem>> -> memref<128x128xf32, #tpu.memory_space<vmem>>
      %dma_wait3A_171 = arith.constant 64 : i32
      %dma_wait3A_172 = arith.constant 0 : i32
      %dma_wait3A_173 = tpu.memref_slice %dma_wait3A_170[%dma_wait3A_171, %dma_wait3A_172] : memref<128x128xf32, #tpu.memory_space<vmem>> -> memref<64x128xf32, #tpu.memory_space<vmem>>
      %dma_wait3A_174 = arith.constant 0 : i32
      %dma_wait3A_175 = arith.constant 0 : i32
      %dma_wait3A_176 = tpu.memref_slice %arg6[%dma_wait3A_164, %dma_wait3A_174, %dma_wait3A_175] : memref<2x2x128xi32, #tpu.memory_space<vmem>> -> memref<1x2x128xi32, #tpu.memory_space<vmem>>
      %dma_wait3A_177 = tpu.memref_squeeze %dma_wait3A_176 : memref<1x2x128xi32, #tpu.memory_space<vmem>> -> memref<2x128xi32, #tpu.memory_space<vmem>>
      %dma_wait3A_178 = arith.constant 0 : i32
      %dma_wait3A_179 = tpu.memref_slice %dma_wait3A_177[%dma_wait3A_165, %dma_wait3A_178] : memref<2x128xi32, #tpu.memory_space<vmem>> -> memref<1x128xi32, #tpu.memory_space<vmem>>
      %dma_wait3A_180 = tpu.memref_squeeze %dma_wait3A_179 : memref<1x128xi32, #tpu.memory_space<vmem>> -> memref<128xi32, #tpu.memory_space<vmem>>
      %dma_wait3A_181 = arith.constant 64 : i32
      %dma_wait3A_182 = tpu.memref_slice %dma_wait3A_180[%dma_wait3A_181] : memref<128xi32, #tpu.memory_space<vmem>> -> memref<64xi32, #tpu.memory_space<vmem>>
      %dma_wait3A_183 = arith.constant 0 : i32
      %dma_wait3A_184 = arith.constant 0 : i32
      %dma_wait3A_185 = tpu.memref_slice %arg2[%dma_wait3A_183, %dma_wait3A_184] : memref<10240x128xf32, #tpu.memory_space<hbm>> -> memref<10240x128xf32, #tpu.memory_space<hbm>>
      tpu.wait_indirect_dma semaphore(%arg10 : memref<!tpu.dma_semaphore, #tpu.memory_space<semaphore_mem>>) src(%dma_wait3A_185 : memref<10240x128xf32, #tpu.memory_space<hbm>>) dst(%dma_wait3A_173 : memref<64x128xf32, #tpu.memory_space<vmem>>)
      %run_scoped3A = arith.constant 0 : i32
      %run_scoped3A_186 = arith.constant 0 : i32
      %run_scoped3A_187 = arith.constant 1 : i32
      "tpu.region"() ({
        %run_scoped3A_244 = tpu.sem_alloc : memref<!tpu.dma_semaphore, #tpu.memory_space<semaphore_mem>>
        %dma_start3A_245 = arith.constant 0 : i32
        %dma_start3A_246 = arith.constant 0 : i32
        %dma_start3A_247 = tpu.memref_slice %arg7[%run_scoped3A, %dma_start3A_245, %dma_start3A_246] : memref<2x128x128xf32, #tpu.memory_space<vmem>> -> memref<1x128x128xf32, #tpu.memory_space<vmem>>
        %dma_start3A_248 = tpu.memref_squeeze %dma_start3A_247 : memref<1x128x128xf32, #tpu.memory_space<vmem>> -> memref<128x128xf32, #tpu.memory_space<vmem>>
        %dma_start3A_249 = arith.constant 0 : i32
        %dma_start3A_250 = arith.constant 0 : i32
        %dma_start3A_251 = tpu.memref_slice %arg6[%run_scoped3A_186, %dma_start3A_249, %dma_start3A_250] : memref<2x2x128xi32, #tpu.memory_space<vmem>> -> memref<1x2x128xi32, #tpu.memory_space<vmem>>
        %dma_start3A_252 = tpu.memref_squeeze %dma_start3A_251 : memref<1x2x128xi32, #tpu.memory_space<vmem>> -> memref<2x128xi32, #tpu.memory_space<vmem>>
        %dma_start3A_253 = arith.constant 0 : i32
        %dma_start3A_254 = tpu.memref_slice %dma_start3A_252[%run_scoped3A_187, %dma_start3A_253] : memref<2x128xi32, #tpu.memory_space<vmem>> -> memref<1x128xi32, #tpu.memory_space<vmem>>
        %dma_start3A_255 = tpu.memref_squeeze %dma_start3A_254 : memref<1x128xi32, #tpu.memory_space<vmem>> -> memref<128xi32, #tpu.memory_space<vmem>>
        %dma_start3A_256 = arith.constant 0 : i32
        %dma_start3A_257 = arith.constant 0 : i32
        %dma_start3A_258 = tpu.memref_slice %arg8[%dma_start3A_256, %dma_start3A_257] : memref<10240x128xf32, #tpu.memory_space<vmem_shared>> -> memref<10240x128xf32, #tpu.memory_space<vmem_shared>>
        tpu.enqueue_indirect_dma source(%dma_start3A_248 : memref<128x128xf32, #tpu.memory_space<vmem>>) target(%dma_start3A_258 : memref<10240x128xf32, #tpu.memory_space<vmem_shared>>) offsets(%dma_start3A_255 : memref<128xi32, #tpu.memory_space<vmem>>) semaphore(%run_scoped3A_244 : memref<!tpu.dma_semaphore, #tpu.memory_space<semaphore_mem>>) {add = true}
        %dma_wait3A_259 = arith.constant 0 : i32
        %dma_wait3A_260 = arith.constant 0 : i32
        %dma_wait3A_261 = tpu.memref_slice %arg7[%run_scoped3A, %dma_wait3A_259, %dma_wait3A_260] : memref<2x128x128xf32, #tpu.memory_space<vmem>> -> memref<1x128x128xf32, #tpu.memory_space<vmem>>
        %dma_wait3A_262 = tpu.memref_squeeze %dma_wait3A_261 : memref<1x128x128xf32, #tpu.memory_space<vmem>> -> memref<128x128xf32, #tpu.memory_space<vmem>>
        %dma_wait3A_263 = arith.constant 0 : i32
        %dma_wait3A_264 = arith.constant 0 : i32
        %dma_wait3A_265 = tpu.memref_slice %arg6[%run_scoped3A_186, %dma_wait3A_263, %dma_wait3A_264] : memref<2x2x128xi32, #tpu.memory_space<vmem>> -> memref<1x2x128xi32, #tpu.memory_space<vmem>>
        %dma_wait3A_266 = tpu.memref_squeeze %dma_wait3A_265 : memref<1x2x128xi32, #tpu.memory_space<vmem>> -> memref<2x128xi32, #tpu.memory_space<vmem>>
        %dma_wait3A_267 = arith.constant 0 : i32
        %dma_wait3A_268 = tpu.memref_slice %dma_wait3A_266[%run_scoped3A_187, %dma_wait3A_267] : memref<2x128xi32, #tpu.memory_space<vmem>> -> memref<1x128xi32, #tpu.memory_space<vmem>>
        %dma_wait3A_269 = tpu.memref_squeeze %dma_wait3A_268 : memref<1x128xi32, #tpu.memory_space<vmem>> -> memref<128xi32, #tpu.memory_space<vmem>>
        %dma_wait3A_270 = arith.constant 0 : i32
        %dma_wait3A_271 = arith.constant 0 : i32
        %dma_wait3A_272 = tpu.memref_slice %arg8[%dma_wait3A_270, %dma_wait3A_271] : memref<10240x128xf32, #tpu.memory_space<vmem_shared>> -> memref<10240x128xf32, #tpu.memory_space<vmem_shared>>
        tpu.wait_indirect_dma semaphore(%run_scoped3A_244 : memref<!tpu.dma_semaphore, #tpu.memory_space<semaphore_mem>>) src(%dma_wait3A_262 : memref<128x128xf32, #tpu.memory_space<vmem>>) dst(%dma_wait3A_272 : memref<10240x128xf32, #tpu.memory_space<vmem_shared>>)
        tpu.yield
      }) : () -> ()
      %convert_element_type3A_188 = arith.extui %lt3A : i1 to i32
      %cond3A_189 = arith.constant 0 : i32
      %cond3A_190 = arith.cmpi ne, %convert_element_type3A_188, %cond3A_189 : i32
      scf.if %cond3A_190 {
        %add3A_244 = arith.constant 2 : i32
        %add3A_245 = arith.addi %add3A_54, %add3A_244 : i32
        %dma_start3A_246 = arith.constant 0 : i32
        %dma_start3A_247 = arith.constant 0 : i32
        %dma_start3A_248 = arith.constant 0 : i32
        %dma_start3A_249 = tpu.memref_slice %arg6[%dma_start3A_246, %dma_start3A_247, %dma_start3A_248] : memref<2x2x128xi32, #tpu.memory_space<vmem>> -> memref<1x2x128xi32, #tpu.memory_space<vmem>>
        %dma_start3A_250 = tpu.memref_squeeze %dma_start3A_249 : memref<1x2x128xi32, #tpu.memory_space<vmem>> -> memref<2x128xi32, #tpu.memory_space<vmem>>
        %dma_start3A_251 = arith.constant 0 : i32
        %dma_start3A_252 = arith.constant 0 : i32
        %dma_start3A_253 = tpu.memref_slice %arg3[%add3A_245, %dma_start3A_251, %dma_start3A_252] : memref<2560x2x128xi32, #tpu.memory_space<hbm>> -> memref<1x2x128xi32, #tpu.memory_space<hbm>>
        %dma_start3A_254 = tpu.memref_squeeze %dma_start3A_253 : memref<1x2x128xi32, #tpu.memory_space<hbm>> -> memref<2x128xi32, #tpu.memory_space<hbm>>
        %dma_start3A_255 = arith.constant 0 : i32
        %dma_start3A_256 = arith.constant 0 : i32
        %dma_start3A_257 = tpu.memref_slice %arg6[%dma_start3A_246, %dma_start3A_255, %dma_start3A_256] : memref<2x2x128xi32, #tpu.memory_space<vmem>> -> memref<1x2x128xi32, #tpu.memory_space<vmem>>
        %dma_start3A_258 = tpu.memref_squeeze %dma_start3A_257 : memref<1x2x128xi32, #tpu.memory_space<vmem>> -> memref<2x128xi32, #tpu.memory_space<vmem>>
        %dma_start3A_259 = arith.constant 0 : i32
        %dma_start3A_260 = arith.constant 0 : i32
        %dma_start3A_261 = tpu.memref_slice %arg3[%add3A_245, %dma_start3A_259, %dma_start3A_260] : memref<2560x2x128xi32, #tpu.memory_space<hbm>> -> memref<1x2x128xi32, #tpu.memory_space<hbm>>
        %dma_start3A_262 = tpu.memref_squeeze %dma_start3A_261 : memref<1x2x128xi32, #tpu.memory_space<hbm>> -> memref<2x128xi32, #tpu.memory_space<hbm>>
        tpu.enqueue_dma source(%dma_start3A_262 : memref<2x128xi32, #tpu.memory_space<hbm>>) target(%dma_start3A_258 : memref<2x128xi32, #tpu.memory_space<vmem>>) target_semaphore(%arg13 : memref<!tpu.dma_semaphore, #tpu.memory_space<semaphore_mem>>)
        %add3A_263 = arith.constant 2 : i32
        %add3A_264 = arith.addi %add3A_54, %add3A_263 : i32
        %dma_wait3A_265 = arith.constant 0 : i32
        %dma_wait3A_266 = arith.constant 0 : i32
        %dma_wait3A_267 = arith.constant 0 : i32
        %dma_wait3A_268 = tpu.memref_slice %arg6[%dma_wait3A_265, %dma_wait3A_266, %dma_wait3A_267] : memref<2x2x128xi32, #tpu.memory_space<vmem>> -> memref<1x2x128xi32, #tpu.memory_space<vmem>>
        %dma_wait3A_269 = tpu.memref_squeeze %dma_wait3A_268 : memref<1x2x128xi32, #tpu.memory_space<vmem>> -> memref<2x128xi32, #tpu.memory_space<vmem>>
        %dma_wait3A_270 = arith.constant 0 : i32
        %dma_wait3A_271 = arith.constant 0 : i32
        %dma_wait3A_272 = tpu.memref_slice %arg3[%add3A_264, %dma_wait3A_270, %dma_wait3A_271] : memref<2560x2x128xi32, #tpu.memory_space<hbm>> -> memref<1x2x128xi32, #tpu.memory_space<hbm>>
        %dma_wait3A_273 = tpu.memref_squeeze %dma_wait3A_272 : memref<1x2x128xi32, #tpu.memory_space<hbm>> -> memref<2x128xi32, #tpu.memory_space<hbm>>
        %dma_wait3A_274 = arith.constant 0 : i32
        %dma_wait3A_275 = arith.constant 0 : i32
        %dma_wait3A_276 = tpu.memref_slice %arg6[%dma_wait3A_265, %dma_wait3A_274, %dma_wait3A_275] : memref<2x2x128xi32, #tpu.memory_space<vmem>> -> memref<1x2x128xi32, #tpu.memory_space<vmem>>
        %dma_wait3A_277 = tpu.memref_squeeze %dma_wait3A_276 : memref<1x2x128xi32, #tpu.memory_space<vmem>> -> memref<2x128xi32, #tpu.memory_space<vmem>>
        %dma_wait3A_278 = arith.constant 0 : i32
        %dma_wait3A_279 = arith.constant 0 : i32
        %dma_wait3A_280 = tpu.memref_slice %arg3[%add3A_264, %dma_wait3A_278, %dma_wait3A_279] : memref<2560x2x128xi32, #tpu.memory_space<hbm>> -> memref<1x2x128xi32, #tpu.memory_space<hbm>>
        %dma_wait3A_281 = tpu.memref_squeeze %dma_wait3A_280 : memref<1x2x128xi32, #tpu.memory_space<hbm>> -> memref<2x128xi32, #tpu.memory_space<hbm>>
        tpu.wait_dma2 semaphore(%arg13 : memref<!tpu.dma_semaphore, #tpu.memory_space<semaphore_mem>>) src(%dma_wait3A_281 : memref<2x128xi32, #tpu.memory_space<hbm>>) dst(%dma_wait3A_277 : memref<2x128xi32, #tpu.memory_space<vmem>>)
      } else {
      }
      %dma_wait3A_191 = arith.constant 1 : i32
      %dma_wait3A_192 = arith.constant 0 : i32
      %dma_wait3A_193 = arith.constant 1 : i32
      %dma_wait3A_194 = arith.constant 0 : i32
      %dma_wait3A_195 = arith.constant 0 : i32
      %dma_wait3A_196 = tpu.memref_slice %arg7[%dma_wait3A_193, %dma_wait3A_194, %dma_wait3A_195] : memref<2x128x128xf32, #tpu.memory_space<vmem>> -> memref<1x128x128xf32, #tpu.memory_space<vmem>>
      %dma_wait3A_197 = tpu.memref_squeeze %dma_wait3A_196 : memref<1x128x128xf32, #tpu.memory_space<vmem>> -> memref<128x128xf32, #tpu.memory_space<vmem>>
      %dma_wait3A_198 = arith.constant 0 : i32
      %dma_wait3A_199 = arith.constant 0 : i32
      %dma_wait3A_200 = tpu.memref_slice %dma_wait3A_197[%dma_wait3A_198, %dma_wait3A_199] : memref<128x128xf32, #tpu.memory_space<vmem>> -> memref<64x128xf32, #tpu.memory_space<vmem>>
      %dma_wait3A_201 = arith.constant 0 : i32
      %dma_wait3A_202 = arith.constant 0 : i32
      %dma_wait3A_203 = tpu.memref_slice %arg6[%dma_wait3A_191, %dma_wait3A_201, %dma_wait3A_202] : memref<2x2x128xi32, #tpu.memory_space<vmem>> -> memref<1x2x128xi32, #tpu.memory_space<vmem>>
      %dma_wait3A_204 = tpu.memref_squeeze %dma_wait3A_203 : memref<1x2x128xi32, #tpu.memory_space<vmem>> -> memref<2x128xi32, #tpu.memory_space<vmem>>
      %dma_wait3A_205 = arith.constant 0 : i32
      %dma_wait3A_206 = tpu.memref_slice %dma_wait3A_204[%dma_wait3A_192, %dma_wait3A_205] : memref<2x128xi32, #tpu.memory_space<vmem>> -> memref<1x128xi32, #tpu.memory_space<vmem>>
      %dma_wait3A_207 = tpu.memref_squeeze %dma_wait3A_206 : memref<1x128xi32, #tpu.memory_space<vmem>> -> memref<128xi32, #tpu.memory_space<vmem>>
      %dma_wait3A_208 = arith.constant 0 : i32
      %dma_wait3A_209 = tpu.memref_slice %dma_wait3A_207[%dma_wait3A_208] : memref<128xi32, #tpu.memory_space<vmem>> -> memref<64xi32, #tpu.memory_space<vmem>>
      %dma_wait3A_210 = arith.constant 0 : i32
      %dma_wait3A_211 = arith.constant 0 : i32
      %dma_wait3A_212 = tpu.memref_slice %arg2[%dma_wait3A_210, %dma_wait3A_211] : memref<10240x128xf32, #tpu.memory_space<hbm>> -> memref<10240x128xf32, #tpu.memory_space<hbm>>
      tpu.wait_indirect_dma semaphore(%arg11 : memref<!tpu.dma_semaphore, #tpu.memory_space<semaphore_mem>>) src(%dma_wait3A_212 : memref<10240x128xf32, #tpu.memory_space<hbm>>) dst(%dma_wait3A_200 : memref<64x128xf32, #tpu.memory_space<vmem>>)
      %dma_wait3A_213 = arith.constant 1 : i32
      %dma_wait3A_214 = arith.constant 0 : i32
      %dma_wait3A_215 = arith.constant 1 : i32
      %dma_wait3A_216 = arith.constant 0 : i32
      %dma_wait3A_217 = arith.constant 0 : i32
      %dma_wait3A_218 = tpu.memref_slice %arg7[%dma_wait3A_215, %dma_wait3A_216, %dma_wait3A_217] : memref<2x128x128xf32, #tpu.memory_space<vmem>> -> memref<1x128x128xf32, #tpu.memory_space<vmem>>
      %dma_wait3A_219 = tpu.memref_squeeze %dma_wait3A_218 : memref<1x128x128xf32, #tpu.memory_space<vmem>> -> memref<128x128xf32, #tpu.memory_space<vmem>>
      %dma_wait3A_220 = arith.constant 64 : i32
      %dma_wait3A_221 = arith.constant 0 : i32
      %dma_wait3A_222 = tpu.memref_slice %dma_wait3A_219[%dma_wait3A_220, %dma_wait3A_221] : memref<128x128xf32, #tpu.memory_space<vmem>> -> memref<64x128xf32, #tpu.memory_space<vmem>>
      %dma_wait3A_223 = arith.constant 0 : i32
      %dma_wait3A_224 = arith.constant 0 : i32
      %dma_wait3A_225 = tpu.memref_slice %arg6[%dma_wait3A_213, %dma_wait3A_223, %dma_wait3A_224] : memref<2x2x128xi32, #tpu.memory_space<vmem>> -> memref<1x2x128xi32, #tpu.memory_space<vmem>>
      %dma_wait3A_226 = tpu.memref_squeeze %dma_wait3A_225 : memref<1x2x128xi32, #tpu.memory_space<vmem>> -> memref<2x128xi32, #tpu.memory_space<vmem>>
      %dma_wait3A_227 = arith.constant 0 : i32
      %dma_wait3A_228 = tpu.memref_slice %dma_wait3A_226[%dma_wait3A_214, %dma_wait3A_227] : memref<2x128xi32, #tpu.memory_space<vmem>> -> memref<1x128xi32, #tpu.memory_space<vmem>>
      %dma_wait3A_229 = tpu.memref_squeeze %dma_wait3A_228 : memref<1x128xi32, #tpu.memory_space<vmem>> -> memref<128xi32, #tpu.memory_space<vmem>>
      %dma_wait3A_230 = arith.constant 64 : i32
      %dma_wait3A_231 = tpu.memref_slice %dma_wait3A_229[%dma_wait3A_230] : memref<128xi32, #tpu.memory_space<vmem>> -> memref<64xi32, #tpu.memory_space<vmem>>
      %dma_wait3A_232 = arith.constant 0 : i32
      %dma_wait3A_233 = arith.constant 0 : i32
      %dma_wait3A_234 = tpu.memref_slice %arg2[%dma_wait3A_232, %dma_wait3A_233] : memref<10240x128xf32, #tpu.memory_space<hbm>> -> memref<10240x128xf32, #tpu.memory_space<hbm>>
      tpu.wait_indirect_dma semaphore(%arg12 : memref<!tpu.dma_semaphore, #tpu.memory_space<semaphore_mem>>) src(%dma_wait3A_234 : memref<10240x128xf32, #tpu.memory_space<hbm>>) dst(%dma_wait3A_222 : memref<64x128xf32, #tpu.memory_space<vmem>>)
      %convert_element_type3A_235 = arith.extui %lt3A : i1 to i32
      %cond3A_236 = arith.constant 0 : i32
      %cond3A_237 = arith.cmpi ne, %convert_element_type3A_235, %cond3A_236 : i32
      scf.if %cond3A_237 {
        %dma_start3A_244 = arith.constant 0 : i32
        %dma_start3A_245 = arith.constant 0 : i32
        %dma_start3A_246 = arith.constant 0 : i32
        %dma_start3A_247 = arith.constant 0 : i32
        %dma_start3A_248 = arith.constant 0 : i32
        %dma_start3A_249 = tpu.memref_slice %arg7[%dma_start3A_246, %dma_start3A_247, %dma_start3A_248] : memref<2x128x128xf32, #tpu.memory_space<vmem>> -> memref<1x128x128xf32, #tpu.memory_space<vmem>>
        %dma_start3A_250 = tpu.memref_squeeze %dma_start3A_249 : memref<1x128x128xf32, #tpu.memory_space<vmem>> -> memref<128x128xf32, #tpu.memory_space<vmem>>
        %dma_start3A_251 = arith.constant 0 : i32
        %dma_start3A_252 = arith.constant 0 : i32
        %dma_start3A_253 = tpu.memref_slice %dma_start3A_250[%dma_start3A_251, %dma_start3A_252] : memref<128x128xf32, #tpu.memory_space<vmem>> -> memref<64x128xf32, #tpu.memory_space<vmem>>
        %dma_start3A_254 = arith.constant 0 : i32
        %dma_start3A_255 = arith.constant 0 : i32
        %dma_start3A_256 = tpu.memref_slice %arg6[%dma_start3A_244, %dma_start3A_254, %dma_start3A_255] : memref<2x2x128xi32, #tpu.memory_space<vmem>> -> memref<1x2x128xi32, #tpu.memory_space<vmem>>
        %dma_start3A_257 = tpu.memref_squeeze %dma_start3A_256 : memref<1x2x128xi32, #tpu.memory_space<vmem>> -> memref<2x128xi32, #tpu.memory_space<vmem>>
        %dma_start3A_258 = arith.constant 0 : i32
        %dma_start3A_259 = tpu.memref_slice %dma_start3A_257[%dma_start3A_245, %dma_start3A_258] : memref<2x128xi32, #tpu.memory_space<vmem>> -> memref<1x128xi32, #tpu.memory_space<vmem>>
        %dma_start3A_260 = tpu.memref_squeeze %dma_start3A_259 : memref<1x128xi32, #tpu.memory_space<vmem>> -> memref<128xi32, #tpu.memory_space<vmem>>
        %dma_start3A_261 = arith.constant 0 : i32
        %dma_start3A_262 = tpu.memref_slice %dma_start3A_260[%dma_start3A_261] : memref<128xi32, #tpu.memory_space<vmem>> -> memref<64xi32, #tpu.memory_space<vmem>>
        %dma_start3A_263 = arith.constant 0 : i32
        %dma_start3A_264 = arith.constant 0 : i32
        %dma_start3A_265 = tpu.memref_slice %arg2[%dma_start3A_263, %dma_start3A_264] : memref<10240x128xf32, #tpu.memory_space<hbm>> -> memref<10240x128xf32, #tpu.memory_space<hbm>>
        tpu.enqueue_indirect_dma source(%dma_start3A_265 : memref<10240x128xf32, #tpu.memory_space<hbm>>) target(%dma_start3A_253 : memref<64x128xf32, #tpu.memory_space<vmem>>) offsets(%dma_start3A_262 : memref<64xi32, #tpu.memory_space<vmem>>) semaphore(%arg9 : memref<!tpu.dma_semaphore, #tpu.memory_space<semaphore_mem>>)
        %dma_start3A_266 = arith.constant 0 : i32
        %dma_start3A_267 = arith.constant 0 : i32
        %dma_start3A_268 = arith.constant 0 : i32
        %dma_start3A_269 = arith.constant 0 : i32
        %dma_start3A_270 = arith.constant 0 : i32
        %dma_start3A_271 = tpu.memref_slice %arg7[%dma_start3A_268, %dma_start3A_269, %dma_start3A_270] : memref<2x128x128xf32, #tpu.memory_space<vmem>> -> memref<1x128x128xf32, #tpu.memory_space<vmem>>
        %dma_start3A_272 = tpu.memref_squeeze %dma_start3A_271 : memref<1x128x128xf32, #tpu.memory_space<vmem>> -> memref<128x128xf32, #tpu.memory_space<vmem>>
        %dma_start3A_273 = arith.constant 64 : i32
        %dma_start3A_274 = arith.constant 0 : i32
        %dma_start3A_275 = tpu.memref_slice %dma_start3A_272[%dma_start3A_273, %dma_start3A_274] : memref<128x128xf32, #tpu.memory_space<vmem>> -> memref<64x128xf32, #tpu.memory_space<vmem>>
        %dma_start3A_276 = arith.constant 0 : i32
        %dma_start3A_277 = arith.constant 0 : i32
        %dma_start3A_278 = tpu.memref_slice %arg6[%dma_start3A_266, %dma_start3A_276, %dma_start3A_277] : memref<2x2x128xi32, #tpu.memory_space<vmem>> -> memref<1x2x128xi32, #tpu.memory_space<vmem>>
        %dma_start3A_279 = tpu.memref_squeeze %dma_start3A_278 : memref<1x2x128xi32, #tpu.memory_space<vmem>> -> memref<2x128xi32, #tpu.memory_space<vmem>>
        %dma_start3A_280 = arith.constant 0 : i32
        %dma_start3A_281 = tpu.memref_slice %dma_start3A_279[%dma_start3A_267, %dma_start3A_280] : memref<2x128xi32, #tpu.memory_space<vmem>> -> memref<1x128xi32, #tpu.memory_space<vmem>>
        %dma_start3A_282 = tpu.memref_squeeze %dma_start3A_281 : memref<1x128xi32, #tpu.memory_space<vmem>> -> memref<128xi32, #tpu.memory_space<vmem>>
        %dma_start3A_283 = arith.constant 64 : i32
        %dma_start3A_284 = tpu.memref_slice %dma_start3A_282[%dma_start3A_283] : memref<128xi32, #tpu.memory_space<vmem>> -> memref<64xi32, #tpu.memory_space<vmem>>
        %dma_start3A_285 = arith.constant 0 : i32
        %dma_start3A_286 = arith.constant 0 : i32
        %dma_start3A_287 = tpu.memref_slice %arg2[%dma_start3A_285, %dma_start3A_286] : memref<10240x128xf32, #tpu.memory_space<hbm>> -> memref<10240x128xf32, #tpu.memory_space<hbm>>
        tpu.enqueue_indirect_dma source(%dma_start3A_287 : memref<10240x128xf32, #tpu.memory_space<hbm>>) target(%dma_start3A_275 : memref<64x128xf32, #tpu.memory_space<vmem>>) offsets(%dma_start3A_284 : memref<64xi32, #tpu.memory_space<vmem>>) semaphore(%arg10 : memref<!tpu.dma_semaphore, #tpu.memory_space<semaphore_mem>>)
      } else {
      }
      %run_scoped3A_238 = arith.constant 1 : i32
      %run_scoped3A_239 = arith.constant 1 : i32
      %run_scoped3A_240 = arith.constant 1 : i32
      "tpu.region"() ({
        %run_scoped3A_244 = tpu.sem_alloc : memref<!tpu.dma_semaphore, #tpu.memory_space<semaphore_mem>>
        %dma_start3A_245 = arith.constant 0 : i32
        %dma_start3A_246 = arith.constant 0 : i32
        %dma_start3A_247 = tpu.memref_slice %arg7[%run_scoped3A_238, %dma_start3A_245, %dma_start3A_246] : memref<2x128x128xf32, #tpu.memory_space<vmem>> -> memref<1x128x128xf32, #tpu.memory_space<vmem>>
        %dma_start3A_248 = tpu.memref_squeeze %dma_start3A_247 : memref<1x128x128xf32, #tpu.memory_space<vmem>> -> memref<128x128xf32, #tpu.memory_space<vmem>>
        %dma_start3A_249 = arith.constant 0 : i32
        %dma_start3A_250 = arith.constant 0 : i32
        %dma_start3A_251 = tpu.memref_slice %arg6[%run_scoped3A_239, %dma_start3A_249, %dma_start3A_250] : memref<2x2x128xi32, #tpu.memory_space<vmem>> -> memref<1x2x128xi32, #tpu.memory_space<vmem>>
        %dma_start3A_252 = tpu.memref_squeeze %dma_start3A_251 : memref<1x2x128xi32, #tpu.memory_space<vmem>> -> memref<2x128xi32, #tpu.memory_space<vmem>>
        %dma_start3A_253 = arith.constant 0 : i32
        %dma_start3A_254 = tpu.memref_slice %dma_start3A_252[%run_scoped3A_240, %dma_start3A_253] : memref<2x128xi32, #tpu.memory_space<vmem>> -> memref<1x128xi32, #tpu.memory_space<vmem>>
        %dma_start3A_255 = tpu.memref_squeeze %dma_start3A_254 : memref<1x128xi32, #tpu.memory_space<vmem>> -> memref<128xi32, #tpu.memory_space<vmem>>
        %dma_start3A_256 = arith.constant 0 : i32
        %dma_start3A_257 = arith.constant 0 : i32
        %dma_start3A_258 = tpu.memref_slice %arg8[%dma_start3A_256, %dma_start3A_257] : memref<10240x128xf32, #tpu.memory_space<vmem_shared>> -> memref<10240x128xf32, #tpu.memory_space<vmem_shared>>
        tpu.enqueue_indirect_dma source(%dma_start3A_248 : memref<128x128xf32, #tpu.memory_space<vmem>>) target(%dma_start3A_258 : memref<10240x128xf32, #tpu.memory_space<vmem_shared>>) offsets(%dma_start3A_255 : memref<128xi32, #tpu.memory_space<vmem>>) semaphore(%run_scoped3A_244 : memref<!tpu.dma_semaphore, #tpu.memory_space<semaphore_mem>>) {add = true}
        %dma_wait3A_259 = arith.constant 0 : i32
        %dma_wait3A_260 = arith.constant 0 : i32
        %dma_wait3A_261 = tpu.memref_slice %arg7[%run_scoped3A_238, %dma_wait3A_259, %dma_wait3A_260] : memref<2x128x128xf32, #tpu.memory_space<vmem>> -> memref<1x128x128xf32, #tpu.memory_space<vmem>>
        %dma_wait3A_262 = tpu.memref_squeeze %dma_wait3A_261 : memref<1x128x128xf32, #tpu.memory_space<vmem>> -> memref<128x128xf32, #tpu.memory_space<vmem>>
        %dma_wait3A_263 = arith.constant 0 : i32
        %dma_wait3A_264 = arith.constant 0 : i32
        %dma_wait3A_265 = tpu.memref_slice %arg6[%run_scoped3A_239, %dma_wait3A_263, %dma_wait3A_264] : memref<2x2x128xi32, #tpu.memory_space<vmem>> -> memref<1x2x128xi32, #tpu.memory_space<vmem>>
        %dma_wait3A_266 = tpu.memref_squeeze %dma_wait3A_265 : memref<1x2x128xi32, #tpu.memory_space<vmem>> -> memref<2x128xi32, #tpu.memory_space<vmem>>
        %dma_wait3A_267 = arith.constant 0 : i32
        %dma_wait3A_268 = tpu.memref_slice %dma_wait3A_266[%run_scoped3A_240, %dma_wait3A_267] : memref<2x128xi32, #tpu.memory_space<vmem>> -> memref<1x128xi32, #tpu.memory_space<vmem>>
        %dma_wait3A_269 = tpu.memref_squeeze %dma_wait3A_268 : memref<1x128xi32, #tpu.memory_space<vmem>> -> memref<128xi32, #tpu.memory_space<vmem>>
        %dma_wait3A_270 = arith.constant 0 : i32
        %dma_wait3A_271 = arith.constant 0 : i32
        %dma_wait3A_272 = tpu.memref_slice %arg8[%dma_wait3A_270, %dma_wait3A_271] : memref<10240x128xf32, #tpu.memory_space<vmem_shared>> -> memref<10240x128xf32, #tpu.memory_space<vmem_shared>>
        tpu.wait_indirect_dma semaphore(%run_scoped3A_244 : memref<!tpu.dma_semaphore, #tpu.memory_space<semaphore_mem>>) src(%dma_wait3A_262 : memref<128x128xf32, #tpu.memory_space<vmem>>) dst(%dma_wait3A_272 : memref<10240x128xf32, #tpu.memory_space<vmem_shared>>)
        tpu.yield
      }) : () -> ()
      %convert_element_type3A_241 = arith.extui %lt3A : i1 to i32
      %cond3A_242 = arith.constant 0 : i32
      %cond3A_243 = arith.cmpi ne, %convert_element_type3A_241, %cond3A_242 : i32
      scf.if %cond3A_243 {
        %add3A_244 = arith.constant 3 : i32
        %add3A_245 = arith.addi %add3A_54, %add3A_244 : i32
        %dma_start3A_246 = arith.constant 1 : i32
        %dma_start3A_247 = arith.constant 0 : i32
        %dma_start3A_248 = arith.constant 0 : i32
        %dma_start3A_249 = tpu.memref_slice %arg6[%dma_start3A_246, %dma_start3A_247, %dma_start3A_248] : memref<2x2x128xi32, #tpu.memory_space<vmem>> -> memref<1x2x128xi32, #tpu.memory_space<vmem>>
        %dma_start3A_250 = tpu.memref_squeeze %dma_start3A_249 : memref<1x2x128xi32, #tpu.memory_space<vmem>> -> memref<2x128xi32, #tpu.memory_space<vmem>>
        %dma_start3A_251 = arith.constant 0 : i32
        %dma_start3A_252 = arith.constant 0 : i32
        %dma_start3A_253 = tpu.memref_slice %arg3[%add3A_245, %dma_start3A_251, %dma_start3A_252] : memref<2560x2x128xi32, #tpu.memory_space<hbm>> -> memref<1x2x128xi32, #tpu.memory_space<hbm>>
        %dma_start3A_254 = tpu.memref_squeeze %dma_start3A_253 : memref<1x2x128xi32, #tpu.memory_space<hbm>> -> memref<2x128xi32, #tpu.memory_space<hbm>>
        %dma_start3A_255 = arith.constant 0 : i32
        %dma_start3A_256 = arith.constant 0 : i32
        %dma_start3A_257 = tpu.memref_slice %arg6[%dma_start3A_246, %dma_start3A_255, %dma_start3A_256] : memref<2x2x128xi32, #tpu.memory_space<vmem>> -> memref<1x2x128xi32, #tpu.memory_space<vmem>>
        %dma_start3A_258 = tpu.memref_squeeze %dma_start3A_257 : memref<1x2x128xi32, #tpu.memory_space<vmem>> -> memref<2x128xi32, #tpu.memory_space<vmem>>
        %dma_start3A_259 = arith.constant 0 : i32
        %dma_start3A_260 = arith.constant 0 : i32
        %dma_start3A_261 = tpu.memref_slice %arg3[%add3A_245, %dma_start3A_259, %dma_start3A_260] : memref<2560x2x128xi32, #tpu.memory_space<hbm>> -> memref<1x2x128xi32, #tpu.memory_space<hbm>>
        %dma_start3A_262 = tpu.memref_squeeze %dma_start3A_261 : memref<1x2x128xi32, #tpu.memory_space<hbm>> -> memref<2x128xi32, #tpu.memory_space<hbm>>
        tpu.enqueue_dma source(%dma_start3A_262 : memref<2x128xi32, #tpu.memory_space<hbm>>) target(%dma_start3A_258 : memref<2x128xi32, #tpu.memory_space<vmem>>) target_semaphore(%arg14 : memref<!tpu.dma_semaphore, #tpu.memory_space<semaphore_mem>>)
      } else {
      }
    }
    %barrier3A_50 = arith.constant 0 : index
    tpu.barrier barrier_id(%barrier3A_50)
    "tpu.region"() ({
      %run_scoped3A = tpu.sem_alloc : memref<!tpu.dma_semaphore, #tpu.memory_space<semaphore_mem>>
      %dma_start3A = arith.constant 0 : i32
      %dma_start3A_51 = arith.constant 0 : i32
      %dma_start3A_52 = tpu.memref_slice %arg5[%arg0, %dma_start3A, %dma_start3A_51] : memref<2x10240x128xf32, #tpu.memory_space<hbm>> -> memref<1x10240x128xf32, #tpu.memory_space<hbm>>
      %dma_start3A_53 = tpu.memref_squeeze %dma_start3A_52 : memref<1x10240x128xf32, #tpu.memory_space<hbm>> -> memref<10240x128xf32, #tpu.memory_space<hbm>>
      %dma_start3A_54 = arith.constant 0 : i32
      %dma_start3A_55 = tpu.memref_slice %dma_start3A_53[%mul3A_10, %dma_start3A_54] : memref<10240x128xf32, #tpu.memory_space<hbm>> -> memref<640x128xf32, #tpu.memory_space<hbm>>
      %dma_start3A_56 = arith.constant 0 : i32
      %dma_start3A_57 = tpu.memref_slice %arg8[%mul3A_10, %dma_start3A_56] : memref<10240x128xf32, #tpu.memory_space<vmem_shared>> -> memref<640x128xf32, #tpu.memory_space<vmem_shared>>
      tpu.enqueue_dma source(%dma_start3A_57 : memref<640x128xf32, #tpu.memory_space<vmem_shared>>) target(%dma_start3A_55 : memref<640x128xf32, #tpu.memory_space<hbm>>) target_semaphore(%run_scoped3A : memref<!tpu.dma_semaphore, #tpu.memory_space<semaphore_mem>>)
      %dma_wait3A = arith.constant 0 : i32
      %dma_wait3A_58 = arith.constant 0 : i32
      %dma_wait3A_59 = tpu.memref_slice %arg5[%arg0, %dma_wait3A, %dma_wait3A_58] : memref<2x10240x128xf32, #tpu.memory_space<hbm>> -> memref<1x10240x128xf32, #tpu.memory_space<hbm>>
      %dma_wait3A_60 = tpu.memref_squeeze %dma_wait3A_59 : memref<1x10240x128xf32, #tpu.memory_space<hbm>> -> memref<10240x128xf32, #tpu.memory_space<hbm>>
      %dma_wait3A_61 = arith.constant 0 : i32
      %dma_wait3A_62 = tpu.memref_slice %dma_wait3A_60[%mul3A_10, %dma_wait3A_61] : memref<10240x128xf32, #tpu.memory_space<hbm>> -> memref<640x128xf32, #tpu.memory_space<hbm>>
      %dma_wait3A_63 = arith.constant 0 : i32
      %dma_wait3A_64 = tpu.memref_slice %arg8[%mul3A_10, %dma_wait3A_63] : memref<10240x128xf32, #tpu.memory_space<vmem_shared>> -> memref<640x128xf32, #tpu.memory_space<vmem_shared>>
      tpu.wait_dma2 semaphore(%run_scoped3A : memref<!tpu.dma_semaphore, #tpu.memory_space<semaphore_mem>>) src(%dma_wait3A_64 : memref<640x128xf32, #tpu.memory_space<vmem_shared>>) dst(%dma_wait3A_62 : memref<640x128xf32, #tpu.memory_space<hbm>>)
      tpu.yield
    }) : () -> ()
    return
  }
}

#map = affine_map<(d0, d1) -> (0, 0)>
#map1 = affine_map<(d0, d1) -> (0, 0, 0)>
module attributes {stable_mosaic.version = 14 : i64} {
  func.func @_scatter_body(%arg0: i32, %arg1: i32, %arg2: memref<10240x128xf32, #tpu.memory_space<hbm>>, %arg3: memref<2560x2x128xi32, #tpu.memory_space<hbm>>, %arg4: memref<128x128xf32, #tpu.memory_space<hbm>>, %arg5: memref<2x10240x128xf32, #tpu.memory_space<hbm>>, %arg6: memref<2x2x128xi32, #tpu.memory_space<vmem>>, %arg7: memref<2x128x128xf32, #tpu.memory_space<vmem>>, %arg8: memref<10240x128xf32, #tpu.memory_space<vmem_shared>>, %arg9: memref<!tpu.dma_semaphore, #tpu.memory_space<semaphore_mem>>, %arg10: memref<!tpu.dma_semaphore, #tpu.memory_space<semaphore_mem>>, %arg11: memref<!tpu.dma_semaphore, #tpu.memory_space<semaphore_mem>>, %arg12: memref<!tpu.dma_semaphore, #tpu.memory_space<semaphore_mem>>, %arg13: memref<!tpu.dma_semaphore, #tpu.memory_space<semaphore_mem>>, %arg14: memref<!tpu.dma_semaphore, #tpu.memory_space<semaphore_mem>>) attributes {dimension_semantics = [#tpu.dimension_semantics<core_parallel>, #tpu.dimension_semantics<subcore_parallel>], iteration_bounds = array<i64: 2, 16>, scalar_prefetch = 0 : i64, scratch_operands = 9 : i64, tpu.core_type = #tpu.core_type<sc_vector_subcore>, window_params = [{transform_indices = #map}, {transform_indices = #map1}, {transform_indices = #map}, {transform_indices = #map1}]} {
    %eq3A = arith.constant 0 : i32
    %eq3A_0 = arith.cmpi eq, %arg0, %eq3A : i32
    %jit3A = arith.constant 124 : i32
    %jit3A_1 = arith.constant 36 : i32
    %select_n3A = arith.select %eq3A_0, %jit3A, %jit3A_1 : i32
    %eq3A_2 = arith.constant 0 : i32
    %eq3A_3 = arith.cmpi eq, %arg0, %eq3A_2 : i32
    %mul3A = arith.constant 124 : i32
    %mul3A_4 = arith.muli %arg1, %mul3A : i32
    %mul3A_5 = arith.constant 36 : i32
    %mul3A_6 = arith.muli %arg1, %mul3A_5 : i32
    %add3A = arith.constant 1984 : i32
    %add3A_7 = arith.addi %add3A, %mul3A_6 : i32
    %select_n3A_8 = arith.select %eq3A_3, %mul3A_4, %add3A_7 : i32
    %mul3A_9 = arith.constant 640 : i32
    %mul3A_10 = arith.muli %arg1, %mul3A_9 : i32
    %gt3A = arith.constant 0 : i32
    %gt3A_11 = arith.cmpi sgt, %select_n3A, %gt3A : i32
    %convert_element_type3A = arith.extui %gt3A_11 : i1 to i32
    %cond3A = arith.constant 0 : i32
    %cond3A_12 = arith.cmpi ne, %convert_element_type3A, %cond3A : i32
    scf.if %cond3A_12 {
      %run_scoped3A = arith.constant 0 : i32
      "tpu.region"() ({
        %run_scoped3A_113 = tpu.sem_alloc : memref<!tpu.dma_semaphore, #tpu.memory_space<semaphore_mem>>
        %dma_start3A_114 = arith.constant 0 : i32
        %dma_start3A_115 = arith.constant 0 : i32
        %dma_start3A_116 = tpu.memref_slice %arg6[%run_scoped3A, %dma_start3A_114, %dma_start3A_115] : memref<2x2x128xi32, #tpu.memory_space<vmem>> -> memref<1x2x128xi32, #tpu.memory_space<vmem>>
        %dma_start3A_117 = tpu.memref_squeeze %dma_start3A_116 : memref<1x2x128xi32, #tpu.memory_space<vmem>> -> memref<2x128xi32, #tpu.memory_space<vmem>>
        %dma_start3A_118 = arith.constant 0 : i32
        %dma_start3A_119 = arith.constant 0 : i32
        %dma_start3A_120 = tpu.memref_slice %arg3[%select_n3A_8, %dma_start3A_118, %dma_start3A_119] : memref<2560x2x128xi32, #tpu.memory_space<hbm>> -> memref<1x2x128xi32, #tpu.memory_space<hbm>>
        %dma_start3A_121 = tpu.memref_squeeze %dma_start3A_120 : memref<1x2x128xi32, #tpu.memory_space<hbm>> -> memref<2x128xi32, #tpu.memory_space<hbm>>
        %dma_start3A_122 = arith.constant 0 : i32
        %dma_start3A_123 = arith.constant 0 : i32
        %dma_start3A_124 = tpu.memref_slice %arg6[%run_scoped3A, %dma_start3A_122, %dma_start3A_123] : memref<2x2x128xi32, #tpu.memory_space<vmem>> -> memref<1x2x128xi32, #tpu.memory_space<vmem>>
        %dma_start3A_125 = tpu.memref_squeeze %dma_start3A_124 : memref<1x2x128xi32, #tpu.memory_space<vmem>> -> memref<2x128xi32, #tpu.memory_space<vmem>>
        %dma_start3A_126 = arith.constant 0 : i32
        %dma_start3A_127 = arith.constant 0 : i32
        %dma_start3A_128 = tpu.memref_slice %arg3[%select_n3A_8, %dma_start3A_126, %dma_start3A_127] : memref<2560x2x128xi32, #tpu.memory_space<hbm>> -> memref<1x2x128xi32, #tpu.memory_space<hbm>>
        %dma_start3A_129 = tpu.memref_squeeze %dma_start3A_128 : memref<1x2x128xi32, #tpu.memory_space<hbm>> -> memref<2x128xi32, #tpu.memory_space<hbm>>
        tpu.enqueue_dma source(%dma_start3A_129 : memref<2x128xi32, #tpu.memory_space<hbm>>) target(%dma_start3A_125 : memref<2x128xi32, #tpu.memory_space<vmem>>) target_semaphore(%run_scoped3A_113 : memref<!tpu.dma_semaphore, #tpu.memory_space<semaphore_mem>>)
        %dma_wait3A = arith.constant 0 : i32
        %dma_wait3A_130 = arith.constant 0 : i32
        %dma_wait3A_131 = tpu.memref_slice %arg6[%run_scoped3A, %dma_wait3A, %dma_wait3A_130] : memref<2x2x128xi32, #tpu.memory_space<vmem>> -> memref<1x2x128xi32, #tpu.memory_space<vmem>>
        %dma_wait3A_132 = tpu.memref_squeeze %dma_wait3A_131 : memref<1x2x128xi32, #tpu.memory_space<vmem>> -> memref<2x128xi32, #tpu.memory_space<vmem>>
        %dma_wait3A_133 = arith.constant 0 : i32
        %dma_wait3A_134 = arith.constant 0 : i32
        %dma_wait3A_135 = tpu.memref_slice %arg3[%select_n3A_8, %dma_wait3A_133, %dma_wait3A_134] : memref<2560x2x128xi32, #tpu.memory_space<hbm>> -> memref<1x2x128xi32, #tpu.memory_space<hbm>>
        %dma_wait3A_136 = tpu.memref_squeeze %dma_wait3A_135 : memref<1x2x128xi32, #tpu.memory_space<hbm>> -> memref<2x128xi32, #tpu.memory_space<hbm>>
        %dma_wait3A_137 = arith.constant 0 : i32
        %dma_wait3A_138 = arith.constant 0 : i32
        %dma_wait3A_139 = tpu.memref_slice %arg6[%run_scoped3A, %dma_wait3A_137, %dma_wait3A_138] : memref<2x2x128xi32, #tpu.memory_space<vmem>> -> memref<1x2x128xi32, #tpu.memory_space<vmem>>
        %dma_wait3A_140 = tpu.memref_squeeze %dma_wait3A_139 : memref<1x2x128xi32, #tpu.memory_space<vmem>> -> memref<2x128xi32, #tpu.memory_space<vmem>>
        %dma_wait3A_141 = arith.constant 0 : i32
        %dma_wait3A_142 = arith.constant 0 : i32
        %dma_wait3A_143 = tpu.memref_slice %arg3[%select_n3A_8, %dma_wait3A_141, %dma_wait3A_142] : memref<2560x2x128xi32, #tpu.memory_space<hbm>> -> memref<1x2x128xi32, #tpu.memory_space<hbm>>
        %dma_wait3A_144 = tpu.memref_squeeze %dma_wait3A_143 : memref<1x2x128xi32, #tpu.memory_space<hbm>> -> memref<2x128xi32, #tpu.memory_space<hbm>>
        tpu.wait_dma2 semaphore(%run_scoped3A_113 : memref<!tpu.dma_semaphore, #tpu.memory_space<semaphore_mem>>) src(%dma_wait3A_144 : memref<2x128xi32, #tpu.memory_space<hbm>>) dst(%dma_wait3A_140 : memref<2x128xi32, #tpu.memory_space<vmem>>)
        tpu.yield
      }) : () -> ()
      %dma_start3A = arith.constant 0 : i32
      %dma_start3A_51 = arith.constant 0 : i32
      %dma_start3A_52 = arith.constant 0 : i32
      %dma_start3A_53 = arith.constant 0 : i32
      %dma_start3A_54 = arith.constant 0 : i32
      %dma_start3A_55 = tpu.memref_slice %arg7[%dma_start3A_52, %dma_start3A_53, %dma_start3A_54] : memref<2x128x128xf32, #tpu.memory_space<vmem>> -> memref<1x128x128xf32, #tpu.memory_space<vmem>>
      %dma_start3A_56 = tpu.memref_squeeze %dma_start3A_55 : memref<1x128x128xf32, #tpu.memory_space<vmem>> -> memref<128x128xf32, #tpu.memory_space<vmem>>
      %dma_start3A_57 = arith.constant 0 : i32
      %dma_start3A_58 = arith.constant 0 : i32
      %dma_start3A_59 = tpu.memref_slice %dma_start3A_56[%dma_start3A_57, %dma_start3A_58] : memref<128x128xf32, #tpu.memory_space<vmem>> -> memref<64x128xf32, #tpu.memory_space<vmem>>
      %dma_start3A_60 = arith.constant 0 : i32
      %dma_start3A_61 = arith.constant 0 : i32
      %dma_start3A_62 = tpu.memref_slice %arg6[%dma_start3A, %dma_start3A_60, %dma_start3A_61] : memref<2x2x128xi32, #tpu.memory_space<vmem>> -> memref<1x2x128xi32, #tpu.memory_space<vmem>>
      %dma_start3A_63 = tpu.memref_squeeze %dma_start3A_62 : memref<1x2x128xi32, #tpu.memory_space<vmem>> -> memref<2x128xi32, #tpu.memory_space<vmem>>
      %dma_start3A_64 = arith.constant 0 : i32
      %dma_start3A_65 = tpu.memref_slice %dma_start3A_63[%dma_start3A_51, %dma_start3A_64] : memref<2x128xi32, #tpu.memory_space<vmem>> -> memref<1x128xi32, #tpu.memory_space<vmem>>
      %dma_start3A_66 = tpu.memref_squeeze %dma_start3A_65 : memref<1x128xi32, #tpu.memory_space<vmem>> -> memref<128xi32, #tpu.memory_space<vmem>>
      %dma_start3A_67 = arith.constant 0 : i32
      %dma_start3A_68 = tpu.memref_slice %dma_start3A_66[%dma_start3A_67] : memref<128xi32, #tpu.memory_space<vmem>> -> memref<64xi32, #tpu.memory_space<vmem>>
      %dma_start3A_69 = arith.constant 0 : i32
      %dma_start3A_70 = arith.constant 0 : i32
      %dma_start3A_71 = tpu.memref_slice %arg2[%dma_start3A_69, %dma_start3A_70] : memref<10240x128xf32, #tpu.memory_space<hbm>> -> memref<10240x128xf32, #tpu.memory_space<hbm>>
      tpu.enqueue_indirect_dma source(%dma_start3A_71 : memref<10240x128xf32, #tpu.memory_space<hbm>>) target(%dma_start3A_59 : memref<64x128xf32, #tpu.memory_space<vmem>>) offsets(%dma_start3A_68 : memref<64xi32, #tpu.memory_space<vmem>>) semaphore(%arg9 : memref<!tpu.dma_semaphore, #tpu.memory_space<semaphore_mem>>)
      %dma_start3A_72 = arith.constant 0 : i32
      %dma_start3A_73 = arith.constant 0 : i32
      %dma_start3A_74 = arith.constant 0 : i32
      %dma_start3A_75 = arith.constant 0 : i32
      %dma_start3A_76 = arith.constant 0 : i32
      %dma_start3A_77 = tpu.memref_slice %arg7[%dma_start3A_74, %dma_start3A_75, %dma_start3A_76] : memref<2x128x128xf32, #tpu.memory_space<vmem>> -> memref<1x128x128xf32, #tpu.memory_space<vmem>>
      %dma_start3A_78 = tpu.memref_squeeze %dma_start3A_77 : memref<1x128x128xf32, #tpu.memory_space<vmem>> -> memref<128x128xf32, #tpu.memory_space<vmem>>
      %dma_start3A_79 = arith.constant 64 : i32
      %dma_start3A_80 = arith.constant 0 : i32
      %dma_start3A_81 = tpu.memref_slice %dma_start3A_78[%dma_start3A_79, %dma_start3A_80] : memref<128x128xf32, #tpu.memory_space<vmem>> -> memref<64x128xf32, #tpu.memory_space<vmem>>
      %dma_start3A_82 = arith.constant 0 : i32
      %dma_start3A_83 = arith.constant 0 : i32
      %dma_start3A_84 = tpu.memref_slice %arg6[%dma_start3A_72, %dma_start3A_82, %dma_start3A_83] : memref<2x2x128xi32, #tpu.memory_space<vmem>> -> memref<1x2x128xi32, #tpu.memory_space<vmem>>
      %dma_start3A_85 = tpu.memref_squeeze %dma_start3A_84 : memref<1x2x128xi32, #tpu.memory_space<vmem>> -> memref<2x128xi32, #tpu.memory_space<vmem>>
      %dma_start3A_86 = arith.constant 0 : i32
      %dma_start3A_87 = tpu.memref_slice %dma_start3A_85[%dma_start3A_73, %dma_start3A_86] : memref<2x128xi32, #tpu.memory_space<vmem>> -> memref<1x128xi32, #tpu.memory_space<vmem>>
      %dma_start3A_88 = tpu.memref_squeeze %dma_start3A_87 : memref<1x128xi32, #tpu.memory_space<vmem>> -> memref<128xi32, #tpu.memory_space<vmem>>
      %dma_start3A_89 = arith.constant 64 : i32
      %dma_start3A_90 = tpu.memref_slice %dma_start3A_88[%dma_start3A_89] : memref<128xi32, #tpu.memory_space<vmem>> -> memref<64xi32, #tpu.memory_space<vmem>>
      %dma_start3A_91 = arith.constant 0 : i32
      %dma_start3A_92 = arith.constant 0 : i32
      %dma_start3A_93 = tpu.memref_slice %arg2[%dma_start3A_91, %dma_start3A_92] : memref<10240x128xf32, #tpu.memory_space<hbm>> -> memref<10240x128xf32, #tpu.memory_space<hbm>>
      tpu.enqueue_indirect_dma source(%dma_start3A_93 : memref<10240x128xf32, #tpu.memory_space<hbm>>) target(%dma_start3A_81 : memref<64x128xf32, #tpu.memory_space<vmem>>) offsets(%dma_start3A_90 : memref<64xi32, #tpu.memory_space<vmem>>) semaphore(%arg10 : memref<!tpu.dma_semaphore, #tpu.memory_space<semaphore_mem>>)
      %add3A_94 = arith.constant 1 : i32
      %add3A_95 = arith.addi %select_n3A_8, %add3A_94 : i32
      %dma_start3A_96 = arith.constant 1 : i32
      %dma_start3A_97 = arith.constant 0 : i32
      %dma_start3A_98 = arith.constant 0 : i32
      %dma_start3A_99 = tpu.memref_slice %arg6[%dma_start3A_96, %dma_start3A_97, %dma_start3A_98] : memref<2x2x128xi32, #tpu.memory_space<vmem>> -> memref<1x2x128xi32, #tpu.memory_space<vmem>>
      %dma_start3A_100 = tpu.memref_squeeze %dma_start3A_99 : memref<1x2x128xi32, #tpu.memory_space<vmem>> -> memref<2x128xi32, #tpu.memory_space<vmem>>
      %dma_start3A_101 = arith.constant 0 : i32
      %dma_start3A_102 = arith.constant 0 : i32
      %dma_start3A_103 = tpu.memref_slice %arg3[%add3A_95, %dma_start3A_101, %dma_start3A_102] : memref<2560x2x128xi32, #tpu.memory_space<hbm>> -> memref<1x2x128xi32, #tpu.memory_space<hbm>>
      %dma_start3A_104 = tpu.memref_squeeze %dma_start3A_103 : memref<1x2x128xi32, #tpu.memory_space<hbm>> -> memref<2x128xi32, #tpu.memory_space<hbm>>
      %dma_start3A_105 = arith.constant 0 : i32
      %dma_start3A_106 = arith.constant 0 : i32
      %dma_start3A_107 = tpu.memref_slice %arg6[%dma_start3A_96, %dma_start3A_105, %dma_start3A_106] : memref<2x2x128xi32, #tpu.memory_space<vmem>> -> memref<1x2x128xi32, #tpu.memory_space<vmem>>
      %dma_start3A_108 = tpu.memref_squeeze %dma_start3A_107 : memref<1x2x128xi32, #tpu.memory_space<vmem>> -> memref<2x128xi32, #tpu.memory_space<vmem>>
      %dma_start3A_109 = arith.constant 0 : i32
      %dma_start3A_110 = arith.constant 0 : i32
      %dma_start3A_111 = tpu.memref_slice %arg3[%add3A_95, %dma_start3A_109, %dma_start3A_110] : memref<2560x2x128xi32, #tpu.memory_space<hbm>> -> memref<1x2x128xi32, #tpu.memory_space<hbm>>
      %dma_start3A_112 = tpu.memref_squeeze %dma_start3A_111 : memref<1x2x128xi32, #tpu.memory_space<hbm>> -> memref<2x128xi32, #tpu.memory_space<hbm>>
      tpu.enqueue_dma source(%dma_start3A_112 : memref<2x128xi32, #tpu.memory_space<hbm>>) target(%dma_start3A_108 : memref<2x128xi32, #tpu.memory_space<vmem>>) target_semaphore(%arg14 : memref<!tpu.dma_semaphore, #tpu.memory_space<semaphore_mem>>)
    } else {
    }
    %add3A_13 = arith.constant 0 : i32
    %add3A_14 = arith.addi %mul3A_10, %add3A_13 : i32
    "tpu.region"() ({
      %run_scoped3A = tpu.sem_alloc : memref<!tpu.dma_semaphore, #tpu.memory_space<semaphore_mem>>
      %dma_start3A = arith.constant 0 : i32
      %dma_start3A_51 = tpu.memref_slice %arg8[%add3A_14, %dma_start3A] : memref<10240x128xf32, #tpu.memory_space<vmem_shared>> -> memref<128x128xf32, #tpu.memory_space<vmem_shared>>
      tpu.enqueue_dma source(%arg4 : memref<128x128xf32, #tpu.memory_space<hbm>>) target(%dma_start3A_51 : memref<128x128xf32, #tpu.memory_space<vmem_shared>>) target_semaphore(%run_scoped3A : memref<!tpu.dma_semaphore, #tpu.memory_space<semaphore_mem>>)
      %dma_wait3A = arith.constant 0 : i32
      %dma_wait3A_52 = tpu.memref_slice %arg8[%add3A_14, %dma_wait3A] : memref<10240x128xf32, #tpu.memory_space<vmem_shared>> -> memref<128x128xf32, #tpu.memory_space<vmem_shared>>
      tpu.wait_dma2 semaphore(%run_scoped3A : memref<!tpu.dma_semaphore, #tpu.memory_space<semaphore_mem>>) src(%arg4 : memref<128x128xf32, #tpu.memory_space<hbm>>) dst(%dma_wait3A_52 : memref<128x128xf32, #tpu.memory_space<vmem_shared>>)
      tpu.yield
    }) : () -> ()
    %add3A_15 = arith.constant 128 : i32
    %add3A_16 = arith.addi %mul3A_10, %add3A_15 : i32
    "tpu.region"() ({
      %run_scoped3A = tpu.sem_alloc : memref<!tpu.dma_semaphore, #tpu.memory_space<semaphore_mem>>
      %dma_start3A = arith.constant 0 : i32
      %dma_start3A_51 = tpu.memref_slice %arg8[%add3A_16, %dma_start3A] : memref<10240x128xf32, #tpu.memory_space<vmem_shared>> -> memref<128x128xf32, #tpu.memory_space<vmem_shared>>
      tpu.enqueue_dma source(%arg4 : memref<128x128xf32, #tpu.memory_space<hbm>>) target(%dma_start3A_51 : memref<128x128xf32, #tpu.memory_space<vmem_shared>>) target_semaphore(%run_scoped3A : memref<!tpu.dma_semaphore, #tpu.memory_space<semaphore_mem>>)
      %dma_wait3A = arith.constant 0 : i32
      %dma_wait3A_52 = tpu.memref_slice %arg8[%add3A_16, %dma_wait3A] : memref<10240x128xf32, #tpu.memory_space<vmem_shared>> -> memref<128x128xf32, #tpu.memory_space<vmem_shared>>
      tpu.wait_dma2 semaphore(%run_scoped3A : memref<!tpu.dma_semaphore, #tpu.memory_space<semaphore_mem>>) src(%arg4 : memref<128x128xf32, #tpu.memory_space<hbm>>) dst(%dma_wait3A_52 : memref<128x128xf32, #tpu.memory_space<vmem_shared>>)
      tpu.yield
    }) : () -> ()
    %add3A_17 = arith.constant 256 : i32
    %add3A_18 = arith.addi %mul3A_10, %add3A_17 : i32
    "tpu.region"() ({
      %run_scoped3A = tpu.sem_alloc : memref<!tpu.dma_semaphore, #tpu.memory_space<semaphore_mem>>
      %dma_start3A = arith.constant 0 : i32
      %dma_start3A_51 = tpu.memref_slice %arg8[%add3A_18, %dma_start3A] : memref<10240x128xf32, #tpu.memory_space<vmem_shared>> -> memref<128x128xf32, #tpu.memory_space<vmem_shared>>
      tpu.enqueue_dma source(%arg4 : memref<128x128xf32, #tpu.memory_space<hbm>>) target(%dma_start3A_51 : memref<128x128xf32, #tpu.memory_space<vmem_shared>>) target_semaphore(%run_scoped3A : memref<!tpu.dma_semaphore, #tpu.memory_space<semaphore_mem>>)
      %dma_wait3A = arith.constant 0 : i32
      %dma_wait3A_52 = tpu.memref_slice %arg8[%add3A_18, %dma_wait3A] : memref<10240x128xf32, #tpu.memory_space<vmem_shared>> -> memref<128x128xf32, #tpu.memory_space<vmem_shared>>
      tpu.wait_dma2 semaphore(%run_scoped3A : memref<!tpu.dma_semaphore, #tpu.memory_space<semaphore_mem>>) src(%arg4 : memref<128x128xf32, #tpu.memory_space<hbm>>) dst(%dma_wait3A_52 : memref<128x128xf32, #tpu.memory_space<vmem_shared>>)
      tpu.yield
    }) : () -> ()
    %add3A_19 = arith.constant 384 : i32
    %add3A_20 = arith.addi %mul3A_10, %add3A_19 : i32
    "tpu.region"() ({
      %run_scoped3A = tpu.sem_alloc : memref<!tpu.dma_semaphore, #tpu.memory_space<semaphore_mem>>
      %dma_start3A = arith.constant 0 : i32
      %dma_start3A_51 = tpu.memref_slice %arg8[%add3A_20, %dma_start3A] : memref<10240x128xf32, #tpu.memory_space<vmem_shared>> -> memref<128x128xf32, #tpu.memory_space<vmem_shared>>
      tpu.enqueue_dma source(%arg4 : memref<128x128xf32, #tpu.memory_space<hbm>>) target(%dma_start3A_51 : memref<128x128xf32, #tpu.memory_space<vmem_shared>>) target_semaphore(%run_scoped3A : memref<!tpu.dma_semaphore, #tpu.memory_space<semaphore_mem>>)
      %dma_wait3A = arith.constant 0 : i32
      %dma_wait3A_52 = tpu.memref_slice %arg8[%add3A_20, %dma_wait3A] : memref<10240x128xf32, #tpu.memory_space<vmem_shared>> -> memref<128x128xf32, #tpu.memory_space<vmem_shared>>
      tpu.wait_dma2 semaphore(%run_scoped3A : memref<!tpu.dma_semaphore, #tpu.memory_space<semaphore_mem>>) src(%arg4 : memref<128x128xf32, #tpu.memory_space<hbm>>) dst(%dma_wait3A_52 : memref<128x128xf32, #tpu.memory_space<vmem_shared>>)
      tpu.yield
    }) : () -> ()
    %add3A_21 = arith.constant 512 : i32
    %add3A_22 = arith.addi %mul3A_10, %add3A_21 : i32
    "tpu.region"() ({
      %run_scoped3A = tpu.sem_alloc : memref<!tpu.dma_semaphore, #tpu.memory_space<semaphore_mem>>
      %dma_start3A = arith.constant 0 : i32
      %dma_start3A_51 = tpu.memref_slice %arg8[%add3A_22, %dma_start3A] : memref<10240x128xf32, #tpu.memory_space<vmem_shared>> -> memref<128x128xf32, #tpu.memory_space<vmem_shared>>
      tpu.enqueue_dma source(%arg4 : memref<128x128xf32, #tpu.memory_space<hbm>>) target(%dma_start3A_51 : memref<128x128xf32, #tpu.memory_space<vmem_shared>>) target_semaphore(%run_scoped3A : memref<!tpu.dma_semaphore, #tpu.memory_space<semaphore_mem>>)
      %dma_wait3A = arith.constant 0 : i32
      %dma_wait3A_52 = tpu.memref_slice %arg8[%add3A_22, %dma_wait3A] : memref<10240x128xf32, #tpu.memory_space<vmem_shared>> -> memref<128x128xf32, #tpu.memory_space<vmem_shared>>
      tpu.wait_dma2 semaphore(%run_scoped3A : memref<!tpu.dma_semaphore, #tpu.memory_space<semaphore_mem>>) src(%arg4 : memref<128x128xf32, #tpu.memory_space<hbm>>) dst(%dma_wait3A_52 : memref<128x128xf32, #tpu.memory_space<vmem_shared>>)
      tpu.yield
    }) : () -> ()
    %barrier3A = arith.constant 0 : index
    tpu.barrier barrier_id(%barrier3A)
    %jit3A_23 = arith.constant 2 : i32
    %div3A = arith.divsi %select_n3A, %jit3A_23 : i32
    %sign3A = arith.constant 0 : i32
    %sign3A_24 = arith.cmpi sgt, %select_n3A, %sign3A : i32
    %sign3A_25 = arith.extui %sign3A_24 : i1 to i32
    %sign3A_26 = arith.constant 0 : i32
    %sign3A_27 = arith.cmpi slt, %select_n3A, %sign3A_26 : i32
    %sign3A_28 = arith.extui %sign3A_27 : i1 to i32
    %sign3A_29 = arith.subi %sign3A_25, %sign3A_28 : i32
    %sign3A_30 = arith.constant 0 : i32
    %sign3A_31 = arith.cmpi sgt, %jit3A_23, %sign3A_30 : i32
    %sign3A_32 = arith.extui %sign3A_31 : i1 to i32
    %sign3A_33 = arith.constant 0 : i32
    %sign3A_34 = arith.cmpi slt, %jit3A_23, %sign3A_33 : i32
    %sign3A_35 = arith.extui %sign3A_34 : i1 to i32
    %sign3A_36 = arith.subi %sign3A_32, %sign3A_35 : i32
    %ne3A = arith.cmpi ne, %sign3A_29, %sign3A_36 : i32
    %rem3A = arith.remsi %select_n3A, %jit3A_23 : i32
    %ne3A_37 = arith.constant 0 : i32
    %ne3A_38 = arith.cmpi ne, %rem3A, %ne3A_37 : i32
    %and3A = arith.andi %ne3A, %ne3A_38 : i1
    %sub3A = arith.constant 1 : i32
    %sub3A_39 = arith.subi %div3A, %sub3A : i32
    %select_n3A_40 = arith.select %and3A, %sub3A_39, %div3A : i32
    %while3A = arith.constant 0 : i32
    %while3A_41 = arith.constant 0 : i32
    %while3A_42 = arith.subi %select_n3A_40, %while3A_41 : i32
    %while3A_43 = arith.addi %while3A_41, %while3A_42 : i32
    %while3A_44 = arith.constant 1 : i32
    %while3A_45 = arith.divsi %while3A_42, %while3A_44 : i32
    %while3A_46 = arith.muli %while3A_45, %while3A_44 : i32
    %while3A_47 = arith.addi %while3A_41, %while3A_46 : i32
    %while3A_48 = arith.constant 1 : i32
    scf.for %while3A_51 = %while3A_41 to %while3A_47 step %while3A_48  : i32 {
      %mul3A_52 = arith.constant 2 : i32
      %mul3A_53 = arith.muli %mul3A_52, %while3A_51 : i32
      %add3A_54 = arith.addi %select_n3A_8, %mul3A_53 : i32
      %add3A_55 = arith.constant 1 : i32
      %add3A_56 = arith.addi %while3A_51, %add3A_55 : i32
      %jit3A_57 = arith.constant 2 : i32
      %div3A_58 = arith.divsi %select_n3A, %jit3A_57 : i32
      %sign3A_59 = arith.constant 0 : i32
      %sign3A_60 = arith.cmpi sgt, %select_n3A, %sign3A_59 : i32
      %sign3A_61 = arith.extui %sign3A_60 : i1 to i32
      %sign3A_62 = arith.constant 0 : i32
      %sign3A_63 = arith.cmpi slt, %select_n3A, %sign3A_62 : i32
      %sign3A_64 = arith.extui %sign3A_63 : i1 to i32
      %sign3A_65 = arith.subi %sign3A_61, %sign3A_64 : i32
      %sign3A_66 = arith.constant 0 : i32
      %sign3A_67 = arith.cmpi sgt, %jit3A_57, %sign3A_66 : i32
      %sign3A_68 = arith.extui %sign3A_67 : i1 to i32
      %sign3A_69 = arith.constant 0 : i32
      %sign3A_70 = arith.cmpi slt, %jit3A_57, %sign3A_69 : i32
      %sign3A_71 = arith.extui %sign3A_70 : i1 to i32
      %sign3A_72 = arith.subi %sign3A_68, %sign3A_71 : i32
      %ne3A_73 = arith.cmpi ne, %sign3A_65, %sign3A_72 : i32
      %rem3A_74 = arith.remsi %select_n3A, %jit3A_57 : i32
      %ne3A_75 = arith.constant 0 : i32
      %ne3A_76 = arith.cmpi ne, %rem3A_74, %ne3A_75 : i32
      %and3A_77 = arith.andi %ne3A_73, %ne3A_76 : i1
      %sub3A_78 = arith.constant 1 : i32
      %sub3A_79 = arith.subi %div3A_58, %sub3A_78 : i32
      %select_n3A_80 = arith.select %and3A_77, %sub3A_79, %div3A_58 : i32
      %lt3A = arith.cmpi slt, %add3A_56, %select_n3A_80 : i32
      %add3A_81 = arith.constant 1 : i32
      %add3A_82 = arith.addi %add3A_54, %add3A_81 : i32
      %dma_wait3A = arith.constant 1 : i32
      %dma_wait3A_83 = arith.constant 0 : i32
      %dma_wait3A_84 = arith.constant 0 : i32
      %dma_wait3A_85 = tpu.memref_slice %arg6[%dma_wait3A, %dma_wait3A_83, %dma_wait3A_84] : memref<2x2x128xi32, #tpu.memory_space<vmem>> -> memref<1x2x128xi32, #tpu.memory_space<vmem>>
      %dma_wait3A_86 = tpu.memref_squeeze %dma_wait3A_85 : memref<1x2x128xi32, #tpu.memory_space<vmem>> -> memref<2x128xi32, #tpu.memory_space<vmem>>
      %dma_wait3A_87 = arith.constant 0 : i32
      %dma_wait3A_88 = arith.constant 0 : i32
      %dma_wait3A_89 = tpu.memref_slice %arg3[%add3A_82, %dma_wait3A_87, %dma_wait3A_88] : memref<2560x2x128xi32, #tpu.memory_space<hbm>> -> memref<1x2x128xi32, #tpu.memory_space<hbm>>
      %dma_wait3A_90 = tpu.memref_squeeze %dma_wait3A_89 : memref<1x2x128xi32, #tpu.memory_space<hbm>> -> memref<2x128xi32, #tpu.memory_space<hbm>>
      %dma_wait3A_91 = arith.constant 0 : i32
      %dma_wait3A_92 = arith.constant 0 : i32
      %dma_wait3A_93 = tpu.memref_slice %arg6[%dma_wait3A, %dma_wait3A_91, %dma_wait3A_92] : memref<2x2x128xi32, #tpu.memory_space<vmem>> -> memref<1x2x128xi32, #tpu.memory_space<vmem>>
      %dma_wait3A_94 = tpu.memref_squeeze %dma_wait3A_93 : memref<1x2x128xi32, #tpu.memory_space<vmem>> -> memref<2x128xi32, #tpu.memory_space<vmem>>
      %dma_wait3A_95 = arith.constant 0 : i32
      %dma_wait3A_96 = arith.constant 0 : i32
      %dma_wait3A_97 = tpu.memref_slice %arg3[%add3A_82, %dma_wait3A_95, %dma_wait3A_96] : memref<2560x2x128xi32, #tpu.memory_space<hbm>> -> memref<1x2x128xi32, #tpu.memory_space<hbm>>
      %dma_wait3A_98 = tpu.memref_squeeze %dma_wait3A_97 : memref<1x2x128xi32, #tpu.memory_space<hbm>> -> memref<2x128xi32, #tpu.memory_space<hbm>>
      tpu.wait_dma2 semaphore(%arg14 : memref<!tpu.dma_semaphore, #tpu.memory_space<semaphore_mem>>) src(%dma_wait3A_98 : memref<2x128xi32, #tpu.memory_space<hbm>>) dst(%dma_wait3A_94 : memref<2x128xi32, #tpu.memory_space<vmem>>)
      %dma_start3A = arith.constant 1 : i32
      %dma_start3A_99 = arith.constant 0 : i32
      %dma_start3A_100 = arith.constant 1 : i32
      %dma_start3A_101 = arith.constant 0 : i32
      %dma_start3A_102 = arith.constant 0 : i32
      %dma_start3A_103 = tpu.memref_slice %arg7[%dma_start3A_100, %dma_start3A_101, %dma_start3A_102] : memref<2x128x128xf32, #tpu.memory_space<vmem>> -> memref<1x128x128xf32, #tpu.memory_space<vmem>>
      %dma_start3A_104 = tpu.memref_squeeze %dma_start3A_103 : memref<1x128x128xf32, #tpu.memory_space<vmem>> -> memref<128x128xf32, #tpu.memory_space<vmem>>
      %dma_start3A_105 = arith.constant 0 : i32
      %dma_start3A_106 = arith.constant 0 : i32
      %dma_start3A_107 = tpu.memref_slice %dma_start3A_104[%dma_start3A_105, %dma_start3A_106] : memref<128x128xf32, #tpu.memory_space<vmem>> -> memref<64x128xf32, #tpu.memory_space<vmem>>
      %dma_start3A_108 = arith.constant 0 : i32
      %dma_start3A_109 = arith.constant 0 : i32
      %dma_start3A_110 = tpu.memref_slice %arg6[%dma_start3A, %dma_start3A_108, %dma_start3A_109] : memref<2x2x128xi32, #tpu.memory_space<vmem>> -> memref<1x2x128xi32, #tpu.memory_space<vmem>>
      %dma_start3A_111 = tpu.memref_squeeze %dma_start3A_110 : memref<1x2x128xi32, #tpu.memory_space<vmem>> -> memref<2x128xi32, #tpu.memory_space<vmem>>
      %dma_start3A_112 = arith.constant 0 : i32
      %dma_start3A_113 = tpu.memref_slice %dma_start3A_111[%dma_start3A_99, %dma_start3A_112] : memref<2x128xi32, #tpu.memory_space<vmem>> -> memref<1x128xi32, #tpu.memory_space<vmem>>
      %dma_start3A_114 = tpu.memref_squeeze %dma_start3A_113 : memref<1x128xi32, #tpu.memory_space<vmem>> -> memref<128xi32, #tpu.memory_space<vmem>>
      %dma_start3A_115 = arith.constant 0 : i32
      %dma_start3A_116 = tpu.memref_slice %dma_start3A_114[%dma_start3A_115] : memref<128xi32, #tpu.memory_space<vmem>> -> memref<64xi32, #tpu.memory_space<vmem>>
      %dma_start3A_117 = arith.constant 0 : i32
      %dma_start3A_118 = arith.constant 0 : i32
      %dma_start3A_119 = tpu.memref_slice %arg2[%dma_start3A_117, %dma_start3A_118] : memref<10240x128xf32, #tpu.memory_space<hbm>> -> memref<10240x128xf32, #tpu.memory_space<hbm>>
      tpu.enqueue_indirect_dma source(%dma_start3A_119 : memref<10240x128xf32, #tpu.memory_space<hbm>>) target(%dma_start3A_107 : memref<64x128xf32, #tpu.memory_space<vmem>>) offsets(%dma_start3A_116 : memref<64xi32, #tpu.memory_space<vmem>>) semaphore(%arg11 : memref<!tpu.dma_semaphore, #tpu.memory_space<semaphore_mem>>)
      %dma_start3A_120 = arith.constant 1 : i32
      %dma_start3A_121 = arith.constant 0 : i32
      %dma_start3A_122 = arith.constant 1 : i32
      %dma_start3A_123 = arith.constant 0 : i32
      %dma_start3A_124 = arith.constant 0 : i32
      %dma_start3A_125 = tpu.memref_slice %arg7[%dma_start3A_122, %dma_start3A_123, %dma_start3A_124] : memref<2x128x128xf32, #tpu.memory_space<vmem>> -> memref<1x128x128xf32, #tpu.memory_space<vmem>>
      %dma_start3A_126 = tpu.memref_squeeze %dma_start3A_125 : memref<1x128x128xf32, #tpu.memory_space<vmem>> -> memref<128x128xf32, #tpu.memory_space<vmem>>
      %dma_start3A_127 = arith.constant 64 : i32
      %dma_start3A_128 = arith.constant 0 : i32
      %dma_start3A_129 = tpu.memref_slice %dma_start3A_126[%dma_start3A_127, %dma_start3A_128] : memref<128x128xf32, #tpu.memory_space<vmem>> -> memref<64x128xf32, #tpu.memory_space<vmem>>
      %dma_start3A_130 = arith.constant 0 : i32
      %dma_start3A_131 = arith.constant 0 : i32
      %dma_start3A_132 = tpu.memref_slice %arg6[%dma_start3A_120, %dma_start3A_130, %dma_start3A_131] : memref<2x2x128xi32, #tpu.memory_space<vmem>> -> memref<1x2x128xi32, #tpu.memory_space<vmem>>
      %dma_start3A_133 = tpu.memref_squeeze %dma_start3A_132 : memref<1x2x128xi32, #tpu.memory_space<vmem>> -> memref<2x128xi32, #tpu.memory_space<vmem>>
      %dma_start3A_134 = arith.constant 0 : i32
      %dma_start3A_135 = tpu.memref_slice %dma_start3A_133[%dma_start3A_121, %dma_start3A_134] : memref<2x128xi32, #tpu.memory_space<vmem>> -> memref<1x128xi32, #tpu.memory_space<vmem>>
      %dma_start3A_136 = tpu.memref_squeeze %dma_start3A_135 : memref<1x128xi32, #tpu.memory_space<vmem>> -> memref<128xi32, #tpu.memory_space<vmem>>
      %dma_start3A_137 = arith.constant 64 : i32
      %dma_start3A_138 = tpu.memref_slice %dma_start3A_136[%dma_start3A_137] : memref<128xi32, #tpu.memory_space<vmem>> -> memref<64xi32, #tpu.memory_space<vmem>>
      %dma_start3A_139 = arith.constant 0 : i32
      %dma_start3A_140 = arith.constant 0 : i32
      %dma_start3A_141 = tpu.memref_slice %arg2[%dma_start3A_139, %dma_start3A_140] : memref<10240x128xf32, #tpu.memory_space<hbm>> -> memref<10240x128xf32, #tpu.memory_space<hbm>>
      tpu.enqueue_indirect_dma source(%dma_start3A_141 : memref<10240x128xf32, #tpu.memory_space<hbm>>) target(%dma_start3A_129 : memref<64x128xf32, #tpu.memory_space<vmem>>) offsets(%dma_start3A_138 : memref<64xi32, #tpu.memory_space<vmem>>) semaphore(%arg12 : memref<!tpu.dma_semaphore, #tpu.memory_space<semaphore_mem>>)
      %dma_wait3A_142 = arith.constant 0 : i32
      %dma_wait3A_143 = arith.constant 0 : i32
      %dma_wait3A_144 = arith.constant 0 : i32
      %dma_wait3A_145 = arith.constant 0 : i32
      %dma_wait3A_146 = arith.constant 0 : i32
      %dma_wait3A_147 = tpu.memref_slice %arg7[%dma_wait3A_144, %dma_wait3A_145, %dma_wait3A_146] : memref<2x128x128xf32, #tpu.memory_space<vmem>> -> memref<1x128x128xf32, #tpu.memory_space<vmem>>
      %dma_wait3A_148 = tpu.memref_squeeze %dma_wait3A_147 : memref<1x128x128xf32, #tpu.memory_space<vmem>> -> memref<128x128xf32, #tpu.memory_space<vmem>>
      %dma_wait3A_149 = arith.constant 0 : i32
      %dma_wait3A_150 = arith.constant 0 : i32
      %dma_wait3A_151 = tpu.memref_slice %dma_wait3A_148[%dma_wait3A_149, %dma_wait3A_150] : memref<128x128xf32, #tpu.memory_space<vmem>> -> memref<64x128xf32, #tpu.memory_space<vmem>>
      %dma_wait3A_152 = arith.constant 0 : i32
      %dma_wait3A_153 = arith.constant 0 : i32
      %dma_wait3A_154 = tpu.memref_slice %arg6[%dma_wait3A_142, %dma_wait3A_152, %dma_wait3A_153] : memref<2x2x128xi32, #tpu.memory_space<vmem>> -> memref<1x2x128xi32, #tpu.memory_space<vmem>>
      %dma_wait3A_155 = tpu.memref_squeeze %dma_wait3A_154 : memref<1x2x128xi32, #tpu.memory_space<vmem>> -> memref<2x128xi32, #tpu.memory_space<vmem>>
      %dma_wait3A_156 = arith.constant 0 : i32
      %dma_wait3A_157 = tpu.memref_slice %dma_wait3A_155[%dma_wait3A_143, %dma_wait3A_156] : memref<2x128xi32, #tpu.memory_space<vmem>> -> memref<1x128xi32, #tpu.memory_space<vmem>>
      %dma_wait3A_158 = tpu.memref_squeeze %dma_wait3A_157 : memref<1x128xi32, #tpu.memory_space<vmem>> -> memref<128xi32, #tpu.memory_space<vmem>>
      %dma_wait3A_159 = arith.constant 0 : i32
      %dma_wait3A_160 = tpu.memref_slice %dma_wait3A_158[%dma_wait3A_159] : memref<128xi32, #tpu.memory_space<vmem>> -> memref<64xi32, #tpu.memory_space<vmem>>
      %dma_wait3A_161 = arith.constant 0 : i32
      %dma_wait3A_162 = arith.constant 0 : i32
      %dma_wait3A_163 = tpu.memref_slice %arg2[%dma_wait3A_161, %dma_wait3A_162] : memref<10240x128xf32, #tpu.memory_space<hbm>> -> memref<10240x128xf32, #tpu.memory_space<hbm>>
      tpu.wait_indirect_dma semaphore(%arg9 : memref<!tpu.dma_semaphore, #tpu.memory_space<semaphore_mem>>) src(%dma_wait3A_163 : memref<10240x128xf32, #tpu.memory_space<hbm>>) dst(%dma_wait3A_151 : memref<64x128xf32, #tpu.memory_space<vmem>>)
      %dma_wait3A_164 = arith.constant 0 : i32
      %dma_wait3A_165 = arith.constant 0 : i32
      %dma_wait3A_166 = arith.constant 0 : i32
      %dma_wait3A_167 = arith.constant 0 : i32
      %dma_wait3A_168 = arith.constant 0 : i32
      %dma_wait3A_169 = tpu.memref_slice %arg7[%dma_wait3A_166, %dma_wait3A_167, %dma_wait3A_168] : memref<2x128x128xf32, #tpu.memory_space<vmem>> -> memref<1x128x128xf32, #tpu.memory_space<vmem>>
      %dma_wait3A_170 = tpu.memref_squeeze %dma_wait3A_169 : memref<1x128x128xf32, #tpu.memory_space<vmem>> -> memref<128x128xf32, #tpu.memory_space<vmem>>
      %dma_wait3A_171 = arith.constant 64 : i32
      %dma_wait3A_172 = arith.constant 0 : i32
      %dma_wait3A_173 = tpu.memref_slice %dma_wait3A_170[%dma_wait3A_171, %dma_wait3A_172] : memref<128x128xf32, #tpu.memory_space<vmem>> -> memref<64x128xf32, #tpu.memory_space<vmem>>
      %dma_wait3A_174 = arith.constant 0 : i32
      %dma_wait3A_175 = arith.constant 0 : i32
      %dma_wait3A_176 = tpu.memref_slice %arg6[%dma_wait3A_164, %dma_wait3A_174, %dma_wait3A_175] : memref<2x2x128xi32, #tpu.memory_space<vmem>> -> memref<1x2x128xi32, #tpu.memory_space<vmem>>
      %dma_wait3A_177 = tpu.memref_squeeze %dma_wait3A_176 : memref<1x2x128xi32, #tpu.memory_space<vmem>> -> memref<2x128xi32, #tpu.memory_space<vmem>>
      %dma_wait3A_178 = arith.constant 0 : i32
      %dma_wait3A_179 = tpu.memref_slice %dma_wait3A_177[%dma_wait3A_165, %dma_wait3A_178] : memref<2x128xi32, #tpu.memory_space<vmem>> -> memref<1x128xi32, #tpu.memory_space<vmem>>
      %dma_wait3A_180 = tpu.memref_squeeze %dma_wait3A_179 : memref<1x128xi32, #tpu.memory_space<vmem>> -> memref<128xi32, #tpu.memory_space<vmem>>
      %dma_wait3A_181 = arith.constant 64 : i32
      %dma_wait3A_182 = tpu.memref_slice %dma_wait3A_180[%dma_wait3A_181] : memref<128xi32, #tpu.memory_space<vmem>> -> memref<64xi32, #tpu.memory_space<vmem>>
      %dma_wait3A_183 = arith.constant 0 : i32
      %dma_wait3A_184 = arith.constant 0 : i32
      %dma_wait3A_185 = tpu.memref_slice %arg2[%dma_wait3A_183, %dma_wait3A_184] : memref<10240x128xf32, #tpu.memory_space<hbm>> -> memref<10240x128xf32, #tpu.memory_space<hbm>>
      tpu.wait_indirect_dma semaphore(%arg10 : memref<!tpu.dma_semaphore, #tpu.memory_space<semaphore_mem>>) src(%dma_wait3A_185 : memref<10240x128xf32, #tpu.memory_space<hbm>>) dst(%dma_wait3A_173 : memref<64x128xf32, #tpu.memory_space<vmem>>)
      %run_scoped3A = arith.constant 0 : i32
      %run_scoped3A_186 = arith.constant 0 : i32
      %run_scoped3A_187 = arith.constant 1 : i32
      "tpu.region"() ({
        %run_scoped3A_244 = tpu.sem_alloc : memref<!tpu.dma_semaphore, #tpu.memory_space<semaphore_mem>>
        %dma_start3A_245 = arith.constant 0 : i32
        %dma_start3A_246 = arith.constant 0 : i32
        %dma_start3A_247 = tpu.memref_slice %arg7[%run_scoped3A, %dma_start3A_245, %dma_start3A_246] : memref<2x128x128xf32, #tpu.memory_space<vmem>> -> memref<1x128x128xf32, #tpu.memory_space<vmem>>
        %dma_start3A_248 = tpu.memref_squeeze %dma_start3A_247 : memref<1x128x128xf32, #tpu.memory_space<vmem>> -> memref<128x128xf32, #tpu.memory_space<vmem>>
        %dma_start3A_249 = arith.constant 0 : i32
        %dma_start3A_250 = arith.constant 0 : i32
        %dma_start3A_251 = tpu.memref_slice %arg6[%run_scoped3A_186, %dma_start3A_249, %dma_start3A_250] : memref<2x2x128xi32, #tpu.memory_space<vmem>> -> memref<1x2x128xi32, #tpu.memory_space<vmem>>
        %dma_start3A_252 = tpu.memref_squeeze %dma_start3A_251 : memref<1x2x128xi32, #tpu.memory_space<vmem>> -> memref<2x128xi32, #tpu.memory_space<vmem>>
        %dma_start3A_253 = arith.constant 0 : i32
        %dma_start3A_254 = tpu.memref_slice %dma_start3A_252[%run_scoped3A_187, %dma_start3A_253] : memref<2x128xi32, #tpu.memory_space<vmem>> -> memref<1x128xi32, #tpu.memory_space<vmem>>
        %dma_start3A_255 = tpu.memref_squeeze %dma_start3A_254 : memref<1x128xi32, #tpu.memory_space<vmem>> -> memref<128xi32, #tpu.memory_space<vmem>>
        %dma_start3A_256 = arith.constant 0 : i32
        %dma_start3A_257 = arith.constant 0 : i32
        %dma_start3A_258 = tpu.memref_slice %arg8[%dma_start3A_256, %dma_start3A_257] : memref<10240x128xf32, #tpu.memory_space<vmem_shared>> -> memref<10240x128xf32, #tpu.memory_space<vmem_shared>>
        tpu.enqueue_indirect_dma source(%dma_start3A_248 : memref<128x128xf32, #tpu.memory_space<vmem>>) target(%dma_start3A_258 : memref<10240x128xf32, #tpu.memory_space<vmem_shared>>) offsets(%dma_start3A_255 : memref<128xi32, #tpu.memory_space<vmem>>) semaphore(%run_scoped3A_244 : memref<!tpu.dma_semaphore, #tpu.memory_space<semaphore_mem>>) {add = true}
        %dma_wait3A_259 = arith.constant 0 : i32
        %dma_wait3A_260 = arith.constant 0 : i32
        %dma_wait3A_261 = tpu.memref_slice %arg7[%run_scoped3A, %dma_wait3A_259, %dma_wait3A_260] : memref<2x128x128xf32, #tpu.memory_space<vmem>> -> memref<1x128x128xf32, #tpu.memory_space<vmem>>
        %dma_wait3A_262 = tpu.memref_squeeze %dma_wait3A_261 : memref<1x128x128xf32, #tpu.memory_space<vmem>> -> memref<128x128xf32, #tpu.memory_space<vmem>>
        %dma_wait3A_263 = arith.constant 0 : i32
        %dma_wait3A_264 = arith.constant 0 : i32
        %dma_wait3A_265 = tpu.memref_slice %arg6[%run_scoped3A_186, %dma_wait3A_263, %dma_wait3A_264] : memref<2x2x128xi32, #tpu.memory_space<vmem>> -> memref<1x2x128xi32, #tpu.memory_space<vmem>>
        %dma_wait3A_266 = tpu.memref_squeeze %dma_wait3A_265 : memref<1x2x128xi32, #tpu.memory_space<vmem>> -> memref<2x128xi32, #tpu.memory_space<vmem>>
        %dma_wait3A_267 = arith.constant 0 : i32
        %dma_wait3A_268 = tpu.memref_slice %dma_wait3A_266[%run_scoped3A_187, %dma_wait3A_267] : memref<2x128xi32, #tpu.memory_space<vmem>> -> memref<1x128xi32, #tpu.memory_space<vmem>>
        %dma_wait3A_269 = tpu.memref_squeeze %dma_wait3A_268 : memref<1x128xi32, #tpu.memory_space<vmem>> -> memref<128xi32, #tpu.memory_space<vmem>>
        %dma_wait3A_270 = arith.constant 0 : i32
        %dma_wait3A_271 = arith.constant 0 : i32
        %dma_wait3A_272 = tpu.memref_slice %arg8[%dma_wait3A_270, %dma_wait3A_271] : memref<10240x128xf32, #tpu.memory_space<vmem_shared>> -> memref<10240x128xf32, #tpu.memory_space<vmem_shared>>
        tpu.wait_indirect_dma semaphore(%run_scoped3A_244 : memref<!tpu.dma_semaphore, #tpu.memory_space<semaphore_mem>>) src(%dma_wait3A_262 : memref<128x128xf32, #tpu.memory_space<vmem>>) dst(%dma_wait3A_272 : memref<10240x128xf32, #tpu.memory_space<vmem_shared>>)
        tpu.yield
      }) : () -> ()
      %convert_element_type3A_188 = arith.extui %lt3A : i1 to i32
      %cond3A_189 = arith.constant 0 : i32
      %cond3A_190 = arith.cmpi ne, %convert_element_type3A_188, %cond3A_189 : i32
      scf.if %cond3A_190 {
        %add3A_244 = arith.constant 2 : i32
        %add3A_245 = arith.addi %add3A_54, %add3A_244 : i32
        %dma_start3A_246 = arith.constant 0 : i32
        %dma_start3A_247 = arith.constant 0 : i32
        %dma_start3A_248 = arith.constant 0 : i32
        %dma_start3A_249 = tpu.memref_slice %arg6[%dma_start3A_246, %dma_start3A_247, %dma_start3A_248] : memref<2x2x128xi32, #tpu.memory_space<vmem>> -> memref<1x2x128xi32, #tpu.memory_space<vmem>>
        %dma_start3A_250 = tpu.memref_squeeze %dma_start3A_249 : memref<1x2x128xi32, #tpu.memory_space<vmem>> -> memref<2x128xi32, #tpu.memory_space<vmem>>
        %dma_start3A_251 = arith.constant 0 : i32
        %dma_start3A_252 = arith.constant 0 : i32
        %dma_start3A_253 = tpu.memref_slice %arg3[%add3A_245, %dma_start3A_251, %dma_start3A_252] : memref<2560x2x128xi32, #tpu.memory_space<hbm>> -> memref<1x2x128xi32, #tpu.memory_space<hbm>>
        %dma_start3A_254 = tpu.memref_squeeze %dma_start3A_253 : memref<1x2x128xi32, #tpu.memory_space<hbm>> -> memref<2x128xi32, #tpu.memory_space<hbm>>
        %dma_start3A_255 = arith.constant 0 : i32
        %dma_start3A_256 = arith.constant 0 : i32
        %dma_start3A_257 = tpu.memref_slice %arg6[%dma_start3A_246, %dma_start3A_255, %dma_start3A_256] : memref<2x2x128xi32, #tpu.memory_space<vmem>> -> memref<1x2x128xi32, #tpu.memory_space<vmem>>
        %dma_start3A_258 = tpu.memref_squeeze %dma_start3A_257 : memref<1x2x128xi32, #tpu.memory_space<vmem>> -> memref<2x128xi32, #tpu.memory_space<vmem>>
        %dma_start3A_259 = arith.constant 0 : i32
        %dma_start3A_260 = arith.constant 0 : i32
        %dma_start3A_261 = tpu.memref_slice %arg3[%add3A_245, %dma_start3A_259, %dma_start3A_260] : memref<2560x2x128xi32, #tpu.memory_space<hbm>> -> memref<1x2x128xi32, #tpu.memory_space<hbm>>
        %dma_start3A_262 = tpu.memref_squeeze %dma_start3A_261 : memref<1x2x128xi32, #tpu.memory_space<hbm>> -> memref<2x128xi32, #tpu.memory_space<hbm>>
        tpu.enqueue_dma source(%dma_start3A_262 : memref<2x128xi32, #tpu.memory_space<hbm>>) target(%dma_start3A_258 : memref<2x128xi32, #tpu.memory_space<vmem>>) target_semaphore(%arg13 : memref<!tpu.dma_semaphore, #tpu.memory_space<semaphore_mem>>)
        %add3A_263 = arith.constant 2 : i32
        %add3A_264 = arith.addi %add3A_54, %add3A_263 : i32
        %dma_wait3A_265 = arith.constant 0 : i32
        %dma_wait3A_266 = arith.constant 0 : i32
        %dma_wait3A_267 = arith.constant 0 : i32
        %dma_wait3A_268 = tpu.memref_slice %arg6[%dma_wait3A_265, %dma_wait3A_266, %dma_wait3A_267] : memref<2x2x128xi32, #tpu.memory_space<vmem>> -> memref<1x2x128xi32, #tpu.memory_space<vmem>>
        %dma_wait3A_269 = tpu.memref_squeeze %dma_wait3A_268 : memref<1x2x128xi32, #tpu.memory_space<vmem>> -> memref<2x128xi32, #tpu.memory_space<vmem>>
        %dma_wait3A_270 = arith.constant 0 : i32
        %dma_wait3A_271 = arith.constant 0 : i32
        %dma_wait3A_272 = tpu.memref_slice %arg3[%add3A_264, %dma_wait3A_270, %dma_wait3A_271] : memref<2560x2x128xi32, #tpu.memory_space<hbm>> -> memref<1x2x128xi32, #tpu.memory_space<hbm>>
        %dma_wait3A_273 = tpu.memref_squeeze %dma_wait3A_272 : memref<1x2x128xi32, #tpu.memory_space<hbm>> -> memref<2x128xi32, #tpu.memory_space<hbm>>
        %dma_wait3A_274 = arith.constant 0 : i32
        %dma_wait3A_275 = arith.constant 0 : i32
        %dma_wait3A_276 = tpu.memref_slice %arg6[%dma_wait3A_265, %dma_wait3A_274, %dma_wait3A_275] : memref<2x2x128xi32, #tpu.memory_space<vmem>> -> memref<1x2x128xi32, #tpu.memory_space<vmem>>
        %dma_wait3A_277 = tpu.memref_squeeze %dma_wait3A_276 : memref<1x2x128xi32, #tpu.memory_space<vmem>> -> memref<2x128xi32, #tpu.memory_space<vmem>>
        %dma_wait3A_278 = arith.constant 0 : i32
        %dma_wait3A_279 = arith.constant 0 : i32
        %dma_wait3A_280 = tpu.memref_slice %arg3[%add3A_264, %dma_wait3A_278, %dma_wait3A_279] : memref<2560x2x128xi32, #tpu.memory_space<hbm>> -> memref<1x2x128xi32, #tpu.memory_space<hbm>>
        %dma_wait3A_281 = tpu.memref_squeeze %dma_wait3A_280 : memref<1x2x128xi32, #tpu.memory_space<hbm>> -> memref<2x128xi32, #tpu.memory_space<hbm>>
        tpu.wait_dma2 semaphore(%arg13 : memref<!tpu.dma_semaphore, #tpu.memory_space<semaphore_mem>>) src(%dma_wait3A_281 : memref<2x128xi32, #tpu.memory_space<hbm>>) dst(%dma_wait3A_277 : memref<2x128xi32, #tpu.memory_space<vmem>>)
      } else {
      }
      %dma_wait3A_191 = arith.constant 1 : i32
      %dma_wait3A_192 = arith.constant 0 : i32
      %dma_wait3A_193 = arith.constant 1 : i32
      %dma_wait3A_194 = arith.constant 0 : i32
      %dma_wait3A_195 = arith.constant 0 : i32
      %dma_wait3A_196 = tpu.memref_slice %arg7[%dma_wait3A_193, %dma_wait3A_194, %dma_wait3A_195] : memref<2x128x128xf32, #tpu.memory_space<vmem>> -> memref<1x128x128xf32, #tpu.memory_space<vmem>>
      %dma_wait3A_197 = tpu.memref_squeeze %dma_wait3A_196 : memref<1x128x128xf32, #tpu.memory_space<vmem>> -> memref<128x128xf32, #tpu.memory_space<vmem>>
      %dma_wait3A_198 = arith.constant 0 : i32
      %dma_wait3A_199 = arith.constant 0 : i32
      %dma_wait3A_200 = tpu.memref_slice %dma_wait3A_197[%dma_wait3A_198, %dma_wait3A_199] : memref<128x128xf32, #tpu.memory_space<vmem>> -> memref<64x128xf32, #tpu.memory_space<vmem>>
      %dma_wait3A_201 = arith.constant 0 : i32
      %dma_wait3A_202 = arith.constant 0 : i32
      %dma_wait3A_203 = tpu.memref_slice %arg6[%dma_wait3A_191, %dma_wait3A_201, %dma_wait3A_202] : memref<2x2x128xi32, #tpu.memory_space<vmem>> -> memref<1x2x128xi32, #tpu.memory_space<vmem>>
      %dma_wait3A_204 = tpu.memref_squeeze %dma_wait3A_203 : memref<1x2x128xi32, #tpu.memory_space<vmem>> -> memref<2x128xi32, #tpu.memory_space<vmem>>
      %dma_wait3A_205 = arith.constant 0 : i32
      %dma_wait3A_206 = tpu.memref_slice %dma_wait3A_204[%dma_wait3A_192, %dma_wait3A_205] : memref<2x128xi32, #tpu.memory_space<vmem>> -> memref<1x128xi32, #tpu.memory_space<vmem>>
      %dma_wait3A_207 = tpu.memref_squeeze %dma_wait3A_206 : memref<1x128xi32, #tpu.memory_space<vmem>> -> memref<128xi32, #tpu.memory_space<vmem>>
      %dma_wait3A_208 = arith.constant 0 : i32
      %dma_wait3A_209 = tpu.memref_slice %dma_wait3A_207[%dma_wait3A_208] : memref<128xi32, #tpu.memory_space<vmem>> -> memref<64xi32, #tpu.memory_space<vmem>>
      %dma_wait3A_210 = arith.constant 0 : i32
      %dma_wait3A_211 = arith.constant 0 : i32
      %dma_wait3A_212 = tpu.memref_slice %arg2[%dma_wait3A_210, %dma_wait3A_211] : memref<10240x128xf32, #tpu.memory_space<hbm>> -> memref<10240x128xf32, #tpu.memory_space<hbm>>
      tpu.wait_indirect_dma semaphore(%arg11 : memref<!tpu.dma_semaphore, #tpu.memory_space<semaphore_mem>>) src(%dma_wait3A_212 : memref<10240x128xf32, #tpu.memory_space<hbm>>) dst(%dma_wait3A_200 : memref<64x128xf32, #tpu.memory_space<vmem>>)
      %dma_wait3A_213 = arith.constant 1 : i32
      %dma_wait3A_214 = arith.constant 0 : i32
      %dma_wait3A_215 = arith.constant 1 : i32
      %dma_wait3A_216 = arith.constant 0 : i32
      %dma_wait3A_217 = arith.constant 0 : i32
      %dma_wait3A_218 = tpu.memref_slice %arg7[%dma_wait3A_215, %dma_wait3A_216, %dma_wait3A_217] : memref<2x128x128xf32, #tpu.memory_space<vmem>> -> memref<1x128x128xf32, #tpu.memory_space<vmem>>
      %dma_wait3A_219 = tpu.memref_squeeze %dma_wait3A_218 : memref<1x128x128xf32, #tpu.memory_space<vmem>> -> memref<128x128xf32, #tpu.memory_space<vmem>>
      %dma_wait3A_220 = arith.constant 64 : i32
      %dma_wait3A_221 = arith.constant 0 : i32
      %dma_wait3A_222 = tpu.memref_slice %dma_wait3A_219[%dma_wait3A_220, %dma_wait3A_221] : memref<128x128xf32, #tpu.memory_space<vmem>> -> memref<64x128xf32, #tpu.memory_space<vmem>>
      %dma_wait3A_223 = arith.constant 0 : i32
      %dma_wait3A_224 = arith.constant 0 : i32
      %dma_wait3A_225 = tpu.memref_slice %arg6[%dma_wait3A_213, %dma_wait3A_223, %dma_wait3A_224] : memref<2x2x128xi32, #tpu.memory_space<vmem>> -> memref<1x2x128xi32, #tpu.memory_space<vmem>>
      %dma_wait3A_226 = tpu.memref_squeeze %dma_wait3A_225 : memref<1x2x128xi32, #tpu.memory_space<vmem>> -> memref<2x128xi32, #tpu.memory_space<vmem>>
      %dma_wait3A_227 = arith.constant 0 : i32
      %dma_wait3A_228 = tpu.memref_slice %dma_wait3A_226[%dma_wait3A_214, %dma_wait3A_227] : memref<2x128xi32, #tpu.memory_space<vmem>> -> memref<1x128xi32, #tpu.memory_space<vmem>>
      %dma_wait3A_229 = tpu.memref_squeeze %dma_wait3A_228 : memref<1x128xi32, #tpu.memory_space<vmem>> -> memref<128xi32, #tpu.memory_space<vmem>>
      %dma_wait3A_230 = arith.constant 64 : i32
      %dma_wait3A_231 = tpu.memref_slice %dma_wait3A_229[%dma_wait3A_230] : memref<128xi32, #tpu.memory_space<vmem>> -> memref<64xi32, #tpu.memory_space<vmem>>
      %dma_wait3A_232 = arith.constant 0 : i32
      %dma_wait3A_233 = arith.constant 0 : i32
      %dma_wait3A_234 = tpu.memref_slice %arg2[%dma_wait3A_232, %dma_wait3A_233] : memref<10240x128xf32, #tpu.memory_space<hbm>> -> memref<10240x128xf32, #tpu.memory_space<hbm>>
      tpu.wait_indirect_dma semaphore(%arg12 : memref<!tpu.dma_semaphore, #tpu.memory_space<semaphore_mem>>) src(%dma_wait3A_234 : memref<10240x128xf32, #tpu.memory_space<hbm>>) dst(%dma_wait3A_222 : memref<64x128xf32, #tpu.memory_space<vmem>>)
      %convert_element_type3A_235 = arith.extui %lt3A : i1 to i32
      %cond3A_236 = arith.constant 0 : i32
      %cond3A_237 = arith.cmpi ne, %convert_element_type3A_235, %cond3A_236 : i32
      scf.if %cond3A_237 {
        %dma_start3A_244 = arith.constant 0 : i32
        %dma_start3A_245 = arith.constant 0 : i32
        %dma_start3A_246 = arith.constant 0 : i32
        %dma_start3A_247 = arith.constant 0 : i32
        %dma_start3A_248 = arith.constant 0 : i32
        %dma_start3A_249 = tpu.memref_slice %arg7[%dma_start3A_246, %dma_start3A_247, %dma_start3A_248] : memref<2x128x128xf32, #tpu.memory_space<vmem>> -> memref<1x128x128xf32, #tpu.memory_space<vmem>>
        %dma_start3A_250 = tpu.memref_squeeze %dma_start3A_249 : memref<1x128x128xf32, #tpu.memory_space<vmem>> -> memref<128x128xf32, #tpu.memory_space<vmem>>
        %dma_start3A_251 = arith.constant 0 : i32
        %dma_start3A_252 = arith.constant 0 : i32
        %dma_start3A_253 = tpu.memref_slice %dma_start3A_250[%dma_start3A_251, %dma_start3A_252] : memref<128x128xf32, #tpu.memory_space<vmem>> -> memref<64x128xf32, #tpu.memory_space<vmem>>
        %dma_start3A_254 = arith.constant 0 : i32
        %dma_start3A_255 = arith.constant 0 : i32
        %dma_start3A_256 = tpu.memref_slice %arg6[%dma_start3A_244, %dma_start3A_254, %dma_start3A_255] : memref<2x2x128xi32, #tpu.memory_space<vmem>> -> memref<1x2x128xi32, #tpu.memory_space<vmem>>
        %dma_start3A_257 = tpu.memref_squeeze %dma_start3A_256 : memref<1x2x128xi32, #tpu.memory_space<vmem>> -> memref<2x128xi32, #tpu.memory_space<vmem>>
        %dma_start3A_258 = arith.constant 0 : i32
        %dma_start3A_259 = tpu.memref_slice %dma_start3A_257[%dma_start3A_245, %dma_start3A_258] : memref<2x128xi32, #tpu.memory_space<vmem>> -> memref<1x128xi32, #tpu.memory_space<vmem>>
        %dma_start3A_260 = tpu.memref_squeeze %dma_start3A_259 : memref<1x128xi32, #tpu.memory_space<vmem>> -> memref<128xi32, #tpu.memory_space<vmem>>
        %dma_start3A_261 = arith.constant 0 : i32
        %dma_start3A_262 = tpu.memref_slice %dma_start3A_260[%dma_start3A_261] : memref<128xi32, #tpu.memory_space<vmem>> -> memref<64xi32, #tpu.memory_space<vmem>>
        %dma_start3A_263 = arith.constant 0 : i32
        %dma_start3A_264 = arith.constant 0 : i32
        %dma_start3A_265 = tpu.memref_slice %arg2[%dma_start3A_263, %dma_start3A_264] : memref<10240x128xf32, #tpu.memory_space<hbm>> -> memref<10240x128xf32, #tpu.memory_space<hbm>>
        tpu.enqueue_indirect_dma source(%dma_start3A_265 : memref<10240x128xf32, #tpu.memory_space<hbm>>) target(%dma_start3A_253 : memref<64x128xf32, #tpu.memory_space<vmem>>) offsets(%dma_start3A_262 : memref<64xi32, #tpu.memory_space<vmem>>) semaphore(%arg9 : memref<!tpu.dma_semaphore, #tpu.memory_space<semaphore_mem>>)
        %dma_start3A_266 = arith.constant 0 : i32
        %dma_start3A_267 = arith.constant 0 : i32
        %dma_start3A_268 = arith.constant 0 : i32
        %dma_start3A_269 = arith.constant 0 : i32
        %dma_start3A_270 = arith.constant 0 : i32
        %dma_start3A_271 = tpu.memref_slice %arg7[%dma_start3A_268, %dma_start3A_269, %dma_start3A_270] : memref<2x128x128xf32, #tpu.memory_space<vmem>> -> memref<1x128x128xf32, #tpu.memory_space<vmem>>
        %dma_start3A_272 = tpu.memref_squeeze %dma_start3A_271 : memref<1x128x128xf32, #tpu.memory_space<vmem>> -> memref<128x128xf32, #tpu.memory_space<vmem>>
        %dma_start3A_273 = arith.constant 64 : i32
        %dma_start3A_274 = arith.constant 0 : i32
        %dma_start3A_275 = tpu.memref_slice %dma_start3A_272[%dma_start3A_273, %dma_start3A_274] : memref<128x128xf32, #tpu.memory_space<vmem>> -> memref<64x128xf32, #tpu.memory_space<vmem>>
        %dma_start3A_276 = arith.constant 0 : i32
        %dma_start3A_277 = arith.constant 0 : i32
        %dma_start3A_278 = tpu.memref_slice %arg6[%dma_start3A_266, %dma_start3A_276, %dma_start3A_277] : memref<2x2x128xi32, #tpu.memory_space<vmem>> -> memref<1x2x128xi32, #tpu.memory_space<vmem>>
        %dma_start3A_279 = tpu.memref_squeeze %dma_start3A_278 : memref<1x2x128xi32, #tpu.memory_space<vmem>> -> memref<2x128xi32, #tpu.memory_space<vmem>>
        %dma_start3A_280 = arith.constant 0 : i32
        %dma_start3A_281 = tpu.memref_slice %dma_start3A_279[%dma_start3A_267, %dma_start3A_280] : memref<2x128xi32, #tpu.memory_space<vmem>> -> memref<1x128xi32, #tpu.memory_space<vmem>>
        %dma_start3A_282 = tpu.memref_squeeze %dma_start3A_281 : memref<1x128xi32, #tpu.memory_space<vmem>> -> memref<128xi32, #tpu.memory_space<vmem>>
        %dma_start3A_283 = arith.constant 64 : i32
        %dma_start3A_284 = tpu.memref_slice %dma_start3A_282[%dma_start3A_283] : memref<128xi32, #tpu.memory_space<vmem>> -> memref<64xi32, #tpu.memory_space<vmem>>
        %dma_start3A_285 = arith.constant 0 : i32
        %dma_start3A_286 = arith.constant 0 : i32
        %dma_start3A_287 = tpu.memref_slice %arg2[%dma_start3A_285, %dma_start3A_286] : memref<10240x128xf32, #tpu.memory_space<hbm>> -> memref<10240x128xf32, #tpu.memory_space<hbm>>
        tpu.enqueue_indirect_dma source(%dma_start3A_287 : memref<10240x128xf32, #tpu.memory_space<hbm>>) target(%dma_start3A_275 : memref<64x128xf32, #tpu.memory_space<vmem>>) offsets(%dma_start3A_284 : memref<64xi32, #tpu.memory_space<vmem>>) semaphore(%arg10 : memref<!tpu.dma_semaphore, #tpu.memory_space<semaphore_mem>>)
      } else {
      }
      %run_scoped3A_238 = arith.constant 1 : i32
      %run_scoped3A_239 = arith.constant 1 : i32
      %run_scoped3A_240 = arith.constant 1 : i32
      "tpu.region"() ({
        %run_scoped3A_244 = tpu.sem_alloc : memref<!tpu.dma_semaphore, #tpu.memory_space<semaphore_mem>>
        %dma_start3A_245 = arith.constant 0 : i32
        %dma_start3A_246 = arith.constant 0 : i32
        %dma_start3A_247 = tpu.memref_slice %arg7[%run_scoped3A_238, %dma_start3A_245, %dma_start3A_246] : memref<2x128x128xf32, #tpu.memory_space<vmem>> -> memref<1x128x128xf32, #tpu.memory_space<vmem>>
        %dma_start3A_248 = tpu.memref_squeeze %dma_start3A_247 : memref<1x128x128xf32, #tpu.memory_space<vmem>> -> memref<128x128xf32, #tpu.memory_space<vmem>>
        %dma_start3A_249 = arith.constant 0 : i32
        %dma_start3A_250 = arith.constant 0 : i32
        %dma_start3A_251 = tpu.memref_slice %arg6[%run_scoped3A_239, %dma_start3A_249, %dma_start3A_250] : memref<2x2x128xi32, #tpu.memory_space<vmem>> -> memref<1x2x128xi32, #tpu.memory_space<vmem>>
        %dma_start3A_252 = tpu.memref_squeeze %dma_start3A_251 : memref<1x2x128xi32, #tpu.memory_space<vmem>> -> memref<2x128xi32, #tpu.memory_space<vmem>>
        %dma_start3A_253 = arith.constant 0 : i32
        %dma_start3A_254 = tpu.memref_slice %dma_start3A_252[%run_scoped3A_240, %dma_start3A_253] : memref<2x128xi32, #tpu.memory_space<vmem>> -> memref<1x128xi32, #tpu.memory_space<vmem>>
        %dma_start3A_255 = tpu.memref_squeeze %dma_start3A_254 : memref<1x128xi32, #tpu.memory_space<vmem>> -> memref<128xi32, #tpu.memory_space<vmem>>
        %dma_start3A_256 = arith.constant 0 : i32
        %dma_start3A_257 = arith.constant 0 : i32
        %dma_start3A_258 = tpu.memref_slice %arg8[%dma_start3A_256, %dma_start3A_257] : memref<10240x128xf32, #tpu.memory_space<vmem_shared>> -> memref<10240x128xf32, #tpu.memory_space<vmem_shared>>
        tpu.enqueue_indirect_dma source(%dma_start3A_248 : memref<128x128xf32, #tpu.memory_space<vmem>>) target(%dma_start3A_258 : memref<10240x128xf32, #tpu.memory_space<vmem_shared>>) offsets(%dma_start3A_255 : memref<128xi32, #tpu.memory_space<vmem>>) semaphore(%run_scoped3A_244 : memref<!tpu.dma_semaphore, #tpu.memory_space<semaphore_mem>>) {add = true}
        %dma_wait3A_259 = arith.constant 0 : i32
        %dma_wait3A_260 = arith.constant 0 : i32
        %dma_wait3A_261 = tpu.memref_slice %arg7[%run_scoped3A_238, %dma_wait3A_259, %dma_wait3A_260] : memref<2x128x128xf32, #tpu.memory_space<vmem>> -> memref<1x128x128xf32, #tpu.memory_space<vmem>>
        %dma_wait3A_262 = tpu.memref_squeeze %dma_wait3A_261 : memref<1x128x128xf32, #tpu.memory_space<vmem>> -> memref<128x128xf32, #tpu.memory_space<vmem>>
        %dma_wait3A_263 = arith.constant 0 : i32
        %dma_wait3A_264 = arith.constant 0 : i32
        %dma_wait3A_265 = tpu.memref_slice %arg6[%run_scoped3A_239, %dma_wait3A_263, %dma_wait3A_264] : memref<2x2x128xi32, #tpu.memory_space<vmem>> -> memref<1x2x128xi32, #tpu.memory_space<vmem>>
        %dma_wait3A_266 = tpu.memref_squeeze %dma_wait3A_265 : memref<1x2x128xi32, #tpu.memory_space<vmem>> -> memref<2x128xi32, #tpu.memory_space<vmem>>
        %dma_wait3A_267 = arith.constant 0 : i32
        %dma_wait3A_268 = tpu.memref_slice %dma_wait3A_266[%run_scoped3A_240, %dma_wait3A_267] : memref<2x128xi32, #tpu.memory_space<vmem>> -> memref<1x128xi32, #tpu.memory_space<vmem>>
        %dma_wait3A_269 = tpu.memref_squeeze %dma_wait3A_268 : memref<1x128xi32, #tpu.memory_space<vmem>> -> memref<128xi32, #tpu.memory_space<vmem>>
        %dma_wait3A_270 = arith.constant 0 : i32
        %dma_wait3A_271 = arith.constant 0 : i32
        %dma_wait3A_272 = tpu.memref_slice %arg8[%dma_wait3A_270, %dma_wait3A_271] : memref<10240x128xf32, #tpu.memory_space<vmem_shared>> -> memref<10240x128xf32, #tpu.memory_space<vmem_shared>>
        tpu.wait_indirect_dma semaphore(%run_scoped3A_244 : memref<!tpu.dma_semaphore, #tpu.memory_space<semaphore_mem>>) src(%dma_wait3A_262 : memref<128x128xf32, #tpu.memory_space<vmem>>) dst(%dma_wait3A_272 : memref<10240x128xf32, #tpu.memory_space<vmem_shared>>)
        tpu.yield
      }) : () -> ()
      %convert_element_type3A_241 = arith.extui %lt3A : i1 to i32
      %cond3A_242 = arith.constant 0 : i32
      %cond3A_243 = arith.cmpi ne, %convert_element_type3A_241, %cond3A_242 : i32
      scf.if %cond3A_243 {
        %add3A_244 = arith.constant 3 : i32
        %add3A_245 = arith.addi %add3A_54, %add3A_244 : i32
        %dma_start3A_246 = arith.constant 1 : i32
        %dma_start3A_247 = arith.constant 0 : i32
        %dma_start3A_248 = arith.constant 0 : i32
        %dma_start3A_249 = tpu.memref_slice %arg6[%dma_start3A_246, %dma_start3A_247, %dma_start3A_248] : memref<2x2x128xi32, #tpu.memory_space<vmem>> -> memref<1x2x128xi32, #tpu.memory_space<vmem>>
        %dma_start3A_250 = tpu.memref_squeeze %dma_start3A_249 : memref<1x2x128xi32, #tpu.memory_space<vmem>> -> memref<2x128xi32, #tpu.memory_space<vmem>>
        %dma_start3A_251 = arith.constant 0 : i32
        %dma_start3A_252 = arith.constant 0 : i32
        %dma_start3A_253 = tpu.memref_slice %arg3[%add3A_245, %dma_start3A_251, %dma_start3A_252] : memref<2560x2x128xi32, #tpu.memory_space<hbm>> -> memref<1x2x128xi32, #tpu.memory_space<hbm>>
        %dma_start3A_254 = tpu.memref_squeeze %dma_start3A_253 : memref<1x2x128xi32, #tpu.memory_space<hbm>> -> memref<2x128xi32, #tpu.memory_space<hbm>>
        %dma_start3A_255 = arith.constant 0 : i32
        %dma_start3A_256 = arith.constant 0 : i32
        %dma_start3A_257 = tpu.memref_slice %arg6[%dma_start3A_246, %dma_start3A_255, %dma_start3A_256] : memref<2x2x128xi32, #tpu.memory_space<vmem>> -> memref<1x2x128xi32, #tpu.memory_space<vmem>>
        %dma_start3A_258 = tpu.memref_squeeze %dma_start3A_257 : memref<1x2x128xi32, #tpu.memory_space<vmem>> -> memref<2x128xi32, #tpu.memory_space<vmem>>
        %dma_start3A_259 = arith.constant 0 : i32
        %dma_start3A_260 = arith.constant 0 : i32
        %dma_start3A_261 = tpu.memref_slice %arg3[%add3A_245, %dma_start3A_259, %dma_start3A_260] : memref<2560x2x128xi32, #tpu.memory_space<hbm>> -> memref<1x2x128xi32, #tpu.memory_space<hbm>>
        %dma_start3A_262 = tpu.memref_squeeze %dma_start3A_261 : memref<1x2x128xi32, #tpu.memory_space<hbm>> -> memref<2x128xi32, #tpu.memory_space<hbm>>
        tpu.enqueue_dma source(%dma_start3A_262 : memref<2x128xi32, #tpu.memory_space<hbm>>) target(%dma_start3A_258 : memref<2x128xi32, #tpu.memory_space<vmem>>) target_semaphore(%arg14 : memref<!tpu.dma_semaphore, #tpu.memory_space<semaphore_mem>>)
      } else {
      }
    }
    %while3A_49 = arith.constant 1 : i32
    scf.for %while3A_51 = %while3A_47 to %while3A_43 step %while3A_49  : i32 {
      %mul3A_52 = arith.constant 2 : i32
      %mul3A_53 = arith.muli %mul3A_52, %while3A_51 : i32
      %add3A_54 = arith.addi %select_n3A_8, %mul3A_53 : i32
      %add3A_55 = arith.constant 1 : i32
      %add3A_56 = arith.addi %while3A_51, %add3A_55 : i32
      %jit3A_57 = arith.constant 2 : i32
      %div3A_58 = arith.divsi %select_n3A, %jit3A_57 : i32
      %sign3A_59 = arith.constant 0 : i32
      %sign3A_60 = arith.cmpi sgt, %select_n3A, %sign3A_59 : i32
      %sign3A_61 = arith.extui %sign3A_60 : i1 to i32
      %sign3A_62 = arith.constant 0 : i32
      %sign3A_63 = arith.cmpi slt, %select_n3A, %sign3A_62 : i32
      %sign3A_64 = arith.extui %sign3A_63 : i1 to i32
      %sign3A_65 = arith.subi %sign3A_61, %sign3A_64 : i32
      %sign3A_66 = arith.constant 0 : i32
      %sign3A_67 = arith.cmpi sgt, %jit3A_57, %sign3A_66 : i32
      %sign3A_68 = arith.extui %sign3A_67 : i1 to i32
      %sign3A_69 = arith.constant 0 : i32
      %sign3A_70 = arith.cmpi slt, %jit3A_57, %sign3A_69 : i32
      %sign3A_71 = arith.extui %sign3A_70 : i1 to i32
      %sign3A_72 = arith.subi %sign3A_68, %sign3A_71 : i32
      %ne3A_73 = arith.cmpi ne, %sign3A_65, %sign3A_72 : i32
      %rem3A_74 = arith.remsi %select_n3A, %jit3A_57 : i32
      %ne3A_75 = arith.constant 0 : i32
      %ne3A_76 = arith.cmpi ne, %rem3A_74, %ne3A_75 : i32
      %and3A_77 = arith.andi %ne3A_73, %ne3A_76 : i1
      %sub3A_78 = arith.constant 1 : i32
      %sub3A_79 = arith.subi %div3A_58, %sub3A_78 : i32
      %select_n3A_80 = arith.select %and3A_77, %sub3A_79, %div3A_58 : i32
      %lt3A = arith.cmpi slt, %add3A_56, %select_n3A_80 : i32
      %add3A_81 = arith.constant 1 : i32
      %add3A_82 = arith.addi %add3A_54, %add3A_81 : i32
      %dma_wait3A = arith.constant 1 : i32
      %dma_wait3A_83 = arith.constant 0 : i32
      %dma_wait3A_84 = arith.constant 0 : i32
      %dma_wait3A_85 = tpu.memref_slice %arg6[%dma_wait3A, %dma_wait3A_83, %dma_wait3A_84] : memref<2x2x128xi32, #tpu.memory_space<vmem>> -> memref<1x2x128xi32, #tpu.memory_space<vmem>>
      %dma_wait3A_86 = tpu.memref_squeeze %dma_wait3A_85 : memref<1x2x128xi32, #tpu.memory_space<vmem>> -> memref<2x128xi32, #tpu.memory_space<vmem>>
      %dma_wait3A_87 = arith.constant 0 : i32
      %dma_wait3A_88 = arith.constant 0 : i32
      %dma_wait3A_89 = tpu.memref_slice %arg3[%add3A_82, %dma_wait3A_87, %dma_wait3A_88] : memref<2560x2x128xi32, #tpu.memory_space<hbm>> -> memref<1x2x128xi32, #tpu.memory_space<hbm>>
      %dma_wait3A_90 = tpu.memref_squeeze %dma_wait3A_89 : memref<1x2x128xi32, #tpu.memory_space<hbm>> -> memref<2x128xi32, #tpu.memory_space<hbm>>
      %dma_wait3A_91 = arith.constant 0 : i32
      %dma_wait3A_92 = arith.constant 0 : i32
      %dma_wait3A_93 = tpu.memref_slice %arg6[%dma_wait3A, %dma_wait3A_91, %dma_wait3A_92] : memref<2x2x128xi32, #tpu.memory_space<vmem>> -> memref<1x2x128xi32, #tpu.memory_space<vmem>>
      %dma_wait3A_94 = tpu.memref_squeeze %dma_wait3A_93 : memref<1x2x128xi32, #tpu.memory_space<vmem>> -> memref<2x128xi32, #tpu.memory_space<vmem>>
      %dma_wait3A_95 = arith.constant 0 : i32
      %dma_wait3A_96 = arith.constant 0 : i32
      %dma_wait3A_97 = tpu.memref_slice %arg3[%add3A_82, %dma_wait3A_95, %dma_wait3A_96] : memref<2560x2x128xi32, #tpu.memory_space<hbm>> -> memref<1x2x128xi32, #tpu.memory_space<hbm>>
      %dma_wait3A_98 = tpu.memref_squeeze %dma_wait3A_97 : memref<1x2x128xi32, #tpu.memory_space<hbm>> -> memref<2x128xi32, #tpu.memory_space<hbm>>
      tpu.wait_dma2 semaphore(%arg14 : memref<!tpu.dma_semaphore, #tpu.memory_space<semaphore_mem>>) src(%dma_wait3A_98 : memref<2x128xi32, #tpu.memory_space<hbm>>) dst(%dma_wait3A_94 : memref<2x128xi32, #tpu.memory_space<vmem>>)
      %dma_start3A = arith.constant 1 : i32
      %dma_start3A_99 = arith.constant 0 : i32
      %dma_start3A_100 = arith.constant 1 : i32
      %dma_start3A_101 = arith.constant 0 : i32
      %dma_start3A_102 = arith.constant 0 : i32
      %dma_start3A_103 = tpu.memref_slice %arg7[%dma_start3A_100, %dma_start3A_101, %dma_start3A_102] : memref<2x128x128xf32, #tpu.memory_space<vmem>> -> memref<1x128x128xf32, #tpu.memory_space<vmem>>
      %dma_start3A_104 = tpu.memref_squeeze %dma_start3A_103 : memref<1x128x128xf32, #tpu.memory_space<vmem>> -> memref<128x128xf32, #tpu.memory_space<vmem>>
      %dma_start3A_105 = arith.constant 0 : i32
      %dma_start3A_106 = arith.constant 0 : i32
      %dma_start3A_107 = tpu.memref_slice %dma_start3A_104[%dma_start3A_105, %dma_start3A_106] : memref<128x128xf32, #tpu.memory_space<vmem>> -> memref<64x128xf32, #tpu.memory_space<vmem>>
      %dma_start3A_108 = arith.constant 0 : i32
      %dma_start3A_109 = arith.constant 0 : i32
      %dma_start3A_110 = tpu.memref_slice %arg6[%dma_start3A, %dma_start3A_108, %dma_start3A_109] : memref<2x2x128xi32, #tpu.memory_space<vmem>> -> memref<1x2x128xi32, #tpu.memory_space<vmem>>
      %dma_start3A_111 = tpu.memref_squeeze %dma_start3A_110 : memref<1x2x128xi32, #tpu.memory_space<vmem>> -> memref<2x128xi32, #tpu.memory_space<vmem>>
      %dma_start3A_112 = arith.constant 0 : i32
      %dma_start3A_113 = tpu.memref_slice %dma_start3A_111[%dma_start3A_99, %dma_start3A_112] : memref<2x128xi32, #tpu.memory_space<vmem>> -> memref<1x128xi32, #tpu.memory_space<vmem>>
      %dma_start3A_114 = tpu.memref_squeeze %dma_start3A_113 : memref<1x128xi32, #tpu.memory_space<vmem>> -> memref<128xi32, #tpu.memory_space<vmem>>
      %dma_start3A_115 = arith.constant 0 : i32
      %dma_start3A_116 = tpu.memref_slice %dma_start3A_114[%dma_start3A_115] : memref<128xi32, #tpu.memory_space<vmem>> -> memref<64xi32, #tpu.memory_space<vmem>>
      %dma_start3A_117 = arith.constant 0 : i32
      %dma_start3A_118 = arith.constant 0 : i32
      %dma_start3A_119 = tpu.memref_slice %arg2[%dma_start3A_117, %dma_start3A_118] : memref<10240x128xf32, #tpu.memory_space<hbm>> -> memref<10240x128xf32, #tpu.memory_space<hbm>>
      tpu.enqueue_indirect_dma source(%dma_start3A_119 : memref<10240x128xf32, #tpu.memory_space<hbm>>) target(%dma_start3A_107 : memref<64x128xf32, #tpu.memory_space<vmem>>) offsets(%dma_start3A_116 : memref<64xi32, #tpu.memory_space<vmem>>) semaphore(%arg11 : memref<!tpu.dma_semaphore, #tpu.memory_space<semaphore_mem>>)
      %dma_start3A_120 = arith.constant 1 : i32
      %dma_start3A_121 = arith.constant 0 : i32
      %dma_start3A_122 = arith.constant 1 : i32
      %dma_start3A_123 = arith.constant 0 : i32
      %dma_start3A_124 = arith.constant 0 : i32
      %dma_start3A_125 = tpu.memref_slice %arg7[%dma_start3A_122, %dma_start3A_123, %dma_start3A_124] : memref<2x128x128xf32, #tpu.memory_space<vmem>> -> memref<1x128x128xf32, #tpu.memory_space<vmem>>
      %dma_start3A_126 = tpu.memref_squeeze %dma_start3A_125 : memref<1x128x128xf32, #tpu.memory_space<vmem>> -> memref<128x128xf32, #tpu.memory_space<vmem>>
      %dma_start3A_127 = arith.constant 64 : i32
      %dma_start3A_128 = arith.constant 0 : i32
      %dma_start3A_129 = tpu.memref_slice %dma_start3A_126[%dma_start3A_127, %dma_start3A_128] : memref<128x128xf32, #tpu.memory_space<vmem>> -> memref<64x128xf32, #tpu.memory_space<vmem>>
      %dma_start3A_130 = arith.constant 0 : i32
      %dma_start3A_131 = arith.constant 0 : i32
      %dma_start3A_132 = tpu.memref_slice %arg6[%dma_start3A_120, %dma_start3A_130, %dma_start3A_131] : memref<2x2x128xi32, #tpu.memory_space<vmem>> -> memref<1x2x128xi32, #tpu.memory_space<vmem>>
      %dma_start3A_133 = tpu.memref_squeeze %dma_start3A_132 : memref<1x2x128xi32, #tpu.memory_space<vmem>> -> memref<2x128xi32, #tpu.memory_space<vmem>>
      %dma_start3A_134 = arith.constant 0 : i32
      %dma_start3A_135 = tpu.memref_slice %dma_start3A_133[%dma_start3A_121, %dma_start3A_134] : memref<2x128xi32, #tpu.memory_space<vmem>> -> memref<1x128xi32, #tpu.memory_space<vmem>>
      %dma_start3A_136 = tpu.memref_squeeze %dma_start3A_135 : memref<1x128xi32, #tpu.memory_space<vmem>> -> memref<128xi32, #tpu.memory_space<vmem>>
      %dma_start3A_137 = arith.constant 64 : i32
      %dma_start3A_138 = tpu.memref_slice %dma_start3A_136[%dma_start3A_137] : memref<128xi32, #tpu.memory_space<vmem>> -> memref<64xi32, #tpu.memory_space<vmem>>
      %dma_start3A_139 = arith.constant 0 : i32
      %dma_start3A_140 = arith.constant 0 : i32
      %dma_start3A_141 = tpu.memref_slice %arg2[%dma_start3A_139, %dma_start3A_140] : memref<10240x128xf32, #tpu.memory_space<hbm>> -> memref<10240x128xf32, #tpu.memory_space<hbm>>
      tpu.enqueue_indirect_dma source(%dma_start3A_141 : memref<10240x128xf32, #tpu.memory_space<hbm>>) target(%dma_start3A_129 : memref<64x128xf32, #tpu.memory_space<vmem>>) offsets(%dma_start3A_138 : memref<64xi32, #tpu.memory_space<vmem>>) semaphore(%arg12 : memref<!tpu.dma_semaphore, #tpu.memory_space<semaphore_mem>>)
      %dma_wait3A_142 = arith.constant 0 : i32
      %dma_wait3A_143 = arith.constant 0 : i32
      %dma_wait3A_144 = arith.constant 0 : i32
      %dma_wait3A_145 = arith.constant 0 : i32
      %dma_wait3A_146 = arith.constant 0 : i32
      %dma_wait3A_147 = tpu.memref_slice %arg7[%dma_wait3A_144, %dma_wait3A_145, %dma_wait3A_146] : memref<2x128x128xf32, #tpu.memory_space<vmem>> -> memref<1x128x128xf32, #tpu.memory_space<vmem>>
      %dma_wait3A_148 = tpu.memref_squeeze %dma_wait3A_147 : memref<1x128x128xf32, #tpu.memory_space<vmem>> -> memref<128x128xf32, #tpu.memory_space<vmem>>
      %dma_wait3A_149 = arith.constant 0 : i32
      %dma_wait3A_150 = arith.constant 0 : i32
      %dma_wait3A_151 = tpu.memref_slice %dma_wait3A_148[%dma_wait3A_149, %dma_wait3A_150] : memref<128x128xf32, #tpu.memory_space<vmem>> -> memref<64x128xf32, #tpu.memory_space<vmem>>
      %dma_wait3A_152 = arith.constant 0 : i32
      %dma_wait3A_153 = arith.constant 0 : i32
      %dma_wait3A_154 = tpu.memref_slice %arg6[%dma_wait3A_142, %dma_wait3A_152, %dma_wait3A_153] : memref<2x2x128xi32, #tpu.memory_space<vmem>> -> memref<1x2x128xi32, #tpu.memory_space<vmem>>
      %dma_wait3A_155 = tpu.memref_squeeze %dma_wait3A_154 : memref<1x2x128xi32, #tpu.memory_space<vmem>> -> memref<2x128xi32, #tpu.memory_space<vmem>>
      %dma_wait3A_156 = arith.constant 0 : i32
      %dma_wait3A_157 = tpu.memref_slice %dma_wait3A_155[%dma_wait3A_143, %dma_wait3A_156] : memref<2x128xi32, #tpu.memory_space<vmem>> -> memref<1x128xi32, #tpu.memory_space<vmem>>
      %dma_wait3A_158 = tpu.memref_squeeze %dma_wait3A_157 : memref<1x128xi32, #tpu.memory_space<vmem>> -> memref<128xi32, #tpu.memory_space<vmem>>
      %dma_wait3A_159 = arith.constant 0 : i32
      %dma_wait3A_160 = tpu.memref_slice %dma_wait3A_158[%dma_wait3A_159] : memref<128xi32, #tpu.memory_space<vmem>> -> memref<64xi32, #tpu.memory_space<vmem>>
      %dma_wait3A_161 = arith.constant 0 : i32
      %dma_wait3A_162 = arith.constant 0 : i32
      %dma_wait3A_163 = tpu.memref_slice %arg2[%dma_wait3A_161, %dma_wait3A_162] : memref<10240x128xf32, #tpu.memory_space<hbm>> -> memref<10240x128xf32, #tpu.memory_space<hbm>>
      tpu.wait_indirect_dma semaphore(%arg9 : memref<!tpu.dma_semaphore, #tpu.memory_space<semaphore_mem>>) src(%dma_wait3A_163 : memref<10240x128xf32, #tpu.memory_space<hbm>>) dst(%dma_wait3A_151 : memref<64x128xf32, #tpu.memory_space<vmem>>)
      %dma_wait3A_164 = arith.constant 0 : i32
      %dma_wait3A_165 = arith.constant 0 : i32
      %dma_wait3A_166 = arith.constant 0 : i32
      %dma_wait3A_167 = arith.constant 0 : i32
      %dma_wait3A_168 = arith.constant 0 : i32
      %dma_wait3A_169 = tpu.memref_slice %arg7[%dma_wait3A_166, %dma_wait3A_167, %dma_wait3A_168] : memref<2x128x128xf32, #tpu.memory_space<vmem>> -> memref<1x128x128xf32, #tpu.memory_space<vmem>>
      %dma_wait3A_170 = tpu.memref_squeeze %dma_wait3A_169 : memref<1x128x128xf32, #tpu.memory_space<vmem>> -> memref<128x128xf32, #tpu.memory_space<vmem>>
      %dma_wait3A_171 = arith.constant 64 : i32
      %dma_wait3A_172 = arith.constant 0 : i32
      %dma_wait3A_173 = tpu.memref_slice %dma_wait3A_170[%dma_wait3A_171, %dma_wait3A_172] : memref<128x128xf32, #tpu.memory_space<vmem>> -> memref<64x128xf32, #tpu.memory_space<vmem>>
      %dma_wait3A_174 = arith.constant 0 : i32
      %dma_wait3A_175 = arith.constant 0 : i32
      %dma_wait3A_176 = tpu.memref_slice %arg6[%dma_wait3A_164, %dma_wait3A_174, %dma_wait3A_175] : memref<2x2x128xi32, #tpu.memory_space<vmem>> -> memref<1x2x128xi32, #tpu.memory_space<vmem>>
      %dma_wait3A_177 = tpu.memref_squeeze %dma_wait3A_176 : memref<1x2x128xi32, #tpu.memory_space<vmem>> -> memref<2x128xi32, #tpu.memory_space<vmem>>
      %dma_wait3A_178 = arith.constant 0 : i32
      %dma_wait3A_179 = tpu.memref_slice %dma_wait3A_177[%dma_wait3A_165, %dma_wait3A_178] : memref<2x128xi32, #tpu.memory_space<vmem>> -> memref<1x128xi32, #tpu.memory_space<vmem>>
      %dma_wait3A_180 = tpu.memref_squeeze %dma_wait3A_179 : memref<1x128xi32, #tpu.memory_space<vmem>> -> memref<128xi32, #tpu.memory_space<vmem>>
      %dma_wait3A_181 = arith.constant 64 : i32
      %dma_wait3A_182 = tpu.memref_slice %dma_wait3A_180[%dma_wait3A_181] : memref<128xi32, #tpu.memory_space<vmem>> -> memref<64xi32, #tpu.memory_space<vmem>>
      %dma_wait3A_183 = arith.constant 0 : i32
      %dma_wait3A_184 = arith.constant 0 : i32
      %dma_wait3A_185 = tpu.memref_slice %arg2[%dma_wait3A_183, %dma_wait3A_184] : memref<10240x128xf32, #tpu.memory_space<hbm>> -> memref<10240x128xf32, #tpu.memory_space<hbm>>
      tpu.wait_indirect_dma semaphore(%arg10 : memref<!tpu.dma_semaphore, #tpu.memory_space<semaphore_mem>>) src(%dma_wait3A_185 : memref<10240x128xf32, #tpu.memory_space<hbm>>) dst(%dma_wait3A_173 : memref<64x128xf32, #tpu.memory_space<vmem>>)
      %run_scoped3A = arith.constant 0 : i32
      %run_scoped3A_186 = arith.constant 0 : i32
      %run_scoped3A_187 = arith.constant 1 : i32
      "tpu.region"() ({
        %run_scoped3A_244 = tpu.sem_alloc : memref<!tpu.dma_semaphore, #tpu.memory_space<semaphore_mem>>
        %dma_start3A_245 = arith.constant 0 : i32
        %dma_start3A_246 = arith.constant 0 : i32
        %dma_start3A_247 = tpu.memref_slice %arg7[%run_scoped3A, %dma_start3A_245, %dma_start3A_246] : memref<2x128x128xf32, #tpu.memory_space<vmem>> -> memref<1x128x128xf32, #tpu.memory_space<vmem>>
        %dma_start3A_248 = tpu.memref_squeeze %dma_start3A_247 : memref<1x128x128xf32, #tpu.memory_space<vmem>> -> memref<128x128xf32, #tpu.memory_space<vmem>>
        %dma_start3A_249 = arith.constant 0 : i32
        %dma_start3A_250 = arith.constant 0 : i32
        %dma_start3A_251 = tpu.memref_slice %arg6[%run_scoped3A_186, %dma_start3A_249, %dma_start3A_250] : memref<2x2x128xi32, #tpu.memory_space<vmem>> -> memref<1x2x128xi32, #tpu.memory_space<vmem>>
        %dma_start3A_252 = tpu.memref_squeeze %dma_start3A_251 : memref<1x2x128xi32, #tpu.memory_space<vmem>> -> memref<2x128xi32, #tpu.memory_space<vmem>>
        %dma_start3A_253 = arith.constant 0 : i32
        %dma_start3A_254 = tpu.memref_slice %dma_start3A_252[%run_scoped3A_187, %dma_start3A_253] : memref<2x128xi32, #tpu.memory_space<vmem>> -> memref<1x128xi32, #tpu.memory_space<vmem>>
        %dma_start3A_255 = tpu.memref_squeeze %dma_start3A_254 : memref<1x128xi32, #tpu.memory_space<vmem>> -> memref<128xi32, #tpu.memory_space<vmem>>
        %dma_start3A_256 = arith.constant 0 : i32
        %dma_start3A_257 = arith.constant 0 : i32
        %dma_start3A_258 = tpu.memref_slice %arg8[%dma_start3A_256, %dma_start3A_257] : memref<10240x128xf32, #tpu.memory_space<vmem_shared>> -> memref<10240x128xf32, #tpu.memory_space<vmem_shared>>
        tpu.enqueue_indirect_dma source(%dma_start3A_248 : memref<128x128xf32, #tpu.memory_space<vmem>>) target(%dma_start3A_258 : memref<10240x128xf32, #tpu.memory_space<vmem_shared>>) offsets(%dma_start3A_255 : memref<128xi32, #tpu.memory_space<vmem>>) semaphore(%run_scoped3A_244 : memref<!tpu.dma_semaphore, #tpu.memory_space<semaphore_mem>>) {add = true}
        %dma_wait3A_259 = arith.constant 0 : i32
        %dma_wait3A_260 = arith.constant 0 : i32
        %dma_wait3A_261 = tpu.memref_slice %arg7[%run_scoped3A, %dma_wait3A_259, %dma_wait3A_260] : memref<2x128x128xf32, #tpu.memory_space<vmem>> -> memref<1x128x128xf32, #tpu.memory_space<vmem>>
        %dma_wait3A_262 = tpu.memref_squeeze %dma_wait3A_261 : memref<1x128x128xf32, #tpu.memory_space<vmem>> -> memref<128x128xf32, #tpu.memory_space<vmem>>
        %dma_wait3A_263 = arith.constant 0 : i32
        %dma_wait3A_264 = arith.constant 0 : i32
        %dma_wait3A_265 = tpu.memref_slice %arg6[%run_scoped3A_186, %dma_wait3A_263, %dma_wait3A_264] : memref<2x2x128xi32, #tpu.memory_space<vmem>> -> memref<1x2x128xi32, #tpu.memory_space<vmem>>
        %dma_wait3A_266 = tpu.memref_squeeze %dma_wait3A_265 : memref<1x2x128xi32, #tpu.memory_space<vmem>> -> memref<2x128xi32, #tpu.memory_space<vmem>>
        %dma_wait3A_267 = arith.constant 0 : i32
        %dma_wait3A_268 = tpu.memref_slice %dma_wait3A_266[%run_scoped3A_187, %dma_wait3A_267] : memref<2x128xi32, #tpu.memory_space<vmem>> -> memref<1x128xi32, #tpu.memory_space<vmem>>
        %dma_wait3A_269 = tpu.memref_squeeze %dma_wait3A_268 : memref<1x128xi32, #tpu.memory_space<vmem>> -> memref<128xi32, #tpu.memory_space<vmem>>
        %dma_wait3A_270 = arith.constant 0 : i32
        %dma_wait3A_271 = arith.constant 0 : i32
        %dma_wait3A_272 = tpu.memref_slice %arg8[%dma_wait3A_270, %dma_wait3A_271] : memref<10240x128xf32, #tpu.memory_space<vmem_shared>> -> memref<10240x128xf32, #tpu.memory_space<vmem_shared>>
        tpu.wait_indirect_dma semaphore(%run_scoped3A_244 : memref<!tpu.dma_semaphore, #tpu.memory_space<semaphore_mem>>) src(%dma_wait3A_262 : memref<128x128xf32, #tpu.memory_space<vmem>>) dst(%dma_wait3A_272 : memref<10240x128xf32, #tpu.memory_space<vmem_shared>>)
        tpu.yield
      }) : () -> ()
      %convert_element_type3A_188 = arith.extui %lt3A : i1 to i32
      %cond3A_189 = arith.constant 0 : i32
      %cond3A_190 = arith.cmpi ne, %convert_element_type3A_188, %cond3A_189 : i32
      scf.if %cond3A_190 {
        %add3A_244 = arith.constant 2 : i32
        %add3A_245 = arith.addi %add3A_54, %add3A_244 : i32
        %dma_start3A_246 = arith.constant 0 : i32
        %dma_start3A_247 = arith.constant 0 : i32
        %dma_start3A_248 = arith.constant 0 : i32
        %dma_start3A_249 = tpu.memref_slice %arg6[%dma_start3A_246, %dma_start3A_247, %dma_start3A_248] : memref<2x2x128xi32, #tpu.memory_space<vmem>> -> memref<1x2x128xi32, #tpu.memory_space<vmem>>
        %dma_start3A_250 = tpu.memref_squeeze %dma_start3A_249 : memref<1x2x128xi32, #tpu.memory_space<vmem>> -> memref<2x128xi32, #tpu.memory_space<vmem>>
        %dma_start3A_251 = arith.constant 0 : i32
        %dma_start3A_252 = arith.constant 0 : i32
        %dma_start3A_253 = tpu.memref_slice %arg3[%add3A_245, %dma_start3A_251, %dma_start3A_252] : memref<2560x2x128xi32, #tpu.memory_space<hbm>> -> memref<1x2x128xi32, #tpu.memory_space<hbm>>
        %dma_start3A_254 = tpu.memref_squeeze %dma_start3A_253 : memref<1x2x128xi32, #tpu.memory_space<hbm>> -> memref<2x128xi32, #tpu.memory_space<hbm>>
        %dma_start3A_255 = arith.constant 0 : i32
        %dma_start3A_256 = arith.constant 0 : i32
        %dma_start3A_257 = tpu.memref_slice %arg6[%dma_start3A_246, %dma_start3A_255, %dma_start3A_256] : memref<2x2x128xi32, #tpu.memory_space<vmem>> -> memref<1x2x128xi32, #tpu.memory_space<vmem>>
        %dma_start3A_258 = tpu.memref_squeeze %dma_start3A_257 : memref<1x2x128xi32, #tpu.memory_space<vmem>> -> memref<2x128xi32, #tpu.memory_space<vmem>>
        %dma_start3A_259 = arith.constant 0 : i32
        %dma_start3A_260 = arith.constant 0 : i32
        %dma_start3A_261 = tpu.memref_slice %arg3[%add3A_245, %dma_start3A_259, %dma_start3A_260] : memref<2560x2x128xi32, #tpu.memory_space<hbm>> -> memref<1x2x128xi32, #tpu.memory_space<hbm>>
        %dma_start3A_262 = tpu.memref_squeeze %dma_start3A_261 : memref<1x2x128xi32, #tpu.memory_space<hbm>> -> memref<2x128xi32, #tpu.memory_space<hbm>>
        tpu.enqueue_dma source(%dma_start3A_262 : memref<2x128xi32, #tpu.memory_space<hbm>>) target(%dma_start3A_258 : memref<2x128xi32, #tpu.memory_space<vmem>>) target_semaphore(%arg13 : memref<!tpu.dma_semaphore, #tpu.memory_space<semaphore_mem>>)
        %add3A_263 = arith.constant 2 : i32
        %add3A_264 = arith.addi %add3A_54, %add3A_263 : i32
        %dma_wait3A_265 = arith.constant 0 : i32
        %dma_wait3A_266 = arith.constant 0 : i32
        %dma_wait3A_267 = arith.constant 0 : i32
        %dma_wait3A_268 = tpu.memref_slice %arg6[%dma_wait3A_265, %dma_wait3A_266, %dma_wait3A_267] : memref<2x2x128xi32, #tpu.memory_space<vmem>> -> memref<1x2x128xi32, #tpu.memory_space<vmem>>
        %dma_wait3A_269 = tpu.memref_squeeze %dma_wait3A_268 : memref<1x2x128xi32, #tpu.memory_space<vmem>> -> memref<2x128xi32, #tpu.memory_space<vmem>>
        %dma_wait3A_270 = arith.constant 0 : i32
        %dma_wait3A_271 = arith.constant 0 : i32
        %dma_wait3A_272 = tpu.memref_slice %arg3[%add3A_264, %dma_wait3A_270, %dma_wait3A_271] : memref<2560x2x128xi32, #tpu.memory_space<hbm>> -> memref<1x2x128xi32, #tpu.memory_space<hbm>>
        %dma_wait3A_273 = tpu.memref_squeeze %dma_wait3A_272 : memref<1x2x128xi32, #tpu.memory_space<hbm>> -> memref<2x128xi32, #tpu.memory_space<hbm>>
        %dma_wait3A_274 = arith.constant 0 : i32
        %dma_wait3A_275 = arith.constant 0 : i32
        %dma_wait3A_276 = tpu.memref_slice %arg6[%dma_wait3A_265, %dma_wait3A_274, %dma_wait3A_275] : memref<2x2x128xi32, #tpu.memory_space<vmem>> -> memref<1x2x128xi32, #tpu.memory_space<vmem>>
        %dma_wait3A_277 = tpu.memref_squeeze %dma_wait3A_276 : memref<1x2x128xi32, #tpu.memory_space<vmem>> -> memref<2x128xi32, #tpu.memory_space<vmem>>
        %dma_wait3A_278 = arith.constant 0 : i32
        %dma_wait3A_279 = arith.constant 0 : i32
        %dma_wait3A_280 = tpu.memref_slice %arg3[%add3A_264, %dma_wait3A_278, %dma_wait3A_279] : memref<2560x2x128xi32, #tpu.memory_space<hbm>> -> memref<1x2x128xi32, #tpu.memory_space<hbm>>
        %dma_wait3A_281 = tpu.memref_squeeze %dma_wait3A_280 : memref<1x2x128xi32, #tpu.memory_space<hbm>> -> memref<2x128xi32, #tpu.memory_space<hbm>>
        tpu.wait_dma2 semaphore(%arg13 : memref<!tpu.dma_semaphore, #tpu.memory_space<semaphore_mem>>) src(%dma_wait3A_281 : memref<2x128xi32, #tpu.memory_space<hbm>>) dst(%dma_wait3A_277 : memref<2x128xi32, #tpu.memory_space<vmem>>)
      } else {
      }
      %dma_wait3A_191 = arith.constant 1 : i32
      %dma_wait3A_192 = arith.constant 0 : i32
      %dma_wait3A_193 = arith.constant 1 : i32
      %dma_wait3A_194 = arith.constant 0 : i32
      %dma_wait3A_195 = arith.constant 0 : i32
      %dma_wait3A_196 = tpu.memref_slice %arg7[%dma_wait3A_193, %dma_wait3A_194, %dma_wait3A_195] : memref<2x128x128xf32, #tpu.memory_space<vmem>> -> memref<1x128x128xf32, #tpu.memory_space<vmem>>
      %dma_wait3A_197 = tpu.memref_squeeze %dma_wait3A_196 : memref<1x128x128xf32, #tpu.memory_space<vmem>> -> memref<128x128xf32, #tpu.memory_space<vmem>>
      %dma_wait3A_198 = arith.constant 0 : i32
      %dma_wait3A_199 = arith.constant 0 : i32
      %dma_wait3A_200 = tpu.memref_slice %dma_wait3A_197[%dma_wait3A_198, %dma_wait3A_199] : memref<128x128xf32, #tpu.memory_space<vmem>> -> memref<64x128xf32, #tpu.memory_space<vmem>>
      %dma_wait3A_201 = arith.constant 0 : i32
      %dma_wait3A_202 = arith.constant 0 : i32
      %dma_wait3A_203 = tpu.memref_slice %arg6[%dma_wait3A_191, %dma_wait3A_201, %dma_wait3A_202] : memref<2x2x128xi32, #tpu.memory_space<vmem>> -> memref<1x2x128xi32, #tpu.memory_space<vmem>>
      %dma_wait3A_204 = tpu.memref_squeeze %dma_wait3A_203 : memref<1x2x128xi32, #tpu.memory_space<vmem>> -> memref<2x128xi32, #tpu.memory_space<vmem>>
      %dma_wait3A_205 = arith.constant 0 : i32
      %dma_wait3A_206 = tpu.memref_slice %dma_wait3A_204[%dma_wait3A_192, %dma_wait3A_205] : memref<2x128xi32, #tpu.memory_space<vmem>> -> memref<1x128xi32, #tpu.memory_space<vmem>>
      %dma_wait3A_207 = tpu.memref_squeeze %dma_wait3A_206 : memref<1x128xi32, #tpu.memory_space<vmem>> -> memref<128xi32, #tpu.memory_space<vmem>>
      %dma_wait3A_208 = arith.constant 0 : i32
      %dma_wait3A_209 = tpu.memref_slice %dma_wait3A_207[%dma_wait3A_208] : memref<128xi32, #tpu.memory_space<vmem>> -> memref<64xi32, #tpu.memory_space<vmem>>
      %dma_wait3A_210 = arith.constant 0 : i32
      %dma_wait3A_211 = arith.constant 0 : i32
      %dma_wait3A_212 = tpu.memref_slice %arg2[%dma_wait3A_210, %dma_wait3A_211] : memref<10240x128xf32, #tpu.memory_space<hbm>> -> memref<10240x128xf32, #tpu.memory_space<hbm>>
      tpu.wait_indirect_dma semaphore(%arg11 : memref<!tpu.dma_semaphore, #tpu.memory_space<semaphore_mem>>) src(%dma_wait3A_212 : memref<10240x128xf32, #tpu.memory_space<hbm>>) dst(%dma_wait3A_200 : memref<64x128xf32, #tpu.memory_space<vmem>>)
      %dma_wait3A_213 = arith.constant 1 : i32
      %dma_wait3A_214 = arith.constant 0 : i32
      %dma_wait3A_215 = arith.constant 1 : i32
      %dma_wait3A_216 = arith.constant 0 : i32
      %dma_wait3A_217 = arith.constant 0 : i32
      %dma_wait3A_218 = tpu.memref_slice %arg7[%dma_wait3A_215, %dma_wait3A_216, %dma_wait3A_217] : memref<2x128x128xf32, #tpu.memory_space<vmem>> -> memref<1x128x128xf32, #tpu.memory_space<vmem>>
      %dma_wait3A_219 = tpu.memref_squeeze %dma_wait3A_218 : memref<1x128x128xf32, #tpu.memory_space<vmem>> -> memref<128x128xf32, #tpu.memory_space<vmem>>
      %dma_wait3A_220 = arith.constant 64 : i32
      %dma_wait3A_221 = arith.constant 0 : i32
      %dma_wait3A_222 = tpu.memref_slice %dma_wait3A_219[%dma_wait3A_220, %dma_wait3A_221] : memref<128x128xf32, #tpu.memory_space<vmem>> -> memref<64x128xf32, #tpu.memory_space<vmem>>
      %dma_wait3A_223 = arith.constant 0 : i32
      %dma_wait3A_224 = arith.constant 0 : i32
      %dma_wait3A_225 = tpu.memref_slice %arg6[%dma_wait3A_213, %dma_wait3A_223, %dma_wait3A_224] : memref<2x2x128xi32, #tpu.memory_space<vmem>> -> memref<1x2x128xi32, #tpu.memory_space<vmem>>
      %dma_wait3A_226 = tpu.memref_squeeze %dma_wait3A_225 : memref<1x2x128xi32, #tpu.memory_space<vmem>> -> memref<2x128xi32, #tpu.memory_space<vmem>>
      %dma_wait3A_227 = arith.constant 0 : i32
      %dma_wait3A_228 = tpu.memref_slice %dma_wait3A_226[%dma_wait3A_214, %dma_wait3A_227] : memref<2x128xi32, #tpu.memory_space<vmem>> -> memref<1x128xi32, #tpu.memory_space<vmem>>
      %dma_wait3A_229 = tpu.memref_squeeze %dma_wait3A_228 : memref<1x128xi32, #tpu.memory_space<vmem>> -> memref<128xi32, #tpu.memory_space<vmem>>
      %dma_wait3A_230 = arith.constant 64 : i32
      %dma_wait3A_231 = tpu.memref_slice %dma_wait3A_229[%dma_wait3A_230] : memref<128xi32, #tpu.memory_space<vmem>> -> memref<64xi32, #tpu.memory_space<vmem>>
      %dma_wait3A_232 = arith.constant 0 : i32
      %dma_wait3A_233 = arith.constant 0 : i32
      %dma_wait3A_234 = tpu.memref_slice %arg2[%dma_wait3A_232, %dma_wait3A_233] : memref<10240x128xf32, #tpu.memory_space<hbm>> -> memref<10240x128xf32, #tpu.memory_space<hbm>>
      tpu.wait_indirect_dma semaphore(%arg12 : memref<!tpu.dma_semaphore, #tpu.memory_space<semaphore_mem>>) src(%dma_wait3A_234 : memref<10240x128xf32, #tpu.memory_space<hbm>>) dst(%dma_wait3A_222 : memref<64x128xf32, #tpu.memory_space<vmem>>)
      %convert_element_type3A_235 = arith.extui %lt3A : i1 to i32
      %cond3A_236 = arith.constant 0 : i32
      %cond3A_237 = arith.cmpi ne, %convert_element_type3A_235, %cond3A_236 : i32
      scf.if %cond3A_237 {
        %dma_start3A_244 = arith.constant 0 : i32
        %dma_start3A_245 = arith.constant 0 : i32
        %dma_start3A_246 = arith.constant 0 : i32
        %dma_start3A_247 = arith.constant 0 : i32
        %dma_start3A_248 = arith.constant 0 : i32
        %dma_start3A_249 = tpu.memref_slice %arg7[%dma_start3A_246, %dma_start3A_247, %dma_start3A_248] : memref<2x128x128xf32, #tpu.memory_space<vmem>> -> memref<1x128x128xf32, #tpu.memory_space<vmem>>
        %dma_start3A_250 = tpu.memref_squeeze %dma_start3A_249 : memref<1x128x128xf32, #tpu.memory_space<vmem>> -> memref<128x128xf32, #tpu.memory_space<vmem>>
        %dma_start3A_251 = arith.constant 0 : i32
        %dma_start3A_252 = arith.constant 0 : i32
        %dma_start3A_253 = tpu.memref_slice %dma_start3A_250[%dma_start3A_251, %dma_start3A_252] : memref<128x128xf32, #tpu.memory_space<vmem>> -> memref<64x128xf32, #tpu.memory_space<vmem>>
        %dma_start3A_254 = arith.constant 0 : i32
        %dma_start3A_255 = arith.constant 0 : i32
        %dma_start3A_256 = tpu.memref_slice %arg6[%dma_start3A_244, %dma_start3A_254, %dma_start3A_255] : memref<2x2x128xi32, #tpu.memory_space<vmem>> -> memref<1x2x128xi32, #tpu.memory_space<vmem>>
        %dma_start3A_257 = tpu.memref_squeeze %dma_start3A_256 : memref<1x2x128xi32, #tpu.memory_space<vmem>> -> memref<2x128xi32, #tpu.memory_space<vmem>>
        %dma_start3A_258 = arith.constant 0 : i32
        %dma_start3A_259 = tpu.memref_slice %dma_start3A_257[%dma_start3A_245, %dma_start3A_258] : memref<2x128xi32, #tpu.memory_space<vmem>> -> memref<1x128xi32, #tpu.memory_space<vmem>>
        %dma_start3A_260 = tpu.memref_squeeze %dma_start3A_259 : memref<1x128xi32, #tpu.memory_space<vmem>> -> memref<128xi32, #tpu.memory_space<vmem>>
        %dma_start3A_261 = arith.constant 0 : i32
        %dma_start3A_262 = tpu.memref_slice %dma_start3A_260[%dma_start3A_261] : memref<128xi32, #tpu.memory_space<vmem>> -> memref<64xi32, #tpu.memory_space<vmem>>
        %dma_start3A_263 = arith.constant 0 : i32
        %dma_start3A_264 = arith.constant 0 : i32
        %dma_start3A_265 = tpu.memref_slice %arg2[%dma_start3A_263, %dma_start3A_264] : memref<10240x128xf32, #tpu.memory_space<hbm>> -> memref<10240x128xf32, #tpu.memory_space<hbm>>
        tpu.enqueue_indirect_dma source(%dma_start3A_265 : memref<10240x128xf32, #tpu.memory_space<hbm>>) target(%dma_start3A_253 : memref<64x128xf32, #tpu.memory_space<vmem>>) offsets(%dma_start3A_262 : memref<64xi32, #tpu.memory_space<vmem>>) semaphore(%arg9 : memref<!tpu.dma_semaphore, #tpu.memory_space<semaphore_mem>>)
        %dma_start3A_266 = arith.constant 0 : i32
        %dma_start3A_267 = arith.constant 0 : i32
        %dma_start3A_268 = arith.constant 0 : i32
        %dma_start3A_269 = arith.constant 0 : i32
        %dma_start3A_270 = arith.constant 0 : i32
        %dma_start3A_271 = tpu.memref_slice %arg7[%dma_start3A_268, %dma_start3A_269, %dma_start3A_270] : memref<2x128x128xf32, #tpu.memory_space<vmem>> -> memref<1x128x128xf32, #tpu.memory_space<vmem>>
        %dma_start3A_272 = tpu.memref_squeeze %dma_start3A_271 : memref<1x128x128xf32, #tpu.memory_space<vmem>> -> memref<128x128xf32, #tpu.memory_space<vmem>>
        %dma_start3A_273 = arith.constant 64 : i32
        %dma_start3A_274 = arith.constant 0 : i32
        %dma_start3A_275 = tpu.memref_slice %dma_start3A_272[%dma_start3A_273, %dma_start3A_274] : memref<128x128xf32, #tpu.memory_space<vmem>> -> memref<64x128xf32, #tpu.memory_space<vmem>>
        %dma_start3A_276 = arith.constant 0 : i32
        %dma_start3A_277 = arith.constant 0 : i32
        %dma_start3A_278 = tpu.memref_slice %arg6[%dma_start3A_266, %dma_start3A_276, %dma_start3A_277] : memref<2x2x128xi32, #tpu.memory_space<vmem>> -> memref<1x2x128xi32, #tpu.memory_space<vmem>>
        %dma_start3A_279 = tpu.memref_squeeze %dma_start3A_278 : memref<1x2x128xi32, #tpu.memory_space<vmem>> -> memref<2x128xi32, #tpu.memory_space<vmem>>
        %dma_start3A_280 = arith.constant 0 : i32
        %dma_start3A_281 = tpu.memref_slice %dma_start3A_279[%dma_start3A_267, %dma_start3A_280] : memref<2x128xi32, #tpu.memory_space<vmem>> -> memref<1x128xi32, #tpu.memory_space<vmem>>
        %dma_start3A_282 = tpu.memref_squeeze %dma_start3A_281 : memref<1x128xi32, #tpu.memory_space<vmem>> -> memref<128xi32, #tpu.memory_space<vmem>>
        %dma_start3A_283 = arith.constant 64 : i32
        %dma_start3A_284 = tpu.memref_slice %dma_start3A_282[%dma_start3A_283] : memref<128xi32, #tpu.memory_space<vmem>> -> memref<64xi32, #tpu.memory_space<vmem>>
        %dma_start3A_285 = arith.constant 0 : i32
        %dma_start3A_286 = arith.constant 0 : i32
        %dma_start3A_287 = tpu.memref_slice %arg2[%dma_start3A_285, %dma_start3A_286] : memref<10240x128xf32, #tpu.memory_space<hbm>> -> memref<10240x128xf32, #tpu.memory_space<hbm>>
        tpu.enqueue_indirect_dma source(%dma_start3A_287 : memref<10240x128xf32, #tpu.memory_space<hbm>>) target(%dma_start3A_275 : memref<64x128xf32, #tpu.memory_space<vmem>>) offsets(%dma_start3A_284 : memref<64xi32, #tpu.memory_space<vmem>>) semaphore(%arg10 : memref<!tpu.dma_semaphore, #tpu.memory_space<semaphore_mem>>)
      } else {
      }
      %run_scoped3A_238 = arith.constant 1 : i32
      %run_scoped3A_239 = arith.constant 1 : i32
      %run_scoped3A_240 = arith.constant 1 : i32
      "tpu.region"() ({
        %run_scoped3A_244 = tpu.sem_alloc : memref<!tpu.dma_semaphore, #tpu.memory_space<semaphore_mem>>
        %dma_start3A_245 = arith.constant 0 : i32
        %dma_start3A_246 = arith.constant 0 : i32
        %dma_start3A_247 = tpu.memref_slice %arg7[%run_scoped3A_238, %dma_start3A_245, %dma_start3A_246] : memref<2x128x128xf32, #tpu.memory_space<vmem>> -> memref<1x128x128xf32, #tpu.memory_space<vmem>>
        %dma_start3A_248 = tpu.memref_squeeze %dma_start3A_247 : memref<1x128x128xf32, #tpu.memory_space<vmem>> -> memref<128x128xf32, #tpu.memory_space<vmem>>
        %dma_start3A_249 = arith.constant 0 : i32
        %dma_start3A_250 = arith.constant 0 : i32
        %dma_start3A_251 = tpu.memref_slice %arg6[%run_scoped3A_239, %dma_start3A_249, %dma_start3A_250] : memref<2x2x128xi32, #tpu.memory_space<vmem>> -> memref<1x2x128xi32, #tpu.memory_space<vmem>>
        %dma_start3A_252 = tpu.memref_squeeze %dma_start3A_251 : memref<1x2x128xi32, #tpu.memory_space<vmem>> -> memref<2x128xi32, #tpu.memory_space<vmem>>
        %dma_start3A_253 = arith.constant 0 : i32
        %dma_start3A_254 = tpu.memref_slice %dma_start3A_252[%run_scoped3A_240, %dma_start3A_253] : memref<2x128xi32, #tpu.memory_space<vmem>> -> memref<1x128xi32, #tpu.memory_space<vmem>>
        %dma_start3A_255 = tpu.memref_squeeze %dma_start3A_254 : memref<1x128xi32, #tpu.memory_space<vmem>> -> memref<128xi32, #tpu.memory_space<vmem>>
        %dma_start3A_256 = arith.constant 0 : i32
        %dma_start3A_257 = arith.constant 0 : i32
        %dma_start3A_258 = tpu.memref_slice %arg8[%dma_start3A_256, %dma_start3A_257] : memref<10240x128xf32, #tpu.memory_space<vmem_shared>> -> memref<10240x128xf32, #tpu.memory_space<vmem_shared>>
        tpu.enqueue_indirect_dma source(%dma_start3A_248 : memref<128x128xf32, #tpu.memory_space<vmem>>) target(%dma_start3A_258 : memref<10240x128xf32, #tpu.memory_space<vmem_shared>>) offsets(%dma_start3A_255 : memref<128xi32, #tpu.memory_space<vmem>>) semaphore(%run_scoped3A_244 : memref<!tpu.dma_semaphore, #tpu.memory_space<semaphore_mem>>) {add = true}
        %dma_wait3A_259 = arith.constant 0 : i32
        %dma_wait3A_260 = arith.constant 0 : i32
        %dma_wait3A_261 = tpu.memref_slice %arg7[%run_scoped3A_238, %dma_wait3A_259, %dma_wait3A_260] : memref<2x128x128xf32, #tpu.memory_space<vmem>> -> memref<1x128x128xf32, #tpu.memory_space<vmem>>
        %dma_wait3A_262 = tpu.memref_squeeze %dma_wait3A_261 : memref<1x128x128xf32, #tpu.memory_space<vmem>> -> memref<128x128xf32, #tpu.memory_space<vmem>>
        %dma_wait3A_263 = arith.constant 0 : i32
        %dma_wait3A_264 = arith.constant 0 : i32
        %dma_wait3A_265 = tpu.memref_slice %arg6[%run_scoped3A_239, %dma_wait3A_263, %dma_wait3A_264] : memref<2x2x128xi32, #tpu.memory_space<vmem>> -> memref<1x2x128xi32, #tpu.memory_space<vmem>>
        %dma_wait3A_266 = tpu.memref_squeeze %dma_wait3A_265 : memref<1x2x128xi32, #tpu.memory_space<vmem>> -> memref<2x128xi32, #tpu.memory_space<vmem>>
        %dma_wait3A_267 = arith.constant 0 : i32
        %dma_wait3A_268 = tpu.memref_slice %dma_wait3A_266[%run_scoped3A_240, %dma_wait3A_267] : memref<2x128xi32, #tpu.memory_space<vmem>> -> memref<1x128xi32, #tpu.memory_space<vmem>>
        %dma_wait3A_269 = tpu.memref_squeeze %dma_wait3A_268 : memref<1x128xi32, #tpu.memory_space<vmem>> -> memref<128xi32, #tpu.memory_space<vmem>>
        %dma_wait3A_270 = arith.constant 0 : i32
        %dma_wait3A_271 = arith.constant 0 : i32
        %dma_wait3A_272 = tpu.memref_slice %arg8[%dma_wait3A_270, %dma_wait3A_271] : memref<10240x128xf32, #tpu.memory_space<vmem_shared>> -> memref<10240x128xf32, #tpu.memory_space<vmem_shared>>
        tpu.wait_indirect_dma semaphore(%run_scoped3A_244 : memref<!tpu.dma_semaphore, #tpu.memory_space<semaphore_mem>>) src(%dma_wait3A_262 : memref<128x128xf32, #tpu.memory_space<vmem>>) dst(%dma_wait3A_272 : memref<10240x128xf32, #tpu.memory_space<vmem_shared>>)
        tpu.yield
      }) : () -> ()
      %convert_element_type3A_241 = arith.extui %lt3A : i1 to i32
      %cond3A_242 = arith.constant 0 : i32
      %cond3A_243 = arith.cmpi ne, %convert_element_type3A_241, %cond3A_242 : i32
      scf.if %cond3A_243 {
        %add3A_244 = arith.constant 3 : i32
        %add3A_245 = arith.addi %add3A_54, %add3A_244 : i32
        %dma_start3A_246 = arith.constant 1 : i32
        %dma_start3A_247 = arith.constant 0 : i32
        %dma_start3A_248 = arith.constant 0 : i32
        %dma_start3A_249 = tpu.memref_slice %arg6[%dma_start3A_246, %dma_start3A_247, %dma_start3A_248] : memref<2x2x128xi32, #tpu.memory_space<vmem>> -> memref<1x2x128xi32, #tpu.memory_space<vmem>>
        %dma_start3A_250 = tpu.memref_squeeze %dma_start3A_249 : memref<1x2x128xi32, #tpu.memory_space<vmem>> -> memref<2x128xi32, #tpu.memory_space<vmem>>
        %dma_start3A_251 = arith.constant 0 : i32
        %dma_start3A_252 = arith.constant 0 : i32
        %dma_start3A_253 = tpu.memref_slice %arg3[%add3A_245, %dma_start3A_251, %dma_start3A_252] : memref<2560x2x128xi32, #tpu.memory_space<hbm>> -> memref<1x2x128xi32, #tpu.memory_space<hbm>>
        %dma_start3A_254 = tpu.memref_squeeze %dma_start3A_253 : memref<1x2x128xi32, #tpu.memory_space<hbm>> -> memref<2x128xi32, #tpu.memory_space<hbm>>
        %dma_start3A_255 = arith.constant 0 : i32
        %dma_start3A_256 = arith.constant 0 : i32
        %dma_start3A_257 = tpu.memref_slice %arg6[%dma_start3A_246, %dma_start3A_255, %dma_start3A_256] : memref<2x2x128xi32, #tpu.memory_space<vmem>> -> memref<1x2x128xi32, #tpu.memory_space<vmem>>
        %dma_start3A_258 = tpu.memref_squeeze %dma_start3A_257 : memref<1x2x128xi32, #tpu.memory_space<vmem>> -> memref<2x128xi32, #tpu.memory_space<vmem>>
        %dma_start3A_259 = arith.constant 0 : i32
        %dma_start3A_260 = arith.constant 0 : i32
        %dma_start3A_261 = tpu.memref_slice %arg3[%add3A_245, %dma_start3A_259, %dma_start3A_260] : memref<2560x2x128xi32, #tpu.memory_space<hbm>> -> memref<1x2x128xi32, #tpu.memory_space<hbm>>
        %dma_start3A_262 = tpu.memref_squeeze %dma_start3A_261 : memref<1x2x128xi32, #tpu.memory_space<hbm>> -> memref<2x128xi32, #tpu.memory_space<hbm>>
        tpu.enqueue_dma source(%dma_start3A_262 : memref<2x128xi32, #tpu.memory_space<hbm>>) target(%dma_start3A_258 : memref<2x128xi32, #tpu.memory_space<vmem>>) target_semaphore(%arg14 : memref<!tpu.dma_semaphore, #tpu.memory_space<semaphore_mem>>)
      } else {
      }
    }
    %barrier3A_50 = arith.constant 0 : index
    tpu.barrier barrier_id(%barrier3A_50)
    "tpu.region"() ({
      %run_scoped3A = tpu.sem_alloc : memref<!tpu.dma_semaphore, #tpu.memory_space<semaphore_mem>>
      %dma_start3A = arith.constant 0 : i32
      %dma_start3A_51 = arith.constant 0 : i32
      %dma_start3A_52 = tpu.memref_slice %arg5[%arg0, %dma_start3A, %dma_start3A_51] : memref<2x10240x128xf32, #tpu.memory_space<hbm>> -> memref<1x10240x128xf32, #tpu.memory_space<hbm>>
      %dma_start3A_53 = tpu.memref_squeeze %dma_start3A_52 : memref<1x10240x128xf32, #tpu.memory_space<hbm>> -> memref<10240x128xf32, #tpu.memory_space<hbm>>
      %dma_start3A_54 = arith.constant 0 : i32
      %dma_start3A_55 = tpu.memref_slice %dma_start3A_53[%mul3A_10, %dma_start3A_54] : memref<10240x128xf32, #tpu.memory_space<hbm>> -> memref<640x128xf32, #tpu.memory_space<hbm>>
      %dma_start3A_56 = arith.constant 0 : i32
      %dma_start3A_57 = tpu.memref_slice %arg8[%mul3A_10, %dma_start3A_56] : memref<10240x128xf32, #tpu.memory_space<vmem_shared>> -> memref<640x128xf32, #tpu.memory_space<vmem_shared>>
      tpu.enqueue_dma source(%dma_start3A_57 : memref<640x128xf32, #tpu.memory_space<vmem_shared>>) target(%dma_start3A_55 : memref<640x128xf32, #tpu.memory_space<hbm>>) target_semaphore(%run_scoped3A : memref<!tpu.dma_semaphore, #tpu.memory_space<semaphore_mem>>)
      %dma_wait3A = arith.constant 0 : i32
      %dma_wait3A_58 = arith.constant 0 : i32
      %dma_wait3A_59 = tpu.memref_slice %arg5[%arg0, %dma_wait3A, %dma_wait3A_58] : memref<2x10240x128xf32, #tpu.memory_space<hbm>> -> memref<1x10240x128xf32, #tpu.memory_space<hbm>>
      %dma_wait3A_60 = tpu.memref_squeeze %dma_wait3A_59 : memref<1x10240x128xf32, #tpu.memory_space<hbm>> -> memref<10240x128xf32, #tpu.memory_space<hbm>>
      %dma_wait3A_61 = arith.constant 0 : i32
      %dma_wait3A_62 = tpu.memref_slice %dma_wait3A_60[%mul3A_10, %dma_wait3A_61] : memref<10240x128xf32, #tpu.memory_space<hbm>> -> memref<640x128xf32, #tpu.memory_space<hbm>>
      %dma_wait3A_63 = arith.constant 0 : i32
      %dma_wait3A_64 = tpu.memref_slice %arg8[%mul3A_10, %dma_wait3A_63] : memref<10240x128xf32, #tpu.memory_space<vmem_shared>> -> memref<640x128xf32, #tpu.memory_space<vmem_shared>>
      tpu.wait_dma2 semaphore(%run_scoped3A : memref<!tpu.dma_semaphore, #tpu.memory_space<semaphore_mem>>) src(%dma_wait3A_64 : memref<640x128xf32, #tpu.memory_space<vmem_shared>>) dst(%dma_wait3A_62 : memref<640x128xf32, #tpu.memory_space<hbm>>)
      tpu.yield
    }) : () -> ()
    return
  }
}

#map = affine_map<(d0, d1) -> (0, 0, 0)>
#map1 = affine_map<(d0, d1) -> (0)>
#map2 = affine_map<(d0, d1) -> (0, 0)>
module attributes {stable_mosaic.version = 14 : i64} {
  func.func @_deg_body(%arg0: i32, %arg1: i32, %arg2: memref<2560x2x128xi32, #tpu.memory_space<hbm>>, %arg3: memref<128xf32, #tpu.memory_space<hbm>>, %arg4: memref<10240xf32, #tpu.memory_space<hbm>>, %arg5: memref<2x10240xf32, #tpu.memory_space<hbm>>, %arg6: memref<2x2x128xi32, #tpu.memory_space<vmem>>, %arg7: memref<128xf32, #tpu.memory_space<vmem>>, %arg8: memref<10240xf32, #tpu.memory_space<vmem_shared>>, %arg9: memref<!tpu.dma_semaphore, #tpu.memory_space<semaphore_mem>>, %arg10: memref<!tpu.dma_semaphore, #tpu.memory_space<semaphore_mem>>) attributes {dimension_semantics = [#tpu.dimension_semantics<core_parallel>, #tpu.dimension_semantics<subcore_parallel>], iteration_bounds = array<i64: 2, 16>, scalar_prefetch = 0 : i64, scratch_operands = 5 : i64, tpu.core_type = #tpu.core_type<sc_vector_subcore>, window_params = [{transform_indices = #map}, {transform_indices = #map1}, {transform_indices = #map1}, {transform_indices = #map2}]} {
    %mul3A = arith.constant 2 : i32
    %mul3A_0 = arith.muli %arg1, %mul3A : i32
    %add3A = arith.addi %mul3A_0, %arg0 : i32
    %mul3A_1 = arith.constant 80 : i32
    %mul3A_2 = arith.muli %add3A, %mul3A_1 : i32
    "tpu.region"() ({
      %run_scoped3A_35 = tpu.sem_alloc : memref<!tpu.dma_semaphore, #tpu.memory_space<semaphore_mem>>
      tpu.enqueue_dma source(%arg3 : memref<128xf32, #tpu.memory_space<hbm>>) target(%arg7 : memref<128xf32, #tpu.memory_space<vmem>>) target_semaphore(%run_scoped3A_35 : memref<!tpu.dma_semaphore, #tpu.memory_space<semaphore_mem>>)
      tpu.wait_dma2 semaphore(%run_scoped3A_35 : memref<!tpu.dma_semaphore, #tpu.memory_space<semaphore_mem>>) src(%arg3 : memref<128xf32, #tpu.memory_space<hbm>>) dst(%arg7 : memref<128xf32, #tpu.memory_space<vmem>>)
      tpu.yield
    }) : () -> ()
    %run_scoped3A = arith.constant 0 : i32
    "tpu.region"() ({
      %run_scoped3A_35 = tpu.sem_alloc : memref<!tpu.dma_semaphore, #tpu.memory_space<semaphore_mem>>
      %dma_start3A_36 = arith.constant 0 : i32
      %dma_start3A_37 = arith.constant 0 : i32
      %dma_start3A_38 = tpu.memref_slice %arg6[%run_scoped3A, %dma_start3A_36, %dma_start3A_37] : memref<2x2x128xi32, #tpu.memory_space<vmem>> -> memref<1x2x128xi32, #tpu.memory_space<vmem>>
      %dma_start3A_39 = tpu.memref_squeeze %dma_start3A_38 : memref<1x2x128xi32, #tpu.memory_space<vmem>> -> memref<2x128xi32, #tpu.memory_space<vmem>>
      %dma_start3A_40 = arith.constant 0 : i32
      %dma_start3A_41 = arith.constant 0 : i32
      %dma_start3A_42 = tpu.memref_slice %arg2[%mul3A_2, %dma_start3A_40, %dma_start3A_41] : memref<2560x2x128xi32, #tpu.memory_space<hbm>> -> memref<1x2x128xi32, #tpu.memory_space<hbm>>
      %dma_start3A_43 = tpu.memref_squeeze %dma_start3A_42 : memref<1x2x128xi32, #tpu.memory_space<hbm>> -> memref<2x128xi32, #tpu.memory_space<hbm>>
      %dma_start3A_44 = arith.constant 0 : i32
      %dma_start3A_45 = arith.constant 0 : i32
      %dma_start3A_46 = tpu.memref_slice %arg6[%run_scoped3A, %dma_start3A_44, %dma_start3A_45] : memref<2x2x128xi32, #tpu.memory_space<vmem>> -> memref<1x2x128xi32, #tpu.memory_space<vmem>>
      %dma_start3A_47 = tpu.memref_squeeze %dma_start3A_46 : memref<1x2x128xi32, #tpu.memory_space<vmem>> -> memref<2x128xi32, #tpu.memory_space<vmem>>
      %dma_start3A_48 = arith.constant 0 : i32
      %dma_start3A_49 = arith.constant 0 : i32
      %dma_start3A_50 = tpu.memref_slice %arg2[%mul3A_2, %dma_start3A_48, %dma_start3A_49] : memref<2560x2x128xi32, #tpu.memory_space<hbm>> -> memref<1x2x128xi32, #tpu.memory_space<hbm>>
      %dma_start3A_51 = tpu.memref_squeeze %dma_start3A_50 : memref<1x2x128xi32, #tpu.memory_space<hbm>> -> memref<2x128xi32, #tpu.memory_space<hbm>>
      tpu.enqueue_dma source(%dma_start3A_51 : memref<2x128xi32, #tpu.memory_space<hbm>>) target(%dma_start3A_47 : memref<2x128xi32, #tpu.memory_space<vmem>>) target_semaphore(%run_scoped3A_35 : memref<!tpu.dma_semaphore, #tpu.memory_space<semaphore_mem>>)
      %dma_wait3A = arith.constant 0 : i32
      %dma_wait3A_52 = arith.constant 0 : i32
      %dma_wait3A_53 = tpu.memref_slice %arg6[%run_scoped3A, %dma_wait3A, %dma_wait3A_52] : memref<2x2x128xi32, #tpu.memory_space<vmem>> -> memref<1x2x128xi32, #tpu.memory_space<vmem>>
      %dma_wait3A_54 = tpu.memref_squeeze %dma_wait3A_53 : memref<1x2x128xi32, #tpu.memory_space<vmem>> -> memref<2x128xi32, #tpu.memory_space<vmem>>
      %dma_wait3A_55 = arith.constant 0 : i32
      %dma_wait3A_56 = arith.constant 0 : i32
      %dma_wait3A_57 = tpu.memref_slice %arg2[%mul3A_2, %dma_wait3A_55, %dma_wait3A_56] : memref<2560x2x128xi32, #tpu.memory_space<hbm>> -> memref<1x2x128xi32, #tpu.memory_space<hbm>>
      %dma_wait3A_58 = tpu.memref_squeeze %dma_wait3A_57 : memref<1x2x128xi32, #tpu.memory_space<hbm>> -> memref<2x128xi32, #tpu.memory_space<hbm>>
      %dma_wait3A_59 = arith.constant 0 : i32
      %dma_wait3A_60 = arith.constant 0 : i32
      %dma_wait3A_61 = tpu.memref_slice %arg6[%run_scoped3A, %dma_wait3A_59, %dma_wait3A_60] : memref<2x2x128xi32, #tpu.memory_space<vmem>> -> memref<1x2x128xi32, #tpu.memory_space<vmem>>
      %dma_wait3A_62 = tpu.memref_squeeze %dma_wait3A_61 : memref<1x2x128xi32, #tpu.memory_space<vmem>> -> memref<2x128xi32, #tpu.memory_space<vmem>>
      %dma_wait3A_63 = arith.constant 0 : i32
      %dma_wait3A_64 = arith.constant 0 : i32
      %dma_wait3A_65 = tpu.memref_slice %arg2[%mul3A_2, %dma_wait3A_63, %dma_wait3A_64] : memref<2560x2x128xi32, #tpu.memory_space<hbm>> -> memref<1x2x128xi32, #tpu.memory_space<hbm>>
      %dma_wait3A_66 = tpu.memref_squeeze %dma_wait3A_65 : memref<1x2x128xi32, #tpu.memory_space<hbm>> -> memref<2x128xi32, #tpu.memory_space<hbm>>
      tpu.wait_dma2 semaphore(%run_scoped3A_35 : memref<!tpu.dma_semaphore, #tpu.memory_space<semaphore_mem>>) src(%dma_wait3A_66 : memref<2x128xi32, #tpu.memory_space<hbm>>) dst(%dma_wait3A_62 : memref<2x128xi32, #tpu.memory_space<vmem>>)
      tpu.yield
    }) : () -> ()
    %add3A_3 = arith.constant 1 : i32
    %add3A_4 = arith.addi %mul3A_2, %add3A_3 : i32
    %dma_start3A = arith.constant 1 : i32
    %dma_start3A_5 = arith.constant 0 : i32
    %dma_start3A_6 = arith.constant 0 : i32
    %dma_start3A_7 = tpu.memref_slice %arg6[%dma_start3A, %dma_start3A_5, %dma_start3A_6] : memref<2x2x128xi32, #tpu.memory_space<vmem>> -> memref<1x2x128xi32, #tpu.memory_space<vmem>>
    %dma_start3A_8 = tpu.memref_squeeze %dma_start3A_7 : memref<1x2x128xi32, #tpu.memory_space<vmem>> -> memref<2x128xi32, #tpu.memory_space<vmem>>
    %dma_start3A_9 = arith.constant 0 : i32
    %dma_start3A_10 = arith.constant 0 : i32
    %dma_start3A_11 = tpu.memref_slice %arg2[%add3A_4, %dma_start3A_9, %dma_start3A_10] : memref<2560x2x128xi32, #tpu.memory_space<hbm>> -> memref<1x2x128xi32, #tpu.memory_space<hbm>>
    %dma_start3A_12 = tpu.memref_squeeze %dma_start3A_11 : memref<1x2x128xi32, #tpu.memory_space<hbm>> -> memref<2x128xi32, #tpu.memory_space<hbm>>
    %dma_start3A_13 = arith.constant 0 : i32
    %dma_start3A_14 = arith.constant 0 : i32
    %dma_start3A_15 = tpu.memref_slice %arg6[%dma_start3A, %dma_start3A_13, %dma_start3A_14] : memref<2x2x128xi32, #tpu.memory_space<vmem>> -> memref<1x2x128xi32, #tpu.memory_space<vmem>>
    %dma_start3A_16 = tpu.memref_squeeze %dma_start3A_15 : memref<1x2x128xi32, #tpu.memory_space<vmem>> -> memref<2x128xi32, #tpu.memory_space<vmem>>
    %dma_start3A_17 = arith.constant 0 : i32
    %dma_start3A_18 = arith.constant 0 : i32
    %dma_start3A_19 = tpu.memref_slice %arg2[%add3A_4, %dma_start3A_17, %dma_start3A_18] : memref<2560x2x128xi32, #tpu.memory_space<hbm>> -> memref<1x2x128xi32, #tpu.memory_space<hbm>>
    %dma_start3A_20 = tpu.memref_squeeze %dma_start3A_19 : memref<1x2x128xi32, #tpu.memory_space<hbm>> -> memref<2x128xi32, #tpu.memory_space<hbm>>
    tpu.enqueue_dma source(%dma_start3A_20 : memref<2x128xi32, #tpu.memory_space<hbm>>) target(%dma_start3A_16 : memref<2x128xi32, #tpu.memory_space<vmem>>) target_semaphore(%arg10 : memref<!tpu.dma_semaphore, #tpu.memory_space<semaphore_mem>>)
    %mul3A_21 = arith.constant 640 : i32
    %mul3A_22 = arith.muli %arg1, %mul3A_21 : i32
    %mul3A_23 = arith.constant 640 : i32
    %mul3A_24 = arith.muli %arg1, %mul3A_23 : i32
    "tpu.region"() ({
      %run_scoped3A_35 = tpu.sem_alloc : memref<!tpu.dma_semaphore, #tpu.memory_space<semaphore_mem>>
      %dma_start3A_36 = tpu.memref_slice %arg8[%mul3A_24] : memref<10240xf32, #tpu.memory_space<vmem_shared>> -> memref<640xf32, #tpu.memory_space<vmem_shared>>
      %dma_start3A_37 = tpu.memref_slice %arg4[%mul3A_22] : memref<10240xf32, #tpu.memory_space<hbm>> -> memref<640xf32, #tpu.memory_space<hbm>>
      tpu.enqueue_dma source(%dma_start3A_37 : memref<640xf32, #tpu.memory_space<hbm>>) target(%dma_start3A_36 : memref<640xf32, #tpu.memory_space<vmem_shared>>) target_semaphore(%run_scoped3A_35 : memref<!tpu.dma_semaphore, #tpu.memory_space<semaphore_mem>>)
      %dma_wait3A = tpu.memref_slice %arg8[%mul3A_24] : memref<10240xf32, #tpu.memory_space<vmem_shared>> -> memref<640xf32, #tpu.memory_space<vmem_shared>>
      %dma_wait3A_38 = tpu.memref_slice %arg4[%mul3A_22] : memref<10240xf32, #tpu.memory_space<hbm>> -> memref<640xf32, #tpu.memory_space<hbm>>
      tpu.wait_dma2 semaphore(%run_scoped3A_35 : memref<!tpu.dma_semaphore, #tpu.memory_space<semaphore_mem>>) src(%dma_wait3A_38 : memref<640xf32, #tpu.memory_space<hbm>>) dst(%dma_wait3A : memref<640xf32, #tpu.memory_space<vmem_shared>>)
      tpu.yield
    }) : () -> ()
    %barrier3A = arith.constant 0 : index
    tpu.barrier barrier_id(%barrier3A)
    %scan3A = arith.constant 0 : i32
    %scan3A_25 = arith.constant 0 : i32
    %scan3A_26 = arith.constant 40 : i32
    %scan3A_27 = arith.addi %scan3A_25, %scan3A_26 : i32
    %scan3A_28 = arith.constant 1 : i32
    scf.for %scan3A_35 = %scan3A_25 to %scan3A_27 step %scan3A_28  : i32 {
      %mul3A_36 = arith.constant 2 : i32
      %mul3A_37 = arith.muli %mul3A_36, %scan3A_35 : i32
      %add3A_38 = arith.addi %mul3A_2, %mul3A_37 : i32
      %add3A_39 = arith.constant 1 : i32
      %add3A_40 = arith.addi %scan3A_35, %add3A_39 : i32
      %lt3A = arith.constant 40 : i32
      %lt3A_41 = arith.cmpi slt, %add3A_40, %lt3A : i32
      %run_scoped3A_42 = arith.constant 0 : i32
      %run_scoped3A_43 = arith.constant 1 : i32
      "tpu.region"() ({
        %run_scoped3A_68 = tpu.sem_alloc : memref<!tpu.dma_semaphore, #tpu.memory_space<semaphore_mem>>
        %dma_start3A_69 = arith.constant 0 : i32
        %dma_start3A_70 = arith.constant 0 : i32
        %dma_start3A_71 = tpu.memref_slice %arg6[%run_scoped3A_42, %dma_start3A_69, %dma_start3A_70] : memref<2x2x128xi32, #tpu.memory_space<vmem>> -> memref<1x2x128xi32, #tpu.memory_space<vmem>>
        %dma_start3A_72 = tpu.memref_squeeze %dma_start3A_71 : memref<1x2x128xi32, #tpu.memory_space<vmem>> -> memref<2x128xi32, #tpu.memory_space<vmem>>
        %dma_start3A_73 = arith.constant 0 : i32
        %dma_start3A_74 = tpu.memref_slice %dma_start3A_72[%run_scoped3A_43, %dma_start3A_73] : memref<2x128xi32, #tpu.memory_space<vmem>> -> memref<1x128xi32, #tpu.memory_space<vmem>>
        %dma_start3A_75 = tpu.memref_squeeze %dma_start3A_74 : memref<1x128xi32, #tpu.memory_space<vmem>> -> memref<128xi32, #tpu.memory_space<vmem>>
        %dma_start3A_76 = arith.constant 0 : i32
        %dma_start3A_77 = tpu.memref_slice %arg8[%dma_start3A_76] : memref<10240xf32, #tpu.memory_space<vmem_shared>> -> memref<10240xf32, #tpu.memory_space<vmem_shared>>
        tpu.enqueue_indirect_dma source(%arg7 : memref<128xf32, #tpu.memory_space<vmem>>) target(%dma_start3A_77 : memref<10240xf32, #tpu.memory_space<vmem_shared>>) offsets(%dma_start3A_75 : memref<128xi32, #tpu.memory_space<vmem>>) semaphore(%run_scoped3A_68 : memref<!tpu.dma_semaphore, #tpu.memory_space<semaphore_mem>>) {add = true}
        %dma_wait3A_78 = arith.constant 0 : i32
        %dma_wait3A_79 = arith.constant 0 : i32
        %dma_wait3A_80 = tpu.memref_slice %arg6[%run_scoped3A_42, %dma_wait3A_78, %dma_wait3A_79] : memref<2x2x128xi32, #tpu.memory_space<vmem>> -> memref<1x2x128xi32, #tpu.memory_space<vmem>>
        %dma_wait3A_81 = tpu.memref_squeeze %dma_wait3A_80 : memref<1x2x128xi32, #tpu.memory_space<vmem>> -> memref<2x128xi32, #tpu.memory_space<vmem>>
        %dma_wait3A_82 = arith.constant 0 : i32
        %dma_wait3A_83 = tpu.memref_slice %dma_wait3A_81[%run_scoped3A_43, %dma_wait3A_82] : memref<2x128xi32, #tpu.memory_space<vmem>> -> memref<1x128xi32, #tpu.memory_space<vmem>>
        %dma_wait3A_84 = tpu.memref_squeeze %dma_wait3A_83 : memref<1x128xi32, #tpu.memory_space<vmem>> -> memref<128xi32, #tpu.memory_space<vmem>>
        %dma_wait3A_85 = arith.constant 0 : i32
        %dma_wait3A_86 = tpu.memref_slice %arg8[%dma_wait3A_85] : memref<10240xf32, #tpu.memory_space<vmem_shared>> -> memref<10240xf32, #tpu.memory_space<vmem_shared>>
        tpu.wait_indirect_dma semaphore(%run_scoped3A_68 : memref<!tpu.dma_semaphore, #tpu.memory_space<semaphore_mem>>) src(%arg7 : memref<128xf32, #tpu.memory_space<vmem>>) dst(%dma_wait3A_86 : memref<10240xf32, #tpu.memory_space<vmem_shared>>)
        tpu.yield
      }) : () -> ()
      %convert_element_type3A = arith.extui %lt3A_41 : i1 to i32
      %cond3A = arith.constant 0 : i32
      %cond3A_44 = arith.cmpi ne, %convert_element_type3A, %cond3A : i32
      scf.if %cond3A_44 {
        %add3A_68 = arith.constant 2 : i32
        %add3A_69 = arith.addi %add3A_38, %add3A_68 : i32
        %dma_start3A_70 = arith.constant 0 : i32
        %dma_start3A_71 = arith.constant 0 : i32
        %dma_start3A_72 = arith.constant 0 : i32
        %dma_start3A_73 = tpu.memref_slice %arg6[%dma_start3A_70, %dma_start3A_71, %dma_start3A_72] : memref<2x2x128xi32, #tpu.memory_space<vmem>> -> memref<1x2x128xi32, #tpu.memory_space<vmem>>
        %dma_start3A_74 = tpu.memref_squeeze %dma_start3A_73 : memref<1x2x128xi32, #tpu.memory_space<vmem>> -> memref<2x128xi32, #tpu.memory_space<vmem>>
        %dma_start3A_75 = arith.constant 0 : i32
        %dma_start3A_76 = arith.constant 0 : i32
        %dma_start3A_77 = tpu.memref_slice %arg2[%add3A_69, %dma_start3A_75, %dma_start3A_76] : memref<2560x2x128xi32, #tpu.memory_space<hbm>> -> memref<1x2x128xi32, #tpu.memory_space<hbm>>
        %dma_start3A_78 = tpu.memref_squeeze %dma_start3A_77 : memref<1x2x128xi32, #tpu.memory_space<hbm>> -> memref<2x128xi32, #tpu.memory_space<hbm>>
        %dma_start3A_79 = arith.constant 0 : i32
        %dma_start3A_80 = arith.constant 0 : i32
        %dma_start3A_81 = tpu.memref_slice %arg6[%dma_start3A_70, %dma_start3A_79, %dma_start3A_80] : memref<2x2x128xi32, #tpu.memory_space<vmem>> -> memref<1x2x128xi32, #tpu.memory_space<vmem>>
        %dma_start3A_82 = tpu.memref_squeeze %dma_start3A_81 : memref<1x2x128xi32, #tpu.memory_space<vmem>> -> memref<2x128xi32, #tpu.memory_space<vmem>>
        %dma_start3A_83 = arith.constant 0 : i32
        %dma_start3A_84 = arith.constant 0 : i32
        %dma_start3A_85 = tpu.memref_slice %arg2[%add3A_69, %dma_start3A_83, %dma_start3A_84] : memref<2560x2x128xi32, #tpu.memory_space<hbm>> -> memref<1x2x128xi32, #tpu.memory_space<hbm>>
        %dma_start3A_86 = tpu.memref_squeeze %dma_start3A_85 : memref<1x2x128xi32, #tpu.memory_space<hbm>> -> memref<2x128xi32, #tpu.memory_space<hbm>>
        tpu.enqueue_dma source(%dma_start3A_86 : memref<2x128xi32, #tpu.memory_space<hbm>>) target(%dma_start3A_82 : memref<2x128xi32, #tpu.memory_space<vmem>>) target_semaphore(%arg9 : memref<!tpu.dma_semaphore, #tpu.memory_space<semaphore_mem>>)
      } else {
      }
      %add3A_45 = arith.constant 1 : i32
      %add3A_46 = arith.addi %add3A_38, %add3A_45 : i32
      %dma_wait3A = arith.constant 1 : i32
      %dma_wait3A_47 = arith.constant 0 : i32
      %dma_wait3A_48 = arith.constant 0 : i32
      %dma_wait3A_49 = tpu.memref_slice %arg6[%dma_wait3A, %dma_wait3A_47, %dma_wait3A_48] : memref<2x2x128xi32, #tpu.memory_space<vmem>> -> memref<1x2x128xi32, #tpu.memory_space<vmem>>
      %dma_wait3A_50 = tpu.memref_squeeze %dma_wait3A_49 : memref<1x2x128xi32, #tpu.memory_space<vmem>> -> memref<2x128xi32, #tpu.memory_space<vmem>>
      %dma_wait3A_51 = arith.constant 0 : i32
      %dma_wait3A_52 = arith.constant 0 : i32
      %dma_wait3A_53 = tpu.memref_slice %arg2[%add3A_46, %dma_wait3A_51, %dma_wait3A_52] : memref<2560x2x128xi32, #tpu.memory_space<hbm>> -> memref<1x2x128xi32, #tpu.memory_space<hbm>>
      %dma_wait3A_54 = tpu.memref_squeeze %dma_wait3A_53 : memref<1x2x128xi32, #tpu.memory_space<hbm>> -> memref<2x128xi32, #tpu.memory_space<hbm>>
      %dma_wait3A_55 = arith.constant 0 : i32
      %dma_wait3A_56 = arith.constant 0 : i32
      %dma_wait3A_57 = tpu.memref_slice %arg6[%dma_wait3A, %dma_wait3A_55, %dma_wait3A_56] : memref<2x2x128xi32, #tpu.memory_space<vmem>> -> memref<1x2x128xi32, #tpu.memory_space<vmem>>
      %dma_wait3A_58 = tpu.memref_squeeze %dma_wait3A_57 : memref<1x2x128xi32, #tpu.memory_space<vmem>> -> memref<2x128xi32, #tpu.memory_space<vmem>>
      %dma_wait3A_59 = arith.constant 0 : i32
      %dma_wait3A_60 = arith.constant 0 : i32
      %dma_wait3A_61 = tpu.memref_slice %arg2[%add3A_46, %dma_wait3A_59, %dma_wait3A_60] : memref<2560x2x128xi32, #tpu.memory_space<hbm>> -> memref<1x2x128xi32, #tpu.memory_space<hbm>>
      %dma_wait3A_62 = tpu.memref_squeeze %dma_wait3A_61 : memref<1x2x128xi32, #tpu.memory_space<hbm>> -> memref<2x128xi32, #tpu.memory_space<hbm>>
      tpu.wait_dma2 semaphore(%arg10 : memref<!tpu.dma_semaphore, #tpu.memory_space<semaphore_mem>>) src(%dma_wait3A_62 : memref<2x128xi32, #tpu.memory_space<hbm>>) dst(%dma_wait3A_58 : memref<2x128xi32, #tpu.memory_space<vmem>>)
      %run_scoped3A_63 = arith.constant 1 : i32
      %run_scoped3A_64 = arith.constant 1 : i32
      "tpu.region"() ({
        %run_scoped3A_68 = tpu.sem_alloc : memref<!tpu.dma_semaphore, #tpu.memory_space<semaphore_mem>>
        %dma_start3A_69 = arith.constant 0 : i32
        %dma_start3A_70 = arith.constant 0 : i32
        %dma_start3A_71 = tpu.memref_slice %arg6[%run_scoped3A_63, %dma_start3A_69, %dma_start3A_70] : memref<2x2x128xi32, #tpu.memory_space<vmem>> -> memref<1x2x128xi32, #tpu.memory_space<vmem>>
        %dma_start3A_72 = tpu.memref_squeeze %dma_start3A_71 : memref<1x2x128xi32, #tpu.memory_space<vmem>> -> memref<2x128xi32, #tpu.memory_space<vmem>>
        %dma_start3A_73 = arith.constant 0 : i32
        %dma_start3A_74 = tpu.memref_slice %dma_start3A_72[%run_scoped3A_64, %dma_start3A_73] : memref<2x128xi32, #tpu.memory_space<vmem>> -> memref<1x128xi32, #tpu.memory_space<vmem>>
        %dma_start3A_75 = tpu.memref_squeeze %dma_start3A_74 : memref<1x128xi32, #tpu.memory_space<vmem>> -> memref<128xi32, #tpu.memory_space<vmem>>
        %dma_start3A_76 = arith.constant 0 : i32
        %dma_start3A_77 = tpu.memref_slice %arg8[%dma_start3A_76] : memref<10240xf32, #tpu.memory_space<vmem_shared>> -> memref<10240xf32, #tpu.memory_space<vmem_shared>>
        tpu.enqueue_indirect_dma source(%arg7 : memref<128xf32, #tpu.memory_space<vmem>>) target(%dma_start3A_77 : memref<10240xf32, #tpu.memory_space<vmem_shared>>) offsets(%dma_start3A_75 : memref<128xi32, #tpu.memory_space<vmem>>) semaphore(%run_scoped3A_68 : memref<!tpu.dma_semaphore, #tpu.memory_space<semaphore_mem>>) {add = true}
        %dma_wait3A_78 = arith.constant 0 : i32
        %dma_wait3A_79 = arith.constant 0 : i32
        %dma_wait3A_80 = tpu.memref_slice %arg6[%run_scoped3A_63, %dma_wait3A_78, %dma_wait3A_79] : memref<2x2x128xi32, #tpu.memory_space<vmem>> -> memref<1x2x128xi32, #tpu.memory_space<vmem>>
        %dma_wait3A_81 = tpu.memref_squeeze %dma_wait3A_80 : memref<1x2x128xi32, #tpu.memory_space<vmem>> -> memref<2x128xi32, #tpu.memory_space<vmem>>
        %dma_wait3A_82 = arith.constant 0 : i32
        %dma_wait3A_83 = tpu.memref_slice %dma_wait3A_81[%run_scoped3A_64, %dma_wait3A_82] : memref<2x128xi32, #tpu.memory_space<vmem>> -> memref<1x128xi32, #tpu.memory_space<vmem>>
        %dma_wait3A_84 = tpu.memref_squeeze %dma_wait3A_83 : memref<1x128xi32, #tpu.memory_space<vmem>> -> memref<128xi32, #tpu.memory_space<vmem>>
        %dma_wait3A_85 = arith.constant 0 : i32
        %dma_wait3A_86 = tpu.memref_slice %arg8[%dma_wait3A_85] : memref<10240xf32, #tpu.memory_space<vmem_shared>> -> memref<10240xf32, #tpu.memory_space<vmem_shared>>
        tpu.wait_indirect_dma semaphore(%run_scoped3A_68 : memref<!tpu.dma_semaphore, #tpu.memory_space<semaphore_mem>>) src(%arg7 : memref<128xf32, #tpu.memory_space<vmem>>) dst(%dma_wait3A_86 : memref<10240xf32, #tpu.memory_space<vmem_shared>>)
        tpu.yield
      }) : () -> ()
      %convert_element_type3A_65 = arith.extui %lt3A_41 : i1 to i32
      %cond3A_66 = arith.constant 0 : i32
      %cond3A_67 = arith.cmpi ne, %convert_element_type3A_65, %cond3A_66 : i32
      scf.if %cond3A_67 {
        %add3A_68 = arith.constant 2 : i32
        %add3A_69 = arith.addi %add3A_38, %add3A_68 : i32
        %dma_wait3A_70 = arith.constant 0 : i32
        %dma_wait3A_71 = arith.constant 0 : i32
        %dma_wait3A_72 = arith.constant 0 : i32
        %dma_wait3A_73 = tpu.memref_slice %arg6[%dma_wait3A_70, %dma_wait3A_71, %dma_wait3A_72] : memref<2x2x128xi32, #tpu.memory_space<vmem>> -> memref<1x2x128xi32, #tpu.memory_space<vmem>>
        %dma_wait3A_74 = tpu.memref_squeeze %dma_wait3A_73 : memref<1x2x128xi32, #tpu.memory_space<vmem>> -> memref<2x128xi32, #tpu.memory_space<vmem>>
        %dma_wait3A_75 = arith.constant 0 : i32
        %dma_wait3A_76 = arith.constant 0 : i32
        %dma_wait3A_77 = tpu.memref_slice %arg2[%add3A_69, %dma_wait3A_75, %dma_wait3A_76] : memref<2560x2x128xi32, #tpu.memory_space<hbm>> -> memref<1x2x128xi32, #tpu.memory_space<hbm>>
        %dma_wait3A_78 = tpu.memref_squeeze %dma_wait3A_77 : memref<1x2x128xi32, #tpu.memory_space<hbm>> -> memref<2x128xi32, #tpu.memory_space<hbm>>
        %dma_wait3A_79 = arith.constant 0 : i32
        %dma_wait3A_80 = arith.constant 0 : i32
        %dma_wait3A_81 = tpu.memref_slice %arg6[%dma_wait3A_70, %dma_wait3A_79, %dma_wait3A_80] : memref<2x2x128xi32, #tpu.memory_space<vmem>> -> memref<1x2x128xi32, #tpu.memory_space<vmem>>
        %dma_wait3A_82 = tpu.memref_squeeze %dma_wait3A_81 : memref<1x2x128xi32, #tpu.memory_space<vmem>> -> memref<2x128xi32, #tpu.memory_space<vmem>>
        %dma_wait3A_83 = arith.constant 0 : i32
        %dma_wait3A_84 = arith.constant 0 : i32
        %dma_wait3A_85 = tpu.memref_slice %arg2[%add3A_69, %dma_wait3A_83, %dma_wait3A_84] : memref<2560x2x128xi32, #tpu.memory_space<hbm>> -> memref<1x2x128xi32, #tpu.memory_space<hbm>>
        %dma_wait3A_86 = tpu.memref_squeeze %dma_wait3A_85 : memref<1x2x128xi32, #tpu.memory_space<hbm>> -> memref<2x128xi32, #tpu.memory_space<hbm>>
        tpu.wait_dma2 semaphore(%arg9 : memref<!tpu.dma_semaphore, #tpu.memory_space<semaphore_mem>>) src(%dma_wait3A_86 : memref<2x128xi32, #tpu.memory_space<hbm>>) dst(%dma_wait3A_82 : memref<2x128xi32, #tpu.memory_space<vmem>>)
        %add3A_87 = arith.constant 3 : i32
        %add3A_88 = arith.addi %add3A_38, %add3A_87 : i32
        %dma_start3A_89 = arith.constant 1 : i32
        %dma_start3A_90 = arith.constant 0 : i32
        %dma_start3A_91 = arith.constant 0 : i32
        %dma_start3A_92 = tpu.memref_slice %arg6[%dma_start3A_89, %dma_start3A_90, %dma_start3A_91] : memref<2x2x128xi32, #tpu.memory_space<vmem>> -> memref<1x2x128xi32, #tpu.memory_space<vmem>>
        %dma_start3A_93 = tpu.memref_squeeze %dma_start3A_92 : memref<1x2x128xi32, #tpu.memory_space<vmem>> -> memref<2x128xi32, #tpu.memory_space<vmem>>
        %dma_start3A_94 = arith.constant 0 : i32
        %dma_start3A_95 = arith.constant 0 : i32
        %dma_start3A_96 = tpu.memref_slice %arg2[%add3A_88, %dma_start3A_94, %dma_start3A_95] : memref<2560x2x128xi32, #tpu.memory_space<hbm>> -> memref<1x2x128xi32, #tpu.memory_space<hbm>>
        %dma_start3A_97 = tpu.memref_squeeze %dma_start3A_96 : memref<1x2x128xi32, #tpu.memory_space<hbm>> -> memref<2x128xi32, #tpu.memory_space<hbm>>
        %dma_start3A_98 = arith.constant 0 : i32
        %dma_start3A_99 = arith.constant 0 : i32
        %dma_start3A_100 = tpu.memref_slice %arg6[%dma_start3A_89, %dma_start3A_98, %dma_start3A_99] : memref<2x2x128xi32, #tpu.memory_space<vmem>> -> memref<1x2x128xi32, #tpu.memory_space<vmem>>
        %dma_start3A_101 = tpu.memref_squeeze %dma_start3A_100 : memref<1x2x128xi32, #tpu.memory_space<vmem>> -> memref<2x128xi32, #tpu.memory_space<vmem>>
        %dma_start3A_102 = arith.constant 0 : i32
        %dma_start3A_103 = arith.constant 0 : i32
        %dma_start3A_104 = tpu.memref_slice %arg2[%add3A_88, %dma_start3A_102, %dma_start3A_103] : memref<2560x2x128xi32, #tpu.memory_space<hbm>> -> memref<1x2x128xi32, #tpu.memory_space<hbm>>
        %dma_start3A_105 = tpu.memref_squeeze %dma_start3A_104 : memref<1x2x128xi32, #tpu.memory_space<hbm>> -> memref<2x128xi32, #tpu.memory_space<hbm>>
        tpu.enqueue_dma source(%dma_start3A_105 : memref<2x128xi32, #tpu.memory_space<hbm>>) target(%dma_start3A_101 : memref<2x128xi32, #tpu.memory_space<vmem>>) target_semaphore(%arg10 : memref<!tpu.dma_semaphore, #tpu.memory_space<semaphore_mem>>)
      } else {
      }
    }
    %scan3A_29 = arith.constant 40 : i32
    %barrier3A_30 = arith.constant 0 : index
    tpu.barrier barrier_id(%barrier3A_30)
    %mul3A_31 = arith.constant 640 : i32
    %mul3A_32 = arith.muli %arg1, %mul3A_31 : i32
    %mul3A_33 = arith.constant 640 : i32
    %mul3A_34 = arith.muli %arg1, %mul3A_33 : i32
    "tpu.region"() ({
      %run_scoped3A_35 = tpu.sem_alloc : memref<!tpu.dma_semaphore, #tpu.memory_space<semaphore_mem>>
      %dma_start3A_36 = arith.constant 0 : i32
      %dma_start3A_37 = tpu.memref_slice %arg5[%arg0, %dma_start3A_36] : memref<2x10240xf32, #tpu.memory_space<hbm>> -> memref<1x10240xf32, #tpu.memory_space<hbm>>
      %dma_start3A_38 = tpu.memref_squeeze %dma_start3A_37 : memref<1x10240xf32, #tpu.memory_space<hbm>> -> memref<10240xf32, #tpu.memory_space<hbm>>
      %dma_start3A_39 = tpu.memref_slice %dma_start3A_38[%mul3A_34] : memref<10240xf32, #tpu.memory_space<hbm>> -> memref<640xf32, #tpu.memory_space<hbm>>
      %dma_start3A_40 = tpu.memref_slice %arg8[%mul3A_32] : memref<10240xf32, #tpu.memory_space<vmem_shared>> -> memref<640xf32, #tpu.memory_space<vmem_shared>>
      tpu.enqueue_dma source(%dma_start3A_40 : memref<640xf32, #tpu.memory_space<vmem_shared>>) target(%dma_start3A_39 : memref<640xf32, #tpu.memory_space<hbm>>) target_semaphore(%run_scoped3A_35 : memref<!tpu.dma_semaphore, #tpu.memory_space<semaphore_mem>>)
      %dma_wait3A = arith.constant 0 : i32
      %dma_wait3A_41 = tpu.memref_slice %arg5[%arg0, %dma_wait3A] : memref<2x10240xf32, #tpu.memory_space<hbm>> -> memref<1x10240xf32, #tpu.memory_space<hbm>>
      %dma_wait3A_42 = tpu.memref_squeeze %dma_wait3A_41 : memref<1x10240xf32, #tpu.memory_space<hbm>> -> memref<10240xf32, #tpu.memory_space<hbm>>
      %dma_wait3A_43 = tpu.memref_slice %dma_wait3A_42[%mul3A_34] : memref<10240xf32, #tpu.memory_space<hbm>> -> memref<640xf32, #tpu.memory_space<hbm>>
      %dma_wait3A_44 = tpu.memref_slice %arg8[%mul3A_32] : memref<10240xf32, #tpu.memory_space<vmem_shared>> -> memref<640xf32, #tpu.memory_space<vmem_shared>>
      tpu.wait_dma2 semaphore(%run_scoped3A_35 : memref<!tpu.dma_semaphore, #tpu.memory_space<semaphore_mem>>) src(%dma_wait3A_44 : memref<640xf32, #tpu.memory_space<vmem_shared>>) dst(%dma_wait3A_43 : memref<640xf32, #tpu.memory_space<hbm>>)
      tpu.yield
    }) : () -> ()
    return
  }
}

module attributes {stable_mosaic.version = 14 : i64} {
  func.func @_tc1_body(%arg0: i32, %arg1: memref<1024x2xf32, #tpu.memory_space<vmem>>, %arg2: memref<1024x128xf32, #tpu.memory_space<vmem>>, %arg3: memref<128x128xf32, #tpu.memory_space<vmem>>, %arg4: memref<1024x128xf32, #tpu.memory_space<vmem>>, %arg5: memref<1024x1xf32, #tpu.memory_space<vmem>>) attributes {dimension_semantics = [#tpu.dimension_semantics<arbitrary>], iteration_bounds = array<i64: 10>, scalar_prefetch = 0 : i64, scratch_operands = 0 : i64, tpu.core_type = #tpu.core_type<tc>, window_params = [{transform_indices = @transform_0, window_bounds = array<i64: 1024, 2>}, {transform_indices = @transform_1, window_bounds = array<i64: 1024, 128>}, {pipeline_mode = #tpu.pipeline_mode<synchronous>, transform_indices = @transform_2, window_bounds = array<i64: 128, 128>}, {transform_indices = @transform_3, window_bounds = array<i64: 1024, 128>}, {transform_indices = @transform_4, window_bounds = array<i64: 1024, 1>}]} {
    %get3A = arith.constant 0 : index
    %get3A_0 = arith.constant 0 : index
    %get3A_1 = vector.load %arg1[%get3A, %get3A_0] : memref<1024x2xf32, #tpu.memory_space<vmem>>, vector<1024x2xf32>
    %slice3A = vector.extract_strided_slice %get3A_1 {offsets = [0, 0], sizes = [1024, 1], strides = [1, 1]} : vector<1024x2xf32> to vector<1024x1xf32>
    %slice3A_2 = vector.extract_strided_slice %get3A_1 {offsets = [0, 1], sizes = [1024, 1], strides = [1, 1]} : vector<1024x2xf32> to vector<1024x1xf32>
    %add3A = arith.addf %slice3A, %slice3A_2 : vector<1024x1xf32>
    %add3A_3 = arith.constant 1.000000e+00 : f32
    %add3A_4 = vector.broadcast %add3A_3 : f32 to vector<1024x1xf32>
    %add3A_5 = arith.addf %add3A, %add3A_4 : vector<1024x1xf32>
    %rsqrt3A = math.rsqrt %add3A_5 : vector<1024x1xf32>
    %swap3A = arith.constant 0 : index
    %swap3A_6 = arith.constant 0 : index
    %swap3A_7 = vector.load %arg5[%swap3A, %swap3A_6] : memref<1024x1xf32, #tpu.memory_space<vmem>>, vector<1024x1xf32>
    tpu.vector_store %arg5[%swap3A, %swap3A_6], %rsqrt3A {strides = array<i32>} : memref<1024x1xf32, #tpu.memory_space<vmem>>, vector<1024x1xf32>,
    %get3A_8 = arith.constant 0 : index
    %get3A_9 = arith.constant 0 : index
    %get3A_10 = vector.load %arg2[%get3A_8, %get3A_9] : memref<1024x128xf32, #tpu.memory_space<vmem>>, vector<1024x128xf32>
    %get3A_11 = arith.constant 0 : index
    %get3A_12 = arith.constant 0 : index
    %get3A_13 = vector.load %arg3[%get3A_11, %get3A_12] : memref<128x128xf32, #tpu.memory_space<vmem>>, vector<128x128xf32>
    %dot_general3A = arith.constant dense<0.000000e+00> : vector<1024x128xf32>
    %dot_general3A_14 = tpu.matmul %get3A_10, %get3A_13, %dot_general3A {dimension_numbers = #tpu.dot_dimension_numbers<[1], [0], [0], [1], [0, 0, 1, 1], [], []>, transpose_lhs_hint = false} : vector<1024x128xf32>, vector<128x128xf32>, vector<1024x128xf32> -> vector<1024x128xf32>
    %mul3A = vector.broadcast %rsqrt3A : vector<1024x1xf32> to vector<1024x128xf32>
    %mul3A_15 = arith.mulf %dot_general3A_14, %mul3A : vector<1024x128xf32>
    %swap3A_16 = arith.constant 0 : index
    %swap3A_17 = arith.constant 0 : index
    %swap3A_18 = vector.load %arg4[%swap3A_16, %swap3A_17] : memref<1024x128xf32, #tpu.memory_space<vmem>>, vector<1024x128xf32>
    tpu.vector_store %arg4[%swap3A_16, %swap3A_17], %mul3A_15 {strides = array<i32>} : memref<1024x128xf32, #tpu.memory_space<vmem>>, vector<1024x128xf32>,
    return
  }
  func.func @transform_0(%arg0: i32) -> (i32, i32) {
    %c0_i32 = arith.constant 0 : i32
    %c0_i32_0 = arith.constant 0 : i32
    return %arg0, %c0_i32 : i32, i32
  }
  func.func @transform_1(%arg0: i32) -> (i32, i32) {
    %c0_i32 = arith.constant 0 : i32
    %c0_i32_0 = arith.constant 0 : i32
    return %arg0, %c0_i32 : i32, i32
  }
  func.func @transform_2(%arg0: i32) -> (i32, i32) {
    %c0_i32 = arith.constant 0 : i32
    %c0_i32_0 = arith.constant 0 : i32
    %c0_i32_1 = arith.constant 0 : i32
    return %c0_i32, %c0_i32_0 : i32, i32
  }
  func.func @transform_3(%arg0: i32) -> (i32, i32) {
    %c0_i32 = arith.constant 0 : i32
    %c0_i32_0 = arith.constant 0 : i32
    return %arg0, %c0_i32 : i32, i32
  }
  func.func @transform_4(%arg0: i32) -> (i32, i32) {
    %c0_i32 = arith.constant 0 : i32
    %c0_i32_0 = arith.constant 0 : i32
    return %arg0, %c0_i32 : i32, i32
  }
}

module attributes {stable_mosaic.version = 14 : i64} {
  func.func @_tc2_body(%arg0: i32, %arg1: memref<2x1024x128xf32, #tpu.memory_space<vmem>>, %arg2: memref<1024x128xf32, #tpu.memory_space<vmem>>, %arg3: memref<1024x1xf32, #tpu.memory_space<vmem>>, %arg4: memref<1x128xf32, #tpu.memory_space<vmem>>, %arg5: memref<128x128xf32, #tpu.memory_space<vmem>>, %arg6: memref<1024x128xf32, #tpu.memory_space<vmem>>, %arg7: memref<1024x128xf32, #tpu.memory_space<vmem>>) attributes {dimension_semantics = [#tpu.dimension_semantics<arbitrary>], iteration_bounds = array<i64: 10>, scalar_prefetch = 0 : i64, scratch_operands = 0 : i64, tpu.core_type = #tpu.core_type<tc>, window_params = [{transform_indices = @transform_0, window_bounds = array<i64: 2, 1024, 128>}, {transform_indices = @transform_1, window_bounds = array<i64: 1024, 128>}, {transform_indices = @transform_2, window_bounds = array<i64: 1024, 1>}, {pipeline_mode = #tpu.pipeline_mode<synchronous>, transform_indices = @transform_3, window_bounds = array<i64: 1, 128>}, {pipeline_mode = #tpu.pipeline_mode<synchronous>, transform_indices = @transform_4, window_bounds = array<i64: 128, 128>}, {transform_indices = @transform_5, window_bounds = array<i64: 1024, 128>}, {transform_indices = @transform_6, window_bounds = array<i64: 1024, 128>}]} {
    %get3A = arith.constant 0 : index
    %get3A_0 = arith.constant 0 : index
    %get3A_1 = arith.constant 0 : index
    %get3A_2 = vector.load %arg1[%get3A, %get3A_0, %get3A_1] : memref<2x1024x128xf32, #tpu.memory_space<vmem>>, vector<1x1024x128xf32>
    %get3A_3 = vector.shape_cast %get3A_2 : vector<1x1024x128xf32> to vector<1024x128xf32>
    %get3A_4 = arith.constant 1 : index
    %get3A_5 = arith.constant 0 : index
    %get3A_6 = arith.constant 0 : index
    %get3A_7 = vector.load %arg1[%get3A_4, %get3A_5, %get3A_6] : memref<2x1024x128xf32, #tpu.memory_space<vmem>>, vector<1x1024x128xf32>
    %get3A_8 = vector.shape_cast %get3A_7 : vector<1x1024x128xf32> to vector<1024x128xf32>
    %add3A = arith.addf %get3A_3, %get3A_8 : vector<1024x128xf32>
    %get3A_9 = arith.constant 0 : index
    %get3A_10 = arith.constant 0 : index
    %get3A_11 = vector.load %arg2[%get3A_9, %get3A_10] : memref<1024x128xf32, #tpu.memory_space<vmem>>, vector<1024x128xf32>
    %add3A_12 = arith.addf %add3A, %get3A_11 : vector<1024x128xf32>
    %get3A_13 = arith.constant 0 : index
    %get3A_14 = arith.constant 0 : index
    %get3A_15 = vector.load %arg3[%get3A_13, %get3A_14] : memref<1024x1xf32, #tpu.memory_space<vmem>>, vector<1024x1xf32>
    %mul3A = vector.broadcast %get3A_15 : vector<1024x1xf32> to vector<1024x128xf32>
    %mul3A_16 = arith.mulf %mul3A, %add3A_12 : vector<1024x128xf32>
    %get3A_17 = arith.constant 0 : index
    %get3A_18 = arith.constant 0 : index
    %get3A_19 = vector.load %arg4[%get3A_17, %get3A_18] : memref<1x128xf32, #tpu.memory_space<vmem>>, vector<1x128xf32>
    %add3A_20 = vector.broadcast %get3A_19 : vector<1x128xf32> to vector<1024x128xf32>
    %add3A_21 = arith.addf %mul3A_16, %add3A_20 : vector<1024x128xf32>
    %max3A = arith.constant 0.000000e+00 : f32
    %max3A_22 = vector.broadcast %max3A : f32 to vector<1024x128xf32>
    %max3A_23 = arith.maximumf %add3A_21, %max3A_22 : vector<1024x128xf32>
    %swap3A = arith.constant 0 : index
    %swap3A_24 = arith.constant 0 : index
    %swap3A_25 = vector.load %arg6[%swap3A, %swap3A_24] : memref<1024x128xf32, #tpu.memory_space<vmem>>, vector<1024x128xf32>
    tpu.vector_store %arg6[%swap3A, %swap3A_24], %max3A_23 {strides = array<i32>} : memref<1024x128xf32, #tpu.memory_space<vmem>>, vector<1024x128xf32>,
    %get3A_26 = arith.constant 0 : index
    %get3A_27 = arith.constant 0 : index
    %get3A_28 = vector.load %arg5[%get3A_26, %get3A_27] : memref<128x128xf32, #tpu.memory_space<vmem>>, vector<128x128xf32>
    %dot_general3A = arith.constant dense<0.000000e+00> : vector<1024x128xf32>
    %dot_general3A_29 = tpu.matmul %max3A_23, %get3A_28, %dot_general3A {dimension_numbers = #tpu.dot_dimension_numbers<[1], [0], [0], [1], [0, 0, 1, 1], [], []>, transpose_lhs_hint = false} : vector<1024x128xf32>, vector<128x128xf32>, vector<1024x128xf32> -> vector<1024x128xf32>
    %mul3A_30 = vector.broadcast %get3A_15 : vector<1024x1xf32> to vector<1024x128xf32>
    %mul3A_31 = arith.mulf %dot_general3A_29, %mul3A_30 : vector<1024x128xf32>
    %swap3A_32 = arith.constant 0 : index
    %swap3A_33 = arith.constant 0 : index
    %swap3A_34 = vector.load %arg7[%swap3A_32, %swap3A_33] : memref<1024x128xf32, #tpu.memory_space<vmem>>, vector<1024x128xf32>
    tpu.vector_store %arg7[%swap3A_32, %swap3A_33], %mul3A_31 {strides = array<i32>} : memref<1024x128xf32, #tpu.memory_space<vmem>>, vector<1024x128xf32>,
    return
  }
  func.func @transform_0(%arg0: i32) -> (i32, i32, i32) {
    %c0_i32 = arith.constant 0 : i32
    %c0_i32_0 = arith.constant 0 : i32
    %c0_i32_1 = arith.constant 0 : i32
    return %c0_i32, %arg0, %c0_i32_0 : i32, i32, i32
  }
  func.func @transform_1(%arg0: i32) -> (i32, i32) {
    %c0_i32 = arith.constant 0 : i32
    %c0_i32_0 = arith.constant 0 : i32
    return %arg0, %c0_i32 : i32, i32
  }
  func.func @transform_2(%arg0: i32) -> (i32, i32) {
    %c0_i32 = arith.constant 0 : i32
    %c0_i32_0 = arith.constant 0 : i32
    return %arg0, %c0_i32 : i32, i32
  }
  func.func @transform_3(%arg0: i32) -> (i32, i32) {
    %c0_i32 = arith.constant 0 : i32
    %c0_i32_0 = arith.constant 0 : i32
    %c0_i32_1 = arith.constant 0 : i32
    return %c0_i32, %c0_i32_0 : i32, i32
  }
  func.func @transform_4(%arg0: i32) -> (i32, i32) {
    %c0_i32 = arith.constant 0 : i32
    %c0_i32_0 = arith.constant 0 : i32
    %c0_i32_1 = arith.constant 0 : i32
    return %c0_i32, %c0_i32_0 : i32, i32
  }
  func.func @transform_5(%arg0: i32) -> (i32, i32) {
    %c0_i32 = arith.constant 0 : i32
    %c0_i32_0 = arith.constant 0 : i32
    return %arg0, %c0_i32 : i32, i32
  }
  func.func @transform_6(%arg0: i32) -> (i32, i32) {
    %c0_i32 = arith.constant 0 : i32
    %c0_i32_0 = arith.constant 0 : i32
    return %arg0, %c0_i32 : i32, i32
  }
}

module attributes {stable_mosaic.version = 14 : i64} {
  func.func @_tc3_body(%arg0: i32, %arg1: memref<2x1024x128xf32, #tpu.memory_space<vmem>>, %arg2: memref<1024x128xf32, #tpu.memory_space<vmem>>, %arg3: memref<1024x1xf32, #tpu.memory_space<vmem>>, %arg4: memref<1x128xf32, #tpu.memory_space<vmem>>, %arg5: memref<1024x128xf32, #tpu.memory_space<vmem>>, %arg6: memref<1024x128xf32, #tpu.memory_space<vmem>>) attributes {dimension_semantics = [#tpu.dimension_semantics<arbitrary>], iteration_bounds = array<i64: 10>, scalar_prefetch = 0 : i64, scratch_operands = 0 : i64, tpu.core_type = #tpu.core_type<tc>, window_params = [{transform_indices = @transform_0, window_bounds = array<i64: 2, 1024, 128>}, {transform_indices = @transform_1, window_bounds = array<i64: 1024, 128>}, {transform_indices = @transform_2, window_bounds = array<i64: 1024, 1>}, {pipeline_mode = #tpu.pipeline_mode<synchronous>, transform_indices = @transform_3, window_bounds = array<i64: 1, 128>}, {transform_indices = @transform_4, window_bounds = array<i64: 1024, 128>}, {transform_indices = @transform_5, window_bounds = array<i64: 1024, 128>}]} {
    %get3A = arith.constant 0 : index
    %get3A_0 = arith.constant 0 : index
    %get3A_1 = arith.constant 0 : index
    %get3A_2 = vector.load %arg1[%get3A, %get3A_0, %get3A_1] : memref<2x1024x128xf32, #tpu.memory_space<vmem>>, vector<1x1024x128xf32>
    %get3A_3 = vector.shape_cast %get3A_2 : vector<1x1024x128xf32> to vector<1024x128xf32>
    %get3A_4 = arith.constant 1 : index
    %get3A_5 = arith.constant 0 : index
    %get3A_6 = arith.constant 0 : index
    %get3A_7 = vector.load %arg1[%get3A_4, %get3A_5, %get3A_6] : memref<2x1024x128xf32, #tpu.memory_space<vmem>>, vector<1x1024x128xf32>
    %get3A_8 = vector.shape_cast %get3A_7 : vector<1x1024x128xf32> to vector<1024x128xf32>
    %add3A = arith.addf %get3A_3, %get3A_8 : vector<1024x128xf32>
    %get3A_9 = arith.constant 0 : index
    %get3A_10 = arith.constant 0 : index
    %get3A_11 = vector.load %arg2[%get3A_9, %get3A_10] : memref<1024x128xf32, #tpu.memory_space<vmem>>, vector<1024x128xf32>
    %add3A_12 = arith.addf %add3A, %get3A_11 : vector<1024x128xf32>
    %get3A_13 = arith.constant 0 : index
    %get3A_14 = arith.constant 0 : index
    %get3A_15 = vector.load %arg3[%get3A_13, %get3A_14] : memref<1024x1xf32, #tpu.memory_space<vmem>>, vector<1024x1xf32>
    %mul3A = vector.broadcast %get3A_15 : vector<1024x1xf32> to vector<1024x128xf32>
    %mul3A_16 = arith.mulf %mul3A, %add3A_12 : vector<1024x128xf32>
    %get3A_17 = arith.constant 0 : index
    %get3A_18 = arith.constant 0 : index
    %get3A_19 = vector.load %arg4[%get3A_17, %get3A_18] : memref<1x128xf32, #tpu.memory_space<vmem>>, vector<1x128xf32>
    %add3A_20 = vector.broadcast %get3A_19 : vector<1x128xf32> to vector<1024x128xf32>
    %add3A_21 = arith.addf %mul3A_16, %add3A_20 : vector<1024x128xf32>
    %max3A = arith.constant 0.000000e+00 : f32
    %max3A_22 = vector.broadcast %max3A : f32 to vector<1024x128xf32>
    %max3A_23 = arith.maximumf %add3A_21, %max3A_22 : vector<1024x128xf32>
    %get3A_24 = arith.constant 0 : index
    %get3A_25 = arith.constant 0 : index
    %get3A_26 = vector.load %arg5[%get3A_24, %get3A_25] : memref<1024x128xf32, #tpu.memory_space<vmem>>, vector<1024x128xf32>
    %add3A_27 = arith.addf %max3A_23, %get3A_26 : vector<1024x128xf32>
    %swap3A = arith.constant 0 : index
    %swap3A_28 = arith.constant 0 : index
    %swap3A_29 = vector.load %arg6[%swap3A, %swap3A_28] : memref<1024x128xf32, #tpu.memory_space<vmem>>, vector<1024x128xf32>
    tpu.vector_store %arg6[%swap3A, %swap3A_28], %add3A_27 {strides = array<i32>} : memref<1024x128xf32, #tpu.memory_space<vmem>>, vector<1024x128xf32>,
    return
  }
  func.func @transform_0(%arg0: i32) -> (i32, i32, i32) {
    %c0_i32 = arith.constant 0 : i32
    %c0_i32_0 = arith.constant 0 : i32
    %c0_i32_1 = arith.constant 0 : i32
    return %c0_i32, %arg0, %c0_i32_0 : i32, i32, i32
  }
  func.func @transform_1(%arg0: i32) -> (i32, i32) {
    %c0_i32 = arith.constant 0 : i32
    %c0_i32_0 = arith.constant 0 : i32
    return %arg0, %c0_i32 : i32, i32
  }
  func.func @transform_2(%arg0: i32) -> (i32, i32) {
    %c0_i32 = arith.constant 0 : i32
    %c0_i32_0 = arith.constant 0 : i32
    return %arg0, %c0_i32 : i32, i32
  }
  func.func @transform_3(%arg0: i32) -> (i32, i32) {
    %c0_i32 = arith.constant 0 : i32
    %c0_i32_0 = arith.constant 0 : i32
    %c0_i32_1 = arith.constant 0 : i32
    return %c0_i32, %c0_i32_0 : i32, i32
  }
  func.func @transform_4(%arg0: i32) -> (i32, i32) {
    %c0_i32 = arith.constant 0 : i32
    %c0_i32_0 = arith.constant 0 : i32
    return %arg0, %c0_i32 : i32, i32
  }
  func.func @transform_5(%arg0: i32) -> (i32, i32) {
    %c0_i32 = arith.constant 0 : i32
    %c0_i32_0 = arith.constant 0 : i32
    return %arg0, %c0_i32 : i32, i32
  }
}

</mosaic_0001>

<sc_bundles>
// kernel: kernel.11.cloned.1.call-start
scs
__scs_entry_jumppad:
0x0: {  	(pc) =	sbr.rel $0x88, $3  }
0x1: {  	(tag) =	ssettag $0x0;
	lr =	simm.s32 $0x1  }
0x2: {  	[smem:$0x3F9B] =	sst lr;
	_ =	strace $0xD0000000  }
0x3: {  	_ = 	snop  }
0x4: {  	_ = 	snop  }
0x5: {  	_ = 	snop  }
0x6: {  	_ = 	snop  }
0x7: {  	_ = 	snop  }
__scs_overlays_trampoline_lowered:
0x8: {  	[smem:$0x3FAA] =	sst s0  }
0x9: {  	[smem:$0x3FAB] =	sst s1  }
0xa: {  	[smem:$0x3FAC] =	sst s2  }
0xb: {  	[smem:$0x3FAD] =	sst s3  }
0xc: {  	[smem:$0x3FAE] =	sst s4  }
0xd: {  	[smem:$0x3FAF] =	sst s5  }
0xe: {  	[smem:$0x3FB0] =	sst s6  }
0xf: {  	[smem:$0x3FB1] =	sst s7  }
0x10: {  	[smem:$0x3FB2] =	sst s8  }
0x11: {  	[smem:$0x3FB3] =	sst s9;
	s0 =	simm.s32 @!p0 $0x0  }
0x12: {  	s1 =	sld [smem:$0x3F99];
	s0 =	simm.s32 @p0 $0x1  }
0x13: {  	[smem:$0x3FB4] =	sst s0;
	s0 =	simm.s32 @!p1 $0x0  }
0x14: {  	s2 =	sld [smem:$0x3F98];
	s0 =	simm.s32 @p1 $0x1  }
0x15: {  	[smem:$0x3FB5] =	sst s0;
	s0 =	simm.s32 @!p2 $0x0  }
0x16: {  	s3 =	sld [smem:$0x3FDB];
	s0 =	simm.s32 @p2 $0x1  }
0x17: {  	s4 =	simm.s32 $0x1BF5;
	[smem:$0x3FB7] =	sst s0  }
0x18: {  	s0 =	sld [smem:$0x3F9A];
	_ =	swait.ge [sflag:s4], $0x0  }
0x19: {  	s7 =	sld [smem:$0x3F9B]  }
0x1a: {  	s8 =	sadd.s32 $0xFFFFE003, lr  }
0x1b: {  	s9 =	sadd.s32 $0xFFFFFEF7, lr;
	s5 =	simm.s32 $0xFFFFFFFF;
	p2 =	slt.u32 s8, $0xFFFFF086  }
0x1c: {  	p1 =	slt.u32 s9, $0xF7A;
	s5 =	simm.s32 @!p2 $0x0  }
0x1d: {  	s5 =	simm.s32 @p1 $0x1;
	p0 =	seq.s32 s7, s2  }
0x1e: {  	s7 =	smul.u32 @!p0 $0xF7A, s2;
	p2 =	seq.s32 @!p0 s5, $0x0  }
0x1f: {  	s9 =	smul.u32 $0xF7A, s1;
	s8 =	simm.s32 @!p0 $0x1BF5;
	p2 =	por !p2, p0  }
0x20: {  	[sflag:s8] =	ssyncset.s32 @!p0 $0xFFFFF086;
	s6 =	sadd.s32 @!p0 s3, s7;
	s7 =	simm.s32 @!p0 $0x108  }
0x21: {  	s3 =	sadd.s32 s3, s9;
	s6 =	sadd.s32 @!p0 $0x88, s6;
	s7 =	simm.s32 @p2 $0x1082  }
0x22: {  	[simem:s7], [sflag:s8] =	dma.local @!p0 [hbm:s6], $0xF7A  }
0x23: {  	s9 =	sor.u32 $0xD0000000, s2;
	s6 =	simm.s32 $0x108;
	_ =	swait.ge @!p0 [sflag:s8], $0x0  }
0x24: {  	s3 =	sadd.s32 $0x88, s3;
	s6 =	simm.s32 @!p1 $0x1082;
	[sflag:s4] =	ssyncset.s32 $0xFFFFF086  }
0x25: {  	[simem:s6], [sflag:s4] =	dma.local [hbm:s3], $0xF7A  }
0x26: {  	[smem:$0x3F9B] =	sst s1;
	(tag) =	ssettag s2;
	_ =	strace s9  }
0x27: {  	s1 =	sld [smem:$0x3FAB]  }
0x28: {  	s2 =	sld [smem:$0x3FAC]  }
0x29: {  	s4 =	sld [smem:$0x3FAE]  }
0x2a: {  	p0 =	seq.s32 s5, $0x0;
	s5 =	sld [smem:$0x3FAF]  }
0x2b: {  	s6 =	sld [smem:$0x3FB0]  }
0x2c: {  	s7 =	sld [smem:$0x3FB1]  }
0x2d: {  	s3 =	simm.s32 $0x108;
	s8 =	sld [smem:$0x3FB2]  }
0x2e: {  	s3 =	simm.s32 @!p0 $0x1082;
	s9 =	sld [smem:$0x3FB3]  }
0x2f: {  	lr =	sadd.s32 s0, s3;
	s0 =	sld [smem:$0x3FAA]  }
0x30: {  	s3 =	sld [smem:$0x3FAD]  }
0x31: {  	[smem:$0x3FB6] =	sst s10  }
0x32: {  	s10 =	sld [smem:$0x3FB4];
	_ =	sdelay $0x3  }
0x33: {  	p0 =	seq.s32 s10, $0x1;
	s10 =	sld [smem:$0x3FB6];
	_ =	sdelay $0x3  }
0x34: {  	[smem:$0x3FB6] =	sst s10  }
0x35: {  	s10 =	sld [smem:$0x3FB5];
	_ =	sdelay $0x3  }
0x36: {  	p1 =	seq.s32 s10, $0x1;
	s10 =	sld [smem:$0x3FB6];
	_ =	sdelay $0x3  }
0x37: {  	[smem:$0x3FB6] =	sst s10  }
0x38: {  	s10 =	sld [smem:$0x3FB7]  }
0x39: {  	_ = 	snop;
	(pc) =	sbr.ind lr, $3  }
0x3a: {  	_ = 	snop  }
0x3b: {  	_ = 	snop  }
0x3c: {  	p2 =	seq.s32 s10, $0x1;
	s10 =	sld [smem:$0x3FB6]  }
0x3d: {  	_ =	shalt  }
0x3e: {  	_ =	shalt  }
0x3f: {  	_ =	shalt  }
0x40: {  	_ =	shalt  }
0x41: {  	_ =	shalt  }
0x42: {  	_ =	shalt  }
0x43: {  	_ =	shalt  }
0x44: {  	_ =	shalt  }
0x45: {  	_ =	shalt  }
0x46: {  	_ =	shalt  }
0x47: {  	_ =	shalt  }
0x48: {  	_ =	shalt  }
0x49: {  	_ =	shalt  }
0x4a: {  	_ =	shalt  }
0x4b: {  	_ =	shalt  }
0x4c: {  	_ =	shalt  }
0x4d: {  	_ =	shalt  }
0x4e: {  	_ =	shalt  }
0x4f: {  	_ =	shalt  }
0x50: {  	_ =	shalt  }
0x51: {  	_ =	shalt  }
0x52: {  	_ =	shalt  }
0x53: {  	_ =	shalt  }
0x54: {  	_ =	shalt  }
0x55: {  	_ =	shalt  }
0x56: {  	_ =	shalt  }
0x57: {  	_ =	shalt  }
0x58: {  	_ =	shalt  }
0x59: {  	_ =	shalt  }
0x5a: {  	_ =	shalt  }
0x5b: {  	_ =	shalt  }
0x5c: {  	_ =	shalt  }
0x5d: {  	_ =	shalt  }
0x5e: {  	_ =	shalt  }
0x5f: {  	_ =	shalt  }
0x60: {  	_ =	shalt  }
0x61: {  	_ =	shalt  }
0x62: {  	_ =	shalt  }
0x63: {  	_ =	shalt  }
0x64: {  	_ =	shalt  }
0x65: {  	_ =	shalt  }
0x66: {  	_ =	shalt  }
0x67: {  	_ =	shalt  }
0x68: {  	_ =	shalt  }
0x69: {  	_ =	shalt  }
0x6a: {  	_ =	shalt  }
0x6b: {  	_ =	shalt  }
0x6c: {  	_ =	shalt  }
0x6d: {  	_ =	shalt  }
0x6e: {  	_ =	shalt  }
0x6f: {  	_ =	shalt  }
0x70: {  	_ =	shalt  }
0x71: {  	_ =	shalt  }
0x72: {  	_ =	shalt  }
0x73: {  	_ =	shalt  }
0x74: {  	_ =	shalt  }
0x75: {  	_ =	shalt  }
0x76: {  	_ =	shalt  }
0x77: {  	_ =	shalt  }
0x78: {  	_ =	shalt  }
0x79: {  	_ =	shalt  }
0x7a: {  	_ =	shalt  }
0x7b: {  	_ =	shalt  }
0x7c: {  	_ =	shalt  }
0x7d: {  	_ =	shalt  }
0x7e: {  	_ =	shalt  }
0x7f: {  	_ =	shalt  }
0x80: {  	_ =	shalt  }
0x81: {  	_ =	shalt  }
0x82: {  	_ =	shalt  }
0x83: {  	_ =	shalt  }
0x84: {  	_ =	shalt  }
0x85: {  	_ =	shalt  }
0x86: {  	_ =	shalt  }
0x87: {  	_ =	shalt  }
.Lfunc_end0:
.L_simem_size_0:
called_computation.1_lowered:
.L_overlay_start_0:
0x88: {  	s2 =	sld [smem:$0x3FD9]  }
0x89: {  	s3 =	sld [smem:$0x3FFE];
	_ =	sdelay $0x1  }
0x8a: {  	s1 =	srdreg.scid  }
0x8b: {  	s0 =	sand.u32 $0x1, s1  }
0x8c: {  	s17 =	sshll.u32 s0, $0xA;
	s2 =	sadd.s32 s3, s2  }
0x8d: {  	s2 =	sadd.s32 s2, s17  }
0x8e: {  	[smem:$0x3FC2] =	sst s2  }
0x8f: {  	_ = 	snop  }
0x90: {  	s2 =	sld [smem:$0x3FD0];
	(tm) =	ssettm $0x1  }
0x91: {  	s18 =	sld [smem:$0x3FFB];
	_ =	sdelay $0x3  }
0x92: {  	_ =	strace s18  }
0x93: {  	s3 =	sld [smem:$0x3FFC];
	_ =	sdelay $0x3  }
0x94: {  	_ =	strace s3  }
0x95: {  	s3 =	sld [smem:$0x3FFD];
	_ =	sdelay $0x3  }
0x96: {  	_ =	strace s3  }
0x97: {  	_ =	strace $0x8FFFFFFF  }
0x98: {  	s19 =	sld [smem:$0x3FDB];
	_ =	sdelay $0x1  }
0x99: {  	s4 =	simm.s32 $_scs_section_size  }
0x9a: {  	s5 =	simm.s32 $_size__tile_overlayer_lowered;
	s6 =	simm.s32 $_tile_overlayer_lowered  }
0x9b: {  	s22 =	simm.s32 $0x1BFF;
	s21 =	sshll.u32 s6, $0x1;
	s3 =	sadd.s32 s4, s19  }
0x9c: {  	s7 =	simm.s32 $0x0;
	s20 =	sshll.u32 s5, $0x1;
	s5 =	sadd.s32 s21, s3  }
0x9d: {  	[timem:s7], [sflag:s22] =	dma.local [hbm:s5], s20  }
0x9e: {  	_ =	swait.ge [sflag:s22], s20  }
0x9f: {  	s4 =	ssub.s32 $0x0, s20;
	[sflag:s22] =	ssyncset.done $0x0  }
0xa0: {  	[sflag:s22] =	ssyncadd.s32 s4;
	_ =	sdelay $0x1  }
0xa1: {  	s23 =	simm.s32 $0x1B8B  }
0xa2: {  	_ =	swait.ge [sflag:s23], $0x1  }
0xa3: {  	[sflag:s23] =	ssyncset.done $0x0  }
0xa4: {  	s25 =	simm.s32 $0x1B8E;
	s24 =	sld [smem:$0x3FFE];
	[sflag:s23] =	ssyncadd.s32 $0xFFFFFFFF  }
0xa5: {  	s26 =	simm.s32 $execute0_lowered;
	[smem:$0x3FD2] =	sst s25  }
0xa6: {  	s5 =	sshll.u32 s26, $0x1;
	_ =	strace $0x80000049;
	[dreg:$0x1] =	wrdreg $0xFFFFFFFF  }
0xa7: {  	s28 =	simm.s32 $_size_execute0_lowered;
	s3 =	sadd.s32 s3, s5;
	[dreg:$0x0] =	wrdreg $0x0  }
0xa8: {  	s5 =	sshll.u32 s28, $0x1;
	[dreg:$0x2] =	wrdreg s3  }
0xa9: {  	[dreg:$0x3] =	wrdreg s5  }
0xaa: {  	[dreg:$0x4] =	wrdreg $0xC0  }
0xab: {  	_ =	task [dreg:s7], $0x5FFFF  }
0xac: {  	[dreg:$0x1] =	wrdreg $0xFFFFFFFF  }
0xad: {  	[dreg:$0x0] =	wrdreg $0x60  }
0xae: {  	[dreg:$0x2] =	wrdreg s24  }
0xaf: {  	[dreg:$0x3] =	wrdreg s2  }
0xb0: {  	[dreg:$0x4] =	wrdreg $0x82000  }
0xb1: {  	[dreg:$0x5] =	wrdreg $0x9  }
0xb2: {  	_ =	task.clear_ibuf [dreg:s7], $0x6FFFF;
	_ =	strace $0x90000049  }
0xb3: {  	s29 =	simm.s32 $0x9;
	_ =	strace $0x8000004B  }
0xb4: {  	_ =	swait.ge [sflag:s29], $0x1  }
0xb5: {  	[sflag:s29] =	ssyncadd.s32 $0xFFFFFFFF  }
0xb6: {  	_ =	strace $0x9000004B  }
0xb7: {  	_ =	sfence  }
0xb8: {  	s30 =	sld [smem:$0x0];
	_ =	sdelay $0x2  }
0xb9: {  	s31 =	sshll.u32 s1, $0xD;
	s1 =	sshrl.u32 s1, $0x2  }
0xba: {  	s3 =	sand.u32 $0x4000, s31;
	s1 =	sadd.s32 s1, s30  }
0xbb: {  	s0 =	sor.u32 s3, s0;
	s1 =	sshll.u32 s1, $0x11  }
0xbc: {  	s0 =	sor.u32 s1, s0  }
0xbd: {  	s0 =	sadd.s32 $0x8F2B, s0  }
0xbe: {  	[sflag:s0] =	ssyncadd.remote.s32 $0x1  }
0xbf: {  	_ =	sfence.sel $0xFFFF  }
0xc0: {  	[dreg:$0x0] =	wrdreg $0xFFFFFFFF;
	(pc) =	sbr.abs _section_cstart, $3  }
0xc1: {  	[dreg:$0x1] =	wrdreg $0xFFFFFFFF  }
0xc2: {  	_ =	task.clear_ibuf [dreg:s7], $0x2FFFF;
	_ =	strace $0x9FFFFFFF  }
0xc3: {  	(tm) =	ssettm $0x7FFFFFFF  }
tec
execute0_lowered:
.L_overlay_start_1:
0x0: {  	(tag) =	ssettag $0x1  }
0x1: {  	s0 =	rddreg [dreg:$0x0]  }
0x2: {  	s3 =	rddreg [dreg:$0x1]  }
0x3: {  	s1 =	rddreg [dreg:$0x2];
	s2 =	simm.s32 $0x0  }
0x4: {  	s4 =	srdreg.scid;
	s14 =	stileid.u32;
	s11 =	simm.s32 $0x7  }
0x5: {  	s12 =	simm.s32 $0x40;
	s28 =	simm.s32 $0x1;
	s29 =	simm.s32 $0x2  }
0x6: {  	s30 =	simm.s32 $0x80;
	s31 =	simm.s32 $0x5;
	s8 =	smul.u32 $0x24, s14  }
0x7: {  	[smem:$0x7FF] =	sst s2;
	s6 =	sand.u32 $0x1, s4;
	s9 =	smul.u32 $0x7C, s14  }
0x8: {  	s4 =	sadd.s32 $0x2C00, s0;
	s5 =	sadd.s32 $0x2AC00, s0;
	s10 =	smul.u32 $0x50000, s14  }
0x9: {  	s24 =	smul.u32 $0x2800, s14;
	s23 =	sshll.u32 s14, $0x6;
	s14 =	simm.s32 $0x2200  }
0xa: {  	s7 =	smul.u32 $0x28000, s6;
	p0 =	seq.s32 s6, $0x0;
	s6 =	ssub.s32 $0x2, s6  }
0xb: {  	_ =	strace $0x8000004A;
	s8 =	sadd.s32 $0x7C0, s8;
	s13 =	sshrl.u32 s6, $0x1  }
0xc: {  	s15 =	sshrl.u32 s10, $0x2;
	s0 =	sadd.s32 s7, s0;
	s8 =	smov.u32 @p0 s9  }
0xd: {  	s6 =	ssub.s32 s6, s13;
	s17 =	sadd.s32 s15, s1;
	s9 =	simm.s32 $0x3D  }
0xe: {  	s13 =	simm.s32 $0x200;
	s15 =	simm.s32 $0x100;
	s7 =	simm.s32 $0x180  }
0xf: {  	s8 =	sshll.u32 s8, $0x5;
	s21 =	sadd.s32 $0x4000, s17;
	s22 =	sadd.s32 $0x8000, s17  }
0x10: {  	s18 =	sadd.s32 $0xC000, s17;
	s19 =	sadd.s32 $0x10000, s17;
	s0 =	sadd.s32 $0x2B400, s0  }
0x11: {  	s6 =	smax.u32 s6, $0x1;
	s9 =	simm.s32 @!p0 $0x11;
	s17 =	sshrl.u32 s17, $0x3  }
0x12: {  	s16 =	sadd.s32 s3, s8;
	[dreg:$0x6] =	wrdreg s6;
	s25 =	sshrl.u32 s21, $0x3  }
0x13: {  	s26 =	sshrl.u32 s22, $0x3;
	s21 =	sshrl.u32 s19, $0x3;
	s22 =	simm.s32 $0x6  }
0x14: {  	s24 =	sadd.s32 s24, s0;
	s0 =	simm.s32 $0x3;
	s3 =	simm.s32 $0x4  }
0x15: {  	s8 =	simm.s32 $0x0;
	s20 =	sadd.s32 $0x20, s16;
	[dreg:$0x4] =	wrdreg s16  }
0x16: {  	s10 =	sadd.s32 $0x40, s16;
	s16 =	sor.u32 $0x1C07, s23;
	[dreg:$0x7] =	wrdreg s25  }
0x17: {  	[dreg:$0x8] =	wrdreg s26;
	s23 =	simm.s32 $0x4200;
	s25 =	simm.s32 $0x140  }
0x18: {  	s26 =	simm.s32 $0x6200;
	[dreg:$0x5] =	wrdreg s20;
	s20 =	sshrl.u32 s18, $0x3  }
.LBB2_1:
0x19: {  	s6 =	rddreg [dreg:$0x4]  }
0x1a: {  	[tilespmem:s2], [sflag:$0x7] =	stream.linear.gather [hbm4b:s6+s2], $0x100, $0x38;
	[tilespmem:$0x1C200] =	vst v63  }
0x1b: {  	_ =	swait.ge [sflag:s11], $0x100  }
0x1c: {  	[sflag:s11] =	ssyncset.done $0x0  }
0x1d: {  	[sflag:s11] =	ssyncadd.s32 $0xFFFFFF00  }
0x1e: {  	[tilespmem:s13], [sflag:$0x1] =	stream.indirect.gather [hbm4b:s4+s12], $0x80, s2, s12, $0xb8;
	[tilespmem:$0x1C200] =	vst v63  }
0x1f: {  	_ = 	snop  }
0x20: {  	[tilespmem:s14], [sflag:$0x2] =	stream.indirect.gather [hbm4b:s4+s12], $0x80, s12, s12, $0xb8;
	[tilespmem:$0x1C200] =	vst v63  }
0x21: {  	s19 =	rddreg [dreg:$0x5]  }
0x22: {  	[tilespmem:s15], [sflag:$0x6] =	stream.linear.gather [hbm4b:s19+s2], $0x100, $0x38;
	[tilespmem:$0x1C200] =	vst v63  }
0x23: {  	[spmem:s17], [sflag:s16] =	dma.local [hbm:s5], $0x800  }
0x24: {  	_ =	swait.ge [sflag:s11], $0x800  }
0x25: {  	[sflag:s11] =	ssyncset.done $0x0  }
0x26: {  	s18 =	rddreg [dreg:$0x7];
	[sflag:s11] =	ssyncadd.s32 $0xFFFFF800  }
0x27: {  	[spmem:s18], [sflag:s16] =	dma.local [hbm:s5], $0x800  }
0x28: {  	_ =	swait.ge [sflag:s11], $0x800  }
0x29: {  	[sflag:s11] =	ssyncset.done $0x0  }
0x2a: {  	s19 =	rddreg [dreg:$0x8];
	[sflag:s11] =	ssyncadd.s32 $0xFFFFF800  }
0x2b: {  	[spmem:s19], [sflag:s16] =	dma.local [hbm:s5], $0x800  }
0x2c: {  	_ =	swait.ge [sflag:s11], $0x800  }
0x2d: {  	[sflag:s11] =	ssyncset.done $0x0  }
0x2e: {  	[sflag:s11] =	ssyncadd.s32 $0xFFFFF800  }
0x2f: {  	[spmem:s20], [sflag:s16] =	dma.local [hbm:s5], $0x800  }
0x30: {  	_ =	swait.ge [sflag:s11], $0x800  }
0x31: {  	[sflag:s11] =	ssyncset.done $0x0  }
0x32: {  	[sflag:s11] =	ssyncadd.s32 $0xFFFFF800  }
0x33: {  	[spmem:s21], [sflag:s16] =	dma.local [hbm:s5], $0x800  }
0x34: {  	_ =	swait.ge [sflag:s11], $0x800  }
0x35: {  	[sflag:s11] =	ssyncset.done $0x0  }
0x36: {  	[sflag:s11] =	ssyncadd.s32 $0xFFFFF800  }
0x37: {  	[bflag:$0x0] =	sbarrier.arrive $0xFFFF  }
0x38: {  	_ =	swait.ge [sflag:s22], $0x100  }
0x39: {  	[sflag:s22] =	ssyncset.done $0x0  }
0x3a: {  	[sflag:s22] =	ssyncadd.s32 $0xFFFFFF00  }
0x3b: {  	[tilespmem:s23], [sflag:$0x3] =	stream.indirect.gather [hbm4b:s4+s12], $0x80, s15, s12, $0xb8;
	[tilespmem:$0x1C200] =	vst v63  }
0x3c: {  	_ = 	snop  }
0x3d: {  	[tilespmem:s26], [sflag:$0x4] =	stream.indirect.gather [hbm4b:s4+s12], $0x80, s25, s12, $0xb8;
	[tilespmem:$0x1C200] =	vst v63  }
0x3e: {  	_ =	swait.ge [sflag:s28], $0x2000  }
0x3f: {  	[sflag:s28] =	ssyncset.done $0x0  }
0x40: {  	[sflag:s28] =	ssyncadd.s32 $0xFFFFE000  }
0x41: {  	_ =	swait.ge [sflag:s29], $0x2000  }
0x42: {  	[sflag:s29] =	ssyncset.done $0x0  }
0x43: {  	[sflag:s29] =	ssyncadd.s32 $0xFFFFE000  }
0x44: {  	[spmem:s1] =	stream.indirect.scatter.add.f32 [tilespmem:s13], [sflag:$0x7], $0x80, s30, s30, $0xb8;
	[tilespmem:$0x1C200] =	vst v63  }
0x45: {  	_ =	swait.ge [sflag:s11], $0x4000  }
0x46: {  	[sflag:s11] =	ssyncset.done $0x0  }
0x47: {  	[sflag:s11] =	ssyncadd.s32 $0xFFFFC000  }
0x48: {  	[tilespmem:s2], [sflag:$0x5] =	stream.linear.gather [hbm4b:s10+s2], $0x100, $0x38;
	[tilespmem:$0x1C200] =	vst v63  }
0x49: {  	_ =	swait.ge [sflag:s31], $0x100  }
0x4a: {  	[sflag:s31] =	ssyncset.done $0x0  }
0x4b: {  	[sflag:s31] =	ssyncadd.s32 $0xFFFFFF00  }
0x4c: {  	_ =	swait.ge [sflag:s0], $0x2000  }
0x4d: {  	[sflag:s0] =	ssyncset.done $0x0  }
0x4e: {  	[sflag:s0] =	ssyncadd.s32 $0xFFFFE000  }
0x4f: {  	_ =	swait.ge [sflag:s3], $0x2000  }
0x50: {  	[sflag:s3] =	ssyncset.done $0x0  }
0x51: {  	[sflag:s3] =	ssyncadd.s32 $0xFFFFE000  }
0x52: {  	[tilespmem:s13], [sflag:$0x1] =	stream.indirect.gather [hbm4b:s4+s12], $0x80, s2, s12, $0xb8;
	[tilespmem:$0x1C200] =	vst v63  }
0x53: {  	p0 =	sne.s32 s9, $0x1  }
0x54: {  	[tilespmem:s14], [sflag:$0x2] =	stream.indirect.gather [hbm4b:s4+s12], $0x80, s12, s12, $0xb8;
	[tilespmem:$0x1C200] =	vst v63  }
.Ltmp0:
0x55: {  	_ = 	snop;
	(pc) =	sbr.rel @!p0 .LBB2_3-.Ltmp0, $4  }
0x56: {  	[spmem:s1] =	stream.indirect.scatter.add.f32 [tilespmem:s23], [sflag:$0x7], $0x80, s7, s30, $0xb8;
	[tilespmem:$0x1C200] =	vst v63  }
0x57: {  	_ =	swait.ge [sflag:s11], $0x4000  }
0x58: {  	s6 =	sadd.s32 $0xFFFFFFFF, s9;
	[sflag:s11] =	ssyncset.done $0x0  }
0x59: {  	s18 =	sadd.s32 $0x40, s10;
	s19 =	sadd.s32 $0x20, s10;
	[sflag:s11] =	ssyncadd.s32 $0xFFFFC000  }
.LBB2_2:
0x5a: {  	[tilespmem:s15], [sflag:$0x6] =	stream.linear.gather [hbm4b:s19+s2], $0x100, $0x38;
	[tilespmem:$0x1C200] =	vst v63  }
0x5b: {  	p0 =	sne.s32 s6, $0x1;
	s6 =	sadd.s32 $0xFFFFFFFF, s6;
	_ =	swait.ge [sflag:s22], $0x100  }
0x5c: {  	[sflag:s22] =	ssyncset.done $0x0  }
0x5d: {  	[sflag:s22] =	ssyncadd.s32 $0xFFFFFF00  }
0x5e: {  	[tilespmem:s23], [sflag:$0x3] =	stream.indirect.gather [hbm4b:s4+s12], $0x80, s15, s12, $0xb8;
	[tilespmem:$0x1C200] =	vst v63  }
0x5f: {  	_ = 	snop  }
0x60: {  	[tilespmem:s26], [sflag:$0x4] =	stream.indirect.gather [hbm4b:s4+s12], $0x80, s25, s12, $0xb8;
	[tilespmem:$0x1C200] =	vst v63  }
0x61: {  	_ =	swait.ge [sflag:s28], $0x2000  }
0x62: {  	[sflag:s28] =	ssyncset.done $0x0  }
0x63: {  	[sflag:s28] =	ssyncadd.s32 $0xFFFFE000  }
0x64: {  	_ =	swait.ge [sflag:s29], $0x2000  }
0x65: {  	[sflag:s29] =	ssyncset.done $0x0  }
0x66: {  	[sflag:s29] =	ssyncadd.s32 $0xFFFFE000  }
0x67: {  	[spmem:s1] =	stream.indirect.scatter.add.f32 [tilespmem:s13], [sflag:$0x7], $0x80, s30, s30, $0xb8;
	[tilespmem:$0x1C200] =	vst v63  }
0x68: {  	_ =	swait.ge [sflag:s11], $0x4000  }
0x69: {  	[sflag:s11] =	ssyncset.done $0x0  }
0x6a: {  	[sflag:s11] =	ssyncadd.s32 $0xFFFFC000  }
0x6b: {  	[tilespmem:s2], [sflag:$0x5] =	stream.linear.gather [hbm4b:s18+s2], $0x100, $0x38;
	[tilespmem:$0x1C200] =	vst v63  }
0x6c: {  	_ =	swait.ge [sflag:s31], $0x100  }
0x6d: {  	[sflag:s31] =	ssyncset.done $0x0  }
0x6e: {  	[sflag:s31] =	ssyncadd.s32 $0xFFFFFF00  }
0x6f: {  	_ =	swait.ge [sflag:s0], $0x2000  }
0x70: {  	[sflag:s0] =	ssyncset.done $0x0  }
0x71: {  	[sflag:s0] =	ssyncadd.s32 $0xFFFFE000  }
0x72: {  	_ =	swait.ge [sflag:s3], $0x2000  }
0x73: {  	[sflag:s3] =	ssyncset.done $0x0  }
0x74: {  	[sflag:s3] =	ssyncadd.s32 $0xFFFFE000  }
0x75: {  	[tilespmem:s13], [sflag:$0x1] =	stream.indirect.gather [hbm4b:s4+s12], $0x80, s2, s12, $0xb8;
	[tilespmem:$0x1C200] =	vst v63  }
0x76: {  	_ = 	snop  }
0x77: {  	[tilespmem:s14], [sflag:$0x2] =	stream.indirect.gather [hbm4b:s4+s12], $0x80, s12, s12, $0xb8;
	[tilespmem:$0x1C200] =	vst v63  }
.Ltmp1:
0x78: {  	(pc) =	sbr.rel @p0 .LBB2_2-.Ltmp1, $4  }
0x79: {  	[spmem:s1] =	stream.indirect.scatter.add.f32 [tilespmem:s23], [sflag:$0x7], $0x80, s7, s30, $0xb8;
	[tilespmem:$0x1C200] =	vst v63  }
0x7a: {  	_ =	swait.ge [sflag:s11], $0x4000  }
0x7b: {  	[sflag:s11] =	ssyncset.done $0x0  }
0x7c: {  	s19 =	sadd.s32 $0x20, s18;
	s18 =	sadd.s32 $0x40, s18;
	[sflag:s11] =	ssyncadd.s32 $0xFFFFC000  }
.LBB2_3:
0x7d: {  	[tilespmem:s15], [sflag:$0x6] =	stream.linear.gather [hbm4b:s19+s2], $0x100, $0x38;
	[tilespmem:$0x1C200] =	vst v63  }
0x7e: {  	_ =	swait.ge [sflag:s22], $0x100  }
0x7f: {  	[sflag:s22] =	ssyncset.done $0x0  }
0x80: {  	[sflag:s22] =	ssyncadd.s32 $0xFFFFFF00  }
0x81: {  	[tilespmem:s23], [sflag:$0x3] =	stream.indirect.gather [hbm4b:s4+s12], $0x80, s15, s12, $0xb8;
	[tilespmem:$0x1C200] =	vst v63  }
0x82: {  	_ = 	snop  }
0x83: {  	[tilespmem:s26], [sflag:$0x4] =	stream.indirect.gather [hbm4b:s4+s12], $0x80, s25, s12, $0xb8;
	[tilespmem:$0x1C200] =	vst v63  }
0x84: {  	_ =	swait.ge [sflag:s28], $0x2000  }
0x85: {  	[sflag:s28] =	ssyncset.done $0x0  }
0x86: {  	[sflag:s28] =	ssyncadd.s32 $0xFFFFE000  }
0x87: {  	_ =	swait.ge [sflag:s29], $0x2000  }
0x88: {  	[sflag:s29] =	ssyncset.done $0x0  }
0x89: {  	[sflag:s29] =	ssyncadd.s32 $0xFFFFE000  }
0x8a: {  	[spmem:s1] =	stream.indirect.scatter.add.f32 [tilespmem:s13], [sflag:$0x7], $0x80, s30, s30, $0xb8;
	[tilespmem:$0x1C200] =	vst v63  }
0x8b: {  	_ =	swait.ge [sflag:s11], $0x4000  }
0x8c: {  	[sflag:s11] =	ssyncset.done $0x0  }
0x8d: {  	[sflag:s11] =	ssyncadd.s32 $0xFFFFC000  }
0x8e: {  	_ =	swait.ge [sflag:s0], $0x2000  }
0x8f: {  	[sflag:s0] =	ssyncset.done $0x0  }
0x90: {  	[sflag:s0] =	ssyncadd.s32 $0xFFFFE000  }
0x91: {  	_ =	swait.ge [sflag:s3], $0x2000  }
0x92: {  	[sflag:s3] =	ssyncset.done $0x0  }
0x93: {  	[sflag:s3] =	ssyncadd.s32 $0xFFFFE000  }
0x94: {  	[spmem:s1] =	stream.indirect.scatter.add.f32 [tilespmem:s23], [sflag:$0x7], $0x80, s7, s30, $0xb8;
	[tilespmem:$0x1C200] =	vst v63  }
0x95: {  	_ =	swait.ge [sflag:s11], $0x4000  }
0x96: {  	[sflag:s11] =	ssyncset.done $0x0  }
0x97: {  	[sflag:s11] =	ssyncadd.s32 $0xFFFFC000  }
0x98: {  	[bflag:$0x0] =	sbarrier.arrive $0xFFFF  }
0x99: {  	[hbm:s24], [sflag:s16] =	dma.local [spmem:s17], $0x2800  }
0x9a: {  	_ =	swait.ge [sflag:s11], $0x2800  }
0x9b: {  	s8 =	sadd.s32 $0x1, s8;
	s6 =	rddreg [dreg:$0x6]  }
0x9c: {  	p0 =	sne.s32 s8, s6  }
.Ltmp2:
0x9d: {  	_ = 	snop;
	(pc) =	sbr.rel @p0 .LBB2_1-.Ltmp2, $3  }
0x9e: {  	_ =	sdelay $0x1  }
0x9f: {  	[sflag:s11] =	ssyncset.done $0x0  }
0xa0: {  	[sflag:s11] =	ssyncadd.s32 $0xFFFFD800  }
0xa1: {  	_ =	sfence.sel $0x180000  }
0xa2: {  	[bflag:$0x0] =	sbarrier.arrive $0xFFFF  }
0xa3: {  	_ =	strace $0x9000004A  }
0xa4: {  	s0 =	stileid.u32;
	[bflag:$0x2] =	sbarrier.arrive $0xFFFF  }
0xa5: {  	p0 =	sne.s32 s0, $0x0;
	s0 =	rddreg [dreg:$0x3]  }
0xa6: {  	s0 =	sadd.s32 @!p0 $0x100000, s0  }
0xa7: {  	[sflag:s0] =	ssyncadd.tile.s32 @!p0 $0x1;
	_ =	shalt  }
.Lfunc_end2:
_tile_overlayer_lowered:
.L_overlay_start_2:
0xa8: {  	(tag) =	ssettag $0x2  }
0xa9: {  	s0 =	rddreg [dreg:$0x0];
	s2 =	stileid.u32  }
0xaa: {  	s1 =	rddreg [dreg:$0x1];
	p0 =	sne.s32 s2, $0x0  }
0xab: {  	s3 =	rddreg [dreg:$0x2];
	[bflag:$0x3] =	sbarrier.arrive $0xFFFF;
	s2 =	simm.s32 @!p0 $0x1C07  }
0xac: {  	[timem:s3], [sflag:s2] =	dma.local @!p0 [hbm:s0], s1  }
0xad: {  	s0 =	simm.s32 @!p0 $0x7  }
0xae: {  	_ =	swait.ge @!p0 [sflag:s0], s1  }
0xaf: {  	s1 =	ssub.s32 @!p0 $0x0, s1;
	[sflag:s0] =	ssyncset.done @!p0 $0x0  }
0xb0: {  	[sflag:s0] =	ssyncadd.s32 @!p0 s1  }
0xb1: {  	[bflag:$0x3] =	sbarrier.arrive $0xFFFF  }
0xb2: {  	_ =	shalt  }

// kernel: kernel.14.cloned.1.call-start
scs
__scs_entry_jumppad:
0x0: {  	(pc) =	sbr.rel $0x88, $3  }
0x1: {  	(tag) =	ssettag $0x0;
	lr =	simm.s32 $0x1  }
0x2: {  	[smem:$0x3F9B] =	sst lr;
	_ =	strace $0xD0000000  }
0x3: {  	_ = 	snop  }
0x4: {  	_ = 	snop  }
0x5: {  	_ = 	snop  }
0x6: {  	_ = 	snop  }
0x7: {  	_ = 	snop  }
__scs_overlays_trampoline_lowered:
0x8: {  	[smem:$0x3FAA] =	sst s0  }
0x9: {  	[smem:$0x3FAB] =	sst s1  }
0xa: {  	[smem:$0x3FAC] =	sst s2  }
0xb: {  	[smem:$0x3FAD] =	sst s3  }
0xc: {  	[smem:$0x3FAE] =	sst s4  }
0xd: {  	[smem:$0x3FAF] =	sst s5  }
0xe: {  	[smem:$0x3FB0] =	sst s6  }
0xf: {  	[smem:$0x3FB1] =	sst s7  }
0x10: {  	[smem:$0x3FB2] =	sst s8  }
0x11: {  	[smem:$0x3FB3] =	sst s9;
	s0 =	simm.s32 @!p0 $0x0  }
0x12: {  	s1 =	sld [smem:$0x3F99];
	s0 =	simm.s32 @p0 $0x1  }
0x13: {  	[smem:$0x3FB4] =	sst s0;
	s0 =	simm.s32 @!p1 $0x0  }
0x14: {  	s2 =	sld [smem:$0x3F98];
	s0 =	simm.s32 @p1 $0x1  }
0x15: {  	[smem:$0x3FB5] =	sst s0;
	s0 =	simm.s32 @!p2 $0x0  }
0x16: {  	s3 =	sld [smem:$0x3FDB];
	s0 =	simm.s32 @p2 $0x1  }
0x17: {  	s4 =	simm.s32 $0x1BF5;
	[smem:$0x3FB7] =	sst s0  }
0x18: {  	s0 =	sld [smem:$0x3F9A];
	_ =	swait.ge [sflag:s4], $0x0  }
0x19: {  	s7 =	sld [smem:$0x3F9B]  }
0x1a: {  	s8 =	sadd.s32 $0xFFFFE003, lr  }
0x1b: {  	s9 =	sadd.s32 $0xFFFFFEF7, lr;
	s5 =	simm.s32 $0xFFFFFFFF;
	p2 =	slt.u32 s8, $0xFFFFF086  }
0x1c: {  	p1 =	slt.u32 s9, $0xF7A;
	s5 =	simm.s32 @!p2 $0x0  }
0x1d: {  	s5 =	simm.s32 @p1 $0x1;
	p0 =	seq.s32 s7, s2  }
0x1e: {  	s7 =	smul.u32 @!p0 $0xF7A, s2;
	p2 =	seq.s32 @!p0 s5, $0x0  }
0x1f: {  	s9 =	smul.u32 $0xF7A, s1;
	s8 =	simm.s32 @!p0 $0x1BF5;
	p2 =	por !p2, p0  }
0x20: {  	[sflag:s8] =	ssyncset.s32 @!p0 $0xFFFFF086;
	s6 =	sadd.s32 @!p0 s3, s7;
	s7 =	simm.s32 @!p0 $0x108  }
0x21: {  	s3 =	sadd.s32 s3, s9;
	s6 =	sadd.s32 @!p0 $0x88, s6;
	s7 =	simm.s32 @p2 $0x1082  }
0x22: {  	[simem:s7], [sflag:s8] =	dma.local @!p0 [hbm:s6], $0xF7A  }
0x23: {  	s9 =	sor.u32 $0xD0000000, s2;
	s6 =	simm.s32 $0x108;
	_ =	swait.ge @!p0 [sflag:s8], $0x0  }
0x24: {  	s3 =	sadd.s32 $0x88, s3;
	s6 =	simm.s32 @!p1 $0x1082;
	[sflag:s4] =	ssyncset.s32 $0xFFFFF086  }
0x25: {  	[simem:s6], [sflag:s4] =	dma.local [hbm:s3], $0xF7A  }
0x26: {  	[smem:$0x3F9B] =	sst s1;
	(tag) =	ssettag s2;
	_ =	strace s9  }
0x27: {  	s1 =	sld [smem:$0x3FAB]  }
0x28: {  	s2 =	sld [smem:$0x3FAC]  }
0x29: {  	s4 =	sld [smem:$0x3FAE]  }
0x2a: {  	p0 =	seq.s32 s5, $0x0;
	s5 =	sld [smem:$0x3FAF]  }
0x2b: {  	s6 =	sld [smem:$0x3FB0]  }
0x2c: {  	s7 =	sld [smem:$0x3FB1]  }
0x2d: {  	s3 =	simm.s32 $0x108;
	s8 =	sld [smem:$0x3FB2]  }
0x2e: {  	s3 =	simm.s32 @!p0 $0x1082;
	s9 =	sld [smem:$0x3FB3]  }
0x2f: {  	lr =	sadd.s32 s0, s3;
	s0 =	sld [smem:$0x3FAA]  }
0x30: {  	s3 =	sld [smem:$0x3FAD]  }
0x31: {  	[smem:$0x3FB6] =	sst s10  }
0x32: {  	s10 =	sld [smem:$0x3FB4];
	_ =	sdelay $0x3  }
0x33: {  	p0 =	seq.s32 s10, $0x1;
	s10 =	sld [smem:$0x3FB6];
	_ =	sdelay $0x3  }
0x34: {  	[smem:$0x3FB6] =	sst s10  }
0x35: {  	s10 =	sld [smem:$0x3FB5];
	_ =	sdelay $0x3  }
0x36: {  	p1 =	seq.s32 s10, $0x1;
	s10 =	sld [smem:$0x3FB6];
	_ =	sdelay $0x3  }
0x37: {  	[smem:$0x3FB6] =	sst s10  }
0x38: {  	s10 =	sld [smem:$0x3FB7]  }
0x39: {  	_ = 	snop;
	(pc) =	sbr.ind lr, $3  }
0x3a: {  	_ = 	snop  }
0x3b: {  	_ = 	snop  }
0x3c: {  	p2 =	seq.s32 s10, $0x1;
	s10 =	sld [smem:$0x3FB6]  }
0x3d: {  	_ =	shalt  }
0x3e: {  	_ =	shalt  }
0x3f: {  	_ =	shalt  }
0x40: {  	_ =	shalt  }
0x41: {  	_ =	shalt  }
0x42: {  	_ =	shalt  }
0x43: {  	_ =	shalt  }
0x44: {  	_ =	shalt  }
0x45: {  	_ =	shalt  }
0x46: {  	_ =	shalt  }
0x47: {  	_ =	shalt  }
0x48: {  	_ =	shalt  }
0x49: {  	_ =	shalt  }
0x4a: {  	_ =	shalt  }
0x4b: {  	_ =	shalt  }
0x4c: {  	_ =	shalt  }
0x4d: {  	_ =	shalt  }
0x4e: {  	_ =	shalt  }
0x4f: {  	_ =	shalt  }
0x50: {  	_ =	shalt  }
0x51: {  	_ =	shalt  }
0x52: {  	_ =	shalt  }
0x53: {  	_ =	shalt  }
0x54: {  	_ =	shalt  }
0x55: {  	_ =	shalt  }
0x56: {  	_ =	shalt  }
0x57: {  	_ =	shalt  }
0x58: {  	_ =	shalt  }
0x59: {  	_ =	shalt  }
0x5a: {  	_ =	shalt  }
0x5b: {  	_ =	shalt  }
0x5c: {  	_ =	shalt  }
0x5d: {  	_ =	shalt  }
0x5e: {  	_ =	shalt  }
0x5f: {  	_ =	shalt  }
0x60: {  	_ =	shalt  }
0x61: {  	_ =	shalt  }
0x62: {  	_ =	shalt  }
0x63: {  	_ =	shalt  }
0x64: {  	_ =	shalt  }
0x65: {  	_ =	shalt  }
0x66: {  	_ =	shalt  }
0x67: {  	_ =	shalt  }
0x68: {  	_ =	shalt  }
0x69: {  	_ =	shalt  }
0x6a: {  	_ =	shalt  }
0x6b: {  	_ =	shalt  }
0x6c: {  	_ =	shalt  }
0x6d: {  	_ =	shalt  }
0x6e: {  	_ =	shalt  }
0x6f: {  	_ =	shalt  }
0x70: {  	_ =	shalt  }
0x71: {  	_ =	shalt  }
0x72: {  	_ =	shalt  }
0x73: {  	_ =	shalt  }
0x74: {  	_ =	shalt  }
0x75: {  	_ =	shalt  }
0x76: {  	_ =	shalt  }
0x77: {  	_ =	shalt  }
0x78: {  	_ =	shalt  }
0x79: {  	_ =	shalt  }
0x7a: {  	_ =	shalt  }
0x7b: {  	_ =	shalt  }
0x7c: {  	_ =	shalt  }
0x7d: {  	_ =	shalt  }
0x7e: {  	_ =	shalt  }
0x7f: {  	_ =	shalt  }
0x80: {  	_ =	shalt  }
0x81: {  	_ =	shalt  }
0x82: {  	_ =	shalt  }
0x83: {  	_ =	shalt  }
0x84: {  	_ =	shalt  }
0x85: {  	_ =	shalt  }
0x86: {  	_ =	shalt  }
0x87: {  	_ =	shalt  }
.Lfunc_end0:
.L_simem_size_0:
called_computation.2_lowered:
.L_overlay_start_0:
0x88: {  	s2 =	sld [smem:$0x3FD9]  }
0x89: {  	s3 =	sld [smem:$0x3FFE];
	_ =	sdelay $0x1  }
0x8a: {  	s1 =	srdreg.scid  }
0x8b: {  	s0 =	sand.u32 $0x1, s1  }
0x8c: {  	s17 =	sshll.u32 s0, $0xA;
	s2 =	sadd.s32 s3, s2  }
0x8d: {  	s2 =	sadd.s32 s2, s17  }
0x8e: {  	[smem:$0x3FC2] =	sst s2  }
0x8f: {  	_ = 	snop  }
0x90: {  	s2 =	sld [smem:$0x3FD0];
	(tm) =	ssettm $0x1  }
0x91: {  	s18 =	sld [smem:$0x3FFB];
	_ =	sdelay $0x3  }
0x92: {  	_ =	strace s18  }
0x93: {  	s3 =	sld [smem:$0x3FFC];
	_ =	sdelay $0x3  }
0x94: {  	_ =	strace s3  }
0x95: {  	s3 =	sld [smem:$0x3FFD];
	_ =	sdelay $0x3  }
0x96: {  	_ =	strace s3  }
0x97: {  	_ =	strace $0x8FFFFFFF  }
0x98: {  	s19 =	sld [smem:$0x3FDB];
	_ =	sdelay $0x1  }
0x99: {  	s4 =	simm.s32 $_scs_section_size  }
0x9a: {  	s5 =	simm.s32 $_size__tile_overlayer_lowered;
	s6 =	simm.s32 $_tile_overlayer_lowered  }
0x9b: {  	s22 =	simm.s32 $0x1BFF;
	s21 =	sshll.u32 s6, $0x1;
	s3 =	sadd.s32 s4, s19  }
0x9c: {  	s7 =	simm.s32 $0x0;
	s20 =	sshll.u32 s5, $0x1;
	s5 =	sadd.s32 s21, s3  }
0x9d: {  	[timem:s7], [sflag:s22] =	dma.local [hbm:s5], s20  }
0x9e: {  	_ =	swait.ge [sflag:s22], s20  }
0x9f: {  	s4 =	ssub.s32 $0x0, s20;
	[sflag:s22] =	ssyncset.done $0x0  }
0xa0: {  	[sflag:s22] =	ssyncadd.s32 s4;
	_ =	sdelay $0x1  }
0xa1: {  	s23 =	simm.s32 $0x1B8B  }
0xa2: {  	_ =	swait.ge [sflag:s23], $0x1  }
0xa3: {  	[sflag:s23] =	ssyncset.done $0x0  }
0xa4: {  	s25 =	simm.s32 $0x1B8E;
	s24 =	sld [smem:$0x3FFE];
	[sflag:s23] =	ssyncadd.s32 $0xFFFFFFFF  }
0xa5: {  	s26 =	simm.s32 $execute0_lowered;
	[smem:$0x3FD2] =	sst s25  }
0xa6: {  	s5 =	sshll.u32 s26, $0x1;
	_ =	strace $0x8000004C;
	[dreg:$0x1] =	wrdreg $0xFFFFFFFF  }
0xa7: {  	s28 =	simm.s32 $_size_execute0_lowered;
	s3 =	sadd.s32 s3, s5;
	[dreg:$0x0] =	wrdreg $0x0  }
0xa8: {  	s5 =	sshll.u32 s28, $0x1;
	[dreg:$0x2] =	wrdreg s3  }
0xa9: {  	[dreg:$0x3] =	wrdreg s5  }
0xaa: {  	[dreg:$0x4] =	wrdreg $0xC0  }
0xab: {  	_ =	task [dreg:s7], $0x5FFFF  }
0xac: {  	[dreg:$0x1] =	wrdreg $0xFFFFFFFF  }
0xad: {  	[dreg:$0x0] =	wrdreg $0x60  }
0xae: {  	[dreg:$0x2] =	wrdreg s24  }
0xaf: {  	[dreg:$0x3] =	wrdreg s2  }
0xb0: {  	[dreg:$0x4] =	wrdreg $0x82000  }
0xb1: {  	[dreg:$0x5] =	wrdreg $0x9  }
0xb2: {  	_ =	task.clear_ibuf [dreg:s7], $0x6FFFF;
	_ =	strace $0x9000004C  }
0xb3: {  	s29 =	simm.s32 $0x9;
	_ =	strace $0x8000004E  }
0xb4: {  	_ =	swait.ge [sflag:s29], $0x1  }
0xb5: {  	[sflag:s29] =	ssyncadd.s32 $0xFFFFFFFF  }
0xb6: {  	_ =	strace $0x9000004E  }
0xb7: {  	_ =	sfence  }
0xb8: {  	s30 =	sld [smem:$0x0];
	_ =	sdelay $0x2  }
0xb9: {  	s31 =	sshll.u32 s1, $0xD;
	s1 =	sshrl.u32 s1, $0x2  }
0xba: {  	s3 =	sand.u32 $0x4000, s31;
	s1 =	sadd.s32 s1, s30  }
0xbb: {  	s0 =	sor.u32 s3, s0;
	s1 =	sshll.u32 s1, $0x11  }
0xbc: {  	s0 =	sor.u32 s1, s0  }
0xbd: {  	s0 =	sadd.s32 $0x8F2B, s0  }
0xbe: {  	[sflag:s0] =	ssyncadd.remote.s32 $0x1  }
0xbf: {  	_ =	sfence.sel $0xFFFF  }
0xc0: {  	[dreg:$0x0] =	wrdreg $0xFFFFFFFF;
	(pc) =	sbr.abs _section_cstart, $3  }
0xc1: {  	[dreg:$0x1] =	wrdreg $0xFFFFFFFF  }
0xc2: {  	_ =	task.clear_ibuf [dreg:s7], $0x2FFFF;
	_ =	strace $0x9FFFFFFF  }
0xc3: {  	(tm) =	ssettm $0x7FFFFFFF  }
tec
execute0_lowered:
.L_overlay_start_1:
0x0: {  	(tag) =	ssettag $0x1  }
0x1: {  	s0 =	rddreg [dreg:$0x0]  }
0x2: {  	s3 =	rddreg [dreg:$0x1]  }
0x3: {  	s1 =	rddreg [dreg:$0x2];
	s2 =	simm.s32 $0x0  }
0x4: {  	s4 =	srdreg.scid;
	s14 =	stileid.u32;
	s11 =	simm.s32 $0x7  }
0x5: {  	s12 =	simm.s32 $0x40;
	s28 =	simm.s32 $0x1;
	s29 =	simm.s32 $0x2  }
0x6: {  	s30 =	simm.s32 $0x80;
	s31 =	simm.s32 $0x5;
	s8 =	smul.u32 $0x24, s14  }
0x7: {  	[smem:$0x7FF] =	sst s2;
	s6 =	sand.u32 $0x1, s4;
	s9 =	smul.u32 $0x7C, s14  }
0x8: {  	s4 =	sadd.s32 $0x2C00, s0;
	s5 =	sadd.s32 $0x2AC00, s0;
	s10 =	smul.u32 $0x50000, s14  }
0x9: {  	s24 =	smul.u32 $0x2800, s14;
	s23 =	sshll.u32 s14, $0x6;
	s14 =	simm.s32 $0x2200  }
0xa: {  	s7 =	smul.u32 $0x28000, s6;
	p0 =	seq.s32 s6, $0x0;
	s6 =	ssub.s32 $0x2, s6  }
0xb: {  	_ =	strace $0x8000004D;
	s8 =	sadd.s32 $0x7C0, s8;
	s13 =	sshrl.u32 s6, $0x1  }
0xc: {  	s15 =	sshrl.u32 s10, $0x2;
	s0 =	sadd.s32 s7, s0;
	s8 =	smov.u32 @p0 s9  }
0xd: {  	s6 =	ssub.s32 s6, s13;
	s17 =	sadd.s32 s15, s1;
	s9 =	simm.s32 $0x3D  }
0xe: {  	s13 =	simm.s32 $0x200;
	s15 =	simm.s32 $0x100;
	s7 =	simm.s32 $0x180  }
0xf: {  	s8 =	sshll.u32 s8, $0x5;
	s21 =	sadd.s32 $0x4000, s17;
	s22 =	sadd.s32 $0x8000, s17  }
0x10: {  	s18 =	sadd.s32 $0xC000, s17;
	s19 =	sadd.s32 $0x10000, s17;
	s0 =	sadd.s32 $0x2B400, s0  }
0x11: {  	s6 =	smax.u32 s6, $0x1;
	s9 =	simm.s32 @!p0 $0x11;
	s17 =	sshrl.u32 s17, $0x3  }
0x12: {  	s16 =	sadd.s32 s3, s8;
	[dreg:$0x6] =	wrdreg s6;
	s25 =	sshrl.u32 s21, $0x3  }
0x13: {  	s26 =	sshrl.u32 s22, $0x3;
	s21 =	sshrl.u32 s19, $0x3;
	s22 =	simm.s32 $0x6  }
0x14: {  	s24 =	sadd.s32 s24, s0;
	s0 =	simm.s32 $0x3;
	s3 =	simm.s32 $0x4  }
0x15: {  	s8 =	simm.s32 $0x0;
	s20 =	sadd.s32 $0x20, s16;
	[dreg:$0x4] =	wrdreg s16  }
0x16: {  	s10 =	sadd.s32 $0x40, s16;
	s16 =	sor.u32 $0x1C07, s23;
	[dreg:$0x7] =	wrdreg s25  }
0x17: {  	[dreg:$0x8] =	wrdreg s26;
	s23 =	simm.s32 $0x4200;
	s25 =	simm.s32 $0x140  }
0x18: {  	s26 =	simm.s32 $0x6200;
	[dreg:$0x5] =	wrdreg s20;
	s20 =	sshrl.u32 s18, $0x3  }
.LBB2_1:
0x19: {  	s6 =	rddreg [dreg:$0x4]  }
0x1a: {  	[tilespmem:s2], [sflag:$0x7] =	stream.linear.gather [hbm4b:s6+s2], $0x100, $0x38;
	[tilespmem:$0x1C200] =	vst v63  }
0x1b: {  	_ =	swait.ge [sflag:s11], $0x100  }
0x1c: {  	[sflag:s11] =	ssyncset.done $0x0  }
0x1d: {  	[sflag:s11] =	ssyncadd.s32 $0xFFFFFF00  }
0x1e: {  	[tilespmem:s13], [sflag:$0x1] =	stream.indirect.gather [hbm4b:s4+s12], $0x80, s2, s12, $0xb8;
	[tilespmem:$0x1C200] =	vst v63  }
0x1f: {  	_ = 	snop  }
0x20: {  	[tilespmem:s14], [sflag:$0x2] =	stream.indirect.gather [hbm4b:s4+s12], $0x80, s12, s12, $0xb8;
	[tilespmem:$0x1C200] =	vst v63  }
0x21: {  	s19 =	rddreg [dreg:$0x5]  }
0x22: {  	[tilespmem:s15], [sflag:$0x6] =	stream.linear.gather [hbm4b:s19+s2], $0x100, $0x38;
	[tilespmem:$0x1C200] =	vst v63  }
0x23: {  	[spmem:s17], [sflag:s16] =	dma.local [hbm:s5], $0x800  }
0x24: {  	_ =	swait.ge [sflag:s11], $0x800  }
0x25: {  	[sflag:s11] =	ssyncset.done $0x0  }
0x26: {  	s18 =	rddreg [dreg:$0x7];
	[sflag:s11] =	ssyncadd.s32 $0xFFFFF800  }
0x27: {  	[spmem:s18], [sflag:s16] =	dma.local [hbm:s5], $0x800  }
0x28: {  	_ =	swait.ge [sflag:s11], $0x800  }
0x29: {  	[sflag:s11] =	ssyncset.done $0x0  }
0x2a: {  	s19 =	rddreg [dreg:$0x8];
	[sflag:s11] =	ssyncadd.s32 $0xFFFFF800  }
0x2b: {  	[spmem:s19], [sflag:s16] =	dma.local [hbm:s5], $0x800  }
0x2c: {  	_ =	swait.ge [sflag:s11], $0x800  }
0x2d: {  	[sflag:s11] =	ssyncset.done $0x0  }
0x2e: {  	[sflag:s11] =	ssyncadd.s32 $0xFFFFF800  }
0x2f: {  	[spmem:s20], [sflag:s16] =	dma.local [hbm:s5], $0x800  }
0x30: {  	_ =	swait.ge [sflag:s11], $0x800  }
0x31: {  	[sflag:s11] =	ssyncset.done $0x0  }
0x32: {  	[sflag:s11] =	ssyncadd.s32 $0xFFFFF800  }
0x33: {  	[spmem:s21], [sflag:s16] =	dma.local [hbm:s5], $0x800  }
0x34: {  	_ =	swait.ge [sflag:s11], $0x800  }
0x35: {  	[sflag:s11] =	ssyncset.done $0x0  }
0x36: {  	[sflag:s11] =	ssyncadd.s32 $0xFFFFF800  }
0x37: {  	[bflag:$0x0] =	sbarrier.arrive $0xFFFF  }
0x38: {  	_ =	swait.ge [sflag:s22], $0x100  }
0x39: {  	[sflag:s22] =	ssyncset.done $0x0  }
0x3a: {  	[sflag:s22] =	ssyncadd.s32 $0xFFFFFF00  }
0x3b: {  	[tilespmem:s23], [sflag:$0x3] =	stream.indirect.gather [hbm4b:s4+s12], $0x80, s15, s12, $0xb8;
	[tilespmem:$0x1C200] =	vst v63  }
0x3c: {  	_ = 	snop  }
0x3d: {  	[tilespmem:s26], [sflag:$0x4] =	stream.indirect.gather [hbm4b:s4+s12], $0x80, s25, s12, $0xb8;
	[tilespmem:$0x1C200] =	vst v63  }
0x3e: {  	_ =	swait.ge [sflag:s28], $0x2000  }
0x3f: {  	[sflag:s28] =	ssyncset.done $0x0  }
0x40: {  	[sflag:s28] =	ssyncadd.s32 $0xFFFFE000  }
0x41: {  	_ =	swait.ge [sflag:s29], $0x2000  }
0x42: {  	[sflag:s29] =	ssyncset.done $0x0  }
0x43: {  	[sflag:s29] =	ssyncadd.s32 $0xFFFFE000  }
0x44: {  	[spmem:s1] =	stream.indirect.scatter.add.f32 [tilespmem:s13], [sflag:$0x7], $0x80, s30, s30, $0xb8;
	[tilespmem:$0x1C200] =	vst v63  }
0x45: {  	_ =	swait.ge [sflag:s11], $0x4000  }
0x46: {  	[sflag:s11] =	ssyncset.done $0x0  }
0x47: {  	[sflag:s11] =	ssyncadd.s32 $0xFFFFC000  }
0x48: {  	[tilespmem:s2], [sflag:$0x5] =	stream.linear.gather [hbm4b:s10+s2], $0x100, $0x38;
	[tilespmem:$0x1C200] =	vst v63  }
0x49: {  	_ =	swait.ge [sflag:s31], $0x100  }
0x4a: {  	[sflag:s31] =	ssyncset.done $0x0  }
0x4b: {  	[sflag:s31] =	ssyncadd.s32 $0xFFFFFF00  }
0x4c: {  	_ =	swait.ge [sflag:s0], $0x2000  }
0x4d: {  	[sflag:s0] =	ssyncset.done $0x0  }
0x4e: {  	[sflag:s0] =	ssyncadd.s32 $0xFFFFE000  }
0x4f: {  	_ =	swait.ge [sflag:s3], $0x2000  }
0x50: {  	[sflag:s3] =	ssyncset.done $0x0  }
0x51: {  	[sflag:s3] =	ssyncadd.s32 $0xFFFFE000  }
0x52: {  	[tilespmem:s13], [sflag:$0x1] =	stream.indirect.gather [hbm4b:s4+s12], $0x80, s2, s12, $0xb8;
	[tilespmem:$0x1C200] =	vst v63  }
0x53: {  	p0 =	sne.s32 s9, $0x1  }
0x54: {  	[tilespmem:s14], [sflag:$0x2] =	stream.indirect.gather [hbm4b:s4+s12], $0x80, s12, s12, $0xb8;
	[tilespmem:$0x1C200] =	vst v63  }
.Ltmp0:
0x55: {  	_ = 	snop;
	(pc) =	sbr.rel @!p0 .LBB2_3-.Ltmp0, $4  }
0x56: {  	[spmem:s1] =	stream.indirect.scatter.add.f32 [tilespmem:s23], [sflag:$0x7], $0x80, s7, s30, $0xb8;
	[tilespmem:$0x1C200] =	vst v63  }
0x57: {  	_ =	swait.ge [sflag:s11], $0x4000  }
0x58: {  	s6 =	sadd.s32 $0xFFFFFFFF, s9;
	[sflag:s11] =	ssyncset.done $0x0  }
0x59: {  	s18 =	sadd.s32 $0x40, s10;
	s19 =	sadd.s32 $0x20, s10;
	[sflag:s11] =	ssyncadd.s32 $0xFFFFC000  }
.LBB2_2:
0x5a: {  	[tilespmem:s15], [sflag:$0x6] =	stream.linear.gather [hbm4b:s19+s2], $0x100, $0x38;
	[tilespmem:$0x1C200] =	vst v63  }
0x5b: {  	p0 =	sne.s32 s6, $0x1;
	s6 =	sadd.s32 $0xFFFFFFFF, s6;
	_ =	swait.ge [sflag:s22], $0x100  }
0x5c: {  	[sflag:s22] =	ssyncset.done $0x0  }
0x5d: {  	[sflag:s22] =	ssyncadd.s32 $0xFFFFFF00  }
0x5e: {  	[tilespmem:s23], [sflag:$0x3] =	stream.indirect.gather [hbm4b:s4+s12], $0x80, s15, s12, $0xb8;
	[tilespmem:$0x1C200] =	vst v63  }
0x5f: {  	_ = 	snop  }
0x60: {  	[tilespmem:s26], [sflag:$0x4] =	stream.indirect.gather [hbm4b:s4+s12], $0x80, s25, s12, $0xb8;
	[tilespmem:$0x1C200] =	vst v63  }
0x61: {  	_ =	swait.ge [sflag:s28], $0x2000  }
0x62: {  	[sflag:s28] =	ssyncset.done $0x0  }
0x63: {  	[sflag:s28] =	ssyncadd.s32 $0xFFFFE000  }
0x64: {  	_ =	swait.ge [sflag:s29], $0x2000  }
0x65: {  	[sflag:s29] =	ssyncset.done $0x0  }
0x66: {  	[sflag:s29] =	ssyncadd.s32 $0xFFFFE000  }
0x67: {  	[spmem:s1] =	stream.indirect.scatter.add.f32 [tilespmem:s13], [sflag:$0x7], $0x80, s30, s30, $0xb8;
	[tilespmem:$0x1C200] =	vst v63  }
0x68: {  	_ =	swait.ge [sflag:s11], $0x4000  }
0x69: {  	[sflag:s11] =	ssyncset.done $0x0  }
0x6a: {  	[sflag:s11] =	ssyncadd.s32 $0xFFFFC000  }
0x6b: {  	[tilespmem:s2], [sflag:$0x5] =	stream.linear.gather [hbm4b:s18+s2], $0x100, $0x38;
	[tilespmem:$0x1C200] =	vst v63  }
0x6c: {  	_ =	swait.ge [sflag:s31], $0x100  }
0x6d: {  	[sflag:s31] =	ssyncset.done $0x0  }
0x6e: {  	[sflag:s31] =	ssyncadd.s32 $0xFFFFFF00  }
0x6f: {  	_ =	swait.ge [sflag:s0], $0x2000  }
0x70: {  	[sflag:s0] =	ssyncset.done $0x0  }
0x71: {  	[sflag:s0] =	ssyncadd.s32 $0xFFFFE000  }
0x72: {  	_ =	swait.ge [sflag:s3], $0x2000  }
0x73: {  	[sflag:s3] =	ssyncset.done $0x0  }
0x74: {  	[sflag:s3] =	ssyncadd.s32 $0xFFFFE000  }
0x75: {  	[tilespmem:s13], [sflag:$0x1] =	stream.indirect.gather [hbm4b:s4+s12], $0x80, s2, s12, $0xb8;
	[tilespmem:$0x1C200] =	vst v63  }
0x76: {  	_ = 	snop  }
0x77: {  	[tilespmem:s14], [sflag:$0x2] =	stream.indirect.gather [hbm4b:s4+s12], $0x80, s12, s12, $0xb8;
	[tilespmem:$0x1C200] =	vst v63  }
.Ltmp1:
0x78: {  	(pc) =	sbr.rel @p0 .LBB2_2-.Ltmp1, $4  }
0x79: {  	[spmem:s1] =	stream.indirect.scatter.add.f32 [tilespmem:s23], [sflag:$0x7], $0x80, s7, s30, $0xb8;
	[tilespmem:$0x1C200] =	vst v63  }
0x7a: {  	_ =	swait.ge [sflag:s11], $0x4000  }
0x7b: {  	[sflag:s11] =	ssyncset.done $0x0  }
0x7c: {  	s19 =	sadd.s32 $0x20, s18;
	s18 =	sadd.s32 $0x40, s18;
	[sflag:s11] =	ssyncadd.s32 $0xFFFFC000  }
.LBB2_3:
0x7d: {  	[tilespmem:s15], [sflag:$0x6] =	stream.linear.gather [hbm4b:s19+s2], $0x100, $0x38;
	[tilespmem:$0x1C200] =	vst v63  }
0x7e: {  	_ =	swait.ge [sflag:s22], $0x100  }
0x7f: {  	[sflag:s22] =	ssyncset.done $0x0  }
0x80: {  	[sflag:s22] =	ssyncadd.s32 $0xFFFFFF00  }
0x81: {  	[tilespmem:s23], [sflag:$0x3] =	stream.indirect.gather [hbm4b:s4+s12], $0x80, s15, s12, $0xb8;
	[tilespmem:$0x1C200] =	vst v63  }
0x82: {  	_ = 	snop  }
0x83: {  	[tilespmem:s26], [sflag:$0x4] =	stream.indirect.gather [hbm4b:s4+s12], $0x80, s25, s12, $0xb8;
	[tilespmem:$0x1C200] =	vst v63  }
0x84: {  	_ =	swait.ge [sflag:s28], $0x2000  }
0x85: {  	[sflag:s28] =	ssyncset.done $0x0  }
0x86: {  	[sflag:s28] =	ssyncadd.s32 $0xFFFFE000  }
0x87: {  	_ =	swait.ge [sflag:s29], $0x2000  }
0x88: {  	[sflag:s29] =	ssyncset.done $0x0  }
0x89: {  	[sflag:s29] =	ssyncadd.s32 $0xFFFFE000  }
0x8a: {  	[spmem:s1] =	stream.indirect.scatter.add.f32 [tilespmem:s13], [sflag:$0x7], $0x80, s30, s30, $0xb8;
	[tilespmem:$0x1C200] =	vst v63  }
0x8b: {  	_ =	swait.ge [sflag:s11], $0x4000  }
0x8c: {  	[sflag:s11] =	ssyncset.done $0x0  }
0x8d: {  	[sflag:s11] =	ssyncadd.s32 $0xFFFFC000  }
0x8e: {  	_ =	swait.ge [sflag:s0], $0x2000  }
0x8f: {  	[sflag:s0] =	ssyncset.done $0x0  }
0x90: {  	[sflag:s0] =	ssyncadd.s32 $0xFFFFE000  }
0x91: {  	_ =	swait.ge [sflag:s3], $0x2000  }
0x92: {  	[sflag:s3] =	ssyncset.done $0x0  }
0x93: {  	[sflag:s3] =	ssyncadd.s32 $0xFFFFE000  }
0x94: {  	[spmem:s1] =	stream.indirect.scatter.add.f32 [tilespmem:s23], [sflag:$0x7], $0x80, s7, s30, $0xb8;
	[tilespmem:$0x1C200] =	vst v63  }
0x95: {  	_ =	swait.ge [sflag:s11], $0x4000  }
0x96: {  	[sflag:s11] =	ssyncset.done $0x0  }
0x97: {  	[sflag:s11] =	ssyncadd.s32 $0xFFFFC000  }
0x98: {  	[bflag:$0x0] =	sbarrier.arrive $0xFFFF  }
0x99: {  	[hbm:s24], [sflag:s16] =	dma.local [spmem:s17], $0x2800  }
0x9a: {  	_ =	swait.ge [sflag:s11], $0x2800  }
0x9b: {  	s8 =	sadd.s32 $0x1, s8;
	s6 =	rddreg [dreg:$0x6]  }
0x9c: {  	p0 =	sne.s32 s8, s6  }
.Ltmp2:
0x9d: {  	_ = 	snop;
	(pc) =	sbr.rel @p0 .LBB2_1-.Ltmp2, $3  }
0x9e: {  	_ =	sdelay $0x1  }
0x9f: {  	[sflag:s11] =	ssyncset.done $0x0  }
0xa0: {  	[sflag:s11] =	ssyncadd.s32 $0xFFFFD800  }
0xa1: {  	_ =	sfence.sel $0x180000  }
0xa2: {  	[bflag:$0x0] =	sbarrier.arrive $0xFFFF  }
0xa3: {  	_ =	strace $0x9000004D  }
0xa4: {  	s0 =	stileid.u32;
	[bflag:$0x2] =	sbarrier.arrive $0xFFFF  }
0xa5: {  	p0 =	sne.s32 s0, $0x0;
	s0 =	rddreg [dreg:$0x3]  }
0xa6: {  	s0 =	sadd.s32 @!p0 $0x100000, s0  }
0xa7: {  	[sflag:s0] =	ssyncadd.tile.s32 @!p0 $0x1;
	_ =	shalt  }
.Lfunc_end2:
_tile_overlayer_lowered:
.L_overlay_start_2:
0xa8: {  	(tag) =	ssettag $0x2  }
0xa9: {  	s0 =	rddreg [dreg:$0x0];
	s2 =	stileid.u32  }
0xaa: {  	s1 =	rddreg [dreg:$0x1];
	p0 =	sne.s32 s2, $0x0  }
0xab: {  	s3 =	rddreg [dreg:$0x2];
	[bflag:$0x3] =	sbarrier.arrive $0xFFFF;
	s2 =	simm.s32 @!p0 $0x1C07  }
0xac: {  	[timem:s3], [sflag:s2] =	dma.local @!p0 [hbm:s0], s1  }
0xad: {  	s0 =	simm.s32 @!p0 $0x7  }
0xae: {  	_ =	swait.ge @!p0 [sflag:s0], s1  }
0xaf: {  	s1 =	ssub.s32 @!p0 $0x0, s1;
	[sflag:s0] =	ssyncset.done @!p0 $0x0  }
0xb0: {  	[sflag:s0] =	ssyncadd.s32 @!p0 s1  }
0xb1: {  	[bflag:$0x3] =	sbarrier.arrive $0xFFFF  }
0xb2: {  	_ =	shalt  }

// kernel: kernel.8.cloned.1.call-start
scs
__scs_entry_jumppad:
0x0: {  	(pc) =	sbr.rel $0x88, $3  }
0x1: {  	(tag) =	ssettag $0x0;
	lr =	simm.s32 $0x1  }
0x2: {  	[smem:$0x3F9B] =	sst lr;
	_ =	strace $0xD0000000  }
0x3: {  	_ = 	snop  }
0x4: {  	_ = 	snop  }
0x5: {  	_ = 	snop  }
0x6: {  	_ = 	snop  }
0x7: {  	_ = 	snop  }
__scs_overlays_trampoline_lowered:
0x8: {  	[smem:$0x3FAA] =	sst s0  }
0x9: {  	[smem:$0x3FAB] =	sst s1  }
0xa: {  	[smem:$0x3FAC] =	sst s2  }
0xb: {  	[smem:$0x3FAD] =	sst s3  }
0xc: {  	[smem:$0x3FAE] =	sst s4  }
0xd: {  	[smem:$0x3FAF] =	sst s5  }
0xe: {  	[smem:$0x3FB0] =	sst s6  }
0xf: {  	[smem:$0x3FB1] =	sst s7  }
0x10: {  	[smem:$0x3FB2] =	sst s8  }
0x11: {  	[smem:$0x3FB3] =	sst s9;
	s0 =	simm.s32 @!p0 $0x0  }
0x12: {  	s1 =	sld [smem:$0x3F99];
	s0 =	simm.s32 @p0 $0x1  }
0x13: {  	[smem:$0x3FB4] =	sst s0;
	s0 =	simm.s32 @!p1 $0x0  }
0x14: {  	s2 =	sld [smem:$0x3F98];
	s0 =	simm.s32 @p1 $0x1  }
0x15: {  	[smem:$0x3FB5] =	sst s0;
	s0 =	simm.s32 @!p2 $0x0  }
0x16: {  	s3 =	sld [smem:$0x3FDB];
	s0 =	simm.s32 @p2 $0x1  }
0x17: {  	s4 =	simm.s32 $0x1BF5;
	[smem:$0x3FB7] =	sst s0  }
0x18: {  	s0 =	sld [smem:$0x3F9A];
	_ =	swait.ge [sflag:s4], $0x0  }
0x19: {  	s7 =	sld [smem:$0x3F9B]  }
0x1a: {  	s8 =	sadd.s32 $0xFFFFE003, lr  }
0x1b: {  	s9 =	sadd.s32 $0xFFFFFEF7, lr;
	s5 =	simm.s32 $0xFFFFFFFF;
	p2 =	slt.u32 s8, $0xFFFFF086  }
0x1c: {  	p1 =	slt.u32 s9, $0xF7A;
	s5 =	simm.s32 @!p2 $0x0  }
0x1d: {  	s5 =	simm.s32 @p1 $0x1;
	p0 =	seq.s32 s7, s2  }
0x1e: {  	s7 =	smul.u32 @!p0 $0xF7A, s2;
	p2 =	seq.s32 @!p0 s5, $0x0  }
0x1f: {  	s9 =	smul.u32 $0xF7A, s1;
	s8 =	simm.s32 @!p0 $0x1BF5;
	p2 =	por !p2, p0  }
0x20: {  	[sflag:s8] =	ssyncset.s32 @!p0 $0xFFFFF086;
	s6 =	sadd.s32 @!p0 s3, s7;
	s7 =	simm.s32 @!p0 $0x108  }
0x21: {  	s3 =	sadd.s32 s3, s9;
	s6 =	sadd.s32 @!p0 $0x88, s6;
	s7 =	simm.s32 @p2 $0x1082  }
0x22: {  	[simem:s7], [sflag:s8] =	dma.local @!p0 [hbm:s6], $0xF7A  }
0x23: {  	s9 =	sor.u32 $0xD0000000, s2;
	s6 =	simm.s32 $0x108;
	_ =	swait.ge @!p0 [sflag:s8], $0x0  }
0x24: {  	s3 =	sadd.s32 $0x88, s3;
	s6 =	simm.s32 @!p1 $0x1082;
	[sflag:s4] =	ssyncset.s32 $0xFFFFF086  }
0x25: {  	[simem:s6], [sflag:s4] =	dma.local [hbm:s3], $0xF7A  }
0x26: {  	[smem:$0x3F9B] =	sst s1;
	(tag) =	ssettag s2;
	_ =	strace s9  }
0x27: {  	s1 =	sld [smem:$0x3FAB]  }
0x28: {  	s2 =	sld [smem:$0x3FAC]  }
0x29: {  	s4 =	sld [smem:$0x3FAE]  }
0x2a: {  	p0 =	seq.s32 s5, $0x0;
	s5 =	sld [smem:$0x3FAF]  }
0x2b: {  	s6 =	sld [smem:$0x3FB0]  }
0x2c: {  	s7 =	sld [smem:$0x3FB1]  }
0x2d: {  	s3 =	simm.s32 $0x108;
	s8 =	sld [smem:$0x3FB2]  }
0x2e: {  	s3 =	simm.s32 @!p0 $0x1082;
	s9 =	sld [smem:$0x3FB3]  }
0x2f: {  	lr =	sadd.s32 s0, s3;
	s0 =	sld [smem:$0x3FAA]  }
0x30: {  	s3 =	sld [smem:$0x3FAD]  }
0x31: {  	[smem:$0x3FB6] =	sst s10  }
0x32: {  	s10 =	sld [smem:$0x3FB4];
	_ =	sdelay $0x3  }
0x33: {  	p0 =	seq.s32 s10, $0x1;
	s10 =	sld [smem:$0x3FB6];
	_ =	sdelay $0x3  }
0x34: {  	[smem:$0x3FB6] =	sst s10  }
0x35: {  	s10 =	sld [smem:$0x3FB5];
	_ =	sdelay $0x3  }
0x36: {  	p1 =	seq.s32 s10, $0x1;
	s10 =	sld [smem:$0x3FB6];
	_ =	sdelay $0x3  }
0x37: {  	[smem:$0x3FB6] =	sst s10  }
0x38: {  	s10 =	sld [smem:$0x3FB7]  }
0x39: {  	_ = 	snop;
	(pc) =	sbr.ind lr, $3  }
0x3a: {  	_ = 	snop  }
0x3b: {  	_ = 	snop  }
0x3c: {  	p2 =	seq.s32 s10, $0x1;
	s10 =	sld [smem:$0x3FB6]  }
0x3d: {  	_ =	shalt  }
0x3e: {  	_ =	shalt  }
0x3f: {  	_ =	shalt  }
0x40: {  	_ =	shalt  }
0x41: {  	_ =	shalt  }
0x42: {  	_ =	shalt  }
0x43: {  	_ =	shalt  }
0x44: {  	_ =	shalt  }
0x45: {  	_ =	shalt  }
0x46: {  	_ =	shalt  }
0x47: {  	_ =	shalt  }
0x48: {  	_ =	shalt  }
0x49: {  	_ =	shalt  }
0x4a: {  	_ =	shalt  }
0x4b: {  	_ =	shalt  }
0x4c: {  	_ =	shalt  }
0x4d: {  	_ =	shalt  }
0x4e: {  	_ =	shalt  }
0x4f: {  	_ =	shalt  }
0x50: {  	_ =	shalt  }
0x51: {  	_ =	shalt  }
0x52: {  	_ =	shalt  }
0x53: {  	_ =	shalt  }
0x54: {  	_ =	shalt  }
0x55: {  	_ =	shalt  }
0x56: {  	_ =	shalt  }
0x57: {  	_ =	shalt  }
0x58: {  	_ =	shalt  }
0x59: {  	_ =	shalt  }
0x5a: {  	_ =	shalt  }
0x5b: {  	_ =	shalt  }
0x5c: {  	_ =	shalt  }
0x5d: {  	_ =	shalt  }
0x5e: {  	_ =	shalt  }
0x5f: {  	_ =	shalt  }
0x60: {  	_ =	shalt  }
0x61: {  	_ =	shalt  }
0x62: {  	_ =	shalt  }
0x63: {  	_ =	shalt  }
0x64: {  	_ =	shalt  }
0x65: {  	_ =	shalt  }
0x66: {  	_ =	shalt  }
0x67: {  	_ =	shalt  }
0x68: {  	_ =	shalt  }
0x69: {  	_ =	shalt  }
0x6a: {  	_ =	shalt  }
0x6b: {  	_ =	shalt  }
0x6c: {  	_ =	shalt  }
0x6d: {  	_ =	shalt  }
0x6e: {  	_ =	shalt  }
0x6f: {  	_ =	shalt  }
0x70: {  	_ =	shalt  }
0x71: {  	_ =	shalt  }
0x72: {  	_ =	shalt  }
0x73: {  	_ =	shalt  }
0x74: {  	_ =	shalt  }
0x75: {  	_ =	shalt  }
0x76: {  	_ =	shalt  }
0x77: {  	_ =	shalt  }
0x78: {  	_ =	shalt  }
0x79: {  	_ =	shalt  }
0x7a: {  	_ =	shalt  }
0x7b: {  	_ =	shalt  }
0x7c: {  	_ =	shalt  }
0x7d: {  	_ =	shalt  }
0x7e: {  	_ =	shalt  }
0x7f: {  	_ =	shalt  }
0x80: {  	_ =	shalt  }
0x81: {  	_ =	shalt  }
0x82: {  	_ =	shalt  }
0x83: {  	_ =	shalt  }
0x84: {  	_ =	shalt  }
0x85: {  	_ =	shalt  }
0x86: {  	_ =	shalt  }
0x87: {  	_ =	shalt  }
.Lfunc_end0:
.L_simem_size_0:
called_computation_lowered:
.L_overlay_start_0:
0x88: {  	s2 =	sld [smem:$0x3FD9]  }
0x89: {  	s3 =	sld [smem:$0x3FFE];
	_ =	sdelay $0x1  }
0x8a: {  	s1 =	srdreg.scid  }
0x8b: {  	s0 =	sand.u32 $0x1, s1  }
0x8c: {  	s17 =	sshll.u32 s0, $0xA;
	s2 =	sadd.s32 s3, s2  }
0x8d: {  	s2 =	sadd.s32 s2, s17  }
0x8e: {  	[smem:$0x3FC2] =	sst s2  }
0x8f: {  	_ = 	snop  }
0x90: {  	s2 =	sld [smem:$0x3FD0];
	(tm) =	ssettm $0x1  }
0x91: {  	s18 =	sld [smem:$0x3FFB];
	_ =	sdelay $0x3  }
0x92: {  	_ =	strace s18  }
0x93: {  	s3 =	sld [smem:$0x3FFC];
	_ =	sdelay $0x3  }
0x94: {  	_ =	strace s3  }
0x95: {  	s3 =	sld [smem:$0x3FFD];
	_ =	sdelay $0x3  }
0x96: {  	_ =	strace s3  }
0x97: {  	_ =	strace $0x8FFFFFFF  }
0x98: {  	s19 =	sld [smem:$0x3FDB];
	_ =	sdelay $0x1  }
0x99: {  	s4 =	simm.s32 $_scs_section_size  }
0x9a: {  	s5 =	simm.s32 $_size__tile_overlayer_lowered;
	s6 =	simm.s32 $_tile_overlayer_lowered  }
0x9b: {  	s22 =	simm.s32 $0x1BFF;
	s21 =	sshll.u32 s6, $0x1;
	s3 =	sadd.s32 s4, s19  }
0x9c: {  	s7 =	simm.s32 $0x0;
	s20 =	sshll.u32 s5, $0x1;
	s5 =	sadd.s32 s21, s3  }
0x9d: {  	[timem:s7], [sflag:s22] =	dma.local [hbm:s5], s20  }
0x9e: {  	_ =	swait.ge [sflag:s22], s20  }
0x9f: {  	s4 =	ssub.s32 $0x0, s20;
	[sflag:s22] =	ssyncset.done $0x0  }
0xa0: {  	[sflag:s22] =	ssyncadd.s32 s4;
	_ =	sdelay $0x1  }
0xa1: {  	s23 =	simm.s32 $0x1B8B  }
0xa2: {  	_ =	swait.ge [sflag:s23], $0x1  }
0xa3: {  	[sflag:s23] =	ssyncset.done $0x0  }
0xa4: {  	s25 =	simm.s32 $0x1B8E;
	s24 =	sld [smem:$0x3FFE];
	[sflag:s23] =	ssyncadd.s32 $0xFFFFFFFF  }
0xa5: {  	s26 =	simm.s32 $execute0_lowered;
	[smem:$0x3FD2] =	sst s25  }
0xa6: {  	s5 =	sshll.u32 s26, $0x1;
	_ =	strace $0x80000046;
	[dreg:$0x1] =	wrdreg $0xFFFFFFFF  }
0xa7: {  	s28 =	simm.s32 $_size_execute0_lowered;
	s3 =	sadd.s32 s3, s5;
	[dreg:$0x0] =	wrdreg $0x0  }
0xa8: {  	s5 =	sshll.u32 s28, $0x1;
	[dreg:$0x2] =	wrdreg s3  }
0xa9: {  	[dreg:$0x3] =	wrdreg s5  }
0xaa: {  	[dreg:$0x4] =	wrdreg $0xC0  }
0xab: {  	_ =	task [dreg:s7], $0x5FFFF  }
0xac: {  	[dreg:$0x1] =	wrdreg $0xFFFFFFFF  }
0xad: {  	[dreg:$0x0] =	wrdreg $0x60  }
0xae: {  	[dreg:$0x2] =	wrdreg s2  }
0xaf: {  	[dreg:$0x3] =	wrdreg s24  }
0xb0: {  	[dreg:$0x4] =	wrdreg $0x2800  }
0xb1: {  	[dreg:$0x5] =	wrdreg $0x9  }
0xb2: {  	_ =	task.clear_ibuf [dreg:s7], $0x6FFFF;
	_ =	strace $0x90000046  }
0xb3: {  	s29 =	simm.s32 $0x9;
	_ =	strace $0x80000048  }
0xb4: {  	_ =	swait.ge [sflag:s29], $0x1  }
0xb5: {  	[sflag:s29] =	ssyncadd.s32 $0xFFFFFFFF  }
0xb6: {  	_ =	strace $0x90000048  }
0xb7: {  	_ =	sfence  }
0xb8: {  	s30 =	sld [smem:$0x0];
	_ =	sdelay $0x2  }
0xb9: {  	s31 =	sshll.u32 s1, $0xD;
	s1 =	sshrl.u32 s1, $0x2  }
0xba: {  	s3 =	sand.u32 $0x4000, s31;
	s1 =	sadd.s32 s1, s30  }
0xbb: {  	s0 =	sor.u32 s3, s0;
	s1 =	sshll.u32 s1, $0x11  }
0xbc: {  	s0 =	sor.u32 s1, s0  }
0xbd: {  	s0 =	sadd.s32 $0x8F2B, s0  }
0xbe: {  	[sflag:s0] =	ssyncadd.remote.s32 $0x1  }
0xbf: {  	_ =	sfence.sel $0xFFFF  }
0xc0: {  	[dreg:$0x0] =	wrdreg $0xFFFFFFFF;
	(pc) =	sbr.abs _section_cstart, $3  }
0xc1: {  	[dreg:$0x1] =	wrdreg $0xFFFFFFFF  }
0xc2: {  	_ =	task.clear_ibuf [dreg:s7], $0x2FFFF;
	_ =	strace $0x9FFFFFFF  }
0xc3: {  	(tm) =	ssettm $0x7FFFFFFF  }
tec
execute0_lowered:
.L_overlay_start_1:
0x0: {  	(tag) =	ssettag $0x1  }
0x1: {  	s9 =	rddreg [dreg:$0x0]  }
0x2: {  	s5 =	rddreg [dreg:$0x1]  }
0x3: {  	s2 =	rddreg [dreg:$0x2]  }
0x4: {  	s0 =	rddreg [dreg:$0x3];
	s3 =	simm.s32 $0x0  }
0x5: {  	s1 =	stileid.u32;
	s4 =	srdreg.scid;
	s15 =	simm.s32 $0x80  }
0x6: {  	s16 =	simm.s32 $0x2;
	s17 =	simm.s32 $0x180;
	s18 =	simm.s32 $0x1  }
0x7: {  	s21 =	simm.s32 $0x10;
	s22 =	simm.s32 $0x0;
	s7 =	smul.u32 $0x280, s1  }
0x8: {  	[smem:$0x7FF] =	sst s3;
	s8 =	sand.u32 $0x1, s4;
	s29 =	smul.u32 $0x1400, s1  }
0x9: {  	s6 =	sshll.u32 s1, $0x1;
	s4 =	sadd.s32 $0x2C00, s5;
	s20 =	smul.u32 $0xA0, s1  }
0xa: {  	s31 =	sshll.u32 s1, $0x6;
	_ =	strace $0x80000047;
	s6 =	sor.u32 s8, s6  }
0xb: {  	s11 =	ssub.s32 $0x2, s8;
	s12 =	sshll.u32 s8, $0x4;
	s30 =	smul.u32 $0xA00, s8  }
0xc: {  	s10 =	sshrl.u32 s7, $0x3;
	s6 =	smul.u32 $0xA00, s6;
	s13 =	sshrl.u32 s11, $0x1  }
0xd: {  	s12 =	sadd.s32 s12, s5;
	s14 =	sadd.s32 s7, s2;
	s10 =	sadd.s32 s10, s5  }
0xe: {  	s11 =	ssub.s32 s11, s13;
	s19 =	sadd.s32 $0x3400, s12;
	s12 =	simm.s32 $0x100  }
0xf: {  	s13 =	sor.u32 $0x1C03, s31;
	s14 =	sshrl.u32 s14, $0x3;
	s5 =	sadd.s32 s9, s6  }
0x10: {  	s7 =	sadd.s32 $0x2E00, s10;
	s8 =	smax.u32 s11, $0x1;
	s9 =	sadd.s32 s29, s9  }
0x11: {  	s10 =	simm.s32 $0x200;
	s11 =	simm.s32 $0x3;
	s19 =	sadd.s32 s20, s19  }
0x12: {  	s20 =	simm.s32 $0x20;
	s6 =	sadd.s32 $0x20, s5;
	s9 =	sadd.s32 s30, s9  }
.LBB2_1:
0x13: {  	[tilespmem:s10], [sflag:$0x3] =	stream.linear.gather [hbm4b:s4+s3], $0x80, $0x38;
	[tilespmem:$0x500] =	vst v63  }
0x14: {  	_ =	swait.ge [sflag:s11], $0x80  }
0x15: {  	[sflag:s11] =	ssyncset.done $0x0  }
0x16: {  	[sflag:s11] =	ssyncadd.s32 $0xFFFFFF80  }
0x17: {  	[tilespmem:s3], [sflag:$0x3] =	stream.linear.gather [hbm4b:s5+s3], $0x100, $0x38;
	[tilespmem:$0x500] =	vst v63  }
0x18: {  	_ =	swait.ge [sflag:s11], $0x100  }
0x19: {  	[sflag:s11] =	ssyncset.done $0x0  }
0x1a: {  	[sflag:s11] =	ssyncadd.s32 $0xFFFFFF00  }
0x1b: {  	[tilespmem:s12], [sflag:$0x2] =	stream.linear.gather [hbm4b:s6+s3], $0x100, $0x38;
	[tilespmem:$0x500] =	vst v63  }
0x1c: {  	[spmem:s14], [sflag:s13] =	dma.local [hbm:s7], $0x50  }
0x1d: {  	_ =	swait.ge [sflag:s11], $0x50  }
0x1e: {  	[sflag:s11] =	ssyncset.done $0x0  }
0x1f: {  	[sflag:s11] =	ssyncadd.s32 $0xFFFFFFB0  }
0x20: {  	[bflag:$0x0] =	sbarrier.arrive $0xFFFF  }
0x21: {  	[spmem:s2] =	stream.indirect.scatter.add.f32 [tilespmem:s10], [sflag:$0x3], $0x1, s15, s15, $0xb8;
	[tilespmem:$0x500] =	vst v63  }
0x22: {  	_ =	swait.ge [sflag:s11], $0x80  }
0x23: {  	s24 =	sadd.s32 $0xFFFFF640, s9;
	[sflag:s11] =	ssyncset.done $0x0  }
0x24: {  	s23 =	sadd.s32 $0xA00, s24;
	[sflag:s11] =	ssyncadd.s32 $0xFFFFFF80  }
0x25: {  	[tilespmem:s3], [sflag:$0x1] =	stream.linear.gather [hbm4b:s23+s3], $0x100, $0x38;
	[tilespmem:$0x500] =	vst v63  }
0x26: {  	_ =	swait.ge [sflag:s16], $0x100  }
0x27: {  	[sflag:s16] =	ssyncset.done $0x0  }
0x28: {  	[sflag:s16] =	ssyncadd.s32 $0xFFFFFF00  }
0x29: {  	[spmem:s2] =	stream.indirect.scatter.add.f32 [tilespmem:s10], [sflag:$0x3], $0x1, s17, s15, $0xb8;
	[tilespmem:$0x500] =	vst v63  }
0x2a: {  	_ =	swait.ge [sflag:s11], $0x80  }
0x2b: {  	[sflag:s11] =	ssyncset.done $0x0  }
0x2c: {  	[sflag:s11] =	ssyncadd.s32 $0xFFFFFF80  }
0x2d: {  	_ =	swait.ge [sflag:s18], $0x100  }
0x2e: {  	[sflag:s18] =	ssyncset.done $0x0  }
0x2f: {  	s24 =	sadd.s32 $0xA20, s24;
	s23 =	simm.s32 $0xFFFFF680;
	[sflag:s18] =	ssyncadd.s32 $0xFFFFFF00  }
.LBB2_2:
0x30: {  	[tilespmem:s12], [sflag:$0x2] =	stream.linear.gather [hbm4b:s24+s3], $0x100, $0x38;
	[tilespmem:$0x500] =	vst v63  }
0x31: {  	p0 =	sne.s32 s23, $0xFFFFFFC0;
	s24 =	smov.u32 s23;
	s23 =	sadd.s32 $0x40, s23  }
0x32: {  	[spmem:s2] =	stream.indirect.scatter.add.f32 [tilespmem:s10], [sflag:$0x3], $0x1, s15, s15, $0xb8;
	[tilespmem:$0x500] =	vst v63  }
0x33: {  	_ =	swait.ge [sflag:s11], $0x80  }
0x34: {  	s24 =	sadd.s32 s24, s9;
	[sflag:s11] =	ssyncset.done $0x0  }
0x35: {  	s25 =	sadd.s32 $0xA00, s24;
	[sflag:s11] =	ssyncadd.s32 $0xFFFFFF80  }
0x36: {  	[tilespmem:s3], [sflag:$0x1] =	stream.linear.gather [hbm4b:s25+s3], $0x100, $0x38;
	[tilespmem:$0x500] =	vst v63  }
0x37: {  	_ =	swait.ge [sflag:s16], $0x100  }
0x38: {  	[sflag:s16] =	ssyncset.done $0x0  }
0x39: {  	[sflag:s16] =	ssyncadd.s32 $0xFFFFFF00  }
0x3a: {  	[spmem:s2] =	stream.indirect.scatter.add.f32 [tilespmem:s10], [sflag:$0x3], $0x1, s17, s15, $0xb8;
	[tilespmem:$0x500] =	vst v63  }
0x3b: {  	_ =	swait.ge [sflag:s11], $0x80  }
.Ltmp0:
0x3c: {  	[sflag:s11] =	ssyncset.done $0x0;
	(pc) =	sbr.rel @p0 .LBB2_2-.Ltmp0, $4  }
0x3d: {  	[sflag:s11] =	ssyncadd.s32 $0xFFFFFF80  }
0x3e: {  	_ =	swait.ge [sflag:s18], $0x100  }
0x3f: {  	[sflag:s18] =	ssyncset.done $0x0  }
0x40: {  	s24 =	sadd.s32 $0xA20, s24;
	[sflag:s18] =	ssyncadd.s32 $0xFFFFFF00  }
0x41: {  	[tilespmem:s12], [sflag:$0x2] =	stream.linear.gather [hbm4b:s24+s3], $0x100, $0x38;
	[tilespmem:$0x500] =	vst v63  }
0x42: {  	_ = 	snop  }
0x43: {  	[spmem:s2] =	stream.indirect.scatter.add.f32 [tilespmem:s10], [sflag:$0x3], $0x1, s15, s15, $0xb8;
	[tilespmem:$0x500] =	vst v63  }
0x44: {  	_ =	swait.ge [sflag:s11], $0x80  }
0x45: {  	[sflag:s11] =	ssyncset.done $0x0  }
0x46: {  	[sflag:s11] =	ssyncadd.s32 $0xFFFFFF80  }
0x47: {  	_ =	swait.ge [sflag:s16], $0x100  }
0x48: {  	[sflag:s16] =	ssyncset.done $0x0  }
0x49: {  	[sflag:s16] =	ssyncadd.s32 $0xFFFFFF00  }
0x4a: {  	[spmem:s2] =	stream.indirect.scatter.add.f32 [tilespmem:s10], [sflag:$0x3], $0x1, s17, s15, $0xb8;
	[tilespmem:$0x500] =	vst v63  }
0x4b: {  	_ =	swait.ge [sflag:s11], $0x80  }
0x4c: {  	s22 =	sadd.s32 $0x1, s22;
	[sflag:s11] =	ssyncset.done $0x0  }
0x4d: {  	p0 =	sne.s32 s22, s8;
	[sflag:s11] =	ssyncadd.s32 $0xFFFFFF80  }
.Ltmp1:
0x4e: {  	[bflag:$0x0] =	sbarrier.arrive $0xFFFF;
	(pc) =	sbr.rel @p0 .LBB2_1-.Ltmp1, $4  }
0x4f: {  	[hbm:s19@s20], [sflag:s13] =	dma.strided [spmem:s14@s21], $0x50, s18, $0x10   }
0x50: {  	_ =	swait.ge [sflag:s11], $0x50  }
0x51: {  	[sflag:s11] =	ssyncset.done $0x0  }
0x52: {  	[sflag:s11] =	ssyncadd.s32 $0xFFFFFFB0  }
0x53: {  	_ =	sfence.sel $0x180000  }
0x54: {  	[bflag:$0x0] =	sbarrier.arrive $0xFFFF  }
0x55: {  	p0 =	sne.s32 s1, $0x0;
	_ =	strace $0x90000047  }
0x56: {  	s0 =	sadd.s32 @!p0 $0x100000, s0;
	[bflag:$0x2] =	sbarrier.arrive $0xFFFF  }
0x57: {  	[sflag:s0] =	ssyncadd.tile.s32 @!p0 $0x1;
	_ =	shalt  }
.Lfunc_end2:
_tile_overlayer_lowered:
.L_overlay_start_2:
0x58: {  	(tag) =	ssettag $0x2  }
0x59: {  	s0 =	rddreg [dreg:$0x0];
	s2 =	stileid.u32  }
0x5a: {  	s1 =	rddreg [dreg:$0x1];
	p0 =	sne.s32 s2, $0x0  }
0x5b: {  	s3 =	rddreg [dreg:$0x2];
	[bflag:$0x3] =	sbarrier.arrive $0xFFFF;
	s2 =	simm.s32 @!p0 $0x1C03  }
0x5c: {  	[timem:s3], [sflag:s2] =	dma.local @!p0 [hbm:s0], s1  }
0x5d: {  	s0 =	simm.s32 @!p0 $0x3  }
0x5e: {  	_ =	swait.ge @!p0 [sflag:s0], s1  }
0x5f: {  	s1 =	ssub.s32 @!p0 $0x0, s1;
	[sflag:s0] =	ssyncset.done @!p0 $0x0  }
0x60: {  	[sflag:s0] =	ssyncadd.s32 @!p0 s1  }
0x61: {  	[bflag:$0x3] =	sbarrier.arrive $0xFFFF  }
0x62: {  	_ =	shalt  }

</sc_bundles>
